<compile_context>
chip_gen: v7x
topology: tpu7x:2x2x1
jax: 0.10.2.dev20260603
libtpu: 0.0.44.dev20260713+nightly
codegen_flags: <defaults>
</compile_context>

<pallas_src>
import functools

import jax
import jax.numpy as jnp
from jax import lax
from jax.experimental import pallas as pl
from jax.experimental.pallas import tpu as pltpu
from jax.experimental.pallas import tpu_sc as plsc

_N, _C = 100000, 16
_ALPHA, _BETA = 0.5, 2.0
_LOSS_WEIGHT = 1.0

_NC, _NS = 2, 16
_NW = _NC * _NS
_TPW = 24
_ROWS_W = _TPW * 128
_QBLK = _ROWS_W // 16
_XTRA = 781 - _NW * _TPW
_TAIL_ROW = 781 * 128
_TAIL_BLK = (_N - _TAIL_ROW) // 16

_CA = (
    0.5,
    -0.9719548559567371,
    1.0934037443329143,
    -0.5139618596317415,
)
_CB = (
    0.0,
    0.46998988111038853,
    -0.8017283463985311,
    0.4358440984389987,
)


def _poly(coefs, t):
    acc = jnp.float32(coefs[-1])
    for c in coefs[-2::-1]:
        acc = acc * t + jnp.float32(c)
    return acc


def _exp_neg_abs(x):
    return jnp.exp(jnp.minimum(x, -x))


def _dense_elem(x):
    t = _exp_neg_abs(x)
    a = _poly(_CA, t)
    b = _poly(_CB, t)
    return jnp.where(x >= 0.0, x * a + b, (t * t) * b)


def _block_contrib(predt_ref, pbase, lab, iouv, iota16):
    accs = [jnp.zeros((16,), jnp.float32) for _ in range(4)]
    for c in range(16):
        x = predt_ref[c, pl.ds(pbase, 16)]
        accs[c % 4] = accs[c % 4] + _dense_elem(x)
    acc = (accs[0] + accs[1]) + (accs[2] + accs[3])

    lc = jnp.minimum(lab, _C - 1)
    rows = pbase + iota16
    p_sel = plsc.load_gather(predt_ref, [lc, rows])

    t = _exp_neg_abs(p_sel)
    a = _poly(_CA, t)
    b = _poly(_CB, t)
    pa = p_sel * a
    u = pa + b
    v = b - pa
    w = (t * t) * b
    fiou = jnp.where(iouv >= 0.4, iouv * (2.0 - iouv), iouv * iouv)
    ge = p_sel >= 0.0
    corr = fiou * jnp.where(ge, w, v) - jnp.where(ge, u, w)
    corr = jnp.where(lab < _C, corr, 0.0)
    return acc + corr


def _make_sc_call():
    mesh = plsc.VectorSubcoreMesh(core_axis_name="c", subcore_axis_name="s", num_cores=_NC)

    @functools.partial(
        pl.kernel,
        mesh=mesh,
        out_type=jax.ShapeDtypeStruct((_NW * 16,), jnp.float32),
        compiler_params=pltpu.CompilerParams(
            needs_layout_passes=False, use_tc_tiling_on_sc=True
        ),
        scratch_types=[
            pltpu.VMEM((16, _ROWS_W), jnp.float32),
            pltpu.VMEM((16, 128), jnp.float32),
            pltpu.VMEM((16, 32), jnp.float32),
            pltpu.VMEM((_ROWS_W,), jnp.int32),
            pltpu.VMEM((_ROWS_W,), jnp.float32),
            pltpu.VMEM((128,), jnp.int32),
            pltpu.VMEM((128,), jnp.float32),
            pltpu.VMEM((32,), jnp.int32),
            pltpu.VMEM((32,), jnp.float32),
            pltpu.VMEM((16,), jnp.float32),
        ],
    )
    def sc_call(predt_hbm, label_hbm, iou_hbm, out_hbm,
                pred_v, xtra_v, tail_v, label_v, iou_v,
                lab_x, iou_x, lab_t, iou_t, res_v):
        wid = lax.axis_index("s") * _NC + lax.axis_index("c")
        row0 = wid * _ROWS_W

        pltpu.sync_copy(predt_hbm.at[pl.ds(0, 16), pl.ds(row0, _ROWS_W)],
                        pred_v)
        pltpu.sync_copy(label_hbm.at[pl.ds(row0, _ROWS_W)], label_v)
        pltpu.sync_copy(iou_hbm.at[pl.ds(row0, _ROWS_W)], iou_v)

        xt = (_NW * _TPW + jnp.minimum(wid, _XTRA - 1)) * 128
        pltpu.sync_copy(predt_hbm.at[pl.ds(0, 16), pl.ds(xt, 128)], xtra_v)
        pltpu.sync_copy(label_hbm.at[pl.ds(xt, 128)], lab_x)
        pltpu.sync_copy(iou_hbm.at[pl.ds(xt, 128)], iou_x)

        pltpu.sync_copy(predt_hbm.at[pl.ds(0, 16), pl.ds(_TAIL_ROW, 32)],
                        tail_v)
        pltpu.sync_copy(label_hbm.at[pl.ds(_TAIL_ROW, 32)], lab_t)
        pltpu.sync_copy(iou_hbm.at[pl.ds(_TAIL_ROW, 32)], iou_t)

        iota16 = lax.iota(jnp.int32, 16)

        def body(b, a):
            base = b * 16
            lab = label_v[pl.ds(base, 16)]
            iouv = iou_v[pl.ds(base, 16)]
            return a + _block_contrib(pred_v, base, lab, iouv, iota16)

        acc = lax.fori_loop(0, _QBLK, body, jnp.zeros((16,), jnp.float32))

        def body_x(b, a):
            base = b * 16
            lab = lab_x[pl.ds(base, 16)]
            iouv = iou_x[pl.ds(base, 16)]
            return a + _block_contrib(xtra_v, base, lab, iouv, iota16)

        acc_x = lax.fori_loop(0, 8, body_x, jnp.zeros((16,), jnp.float32))
        acc = acc + acc_x * (wid < _XTRA).astype(jnp.float32)

        acc_t = jnp.zeros((16,), jnp.float32)
        for b in range(_TAIL_BLK):
            acc_t = acc_t + _block_contrib(
                tail_v, b * 16, lab_t[pl.ds(b * 16, 16)],
                iou_t[pl.ds(b * 16, 16)], iota16)
        acc = acc + acc_t * (wid == _XTRA).astype(jnp.float32)

        res_v[...] = acc
        pltpu.sync_copy(res_v, out_hbm.at[pl.ds(wid * 16, 16)])

    return sc_call


_sc_call = _make_sc_call()


def kernel(pred, label, iou):
    partials = _sc_call(pred.T, label, iou)
    return jnp.sum(partials) * jnp.float32(_LOSS_WEIGHT / _N)

# --- scband reference (transcript-rebuilt; emitter-appended) ---
"""Pipeline reference for scband-qrfocal-loss-73177652789984 (READ-ONLY COPY).

The authoritative reference and input builder live on the scoring server;
editing this copy changes nothing except your own understanding.
"""

import jax, jax.numpy as jnp
import numpy as np

N, C = 100000, 16
ALPHA, BETA = 0.5, 2.0
LOSS_WEIGHT = 1.0


def setup_inputs(seed: int = 0) -> dict:
    key = jax.random.key(seed)
    k1, k2, k3 = jax.random.split(key, 3)
    pred = jax.random.normal(k1, (N, C), dtype=jnp.float32)
    # labels in [0, C] inclusive; value == C means background class
    label = jax.random.randint(k2, (N,), 0, C + 1, dtype=jnp.int32)
    iou = jax.random.uniform(k3, (N,), dtype=jnp.float32)
    return {"pred": pred, "label": label, "iou": iou}


def _qr_focal_loss(pred, label, iou):
    # BCE-with-logits against zero label, modulated by (1-alpha)*sigmoid(pred)^beta
    pred_sigmoid = jax.nn.sigmoid(pred)
    focal_weight = (1.0 - ALPHA) * jnp.power(pred_sigmoid, BETA)
    # BCE(x, target=0) = softplus(x)
    loss = jax.nn.softplus(pred) * focal_weight

    bg_class_ind = pred.shape[1]
    pos = (label >= 0) & (label < bg_class_ind)

    rows = jnp.arange(pred.shape[0])
    lc = jnp.clip(label, 0, bg_class_ind - 1)
    p_sel = pred[rows, lc]
    sig_sel = jax.nn.sigmoid(p_sel)
    # BCE(x, target=1) = softplus(-x)
    bce_one = jax.nn.softplus(-p_sel)

    # pos & iou >= 0.4 branch: func_iou(iou) = 1 - (1 - iou)^2
    fw_hi = ALPHA * (1.0 - jnp.power(1.0 - iou, 2.0)) * jnp.power(jnp.abs(1.0 - sig_sel), BETA)
    # pos & iou < 0.4 branch: iou^2
    fw_lo = ALPHA * jnp.power(iou, 2.0) * jnp.power(jnp.abs(1.0 - sig_sel), BETA)

    new_val = jnp.where(iou >= 0.4, bce_one * fw_hi, bce_one * fw_lo)
    cur_val = loss[rows, lc]
    loss = loss.at[rows, lc].set(jnp.where(pos, new_val, cur_val))

    loss = loss.sum(axis=1)
    # weighted_loss with weight=None, reduction='mean', avg_factor=None -> mean
    return LOSS_WEIGHT * loss.mean()


def reference(pred, label, iou):
    return _qr_focal_loss(pred, label, iou)

if __name__ == "__main__":
    import jax
    _d = setup_inputs()
    print(jax.jit(kernel)(*tuple(_d.values())))

</pallas_src>

<mosaic_0001>
#map = affine_map<(d0, d1) -> (0, 0)>
#map1 = affine_map<(d0, d1) -> (0)>
module attributes {stable_mosaic.version = 14 : i64} {
  func.func @sc_call(%arg0: i32, %arg1: i32, %arg2: memref<16x100000xf32, #tpu.memory_space<hbm>>, %arg3: memref<100000xi32, #tpu.memory_space<hbm>>, %arg4: memref<100000xf32, #tpu.memory_space<hbm>>, %arg5: memref<512xf32, #tpu.memory_space<hbm>>, %arg6: memref<16x3072xf32, #tpu.memory_space<vmem>>, %arg7: memref<16x128xf32, #tpu.memory_space<vmem>>, %arg8: memref<16x32xf32, #tpu.memory_space<vmem>>, %arg9: memref<3072xi32, #tpu.memory_space<vmem>>, %arg10: memref<3072xf32, #tpu.memory_space<vmem>>, %arg11: memref<128xi32, #tpu.memory_space<vmem>>, %arg12: memref<128xf32, #tpu.memory_space<vmem>>, %arg13: memref<32xi32, #tpu.memory_space<vmem>>, %arg14: memref<32xf32, #tpu.memory_space<vmem>>, %arg15: memref<16xf32, #tpu.memory_space<vmem>>) attributes {dimension_semantics = [#tpu.dimension_semantics<core_parallel>, #tpu.dimension_semantics<subcore_parallel>], iteration_bounds = array<i64: 2, 16>, scalar_prefetch = 0 : i64, scratch_operands = 10 : i64, tpu.core_type = #tpu.core_type<sc_vector_subcore>, window_params = [{transform_indices = #map}, {transform_indices = #map1}, {transform_indices = #map1}, {transform_indices = #map1}]} {
    %mul3A = arith.constant 2 : i32
    %mul3A_0 = arith.muli %arg1, %mul3A : i32
    %add3A = arith.addi %mul3A_0, %arg0 : i32
    %mul3A_1 = arith.constant 3072 : i32
    %mul3A_2 = arith.muli %add3A, %mul3A_1 : i32
    "tpu.region"() ({
      %run_scoped3A = tpu.sem_alloc : memref<!tpu.dma_semaphore, #tpu.memory_space<semaphore_mem>>
      %dma_start3A = arith.constant 0 : i32
      %dma_start3A_1670 = tpu.memref_slice %arg2[%dma_start3A, %mul3A_2] : memref<16x100000xf32, #tpu.memory_space<hbm>> -> memref<16x3072xf32, #tpu.memory_space<hbm>>
      %dma_start3A_1671 = arith.constant 0 : i32
      %dma_start3A_1672 = tpu.memref_slice %arg2[%dma_start3A_1671, %mul3A_2] : memref<16x100000xf32, #tpu.memory_space<hbm>> -> memref<16x3072xf32, #tpu.memory_space<hbm>>
      tpu.enqueue_dma source(%dma_start3A_1672 : memref<16x3072xf32, #tpu.memory_space<hbm>>) target(%arg6 : memref<16x3072xf32, #tpu.memory_space<vmem>>) target_semaphore(%run_scoped3A : memref<!tpu.dma_semaphore, #tpu.memory_space<semaphore_mem>>)
      %dma_wait3A = arith.constant 0 : i32
      %dma_wait3A_1673 = tpu.memref_slice %arg2[%dma_wait3A, %mul3A_2] : memref<16x100000xf32, #tpu.memory_space<hbm>> -> memref<16x3072xf32, #tpu.memory_space<hbm>>
      %dma_wait3A_1674 = arith.constant 0 : i32
      %dma_wait3A_1675 = tpu.memref_slice %arg2[%dma_wait3A_1674, %mul3A_2] : memref<16x100000xf32, #tpu.memory_space<hbm>> -> memref<16x3072xf32, #tpu.memory_space<hbm>>
      tpu.wait_dma2 semaphore(%run_scoped3A : memref<!tpu.dma_semaphore, #tpu.memory_space<semaphore_mem>>) src(%dma_wait3A_1675 : memref<16x3072xf32, #tpu.memory_space<hbm>>) dst(%arg6 : memref<16x3072xf32, #tpu.memory_space<vmem>>)
      tpu.yield
    }) : () -> ()
    "tpu.region"() ({
      %run_scoped3A = tpu.sem_alloc : memref<!tpu.dma_semaphore, #tpu.memory_space<semaphore_mem>>
      %dma_start3A = tpu.memref_slice %arg3[%mul3A_2] : memref<100000xi32, #tpu.memory_space<hbm>> -> memref<3072xi32, #tpu.memory_space<hbm>>
      %dma_start3A_1670 = tpu.memref_slice %arg3[%mul3A_2] : memref<100000xi32, #tpu.memory_space<hbm>> -> memref<3072xi32, #tpu.memory_space<hbm>>
      tpu.enqueue_dma source(%dma_start3A_1670 : memref<3072xi32, #tpu.memory_space<hbm>>) target(%arg9 : memref<3072xi32, #tpu.memory_space<vmem>>) target_semaphore(%run_scoped3A : memref<!tpu.dma_semaphore, #tpu.memory_space<semaphore_mem>>)
      %dma_wait3A = tpu.memref_slice %arg3[%mul3A_2] : memref<100000xi32, #tpu.memory_space<hbm>> -> memref<3072xi32, #tpu.memory_space<hbm>>
      %dma_wait3A_1671 = tpu.memref_slice %arg3[%mul3A_2] : memref<100000xi32, #tpu.memory_space<hbm>> -> memref<3072xi32, #tpu.memory_space<hbm>>
      tpu.wait_dma2 semaphore(%run_scoped3A : memref<!tpu.dma_semaphore, #tpu.memory_space<semaphore_mem>>) src(%dma_wait3A_1671 : memref<3072xi32, #tpu.memory_space<hbm>>) dst(%arg9 : memref<3072xi32, #tpu.memory_space<vmem>>)
      tpu.yield
    }) : () -> ()
    "tpu.region"() ({
      %run_scoped3A = tpu.sem_alloc : memref<!tpu.dma_semaphore, #tpu.memory_space<semaphore_mem>>
      %dma_start3A = tpu.memref_slice %arg4[%mul3A_2] : memref<100000xf32, #tpu.memory_space<hbm>> -> memref<3072xf32, #tpu.memory_space<hbm>>
      %dma_start3A_1670 = tpu.memref_slice %arg4[%mul3A_2] : memref<100000xf32, #tpu.memory_space<hbm>> -> memref<3072xf32, #tpu.memory_space<hbm>>
      tpu.enqueue_dma source(%dma_start3A_1670 : memref<3072xf32, #tpu.memory_space<hbm>>) target(%arg10 : memref<3072xf32, #tpu.memory_space<vmem>>) target_semaphore(%run_scoped3A : memref<!tpu.dma_semaphore, #tpu.memory_space<semaphore_mem>>)
      %dma_wait3A = tpu.memref_slice %arg4[%mul3A_2] : memref<100000xf32, #tpu.memory_space<hbm>> -> memref<3072xf32, #tpu.memory_space<hbm>>
      %dma_wait3A_1671 = tpu.memref_slice %arg4[%mul3A_2] : memref<100000xf32, #tpu.memory_space<hbm>> -> memref<3072xf32, #tpu.memory_space<hbm>>
      tpu.wait_dma2 semaphore(%run_scoped3A : memref<!tpu.dma_semaphore, #tpu.memory_space<semaphore_mem>>) src(%dma_wait3A_1671 : memref<3072xf32, #tpu.memory_space<hbm>>) dst(%arg10 : memref<3072xf32, #tpu.memory_space<vmem>>)
      tpu.yield
    }) : () -> ()
    %min3A = arith.constant 12 : i32
    %min3A_3 = arith.minsi %add3A, %min3A : i32
    %add3A_4 = arith.constant 768 : i32
    %add3A_5 = arith.addi %add3A_4, %min3A_3 : i32
    %mul3A_6 = arith.constant 128 : i32
    %mul3A_7 = arith.muli %add3A_5, %mul3A_6 : i32
    "tpu.region"() ({
      %run_scoped3A = tpu.sem_alloc : memref<!tpu.dma_semaphore, #tpu.memory_space<semaphore_mem>>
      %dma_start3A = arith.constant 0 : i32
      %dma_start3A_1670 = tpu.memref_slice %arg2[%dma_start3A, %mul3A_7] : memref<16x100000xf32, #tpu.memory_space<hbm>> -> memref<16x128xf32, #tpu.memory_space<hbm>>
      %dma_start3A_1671 = arith.constant 0 : i32
      %dma_start3A_1672 = tpu.memref_slice %arg2[%dma_start3A_1671, %mul3A_7] : memref<16x100000xf32, #tpu.memory_space<hbm>> -> memref<16x128xf32, #tpu.memory_space<hbm>>
      tpu.enqueue_dma source(%dma_start3A_1672 : memref<16x128xf32, #tpu.memory_space<hbm>>) target(%arg7 : memref<16x128xf32, #tpu.memory_space<vmem>>) target_semaphore(%run_scoped3A : memref<!tpu.dma_semaphore, #tpu.memory_space<semaphore_mem>>)
      %dma_wait3A = arith.constant 0 : i32
      %dma_wait3A_1673 = tpu.memref_slice %arg2[%dma_wait3A, %mul3A_7] : memref<16x100000xf32, #tpu.memory_space<hbm>> -> memref<16x128xf32, #tpu.memory_space<hbm>>
      %dma_wait3A_1674 = arith.constant 0 : i32
      %dma_wait3A_1675 = tpu.memref_slice %arg2[%dma_wait3A_1674, %mul3A_7] : memref<16x100000xf32, #tpu.memory_space<hbm>> -> memref<16x128xf32, #tpu.memory_space<hbm>>
      tpu.wait_dma2 semaphore(%run_scoped3A : memref<!tpu.dma_semaphore, #tpu.memory_space<semaphore_mem>>) src(%dma_wait3A_1675 : memref<16x128xf32, #tpu.memory_space<hbm>>) dst(%arg7 : memref<16x128xf32, #tpu.memory_space<vmem>>)
      tpu.yield
    }) : () -> ()
    "tpu.region"() ({
      %run_scoped3A = tpu.sem_alloc : memref<!tpu.dma_semaphore, #tpu.memory_space<semaphore_mem>>
      %dma_start3A = tpu.memref_slice %arg3[%mul3A_7] : memref<100000xi32, #tpu.memory_space<hbm>> -> memref<128xi32, #tpu.memory_space<hbm>>
      %dma_start3A_1670 = tpu.memref_slice %arg3[%mul3A_7] : memref<100000xi32, #tpu.memory_space<hbm>> -> memref<128xi32, #tpu.memory_space<hbm>>
      tpu.enqueue_dma source(%dma_start3A_1670 : memref<128xi32, #tpu.memory_space<hbm>>) target(%arg11 : memref<128xi32, #tpu.memory_space<vmem>>) target_semaphore(%run_scoped3A : memref<!tpu.dma_semaphore, #tpu.memory_space<semaphore_mem>>)
      %dma_wait3A = tpu.memref_slice %arg3[%mul3A_7] : memref<100000xi32, #tpu.memory_space<hbm>> -> memref<128xi32, #tpu.memory_space<hbm>>
      %dma_wait3A_1671 = tpu.memref_slice %arg3[%mul3A_7] : memref<100000xi32, #tpu.memory_space<hbm>> -> memref<128xi32, #tpu.memory_space<hbm>>
      tpu.wait_dma2 semaphore(%run_scoped3A : memref<!tpu.dma_semaphore, #tpu.memory_space<semaphore_mem>>) src(%dma_wait3A_1671 : memref<128xi32, #tpu.memory_space<hbm>>) dst(%arg11 : memref<128xi32, #tpu.memory_space<vmem>>)
      tpu.yield
    }) : () -> ()
    "tpu.region"() ({
      %run_scoped3A = tpu.sem_alloc : memref<!tpu.dma_semaphore, #tpu.memory_space<semaphore_mem>>
      %dma_start3A = tpu.memref_slice %arg4[%mul3A_7] : memref<100000xf32, #tpu.memory_space<hbm>> -> memref<128xf32, #tpu.memory_space<hbm>>
      %dma_start3A_1670 = tpu.memref_slice %arg4[%mul3A_7] : memref<100000xf32, #tpu.memory_space<hbm>> -> memref<128xf32, #tpu.memory_space<hbm>>
      tpu.enqueue_dma source(%dma_start3A_1670 : memref<128xf32, #tpu.memory_space<hbm>>) target(%arg12 : memref<128xf32, #tpu.memory_space<vmem>>) target_semaphore(%run_scoped3A : memref<!tpu.dma_semaphore, #tpu.memory_space<semaphore_mem>>)
      %dma_wait3A = tpu.memref_slice %arg4[%mul3A_7] : memref<100000xf32, #tpu.memory_space<hbm>> -> memref<128xf32, #tpu.memory_space<hbm>>
      %dma_wait3A_1671 = tpu.memref_slice %arg4[%mul3A_7] : memref<100000xf32, #tpu.memory_space<hbm>> -> memref<128xf32, #tpu.memory_space<hbm>>
      tpu.wait_dma2 semaphore(%run_scoped3A : memref<!tpu.dma_semaphore, #tpu.memory_space<semaphore_mem>>) src(%dma_wait3A_1671 : memref<128xf32, #tpu.memory_space<hbm>>) dst(%arg12 : memref<128xf32, #tpu.memory_space<vmem>>)
      tpu.yield
    }) : () -> ()
    "tpu.region"() ({
      %run_scoped3A = tpu.sem_alloc : memref<!tpu.dma_semaphore, #tpu.memory_space<semaphore_mem>>
      %dma_start3A = arith.constant 0 : i32
      %dma_start3A_1670 = arith.constant 99968 : i32
      %dma_start3A_1671 = tpu.memref_slice %arg2[%dma_start3A, %dma_start3A_1670] : memref<16x100000xf32, #tpu.memory_space<hbm>> -> memref<16x32xf32, #tpu.memory_space<hbm>>
      %dma_start3A_1672 = arith.constant 0 : i32
      %dma_start3A_1673 = arith.constant 99968 : i32
      %dma_start3A_1674 = tpu.memref_slice %arg2[%dma_start3A_1672, %dma_start3A_1673] : memref<16x100000xf32, #tpu.memory_space<hbm>> -> memref<16x32xf32, #tpu.memory_space<hbm>>
      tpu.enqueue_dma source(%dma_start3A_1674 : memref<16x32xf32, #tpu.memory_space<hbm>>) target(%arg8 : memref<16x32xf32, #tpu.memory_space<vmem>>) target_semaphore(%run_scoped3A : memref<!tpu.dma_semaphore, #tpu.memory_space<semaphore_mem>>)
      %dma_wait3A = arith.constant 0 : i32
      %dma_wait3A_1675 = arith.constant 99968 : i32
      %dma_wait3A_1676 = tpu.memref_slice %arg2[%dma_wait3A, %dma_wait3A_1675] : memref<16x100000xf32, #tpu.memory_space<hbm>> -> memref<16x32xf32, #tpu.memory_space<hbm>>
      %dma_wait3A_1677 = arith.constant 0 : i32
      %dma_wait3A_1678 = arith.constant 99968 : i32
      %dma_wait3A_1679 = tpu.memref_slice %arg2[%dma_wait3A_1677, %dma_wait3A_1678] : memref<16x100000xf32, #tpu.memory_space<hbm>> -> memref<16x32xf32, #tpu.memory_space<hbm>>
      tpu.wait_dma2 semaphore(%run_scoped3A : memref<!tpu.dma_semaphore, #tpu.memory_space<semaphore_mem>>) src(%dma_wait3A_1679 : memref<16x32xf32, #tpu.memory_space<hbm>>) dst(%arg8 : memref<16x32xf32, #tpu.memory_space<vmem>>)
      tpu.yield
    }) : () -> ()
    "tpu.region"() ({
      %run_scoped3A = tpu.sem_alloc : memref<!tpu.dma_semaphore, #tpu.memory_space<semaphore_mem>>
      %dma_start3A = arith.constant 99968 : i32
      %dma_start3A_1670 = tpu.memref_slice %arg3[%dma_start3A] : memref<100000xi32, #tpu.memory_space<hbm>> -> memref<32xi32, #tpu.memory_space<hbm>>
      %dma_start3A_1671 = arith.constant 99968 : i32
      %dma_start3A_1672 = tpu.memref_slice %arg3[%dma_start3A_1671] : memref<100000xi32, #tpu.memory_space<hbm>> -> memref<32xi32, #tpu.memory_space<hbm>>
      tpu.enqueue_dma source(%dma_start3A_1672 : memref<32xi32, #tpu.memory_space<hbm>>) target(%arg13 : memref<32xi32, #tpu.memory_space<vmem>>) target_semaphore(%run_scoped3A : memref<!tpu.dma_semaphore, #tpu.memory_space<semaphore_mem>>)
      %dma_wait3A = arith.constant 99968 : i32
      %dma_wait3A_1673 = tpu.memref_slice %arg3[%dma_wait3A] : memref<100000xi32, #tpu.memory_space<hbm>> -> memref<32xi32, #tpu.memory_space<hbm>>
      %dma_wait3A_1674 = arith.constant 99968 : i32
      %dma_wait3A_1675 = tpu.memref_slice %arg3[%dma_wait3A_1674] : memref<100000xi32, #tpu.memory_space<hbm>> -> memref<32xi32, #tpu.memory_space<hbm>>
      tpu.wait_dma2 semaphore(%run_scoped3A : memref<!tpu.dma_semaphore, #tpu.memory_space<semaphore_mem>>) src(%dma_wait3A_1675 : memref<32xi32, #tpu.memory_space<hbm>>) dst(%arg13 : memref<32xi32, #tpu.memory_space<vmem>>)
      tpu.yield
    }) : () -> ()
    "tpu.region"() ({
      %run_scoped3A = tpu.sem_alloc : memref<!tpu.dma_semaphore, #tpu.memory_space<semaphore_mem>>
      %dma_start3A = arith.constant 99968 : i32
      %dma_start3A_1670 = tpu.memref_slice %arg4[%dma_start3A] : memref<100000xf32, #tpu.memory_space<hbm>> -> memref<32xf32, #tpu.memory_space<hbm>>
      %dma_start3A_1671 = arith.constant 99968 : i32
      %dma_start3A_1672 = tpu.memref_slice %arg4[%dma_start3A_1671] : memref<100000xf32, #tpu.memory_space<hbm>> -> memref<32xf32, #tpu.memory_space<hbm>>
      tpu.enqueue_dma source(%dma_start3A_1672 : memref<32xf32, #tpu.memory_space<hbm>>) target(%arg14 : memref<32xf32, #tpu.memory_space<vmem>>) target_semaphore(%run_scoped3A : memref<!tpu.dma_semaphore, #tpu.memory_space<semaphore_mem>>)
      %dma_wait3A = arith.constant 99968 : i32
      %dma_wait3A_1673 = tpu.memref_slice %arg4[%dma_wait3A] : memref<100000xf32, #tpu.memory_space<hbm>> -> memref<32xf32, #tpu.memory_space<hbm>>
      %dma_wait3A_1674 = arith.constant 99968 : i32
      %dma_wait3A_1675 = tpu.memref_slice %arg4[%dma_wait3A_1674] : memref<100000xf32, #tpu.memory_space<hbm>> -> memref<32xf32, #tpu.memory_space<hbm>>
      tpu.wait_dma2 semaphore(%run_scoped3A : memref<!tpu.dma_semaphore, #tpu.memory_space<semaphore_mem>>) src(%dma_wait3A_1675 : memref<32xf32, #tpu.memory_space<hbm>>) dst(%arg14 : memref<32xf32, #tpu.memory_space<vmem>>)
      tpu.yield
    }) : () -> ()
    %iota3A = tpu.iota {dimensions = array<i32: 0>} : vector<16xi32>
    %broadcast_in_dim3A = arith.constant 0.000000e+00 : f32
    %broadcast_in_dim3A_8 = vector.broadcast %broadcast_in_dim3A : f32 to vector<16xf32>
    %scan3A = arith.constant 0 : i32
    %scan3A_9 = arith.constant 192 : i32
    %scan3A_10 = arith.addi %scan3A, %scan3A_9 : i32
    %scan3A_11 = arith.constant 1 : i32
    %scan3A_12 = scf.for %scan3A_1670 = %scan3A to %scan3A_10 step %scan3A_11 iter_args(%scan3A_1671 = %broadcast_in_dim3A_8) -> (vector<16xf32>)  : i32 {
      %mul3A_1672 = arith.constant 16 : i32
      %mul3A_1673 = arith.muli %scan3A_1670, %mul3A_1672 : i32
      %get3A_1674 = arith.index_cast %mul3A_1673 : i32 to index
      %get3A_1675 = tpu.vector_load %arg9[%get3A_1674] {strides = array<i32>} : memref<3072xi32, #tpu.memory_space<vmem>>, vector<16xi32>,
      %get3A_1676 = arith.index_cast %mul3A_1673 : i32 to index
      %get3A_1677 = tpu.vector_load %arg10[%get3A_1676] {strides = array<i32>} : memref<3072xf32, #tpu.memory_space<vmem>>, vector<16xf32>,
      %broadcast_in_dim3A_1678 = arith.constant 0.000000e+00 : f32
      %broadcast_in_dim3A_1679 = vector.broadcast %broadcast_in_dim3A_1678 : f32 to vector<16xf32>
      %broadcast_in_dim3A_1680 = arith.constant 0.000000e+00 : f32
      %broadcast_in_dim3A_1681 = vector.broadcast %broadcast_in_dim3A_1680 : f32 to vector<16xf32>
      %broadcast_in_dim3A_1682 = arith.constant 0.000000e+00 : f32
      %broadcast_in_dim3A_1683 = vector.broadcast %broadcast_in_dim3A_1682 : f32 to vector<16xf32>
      %broadcast_in_dim3A_1684 = arith.constant 0.000000e+00 : f32
      %broadcast_in_dim3A_1685 = vector.broadcast %broadcast_in_dim3A_1684 : f32 to vector<16xf32>
      %get3A_1686 = arith.constant 0 : i32
      %get3A_1687 = arith.index_cast %get3A_1686 : i32 to index
      %get3A_1688 = arith.index_cast %mul3A_1673 : i32 to index
      %get3A_1689 = tpu.vector_load %arg6[%get3A_1687, %get3A_1688] {strides = array<i32>} : memref<16x3072xf32, #tpu.memory_space<vmem>>, vector<16xf32>,
      %neg3A_1690 = arith.constant 0.000000e+00 : f32
      %neg3A_1691 = vector.broadcast %neg3A_1690 : f32 to vector<16xf32>
      %neg3A_1692 = arith.subf %neg3A_1691, %get3A_1689 : vector<16xf32>
      %min3A_1693 = arith.minimumf %get3A_1689, %neg3A_1692 : vector<16xf32>
      %exp3A_1694 = math.exp %min3A_1693 : vector<16xf32>
      %mul3A_1695 = arith.constant -0.513961852 : f32
      %mul3A_1696 = vector.broadcast %mul3A_1695 : f32 to vector<16xf32>
      %mul3A_1697 = arith.mulf %mul3A_1696, %exp3A_1694 : vector<16xf32>
      %add3A_1698 = arith.constant 1.0934037 : f32
      %add3A_1699 = vector.broadcast %add3A_1698 : f32 to vector<16xf32>
      %add3A_1700 = arith.addf %mul3A_1697, %add3A_1699 : vector<16xf32>
      %mul3A_1701 = arith.mulf %add3A_1700, %exp3A_1694 : vector<16xf32>
      %add3A_1702 = arith.constant -0.971954882 : f32
      %add3A_1703 = vector.broadcast %add3A_1702 : f32 to vector<16xf32>
      %add3A_1704 = arith.addf %mul3A_1701, %add3A_1703 : vector<16xf32>
      %mul3A_1705 = arith.mulf %add3A_1704, %exp3A_1694 : vector<16xf32>
      %add3A_1706 = arith.constant 5.000000e-01 : f32
      %add3A_1707 = vector.broadcast %add3A_1706 : f32 to vector<16xf32>
      %add3A_1708 = arith.addf %mul3A_1705, %add3A_1707 : vector<16xf32>
      %mul3A_1709 = arith.constant 0.435844094 : f32
      %mul3A_1710 = vector.broadcast %mul3A_1709 : f32 to vector<16xf32>
      %mul3A_1711 = arith.mulf %mul3A_1710, %exp3A_1694 : vector<16xf32>
      %add3A_1712 = arith.constant -0.801728367 : f32
      %add3A_1713 = vector.broadcast %add3A_1712 : f32 to vector<16xf32>
      %add3A_1714 = arith.addf %mul3A_1711, %add3A_1713 : vector<16xf32>
      %mul3A_1715 = arith.mulf %add3A_1714, %exp3A_1694 : vector<16xf32>
      %add3A_1716 = arith.constant 0.469989896 : f32
      %add3A_1717 = vector.broadcast %add3A_1716 : f32 to vector<16xf32>
      %add3A_1718 = arith.addf %mul3A_1715, %add3A_1717 : vector<16xf32>
      %mul3A_1719 = arith.mulf %add3A_1718, %exp3A_1694 : vector<16xf32>
      %add3A_1720 = arith.constant 0.000000e+00 : f32
      %add3A_1721 = vector.broadcast %add3A_1720 : f32 to vector<16xf32>
      %add3A_1722 = arith.addf %mul3A_1719, %add3A_1721 : vector<16xf32>
      %ge3A_1723 = arith.constant 0.000000e+00 : f32
      %ge3A_1724 = vector.broadcast %ge3A_1723 : f32 to vector<16xf32>
      %ge3A_1725 = arith.cmpf oge, %get3A_1689, %ge3A_1724 : vector<16xf32>
      %mul3A_1726 = arith.mulf %get3A_1689, %add3A_1708 : vector<16xf32>
      %add3A_1727 = arith.addf %mul3A_1726, %add3A_1722 : vector<16xf32>
      %mul3A_1728 = arith.mulf %exp3A_1694, %exp3A_1694 : vector<16xf32>
      %mul3A_1729 = arith.mulf %mul3A_1728, %add3A_1722 : vector<16xf32>
      %select_n3A_1730 = arith.select %ge3A_1725, %add3A_1727, %mul3A_1729 : vector<16xi1>, vector<16xf32>
      %add3A_1731 = arith.addf %broadcast_in_dim3A_1679, %select_n3A_1730 : vector<16xf32>
      %get3A_1732 = arith.constant 1 : i32
      %get3A_1733 = arith.index_cast %get3A_1732 : i32 to index
      %get3A_1734 = arith.index_cast %mul3A_1673 : i32 to index
      %get3A_1735 = tpu.vector_load %arg6[%get3A_1733, %get3A_1734] {strides = array<i32>} : memref<16x3072xf32, #tpu.memory_space<vmem>>, vector<16xf32>,
      %neg3A_1736 = arith.constant 0.000000e+00 : f32
      %neg3A_1737 = vector.broadcast %neg3A_1736 : f32 to vector<16xf32>
      %neg3A_1738 = arith.subf %neg3A_1737, %get3A_1735 : vector<16xf32>
      %min3A_1739 = arith.minimumf %get3A_1735, %neg3A_1738 : vector<16xf32>
      %exp3A_1740 = math.exp %min3A_1739 : vector<16xf32>
      %mul3A_1741 = arith.constant -0.513961852 : f32
      %mul3A_1742 = vector.broadcast %mul3A_1741 : f32 to vector<16xf32>
      %mul3A_1743 = arith.mulf %mul3A_1742, %exp3A_1740 : vector<16xf32>
      %add3A_1744 = arith.constant 1.0934037 : f32
      %add3A_1745 = vector.broadcast %add3A_1744 : f32 to vector<16xf32>
      %add3A_1746 = arith.addf %mul3A_1743, %add3A_1745 : vector<16xf32>
      %mul3A_1747 = arith.mulf %add3A_1746, %exp3A_1740 : vector<16xf32>
      %add3A_1748 = arith.constant -0.971954882 : f32
      %add3A_1749 = vector.broadcast %add3A_1748 : f32 to vector<16xf32>
      %add3A_1750 = arith.addf %mul3A_1747, %add3A_1749 : vector<16xf32>
      %mul3A_1751 = arith.mulf %add3A_1750, %exp3A_1740 : vector<16xf32>
      %add3A_1752 = arith.constant 5.000000e-01 : f32
      %add3A_1753 = vector.broadcast %add3A_1752 : f32 to vector<16xf32>
      %add3A_1754 = arith.addf %mul3A_1751, %add3A_1753 : vector<16xf32>
      %mul3A_1755 = arith.constant 0.435844094 : f32
      %mul3A_1756 = vector.broadcast %mul3A_1755 : f32 to vector<16xf32>
      %mul3A_1757 = arith.mulf %mul3A_1756, %exp3A_1740 : vector<16xf32>
      %add3A_1758 = arith.constant -0.801728367 : f32
      %add3A_1759 = vector.broadcast %add3A_1758 : f32 to vector<16xf32>
      %add3A_1760 = arith.addf %mul3A_1757, %add3A_1759 : vector<16xf32>
      %mul3A_1761 = arith.mulf %add3A_1760, %exp3A_1740 : vector<16xf32>
      %add3A_1762 = arith.constant 0.469989896 : f32
      %add3A_1763 = vector.broadcast %add3A_1762 : f32 to vector<16xf32>
      %add3A_1764 = arith.addf %mul3A_1761, %add3A_1763 : vector<16xf32>
      %mul3A_1765 = arith.mulf %add3A_1764, %exp3A_1740 : vector<16xf32>
      %add3A_1766 = arith.constant 0.000000e+00 : f32
      %add3A_1767 = vector.broadcast %add3A_1766 : f32 to vector<16xf32>
      %add3A_1768 = arith.addf %mul3A_1765, %add3A_1767 : vector<16xf32>
      %ge3A_1769 = arith.constant 0.000000e+00 : f32
      %ge3A_1770 = vector.broadcast %ge3A_1769 : f32 to vector<16xf32>
      %ge3A_1771 = arith.cmpf oge, %get3A_1735, %ge3A_1770 : vector<16xf32>
      %mul3A_1772 = arith.mulf %get3A_1735, %add3A_1754 : vector<16xf32>
      %add3A_1773 = arith.addf %mul3A_1772, %add3A_1768 : vector<16xf32>
      %mul3A_1774 = arith.mulf %exp3A_1740, %exp3A_1740 : vector<16xf32>
      %mul3A_1775 = arith.mulf %mul3A_1774, %add3A_1768 : vector<16xf32>
      %select_n3A_1776 = arith.select %ge3A_1771, %add3A_1773, %mul3A_1775 : vector<16xi1>, vector<16xf32>
      %add3A_1777 = arith.addf %broadcast_in_dim3A_1681, %select_n3A_1776 : vector<16xf32>
      %get3A_1778 = arith.constant 2 : i32
      %get3A_1779 = arith.index_cast %get3A_1778 : i32 to index
      %get3A_1780 = arith.index_cast %mul3A_1673 : i32 to index
      %get3A_1781 = tpu.vector_load %arg6[%get3A_1779, %get3A_1780] {strides = array<i32>} : memref<16x3072xf32, #tpu.memory_space<vmem>>, vector<16xf32>,
      %neg3A_1782 = arith.constant 0.000000e+00 : f32
      %neg3A_1783 = vector.broadcast %neg3A_1782 : f32 to vector<16xf32>
      %neg3A_1784 = arith.subf %neg3A_1783, %get3A_1781 : vector<16xf32>
      %min3A_1785 = arith.minimumf %get3A_1781, %neg3A_1784 : vector<16xf32>
      %exp3A_1786 = math.exp %min3A_1785 : vector<16xf32>
      %mul3A_1787 = arith.constant -0.513961852 : f32
      %mul3A_1788 = vector.broadcast %mul3A_1787 : f32 to vector<16xf32>
      %mul3A_1789 = arith.mulf %mul3A_1788, %exp3A_1786 : vector<16xf32>
      %add3A_1790 = arith.constant 1.0934037 : f32
      %add3A_1791 = vector.broadcast %add3A_1790 : f32 to vector<16xf32>
      %add3A_1792 = arith.addf %mul3A_1789, %add3A_1791 : vector<16xf32>
      %mul3A_1793 = arith.mulf %add3A_1792, %exp3A_1786 : vector<16xf32>
      %add3A_1794 = arith.constant -0.971954882 : f32
      %add3A_1795 = vector.broadcast %add3A_1794 : f32 to vector<16xf32>
      %add3A_1796 = arith.addf %mul3A_1793, %add3A_1795 : vector<16xf32>
      %mul3A_1797 = arith.mulf %add3A_1796, %exp3A_1786 : vector<16xf32>
      %add3A_1798 = arith.constant 5.000000e-01 : f32
      %add3A_1799 = vector.broadcast %add3A_1798 : f32 to vector<16xf32>
      %add3A_1800 = arith.addf %mul3A_1797, %add3A_1799 : vector<16xf32>
      %mul3A_1801 = arith.constant 0.435844094 : f32
      %mul3A_1802 = vector.broadcast %mul3A_1801 : f32 to vector<16xf32>
      %mul3A_1803 = arith.mulf %mul3A_1802, %exp3A_1786 : vector<16xf32>
      %add3A_1804 = arith.constant -0.801728367 : f32
      %add3A_1805 = vector.broadcast %add3A_1804 : f32 to vector<16xf32>
      %add3A_1806 = arith.addf %mul3A_1803, %add3A_1805 : vector<16xf32>
      %mul3A_1807 = arith.mulf %add3A_1806, %exp3A_1786 : vector<16xf32>
      %add3A_1808 = arith.constant 0.469989896 : f32
      %add3A_1809 = vector.broadcast %add3A_1808 : f32 to vector<16xf32>
      %add3A_1810 = arith.addf %mul3A_1807, %add3A_1809 : vector<16xf32>
      %mul3A_1811 = arith.mulf %add3A_1810, %exp3A_1786 : vector<16xf32>
      %add3A_1812 = arith.constant 0.000000e+00 : f32
      %add3A_1813 = vector.broadcast %add3A_1812 : f32 to vector<16xf32>
      %add3A_1814 = arith.addf %mul3A_1811, %add3A_1813 : vector<16xf32>
      %ge3A_1815 = arith.constant 0.000000e+00 : f32
      %ge3A_1816 = vector.broadcast %ge3A_1815 : f32 to vector<16xf32>
      %ge3A_1817 = arith.cmpf oge, %get3A_1781, %ge3A_1816 : vector<16xf32>
      %mul3A_1818 = arith.mulf %get3A_1781, %add3A_1800 : vector<16xf32>
      %add3A_1819 = arith.addf %mul3A_1818, %add3A_1814 : vector<16xf32>
      %mul3A_1820 = arith.mulf %exp3A_1786, %exp3A_1786 : vector<16xf32>
      %mul3A_1821 = arith.mulf %mul3A_1820, %add3A_1814 : vector<16xf32>
      %select_n3A_1822 = arith.select %ge3A_1817, %add3A_1819, %mul3A_1821 : vector<16xi1>, vector<16xf32>
      %add3A_1823 = arith.addf %broadcast_in_dim3A_1683, %select_n3A_1822 : vector<16xf32>
      %get3A_1824 = arith.constant 3 : i32
      %get3A_1825 = arith.index_cast %get3A_1824 : i32 to index
      %get3A_1826 = arith.index_cast %mul3A_1673 : i32 to index
      %get3A_1827 = tpu.vector_load %arg6[%get3A_1825, %get3A_1826] {strides = array<i32>} : memref<16x3072xf32, #tpu.memory_space<vmem>>, vector<16xf32>,
      %neg3A_1828 = arith.constant 0.000000e+00 : f32
      %neg3A_1829 = vector.broadcast %neg3A_1828 : f32 to vector<16xf32>
      %neg3A_1830 = arith.subf %neg3A_1829, %get3A_1827 : vector<16xf32>
      %min3A_1831 = arith.minimumf %get3A_1827, %neg3A_1830 : vector<16xf32>
      %exp3A_1832 = math.exp %min3A_1831 : vector<16xf32>
      %mul3A_1833 = arith.constant -0.513961852 : f32
      %mul3A_1834 = vector.broadcast %mul3A_1833 : f32 to vector<16xf32>
      %mul3A_1835 = arith.mulf %mul3A_1834, %exp3A_1832 : vector<16xf32>
      %add3A_1836 = arith.constant 1.0934037 : f32
      %add3A_1837 = vector.broadcast %add3A_1836 : f32 to vector<16xf32>
      %add3A_1838 = arith.addf %mul3A_1835, %add3A_1837 : vector<16xf32>
      %mul3A_1839 = arith.mulf %add3A_1838, %exp3A_1832 : vector<16xf32>
      %add3A_1840 = arith.constant -0.971954882 : f32
      %add3A_1841 = vector.broadcast %add3A_1840 : f32 to vector<16xf32>
      %add3A_1842 = arith.addf %mul3A_1839, %add3A_1841 : vector<16xf32>
      %mul3A_1843 = arith.mulf %add3A_1842, %exp3A_1832 : vector<16xf32>
      %add3A_1844 = arith.constant 5.000000e-01 : f32
      %add3A_1845 = vector.broadcast %add3A_1844 : f32 to vector<16xf32>
      %add3A_1846 = arith.addf %mul3A_1843, %add3A_1845 : vector<16xf32>
      %mul3A_1847 = arith.constant 0.435844094 : f32
      %mul3A_1848 = vector.broadcast %mul3A_1847 : f32 to vector<16xf32>
      %mul3A_1849 = arith.mulf %mul3A_1848, %exp3A_1832 : vector<16xf32>
      %add3A_1850 = arith.constant -0.801728367 : f32
      %add3A_1851 = vector.broadcast %add3A_1850 : f32 to vector<16xf32>
      %add3A_1852 = arith.addf %mul3A_1849, %add3A_1851 : vector<16xf32>
      %mul3A_1853 = arith.mulf %add3A_1852, %exp3A_1832 : vector<16xf32>
      %add3A_1854 = arith.constant 0.469989896 : f32
      %add3A_1855 = vector.broadcast %add3A_1854 : f32 to vector<16xf32>
      %add3A_1856 = arith.addf %mul3A_1853, %add3A_1855 : vector<16xf32>
      %mul3A_1857 = arith.mulf %add3A_1856, %exp3A_1832 : vector<16xf32>
      %add3A_1858 = arith.constant 0.000000e+00 : f32
      %add3A_1859 = vector.broadcast %add3A_1858 : f32 to vector<16xf32>
      %add3A_1860 = arith.addf %mul3A_1857, %add3A_1859 : vector<16xf32>
      %ge3A_1861 = arith.constant 0.000000e+00 : f32
      %ge3A_1862 = vector.broadcast %ge3A_1861 : f32 to vector<16xf32>
      %ge3A_1863 = arith.cmpf oge, %get3A_1827, %ge3A_1862 : vector<16xf32>
      %mul3A_1864 = arith.mulf %get3A_1827, %add3A_1846 : vector<16xf32>
      %add3A_1865 = arith.addf %mul3A_1864, %add3A_1860 : vector<16xf32>
      %mul3A_1866 = arith.mulf %exp3A_1832, %exp3A_1832 : vector<16xf32>
      %mul3A_1867 = arith.mulf %mul3A_1866, %add3A_1860 : vector<16xf32>
      %select_n3A_1868 = arith.select %ge3A_1863, %add3A_1865, %mul3A_1867 : vector<16xi1>, vector<16xf32>
      %add3A_1869 = arith.addf %broadcast_in_dim3A_1685, %select_n3A_1868 : vector<16xf32>
      %get3A_1870 = arith.constant 4 : i32
      %get3A_1871 = arith.index_cast %get3A_1870 : i32 to index
      %get3A_1872 = arith.index_cast %mul3A_1673 : i32 to index
      %get3A_1873 = tpu.vector_load %arg6[%get3A_1871, %get3A_1872] {strides = array<i32>} : memref<16x3072xf32, #tpu.memory_space<vmem>>, vector<16xf32>,
      %neg3A_1874 = arith.constant 0.000000e+00 : f32
      %neg3A_1875 = vector.broadcast %neg3A_1874 : f32 to vector<16xf32>
      %neg3A_1876 = arith.subf %neg3A_1875, %get3A_1873 : vector<16xf32>
      %min3A_1877 = arith.minimumf %get3A_1873, %neg3A_1876 : vector<16xf32>
      %exp3A_1878 = math.exp %min3A_1877 : vector<16xf32>
      %mul3A_1879 = arith.constant -0.513961852 : f32
      %mul3A_1880 = vector.broadcast %mul3A_1879 : f32 to vector<16xf32>
      %mul3A_1881 = arith.mulf %mul3A_1880, %exp3A_1878 : vector<16xf32>
      %add3A_1882 = arith.constant 1.0934037 : f32
      %add3A_1883 = vector.broadcast %add3A_1882 : f32 to vector<16xf32>
      %add3A_1884 = arith.addf %mul3A_1881, %add3A_1883 : vector<16xf32>
      %mul3A_1885 = arith.mulf %add3A_1884, %exp3A_1878 : vector<16xf32>
      %add3A_1886 = arith.constant -0.971954882 : f32
      %add3A_1887 = vector.broadcast %add3A_1886 : f32 to vector<16xf32>
      %add3A_1888 = arith.addf %mul3A_1885, %add3A_1887 : vector<16xf32>
      %mul3A_1889 = arith.mulf %add3A_1888, %exp3A_1878 : vector<16xf32>
      %add3A_1890 = arith.constant 5.000000e-01 : f32
      %add3A_1891 = vector.broadcast %add3A_1890 : f32 to vector<16xf32>
      %add3A_1892 = arith.addf %mul3A_1889, %add3A_1891 : vector<16xf32>
      %mul3A_1893 = arith.constant 0.435844094 : f32
      %mul3A_1894 = vector.broadcast %mul3A_1893 : f32 to vector<16xf32>
      %mul3A_1895 = arith.mulf %mul3A_1894, %exp3A_1878 : vector<16xf32>
      %add3A_1896 = arith.constant -0.801728367 : f32
      %add3A_1897 = vector.broadcast %add3A_1896 : f32 to vector<16xf32>
      %add3A_1898 = arith.addf %mul3A_1895, %add3A_1897 : vector<16xf32>
      %mul3A_1899 = arith.mulf %add3A_1898, %exp3A_1878 : vector<16xf32>
      %add3A_1900 = arith.constant 0.469989896 : f32
      %add3A_1901 = vector.broadcast %add3A_1900 : f32 to vector<16xf32>
      %add3A_1902 = arith.addf %mul3A_1899, %add3A_1901 : vector<16xf32>
      %mul3A_1903 = arith.mulf %add3A_1902, %exp3A_1878 : vector<16xf32>
      %add3A_1904 = arith.constant 0.000000e+00 : f32
      %add3A_1905 = vector.broadcast %add3A_1904 : f32 to vector<16xf32>
      %add3A_1906 = arith.addf %mul3A_1903, %add3A_1905 : vector<16xf32>
      %ge3A_1907 = arith.constant 0.000000e+00 : f32
      %ge3A_1908 = vector.broadcast %ge3A_1907 : f32 to vector<16xf32>
      %ge3A_1909 = arith.cmpf oge, %get3A_1873, %ge3A_1908 : vector<16xf32>
      %mul3A_1910 = arith.mulf %get3A_1873, %add3A_1892 : vector<16xf32>
      %add3A_1911 = arith.addf %mul3A_1910, %add3A_1906 : vector<16xf32>
      %mul3A_1912 = arith.mulf %exp3A_1878, %exp3A_1878 : vector<16xf32>
      %mul3A_1913 = arith.mulf %mul3A_1912, %add3A_1906 : vector<16xf32>
      %select_n3A_1914 = arith.select %ge3A_1909, %add3A_1911, %mul3A_1913 : vector<16xi1>, vector<16xf32>
      %add3A_1915 = arith.addf %add3A_1731, %select_n3A_1914 : vector<16xf32>
      %get3A_1916 = arith.constant 5 : i32
      %get3A_1917 = arith.index_cast %get3A_1916 : i32 to index
      %get3A_1918 = arith.index_cast %mul3A_1673 : i32 to index
      %get3A_1919 = tpu.vector_load %arg6[%get3A_1917, %get3A_1918] {strides = array<i32>} : memref<16x3072xf32, #tpu.memory_space<vmem>>, vector<16xf32>,
      %neg3A_1920 = arith.constant 0.000000e+00 : f32
      %neg3A_1921 = vector.broadcast %neg3A_1920 : f32 to vector<16xf32>
      %neg3A_1922 = arith.subf %neg3A_1921, %get3A_1919 : vector<16xf32>
      %min3A_1923 = arith.minimumf %get3A_1919, %neg3A_1922 : vector<16xf32>
      %exp3A_1924 = math.exp %min3A_1923 : vector<16xf32>
      %mul3A_1925 = arith.constant -0.513961852 : f32
      %mul3A_1926 = vector.broadcast %mul3A_1925 : f32 to vector<16xf32>
      %mul3A_1927 = arith.mulf %mul3A_1926, %exp3A_1924 : vector<16xf32>
      %add3A_1928 = arith.constant 1.0934037 : f32
      %add3A_1929 = vector.broadcast %add3A_1928 : f32 to vector<16xf32>
      %add3A_1930 = arith.addf %mul3A_1927, %add3A_1929 : vector<16xf32>
      %mul3A_1931 = arith.mulf %add3A_1930, %exp3A_1924 : vector<16xf32>
      %add3A_1932 = arith.constant -0.971954882 : f32
      %add3A_1933 = vector.broadcast %add3A_1932 : f32 to vector<16xf32>
      %add3A_1934 = arith.addf %mul3A_1931, %add3A_1933 : vector<16xf32>
      %mul3A_1935 = arith.mulf %add3A_1934, %exp3A_1924 : vector<16xf32>
      %add3A_1936 = arith.constant 5.000000e-01 : f32
      %add3A_1937 = vector.broadcast %add3A_1936 : f32 to vector<16xf32>
      %add3A_1938 = arith.addf %mul3A_1935, %add3A_1937 : vector<16xf32>
      %mul3A_1939 = arith.constant 0.435844094 : f32
      %mul3A_1940 = vector.broadcast %mul3A_1939 : f32 to vector<16xf32>
      %mul3A_1941 = arith.mulf %mul3A_1940, %exp3A_1924 : vector<16xf32>
      %add3A_1942 = arith.constant -0.801728367 : f32
      %add3A_1943 = vector.broadcast %add3A_1942 : f32 to vector<16xf32>
      %add3A_1944 = arith.addf %mul3A_1941, %add3A_1943 : vector<16xf32>
      %mul3A_1945 = arith.mulf %add3A_1944, %exp3A_1924 : vector<16xf32>
      %add3A_1946 = arith.constant 0.469989896 : f32
      %add3A_1947 = vector.broadcast %add3A_1946 : f32 to vector<16xf32>
      %add3A_1948 = arith.addf %mul3A_1945, %add3A_1947 : vector<16xf32>
      %mul3A_1949 = arith.mulf %add3A_1948, %exp3A_1924 : vector<16xf32>
      %add3A_1950 = arith.constant 0.000000e+00 : f32
      %add3A_1951 = vector.broadcast %add3A_1950 : f32 to vector<16xf32>
      %add3A_1952 = arith.addf %mul3A_1949, %add3A_1951 : vector<16xf32>
      %ge3A_1953 = arith.constant 0.000000e+00 : f32
      %ge3A_1954 = vector.broadcast %ge3A_1953 : f32 to vector<16xf32>
      %ge3A_1955 = arith.cmpf oge, %get3A_1919, %ge3A_1954 : vector<16xf32>
      %mul3A_1956 = arith.mulf %get3A_1919, %add3A_1938 : vector<16xf32>
      %add3A_1957 = arith.addf %mul3A_1956, %add3A_1952 : vector<16xf32>
      %mul3A_1958 = arith.mulf %exp3A_1924, %exp3A_1924 : vector<16xf32>
      %mul3A_1959 = arith.mulf %mul3A_1958, %add3A_1952 : vector<16xf32>
      %select_n3A_1960 = arith.select %ge3A_1955, %add3A_1957, %mul3A_1959 : vector<16xi1>, vector<16xf32>
      %add3A_1961 = arith.addf %add3A_1777, %select_n3A_1960 : vector<16xf32>
      %get3A_1962 = arith.constant 6 : i32
      %get3A_1963 = arith.index_cast %get3A_1962 : i32 to index
      %get3A_1964 = arith.index_cast %mul3A_1673 : i32 to index
      %get3A_1965 = tpu.vector_load %arg6[%get3A_1963, %get3A_1964] {strides = array<i32>} : memref<16x3072xf32, #tpu.memory_space<vmem>>, vector<16xf32>,
      %neg3A_1966 = arith.constant 0.000000e+00 : f32
      %neg3A_1967 = vector.broadcast %neg3A_1966 : f32 to vector<16xf32>
      %neg3A_1968 = arith.subf %neg3A_1967, %get3A_1965 : vector<16xf32>
      %min3A_1969 = arith.minimumf %get3A_1965, %neg3A_1968 : vector<16xf32>
      %exp3A_1970 = math.exp %min3A_1969 : vector<16xf32>
      %mul3A_1971 = arith.constant -0.513961852 : f32
      %mul3A_1972 = vector.broadcast %mul3A_1971 : f32 to vector<16xf32>
      %mul3A_1973 = arith.mulf %mul3A_1972, %exp3A_1970 : vector<16xf32>
      %add3A_1974 = arith.constant 1.0934037 : f32
      %add3A_1975 = vector.broadcast %add3A_1974 : f32 to vector<16xf32>
      %add3A_1976 = arith.addf %mul3A_1973, %add3A_1975 : vector<16xf32>
      %mul3A_1977 = arith.mulf %add3A_1976, %exp3A_1970 : vector<16xf32>
      %add3A_1978 = arith.constant -0.971954882 : f32
      %add3A_1979 = vector.broadcast %add3A_1978 : f32 to vector<16xf32>
      %add3A_1980 = arith.addf %mul3A_1977, %add3A_1979 : vector<16xf32>
      %mul3A_1981 = arith.mulf %add3A_1980, %exp3A_1970 : vector<16xf32>
      %add3A_1982 = arith.constant 5.000000e-01 : f32
      %add3A_1983 = vector.broadcast %add3A_1982 : f32 to vector<16xf32>
      %add3A_1984 = arith.addf %mul3A_1981, %add3A_1983 : vector<16xf32>
      %mul3A_1985 = arith.constant 0.435844094 : f32
      %mul3A_1986 = vector.broadcast %mul3A_1985 : f32 to vector<16xf32>
      %mul3A_1987 = arith.mulf %mul3A_1986, %exp3A_1970 : vector<16xf32>
      %add3A_1988 = arith.constant -0.801728367 : f32
      %add3A_1989 = vector.broadcast %add3A_1988 : f32 to vector<16xf32>
      %add3A_1990 = arith.addf %mul3A_1987, %add3A_1989 : vector<16xf32>
      %mul3A_1991 = arith.mulf %add3A_1990, %exp3A_1970 : vector<16xf32>
      %add3A_1992 = arith.constant 0.469989896 : f32
      %add3A_1993 = vector.broadcast %add3A_1992 : f32 to vector<16xf32>
      %add3A_1994 = arith.addf %mul3A_1991, %add3A_1993 : vector<16xf32>
      %mul3A_1995 = arith.mulf %add3A_1994, %exp3A_1970 : vector<16xf32>
      %add3A_1996 = arith.constant 0.000000e+00 : f32
      %add3A_1997 = vector.broadcast %add3A_1996 : f32 to vector<16xf32>
      %add3A_1998 = arith.addf %mul3A_1995, %add3A_1997 : vector<16xf32>
      %ge3A_1999 = arith.constant 0.000000e+00 : f32
      %ge3A_2000 = vector.broadcast %ge3A_1999 : f32 to vector<16xf32>
      %ge3A_2001 = arith.cmpf oge, %get3A_1965, %ge3A_2000 : vector<16xf32>
      %mul3A_2002 = arith.mulf %get3A_1965, %add3A_1984 : vector<16xf32>
      %add3A_2003 = arith.addf %mul3A_2002, %add3A_1998 : vector<16xf32>
      %mul3A_2004 = arith.mulf %exp3A_1970, %exp3A_1970 : vector<16xf32>
      %mul3A_2005 = arith.mulf %mul3A_2004, %add3A_1998 : vector<16xf32>
      %select_n3A_2006 = arith.select %ge3A_2001, %add3A_2003, %mul3A_2005 : vector<16xi1>, vector<16xf32>
      %add3A_2007 = arith.addf %add3A_1823, %select_n3A_2006 : vector<16xf32>
      %get3A_2008 = arith.constant 7 : i32
      %get3A_2009 = arith.index_cast %get3A_2008 : i32 to index
      %get3A_2010 = arith.index_cast %mul3A_1673 : i32 to index
      %get3A_2011 = tpu.vector_load %arg6[%get3A_2009, %get3A_2010] {strides = array<i32>} : memref<16x3072xf32, #tpu.memory_space<vmem>>, vector<16xf32>,
      %neg3A_2012 = arith.constant 0.000000e+00 : f32
      %neg3A_2013 = vector.broadcast %neg3A_2012 : f32 to vector<16xf32>
      %neg3A_2014 = arith.subf %neg3A_2013, %get3A_2011 : vector<16xf32>
      %min3A_2015 = arith.minimumf %get3A_2011, %neg3A_2014 : vector<16xf32>
      %exp3A_2016 = math.exp %min3A_2015 : vector<16xf32>
      %mul3A_2017 = arith.constant -0.513961852 : f32
      %mul3A_2018 = vector.broadcast %mul3A_2017 : f32 to vector<16xf32>
      %mul3A_2019 = arith.mulf %mul3A_2018, %exp3A_2016 : vector<16xf32>
      %add3A_2020 = arith.constant 1.0934037 : f32
      %add3A_2021 = vector.broadcast %add3A_2020 : f32 to vector<16xf32>
      %add3A_2022 = arith.addf %mul3A_2019, %add3A_2021 : vector<16xf32>
      %mul3A_2023 = arith.mulf %add3A_2022, %exp3A_2016 : vector<16xf32>
      %add3A_2024 = arith.constant -0.971954882 : f32
      %add3A_2025 = vector.broadcast %add3A_2024 : f32 to vector<16xf32>
      %add3A_2026 = arith.addf %mul3A_2023, %add3A_2025 : vector<16xf32>
      %mul3A_2027 = arith.mulf %add3A_2026, %exp3A_2016 : vector<16xf32>
      %add3A_2028 = arith.constant 5.000000e-01 : f32
      %add3A_2029 = vector.broadcast %add3A_2028 : f32 to vector<16xf32>
      %add3A_2030 = arith.addf %mul3A_2027, %add3A_2029 : vector<16xf32>
      %mul3A_2031 = arith.constant 0.435844094 : f32
      %mul3A_2032 = vector.broadcast %mul3A_2031 : f32 to vector<16xf32>
      %mul3A_2033 = arith.mulf %mul3A_2032, %exp3A_2016 : vector<16xf32>
      %add3A_2034 = arith.constant -0.801728367 : f32
      %add3A_2035 = vector.broadcast %add3A_2034 : f32 to vector<16xf32>
      %add3A_2036 = arith.addf %mul3A_2033, %add3A_2035 : vector<16xf32>
      %mul3A_2037 = arith.mulf %add3A_2036, %exp3A_2016 : vector<16xf32>
      %add3A_2038 = arith.constant 0.469989896 : f32
      %add3A_2039 = vector.broadcast %add3A_2038 : f32 to vector<16xf32>
      %add3A_2040 = arith.addf %mul3A_2037, %add3A_2039 : vector<16xf32>
      %mul3A_2041 = arith.mulf %add3A_2040, %exp3A_2016 : vector<16xf32>
      %add3A_2042 = arith.constant 0.000000e+00 : f32
      %add3A_2043 = vector.broadcast %add3A_2042 : f32 to vector<16xf32>
      %add3A_2044 = arith.addf %mul3A_2041, %add3A_2043 : vector<16xf32>
      %ge3A_2045 = arith.constant 0.000000e+00 : f32
      %ge3A_2046 = vector.broadcast %ge3A_2045 : f32 to vector<16xf32>
      %ge3A_2047 = arith.cmpf oge, %get3A_2011, %ge3A_2046 : vector<16xf32>
      %mul3A_2048 = arith.mulf %get3A_2011, %add3A_2030 : vector<16xf32>
      %add3A_2049 = arith.addf %mul3A_2048, %add3A_2044 : vector<16xf32>
      %mul3A_2050 = arith.mulf %exp3A_2016, %exp3A_2016 : vector<16xf32>
      %mul3A_2051 = arith.mulf %mul3A_2050, %add3A_2044 : vector<16xf32>
      %select_n3A_2052 = arith.select %ge3A_2047, %add3A_2049, %mul3A_2051 : vector<16xi1>, vector<16xf32>
      %add3A_2053 = arith.addf %add3A_1869, %select_n3A_2052 : vector<16xf32>
      %get3A_2054 = arith.constant 8 : i32
      %get3A_2055 = arith.index_cast %get3A_2054 : i32 to index
      %get3A_2056 = arith.index_cast %mul3A_1673 : i32 to index
      %get3A_2057 = tpu.vector_load %arg6[%get3A_2055, %get3A_2056] {strides = array<i32>} : memref<16x3072xf32, #tpu.memory_space<vmem>>, vector<16xf32>,
      %neg3A_2058 = arith.constant 0.000000e+00 : f32
      %neg3A_2059 = vector.broadcast %neg3A_2058 : f32 to vector<16xf32>
      %neg3A_2060 = arith.subf %neg3A_2059, %get3A_2057 : vector<16xf32>
      %min3A_2061 = arith.minimumf %get3A_2057, %neg3A_2060 : vector<16xf32>
      %exp3A_2062 = math.exp %min3A_2061 : vector<16xf32>
      %mul3A_2063 = arith.constant -0.513961852 : f32
      %mul3A_2064 = vector.broadcast %mul3A_2063 : f32 to vector<16xf32>
      %mul3A_2065 = arith.mulf %mul3A_2064, %exp3A_2062 : vector<16xf32>
      %add3A_2066 = arith.constant 1.0934037 : f32
      %add3A_2067 = vector.broadcast %add3A_2066 : f32 to vector<16xf32>
      %add3A_2068 = arith.addf %mul3A_2065, %add3A_2067 : vector<16xf32>
      %mul3A_2069 = arith.mulf %add3A_2068, %exp3A_2062 : vector<16xf32>
      %add3A_2070 = arith.constant -0.971954882 : f32
      %add3A_2071 = vector.broadcast %add3A_2070 : f32 to vector<16xf32>
      %add3A_2072 = arith.addf %mul3A_2069, %add3A_2071 : vector<16xf32>
      %mul3A_2073 = arith.mulf %add3A_2072, %exp3A_2062 : vector<16xf32>
      %add3A_2074 = arith.constant 5.000000e-01 : f32
      %add3A_2075 = vector.broadcast %add3A_2074 : f32 to vector<16xf32>
      %add3A_2076 = arith.addf %mul3A_2073, %add3A_2075 : vector<16xf32>
      %mul3A_2077 = arith.constant 0.435844094 : f32
      %mul3A_2078 = vector.broadcast %mul3A_2077 : f32 to vector<16xf32>
      %mul3A_2079 = arith.mulf %mul3A_2078, %exp3A_2062 : vector<16xf32>
      %add3A_2080 = arith.constant -0.801728367 : f32
      %add3A_2081 = vector.broadcast %add3A_2080 : f32 to vector<16xf32>
      %add3A_2082 = arith.addf %mul3A_2079, %add3A_2081 : vector<16xf32>
      %mul3A_2083 = arith.mulf %add3A_2082, %exp3A_2062 : vector<16xf32>
      %add3A_2084 = arith.constant 0.469989896 : f32
      %add3A_2085 = vector.broadcast %add3A_2084 : f32 to vector<16xf32>
      %add3A_2086 = arith.addf %mul3A_2083, %add3A_2085 : vector<16xf32>
      %mul3A_2087 = arith.mulf %add3A_2086, %exp3A_2062 : vector<16xf32>
      %add3A_2088 = arith.constant 0.000000e+00 : f32
      %add3A_2089 = vector.broadcast %add3A_2088 : f32 to vector<16xf32>
      %add3A_2090 = arith.addf %mul3A_2087, %add3A_2089 : vector<16xf32>
      %ge3A_2091 = arith.constant 0.000000e+00 : f32
      %ge3A_2092 = vector.broadcast %ge3A_2091 : f32 to vector<16xf32>
      %ge3A_2093 = arith.cmpf oge, %get3A_2057, %ge3A_2092 : vector<16xf32>
      %mul3A_2094 = arith.mulf %get3A_2057, %add3A_2076 : vector<16xf32>
      %add3A_2095 = arith.addf %mul3A_2094, %add3A_2090 : vector<16xf32>
      %mul3A_2096 = arith.mulf %exp3A_2062, %exp3A_2062 : vector<16xf32>
      %mul3A_2097 = arith.mulf %mul3A_2096, %add3A_2090 : vector<16xf32>
      %select_n3A_2098 = arith.select %ge3A_2093, %add3A_2095, %mul3A_2097 : vector<16xi1>, vector<16xf32>
      %add3A_2099 = arith.addf %add3A_1915, %select_n3A_2098 : vector<16xf32>
      %get3A_2100 = arith.constant 9 : i32
      %get3A_2101 = arith.index_cast %get3A_2100 : i32 to index
      %get3A_2102 = arith.index_cast %mul3A_1673 : i32 to index
      %get3A_2103 = tpu.vector_load %arg6[%get3A_2101, %get3A_2102] {strides = array<i32>} : memref<16x3072xf32, #tpu.memory_space<vmem>>, vector<16xf32>,
      %neg3A_2104 = arith.constant 0.000000e+00 : f32
      %neg3A_2105 = vector.broadcast %neg3A_2104 : f32 to vector<16xf32>
      %neg3A_2106 = arith.subf %neg3A_2105, %get3A_2103 : vector<16xf32>
      %min3A_2107 = arith.minimumf %get3A_2103, %neg3A_2106 : vector<16xf32>
      %exp3A_2108 = math.exp %min3A_2107 : vector<16xf32>
      %mul3A_2109 = arith.constant -0.513961852 : f32
      %mul3A_2110 = vector.broadcast %mul3A_2109 : f32 to vector<16xf32>
      %mul3A_2111 = arith.mulf %mul3A_2110, %exp3A_2108 : vector<16xf32>
      %add3A_2112 = arith.constant 1.0934037 : f32
      %add3A_2113 = vector.broadcast %add3A_2112 : f32 to vector<16xf32>
      %add3A_2114 = arith.addf %mul3A_2111, %add3A_2113 : vector<16xf32>
      %mul3A_2115 = arith.mulf %add3A_2114, %exp3A_2108 : vector<16xf32>
      %add3A_2116 = arith.constant -0.971954882 : f32
      %add3A_2117 = vector.broadcast %add3A_2116 : f32 to vector<16xf32>
      %add3A_2118 = arith.addf %mul3A_2115, %add3A_2117 : vector<16xf32>
      %mul3A_2119 = arith.mulf %add3A_2118, %exp3A_2108 : vector<16xf32>
      %add3A_2120 = arith.constant 5.000000e-01 : f32
      %add3A_2121 = vector.broadcast %add3A_2120 : f32 to vector<16xf32>
      %add3A_2122 = arith.addf %mul3A_2119, %add3A_2121 : vector<16xf32>
      %mul3A_2123 = arith.constant 0.435844094 : f32
      %mul3A_2124 = vector.broadcast %mul3A_2123 : f32 to vector<16xf32>
      %mul3A_2125 = arith.mulf %mul3A_2124, %exp3A_2108 : vector<16xf32>
      %add3A_2126 = arith.constant -0.801728367 : f32
      %add3A_2127 = vector.broadcast %add3A_2126 : f32 to vector<16xf32>
      %add3A_2128 = arith.addf %mul3A_2125, %add3A_2127 : vector<16xf32>
      %mul3A_2129 = arith.mulf %add3A_2128, %exp3A_2108 : vector<16xf32>
      %add3A_2130 = arith.constant 0.469989896 : f32
      %add3A_2131 = vector.broadcast %add3A_2130 : f32 to vector<16xf32>
      %add3A_2132 = arith.addf %mul3A_2129, %add3A_2131 : vector<16xf32>
      %mul3A_2133 = arith.mulf %add3A_2132, %exp3A_2108 : vector<16xf32>
      %add3A_2134 = arith.constant 0.000000e+00 : f32
      %add3A_2135 = vector.broadcast %add3A_2134 : f32 to vector<16xf32>
      %add3A_2136 = arith.addf %mul3A_2133, %add3A_2135 : vector<16xf32>
      %ge3A_2137 = arith.constant 0.000000e+00 : f32
      %ge3A_2138 = vector.broadcast %ge3A_2137 : f32 to vector<16xf32>
      %ge3A_2139 = arith.cmpf oge, %get3A_2103, %ge3A_2138 : vector<16xf32>
      %mul3A_2140 = arith.mulf %get3A_2103, %add3A_2122 : vector<16xf32>
      %add3A_2141 = arith.addf %mul3A_2140, %add3A_2136 : vector<16xf32>
      %mul3A_2142 = arith.mulf %exp3A_2108, %exp3A_2108 : vector<16xf32>
      %mul3A_2143 = arith.mulf %mul3A_2142, %add3A_2136 : vector<16xf32>
      %select_n3A_2144 = arith.select %ge3A_2139, %add3A_2141, %mul3A_2143 : vector<16xi1>, vector<16xf32>
      %add3A_2145 = arith.addf %add3A_1961, %select_n3A_2144 : vector<16xf32>
      %get3A_2146 = arith.constant 10 : i32
      %get3A_2147 = arith.index_cast %get3A_2146 : i32 to index
      %get3A_2148 = arith.index_cast %mul3A_1673 : i32 to index
      %get3A_2149 = tpu.vector_load %arg6[%get3A_2147, %get3A_2148] {strides = array<i32>} : memref<16x3072xf32, #tpu.memory_space<vmem>>, vector<16xf32>,
      %neg3A_2150 = arith.constant 0.000000e+00 : f32
      %neg3A_2151 = vector.broadcast %neg3A_2150 : f32 to vector<16xf32>
      %neg3A_2152 = arith.subf %neg3A_2151, %get3A_2149 : vector<16xf32>
      %min3A_2153 = arith.minimumf %get3A_2149, %neg3A_2152 : vector<16xf32>
      %exp3A_2154 = math.exp %min3A_2153 : vector<16xf32>
      %mul3A_2155 = arith.constant -0.513961852 : f32
      %mul3A_2156 = vector.broadcast %mul3A_2155 : f32 to vector<16xf32>
      %mul3A_2157 = arith.mulf %mul3A_2156, %exp3A_2154 : vector<16xf32>
      %add3A_2158 = arith.constant 1.0934037 : f32
      %add3A_2159 = vector.broadcast %add3A_2158 : f32 to vector<16xf32>
      %add3A_2160 = arith.addf %mul3A_2157, %add3A_2159 : vector<16xf32>
      %mul3A_2161 = arith.mulf %add3A_2160, %exp3A_2154 : vector<16xf32>
      %add3A_2162 = arith.constant -0.971954882 : f32
      %add3A_2163 = vector.broadcast %add3A_2162 : f32 to vector<16xf32>
      %add3A_2164 = arith.addf %mul3A_2161, %add3A_2163 : vector<16xf32>
      %mul3A_2165 = arith.mulf %add3A_2164, %exp3A_2154 : vector<16xf32>
      %add3A_2166 = arith.constant 5.000000e-01 : f32
      %add3A_2167 = vector.broadcast %add3A_2166 : f32 to vector<16xf32>
      %add3A_2168 = arith.addf %mul3A_2165, %add3A_2167 : vector<16xf32>
      %mul3A_2169 = arith.constant 0.435844094 : f32
      %mul3A_2170 = vector.broadcast %mul3A_2169 : f32 to vector<16xf32>
      %mul3A_2171 = arith.mulf %mul3A_2170, %exp3A_2154 : vector<16xf32>
      %add3A_2172 = arith.constant -0.801728367 : f32
      %add3A_2173 = vector.broadcast %add3A_2172 : f32 to vector<16xf32>
      %add3A_2174 = arith.addf %mul3A_2171, %add3A_2173 : vector<16xf32>
      %mul3A_2175 = arith.mulf %add3A_2174, %exp3A_2154 : vector<16xf32>
      %add3A_2176 = arith.constant 0.469989896 : f32
      %add3A_2177 = vector.broadcast %add3A_2176 : f32 to vector<16xf32>
      %add3A_2178 = arith.addf %mul3A_2175, %add3A_2177 : vector<16xf32>
      %mul3A_2179 = arith.mulf %add3A_2178, %exp3A_2154 : vector<16xf32>
      %add3A_2180 = arith.constant 0.000000e+00 : f32
      %add3A_2181 = vector.broadcast %add3A_2180 : f32 to vector<16xf32>
      %add3A_2182 = arith.addf %mul3A_2179, %add3A_2181 : vector<16xf32>
      %ge3A_2183 = arith.constant 0.000000e+00 : f32
      %ge3A_2184 = vector.broadcast %ge3A_2183 : f32 to vector<16xf32>
      %ge3A_2185 = arith.cmpf oge, %get3A_2149, %ge3A_2184 : vector<16xf32>
      %mul3A_2186 = arith.mulf %get3A_2149, %add3A_2168 : vector<16xf32>
      %add3A_2187 = arith.addf %mul3A_2186, %add3A_2182 : vector<16xf32>
      %mul3A_2188 = arith.mulf %exp3A_2154, %exp3A_2154 : vector<16xf32>
      %mul3A_2189 = arith.mulf %mul3A_2188, %add3A_2182 : vector<16xf32>
      %select_n3A_2190 = arith.select %ge3A_2185, %add3A_2187, %mul3A_2189 : vector<16xi1>, vector<16xf32>
      %add3A_2191 = arith.addf %add3A_2007, %select_n3A_2190 : vector<16xf32>
      %get3A_2192 = arith.constant 11 : i32
      %get3A_2193 = arith.index_cast %get3A_2192 : i32 to index
      %get3A_2194 = arith.index_cast %mul3A_1673 : i32 to index
      %get3A_2195 = tpu.vector_load %arg6[%get3A_2193, %get3A_2194] {strides = array<i32>} : memref<16x3072xf32, #tpu.memory_space<vmem>>, vector<16xf32>,
      %neg3A_2196 = arith.constant 0.000000e+00 : f32
      %neg3A_2197 = vector.broadcast %neg3A_2196 : f32 to vector<16xf32>
      %neg3A_2198 = arith.subf %neg3A_2197, %get3A_2195 : vector<16xf32>
      %min3A_2199 = arith.minimumf %get3A_2195, %neg3A_2198 : vector<16xf32>
      %exp3A_2200 = math.exp %min3A_2199 : vector<16xf32>
      %mul3A_2201 = arith.constant -0.513961852 : f32
      %mul3A_2202 = vector.broadcast %mul3A_2201 : f32 to vector<16xf32>
      %mul3A_2203 = arith.mulf %mul3A_2202, %exp3A_2200 : vector<16xf32>
      %add3A_2204 = arith.constant 1.0934037 : f32
      %add3A_2205 = vector.broadcast %add3A_2204 : f32 to vector<16xf32>
      %add3A_2206 = arith.addf %mul3A_2203, %add3A_2205 : vector<16xf32>
      %mul3A_2207 = arith.mulf %add3A_2206, %exp3A_2200 : vector<16xf32>
      %add3A_2208 = arith.constant -0.971954882 : f32
      %add3A_2209 = vector.broadcast %add3A_2208 : f32 to vector<16xf32>
      %add3A_2210 = arith.addf %mul3A_2207, %add3A_2209 : vector<16xf32>
      %mul3A_2211 = arith.mulf %add3A_2210, %exp3A_2200 : vector<16xf32>
      %add3A_2212 = arith.constant 5.000000e-01 : f32
      %add3A_2213 = vector.broadcast %add3A_2212 : f32 to vector<16xf32>
      %add3A_2214 = arith.addf %mul3A_2211, %add3A_2213 : vector<16xf32>
      %mul3A_2215 = arith.constant 0.435844094 : f32
      %mul3A_2216 = vector.broadcast %mul3A_2215 : f32 to vector<16xf32>
      %mul3A_2217 = arith.mulf %mul3A_2216, %exp3A_2200 : vector<16xf32>
      %add3A_2218 = arith.constant -0.801728367 : f32
      %add3A_2219 = vector.broadcast %add3A_2218 : f32 to vector<16xf32>
      %add3A_2220 = arith.addf %mul3A_2217, %add3A_2219 : vector<16xf32>
      %mul3A_2221 = arith.mulf %add3A_2220, %exp3A_2200 : vector<16xf32>
      %add3A_2222 = arith.constant 0.469989896 : f32
      %add3A_2223 = vector.broadcast %add3A_2222 : f32 to vector<16xf32>
      %add3A_2224 = arith.addf %mul3A_2221, %add3A_2223 : vector<16xf32>
      %mul3A_2225 = arith.mulf %add3A_2224, %exp3A_2200 : vector<16xf32>
      %add3A_2226 = arith.constant 0.000000e+00 : f32
      %add3A_2227 = vector.broadcast %add3A_2226 : f32 to vector<16xf32>
      %add3A_2228 = arith.addf %mul3A_2225, %add3A_2227 : vector<16xf32>
      %ge3A_2229 = arith.constant 0.000000e+00 : f32
      %ge3A_2230 = vector.broadcast %ge3A_2229 : f32 to vector<16xf32>
      %ge3A_2231 = arith.cmpf oge, %get3A_2195, %ge3A_2230 : vector<16xf32>
      %mul3A_2232 = arith.mulf %get3A_2195, %add3A_2214 : vector<16xf32>
      %add3A_2233 = arith.addf %mul3A_2232, %add3A_2228 : vector<16xf32>
      %mul3A_2234 = arith.mulf %exp3A_2200, %exp3A_2200 : vector<16xf32>
      %mul3A_2235 = arith.mulf %mul3A_2234, %add3A_2228 : vector<16xf32>
      %select_n3A_2236 = arith.select %ge3A_2231, %add3A_2233, %mul3A_2235 : vector<16xi1>, vector<16xf32>
      %add3A_2237 = arith.addf %add3A_2053, %select_n3A_2236 : vector<16xf32>
      %get3A_2238 = arith.constant 12 : i32
      %get3A_2239 = arith.index_cast %get3A_2238 : i32 to index
      %get3A_2240 = arith.index_cast %mul3A_1673 : i32 to index
      %get3A_2241 = tpu.vector_load %arg6[%get3A_2239, %get3A_2240] {strides = array<i32>} : memref<16x3072xf32, #tpu.memory_space<vmem>>, vector<16xf32>,
      %neg3A_2242 = arith.constant 0.000000e+00 : f32
      %neg3A_2243 = vector.broadcast %neg3A_2242 : f32 to vector<16xf32>
      %neg3A_2244 = arith.subf %neg3A_2243, %get3A_2241 : vector<16xf32>
      %min3A_2245 = arith.minimumf %get3A_2241, %neg3A_2244 : vector<16xf32>
      %exp3A_2246 = math.exp %min3A_2245 : vector<16xf32>
      %mul3A_2247 = arith.constant -0.513961852 : f32
      %mul3A_2248 = vector.broadcast %mul3A_2247 : f32 to vector<16xf32>
      %mul3A_2249 = arith.mulf %mul3A_2248, %exp3A_2246 : vector<16xf32>
      %add3A_2250 = arith.constant 1.0934037 : f32
      %add3A_2251 = vector.broadcast %add3A_2250 : f32 to vector<16xf32>
      %add3A_2252 = arith.addf %mul3A_2249, %add3A_2251 : vector<16xf32>
      %mul3A_2253 = arith.mulf %add3A_2252, %exp3A_2246 : vector<16xf32>
      %add3A_2254 = arith.constant -0.971954882 : f32
      %add3A_2255 = vector.broadcast %add3A_2254 : f32 to vector<16xf32>
      %add3A_2256 = arith.addf %mul3A_2253, %add3A_2255 : vector<16xf32>
      %mul3A_2257 = arith.mulf %add3A_2256, %exp3A_2246 : vector<16xf32>
      %add3A_2258 = arith.constant 5.000000e-01 : f32
      %add3A_2259 = vector.broadcast %add3A_2258 : f32 to vector<16xf32>
      %add3A_2260 = arith.addf %mul3A_2257, %add3A_2259 : vector<16xf32>
      %mul3A_2261 = arith.constant 0.435844094 : f32
      %mul3A_2262 = vector.broadcast %mul3A_2261 : f32 to vector<16xf32>
      %mul3A_2263 = arith.mulf %mul3A_2262, %exp3A_2246 : vector<16xf32>
      %add3A_2264 = arith.constant -0.801728367 : f32
      %add3A_2265 = vector.broadcast %add3A_2264 : f32 to vector<16xf32>
      %add3A_2266 = arith.addf %mul3A_2263, %add3A_2265 : vector<16xf32>
      %mul3A_2267 = arith.mulf %add3A_2266, %exp3A_2246 : vector<16xf32>
      %add3A_2268 = arith.constant 0.469989896 : f32
      %add3A_2269 = vector.broadcast %add3A_2268 : f32 to vector<16xf32>
      %add3A_2270 = arith.addf %mul3A_2267, %add3A_2269 : vector<16xf32>
      %mul3A_2271 = arith.mulf %add3A_2270, %exp3A_2246 : vector<16xf32>
      %add3A_2272 = arith.constant 0.000000e+00 : f32
      %add3A_2273 = vector.broadcast %add3A_2272 : f32 to vector<16xf32>
      %add3A_2274 = arith.addf %mul3A_2271, %add3A_2273 : vector<16xf32>
      %ge3A_2275 = arith.constant 0.000000e+00 : f32
      %ge3A_2276 = vector.broadcast %ge3A_2275 : f32 to vector<16xf32>
      %ge3A_2277 = arith.cmpf oge, %get3A_2241, %ge3A_2276 : vector<16xf32>
      %mul3A_2278 = arith.mulf %get3A_2241, %add3A_2260 : vector<16xf32>
      %add3A_2279 = arith.addf %mul3A_2278, %add3A_2274 : vector<16xf32>
      %mul3A_2280 = arith.mulf %exp3A_2246, %exp3A_2246 : vector<16xf32>
      %mul3A_2281 = arith.mulf %mul3A_2280, %add3A_2274 : vector<16xf32>
      %select_n3A_2282 = arith.select %ge3A_2277, %add3A_2279, %mul3A_2281 : vector<16xi1>, vector<16xf32>
      %add3A_2283 = arith.addf %add3A_2099, %select_n3A_2282 : vector<16xf32>
      %get3A_2284 = arith.constant 13 : i32
      %get3A_2285 = arith.index_cast %get3A_2284 : i32 to index
      %get3A_2286 = arith.index_cast %mul3A_1673 : i32 to index
      %get3A_2287 = tpu.vector_load %arg6[%get3A_2285, %get3A_2286] {strides = array<i32>} : memref<16x3072xf32, #tpu.memory_space<vmem>>, vector<16xf32>,
      %neg3A_2288 = arith.constant 0.000000e+00 : f32
      %neg3A_2289 = vector.broadcast %neg3A_2288 : f32 to vector<16xf32>
      %neg3A_2290 = arith.subf %neg3A_2289, %get3A_2287 : vector<16xf32>
      %min3A_2291 = arith.minimumf %get3A_2287, %neg3A_2290 : vector<16xf32>
      %exp3A_2292 = math.exp %min3A_2291 : vector<16xf32>
      %mul3A_2293 = arith.constant -0.513961852 : f32
      %mul3A_2294 = vector.broadcast %mul3A_2293 : f32 to vector<16xf32>
      %mul3A_2295 = arith.mulf %mul3A_2294, %exp3A_2292 : vector<16xf32>
      %add3A_2296 = arith.constant 1.0934037 : f32
      %add3A_2297 = vector.broadcast %add3A_2296 : f32 to vector<16xf32>
      %add3A_2298 = arith.addf %mul3A_2295, %add3A_2297 : vector<16xf32>
      %mul3A_2299 = arith.mulf %add3A_2298, %exp3A_2292 : vector<16xf32>
      %add3A_2300 = arith.constant -0.971954882 : f32
      %add3A_2301 = vector.broadcast %add3A_2300 : f32 to vector<16xf32>
      %add3A_2302 = arith.addf %mul3A_2299, %add3A_2301 : vector<16xf32>
      %mul3A_2303 = arith.mulf %add3A_2302, %exp3A_2292 : vector<16xf32>
      %add3A_2304 = arith.constant 5.000000e-01 : f32
      %add3A_2305 = vector.broadcast %add3A_2304 : f32 to vector<16xf32>
      %add3A_2306 = arith.addf %mul3A_2303, %add3A_2305 : vector<16xf32>
      %mul3A_2307 = arith.constant 0.435844094 : f32
      %mul3A_2308 = vector.broadcast %mul3A_2307 : f32 to vector<16xf32>
      %mul3A_2309 = arith.mulf %mul3A_2308, %exp3A_2292 : vector<16xf32>
      %add3A_2310 = arith.constant -0.801728367 : f32
      %add3A_2311 = vector.broadcast %add3A_2310 : f32 to vector<16xf32>
      %add3A_2312 = arith.addf %mul3A_2309, %add3A_2311 : vector<16xf32>
      %mul3A_2313 = arith.mulf %add3A_2312, %exp3A_2292 : vector<16xf32>
      %add3A_2314 = arith.constant 0.469989896 : f32
      %add3A_2315 = vector.broadcast %add3A_2314 : f32 to vector<16xf32>
      %add3A_2316 = arith.addf %mul3A_2313, %add3A_2315 : vector<16xf32>
      %mul3A_2317 = arith.mulf %add3A_2316, %exp3A_2292 : vector<16xf32>
      %add3A_2318 = arith.constant 0.000000e+00 : f32
      %add3A_2319 = vector.broadcast %add3A_2318 : f32 to vector<16xf32>
      %add3A_2320 = arith.addf %mul3A_2317, %add3A_2319 : vector<16xf32>
      %ge3A_2321 = arith.constant 0.000000e+00 : f32
      %ge3A_2322 = vector.broadcast %ge3A_2321 : f32 to vector<16xf32>
      %ge3A_2323 = arith.cmpf oge, %get3A_2287, %ge3A_2322 : vector<16xf32>
      %mul3A_2324 = arith.mulf %get3A_2287, %add3A_2306 : vector<16xf32>
      %add3A_2325 = arith.addf %mul3A_2324, %add3A_2320 : vector<16xf32>
      %mul3A_2326 = arith.mulf %exp3A_2292, %exp3A_2292 : vector<16xf32>
      %mul3A_2327 = arith.mulf %mul3A_2326, %add3A_2320 : vector<16xf32>
      %select_n3A_2328 = arith.select %ge3A_2323, %add3A_2325, %mul3A_2327 : vector<16xi1>, vector<16xf32>
      %add3A_2329 = arith.addf %add3A_2145, %select_n3A_2328 : vector<16xf32>
      %get3A_2330 = arith.constant 14 : i32
      %get3A_2331 = arith.index_cast %get3A_2330 : i32 to index
      %get3A_2332 = arith.index_cast %mul3A_1673 : i32 to index
      %get3A_2333 = tpu.vector_load %arg6[%get3A_2331, %get3A_2332] {strides = array<i32>} : memref<16x3072xf32, #tpu.memory_space<vmem>>, vector<16xf32>,
      %neg3A_2334 = arith.constant 0.000000e+00 : f32
      %neg3A_2335 = vector.broadcast %neg3A_2334 : f32 to vector<16xf32>
      %neg3A_2336 = arith.subf %neg3A_2335, %get3A_2333 : vector<16xf32>
      %min3A_2337 = arith.minimumf %get3A_2333, %neg3A_2336 : vector<16xf32>
      %exp3A_2338 = math.exp %min3A_2337 : vector<16xf32>
      %mul3A_2339 = arith.constant -0.513961852 : f32
      %mul3A_2340 = vector.broadcast %mul3A_2339 : f32 to vector<16xf32>
      %mul3A_2341 = arith.mulf %mul3A_2340, %exp3A_2338 : vector<16xf32>
      %add3A_2342 = arith.constant 1.0934037 : f32
      %add3A_2343 = vector.broadcast %add3A_2342 : f32 to vector<16xf32>
      %add3A_2344 = arith.addf %mul3A_2341, %add3A_2343 : vector<16xf32>
      %mul3A_2345 = arith.mulf %add3A_2344, %exp3A_2338 : vector<16xf32>
      %add3A_2346 = arith.constant -0.971954882 : f32
      %add3A_2347 = vector.broadcast %add3A_2346 : f32 to vector<16xf32>
      %add3A_2348 = arith.addf %mul3A_2345, %add3A_2347 : vector<16xf32>
      %mul3A_2349 = arith.mulf %add3A_2348, %exp3A_2338 : vector<16xf32>
      %add3A_2350 = arith.constant 5.000000e-01 : f32
      %add3A_2351 = vector.broadcast %add3A_2350 : f32 to vector<16xf32>
      %add3A_2352 = arith.addf %mul3A_2349, %add3A_2351 : vector<16xf32>
      %mul3A_2353 = arith.constant 0.435844094 : f32
      %mul3A_2354 = vector.broadcast %mul3A_2353 : f32 to vector<16xf32>
      %mul3A_2355 = arith.mulf %mul3A_2354, %exp3A_2338 : vector<16xf32>
      %add3A_2356 = arith.constant -0.801728367 : f32
      %add3A_2357 = vector.broadcast %add3A_2356 : f32 to vector<16xf32>
      %add3A_2358 = arith.addf %mul3A_2355, %add3A_2357 : vector<16xf32>
      %mul3A_2359 = arith.mulf %add3A_2358, %exp3A_2338 : vector<16xf32>
      %add3A_2360 = arith.constant 0.469989896 : f32
      %add3A_2361 = vector.broadcast %add3A_2360 : f32 to vector<16xf32>
      %add3A_2362 = arith.addf %mul3A_2359, %add3A_2361 : vector<16xf32>
      %mul3A_2363 = arith.mulf %add3A_2362, %exp3A_2338 : vector<16xf32>
      %add3A_2364 = arith.constant 0.000000e+00 : f32
      %add3A_2365 = vector.broadcast %add3A_2364 : f32 to vector<16xf32>
      %add3A_2366 = arith.addf %mul3A_2363, %add3A_2365 : vector<16xf32>
      %ge3A_2367 = arith.constant 0.000000e+00 : f32
      %ge3A_2368 = vector.broadcast %ge3A_2367 : f32 to vector<16xf32>
      %ge3A_2369 = arith.cmpf oge, %get3A_2333, %ge3A_2368 : vector<16xf32>
      %mul3A_2370 = arith.mulf %get3A_2333, %add3A_2352 : vector<16xf32>
      %add3A_2371 = arith.addf %mul3A_2370, %add3A_2366 : vector<16xf32>
      %mul3A_2372 = arith.mulf %exp3A_2338, %exp3A_2338 : vector<16xf32>
      %mul3A_2373 = arith.mulf %mul3A_2372, %add3A_2366 : vector<16xf32>
      %select_n3A_2374 = arith.select %ge3A_2369, %add3A_2371, %mul3A_2373 : vector<16xi1>, vector<16xf32>
      %add3A_2375 = arith.addf %add3A_2191, %select_n3A_2374 : vector<16xf32>
      %get3A_2376 = arith.constant 15 : i32
      %get3A_2377 = arith.index_cast %get3A_2376 : i32 to index
      %get3A_2378 = arith.index_cast %mul3A_1673 : i32 to index
      %get3A_2379 = tpu.vector_load %arg6[%get3A_2377, %get3A_2378] {strides = array<i32>} : memref<16x3072xf32, #tpu.memory_space<vmem>>, vector<16xf32>,
      %neg3A_2380 = arith.constant 0.000000e+00 : f32
      %neg3A_2381 = vector.broadcast %neg3A_2380 : f32 to vector<16xf32>
      %neg3A_2382 = arith.subf %neg3A_2381, %get3A_2379 : vector<16xf32>
      %min3A_2383 = arith.minimumf %get3A_2379, %neg3A_2382 : vector<16xf32>
      %exp3A_2384 = math.exp %min3A_2383 : vector<16xf32>
      %mul3A_2385 = arith.constant -0.513961852 : f32
      %mul3A_2386 = vector.broadcast %mul3A_2385 : f32 to vector<16xf32>
      %mul3A_2387 = arith.mulf %mul3A_2386, %exp3A_2384 : vector<16xf32>
      %add3A_2388 = arith.constant 1.0934037 : f32
      %add3A_2389 = vector.broadcast %add3A_2388 : f32 to vector<16xf32>
      %add3A_2390 = arith.addf %mul3A_2387, %add3A_2389 : vector<16xf32>
      %mul3A_2391 = arith.mulf %add3A_2390, %exp3A_2384 : vector<16xf32>
      %add3A_2392 = arith.constant -0.971954882 : f32
      %add3A_2393 = vector.broadcast %add3A_2392 : f32 to vector<16xf32>
      %add3A_2394 = arith.addf %mul3A_2391, %add3A_2393 : vector<16xf32>
      %mul3A_2395 = arith.mulf %add3A_2394, %exp3A_2384 : vector<16xf32>
      %add3A_2396 = arith.constant 5.000000e-01 : f32
      %add3A_2397 = vector.broadcast %add3A_2396 : f32 to vector<16xf32>
      %add3A_2398 = arith.addf %mul3A_2395, %add3A_2397 : vector<16xf32>
      %mul3A_2399 = arith.constant 0.435844094 : f32
      %mul3A_2400 = vector.broadcast %mul3A_2399 : f32 to vector<16xf32>
      %mul3A_2401 = arith.mulf %mul3A_2400, %exp3A_2384 : vector<16xf32>
      %add3A_2402 = arith.constant -0.801728367 : f32
      %add3A_2403 = vector.broadcast %add3A_2402 : f32 to vector<16xf32>
      %add3A_2404 = arith.addf %mul3A_2401, %add3A_2403 : vector<16xf32>
      %mul3A_2405 = arith.mulf %add3A_2404, %exp3A_2384 : vector<16xf32>
      %add3A_2406 = arith.constant 0.469989896 : f32
      %add3A_2407 = vector.broadcast %add3A_2406 : f32 to vector<16xf32>
      %add3A_2408 = arith.addf %mul3A_2405, %add3A_2407 : vector<16xf32>
      %mul3A_2409 = arith.mulf %add3A_2408, %exp3A_2384 : vector<16xf32>
      %add3A_2410 = arith.constant 0.000000e+00 : f32
      %add3A_2411 = vector.broadcast %add3A_2410 : f32 to vector<16xf32>
      %add3A_2412 = arith.addf %mul3A_2409, %add3A_2411 : vector<16xf32>
      %ge3A_2413 = arith.constant 0.000000e+00 : f32
      %ge3A_2414 = vector.broadcast %ge3A_2413 : f32 to vector<16xf32>
      %ge3A_2415 = arith.cmpf oge, %get3A_2379, %ge3A_2414 : vector<16xf32>
      %mul3A_2416 = arith.mulf %get3A_2379, %add3A_2398 : vector<16xf32>
      %add3A_2417 = arith.addf %mul3A_2416, %add3A_2412 : vector<16xf32>
      %mul3A_2418 = arith.mulf %exp3A_2384, %exp3A_2384 : vector<16xf32>
      %mul3A_2419 = arith.mulf %mul3A_2418, %add3A_2412 : vector<16xf32>
      %select_n3A_2420 = arith.select %ge3A_2415, %add3A_2417, %mul3A_2419 : vector<16xi1>, vector<16xf32>
      %add3A_2421 = arith.addf %add3A_2237, %select_n3A_2420 : vector<16xf32>
      %add3A_2422 = arith.addf %add3A_2283, %add3A_2329 : vector<16xf32>
      %add3A_2423 = arith.addf %add3A_2375, %add3A_2421 : vector<16xf32>
      %add3A_2424 = arith.addf %add3A_2422, %add3A_2423 : vector<16xf32>
      %min3A_2425 = arith.constant 15 : i32
      %min3A_2426 = vector.broadcast %min3A_2425 : i32 to vector<16xi32>
      %min3A_2427 = arith.minsi %get3A_1675, %min3A_2426 : vector<16xi32>
      %add3A_2428 = vector.broadcast %mul3A_1673 : i32 to vector<16xi32>
      %add3A_2429 = arith.addi %add3A_2428, %iota3A : vector<16xi32>
      %gather3A_2430 = tpu.vector_load_idx %arg6[%min3A_2427, %add3A_2429] : memref<16x3072xf32, #tpu.memory_space<vmem>>[vector<16xi32>, vector<16xi32>], vector<16xf32>,
      %neg3A_2431 = arith.constant 0.000000e+00 : f32
      %neg3A_2432 = vector.broadcast %neg3A_2431 : f32 to vector<16xf32>
      %neg3A_2433 = arith.subf %neg3A_2432, %gather3A_2430 : vector<16xf32>
      %min3A_2434 = arith.minimumf %gather3A_2430, %neg3A_2433 : vector<16xf32>
      %exp3A_2435 = math.exp %min3A_2434 : vector<16xf32>
      %mul3A_2436 = arith.constant -0.513961852 : f32
      %mul3A_2437 = vector.broadcast %mul3A_2436 : f32 to vector<16xf32>
      %mul3A_2438 = arith.mulf %mul3A_2437, %exp3A_2435 : vector<16xf32>
      %add3A_2439 = arith.constant 1.0934037 : f32
      %add3A_2440 = vector.broadcast %add3A_2439 : f32 to vector<16xf32>
      %add3A_2441 = arith.addf %mul3A_2438, %add3A_2440 : vector<16xf32>
      %mul3A_2442 = arith.mulf %add3A_2441, %exp3A_2435 : vector<16xf32>
      %add3A_2443 = arith.constant -0.971954882 : f32
      %add3A_2444 = vector.broadcast %add3A_2443 : f32 to vector<16xf32>
      %add3A_2445 = arith.addf %mul3A_2442, %add3A_2444 : vector<16xf32>
      %mul3A_2446 = arith.mulf %add3A_2445, %exp3A_2435 : vector<16xf32>
      %add3A_2447 = arith.constant 5.000000e-01 : f32
      %add3A_2448 = vector.broadcast %add3A_2447 : f32 to vector<16xf32>
      %add3A_2449 = arith.addf %mul3A_2446, %add3A_2448 : vector<16xf32>
      %mul3A_2450 = arith.constant 0.435844094 : f32
      %mul3A_2451 = vector.broadcast %mul3A_2450 : f32 to vector<16xf32>
      %mul3A_2452 = arith.mulf %mul3A_2451, %exp3A_2435 : vector<16xf32>
      %add3A_2453 = arith.constant -0.801728367 : f32
      %add3A_2454 = vector.broadcast %add3A_2453 : f32 to vector<16xf32>
      %add3A_2455 = arith.addf %mul3A_2452, %add3A_2454 : vector<16xf32>
      %mul3A_2456 = arith.mulf %add3A_2455, %exp3A_2435 : vector<16xf32>
      %add3A_2457 = arith.constant 0.469989896 : f32
      %add3A_2458 = vector.broadcast %add3A_2457 : f32 to vector<16xf32>
      %add3A_2459 = arith.addf %mul3A_2456, %add3A_2458 : vector<16xf32>
      %mul3A_2460 = arith.mulf %add3A_2459, %exp3A_2435 : vector<16xf32>
      %add3A_2461 = arith.constant 0.000000e+00 : f32
      %add3A_2462 = vector.broadcast %add3A_2461 : f32 to vector<16xf32>
      %add3A_2463 = arith.addf %mul3A_2460, %add3A_2462 : vector<16xf32>
      %mul3A_2464 = arith.mulf %gather3A_2430, %add3A_2449 : vector<16xf32>
      %add3A_2465 = arith.addf %mul3A_2464, %add3A_2463 : vector<16xf32>
      %sub3A_2466 = arith.subf %add3A_2463, %mul3A_2464 : vector<16xf32>
      %mul3A_2467 = arith.mulf %exp3A_2435, %exp3A_2435 : vector<16xf32>
      %mul3A_2468 = arith.mulf %mul3A_2467, %add3A_2463 : vector<16xf32>
      %ge3A_2469 = arith.constant 4.000000e-01 : f32
      %ge3A_2470 = vector.broadcast %ge3A_2469 : f32 to vector<16xf32>
      %ge3A_2471 = arith.cmpf oge, %get3A_1677, %ge3A_2470 : vector<16xf32>
      %sub3A_2472 = arith.constant 2.000000e+00 : f32
      %sub3A_2473 = vector.broadcast %sub3A_2472 : f32 to vector<16xf32>
      %sub3A_2474 = arith.subf %sub3A_2473, %get3A_1677 : vector<16xf32>
      %mul3A_2475 = arith.mulf %get3A_1677, %sub3A_2474 : vector<16xf32>
      %mul3A_2476 = arith.mulf %get3A_1677, %get3A_1677 : vector<16xf32>
      %select_n3A_2477 = arith.select %ge3A_2471, %mul3A_2475, %mul3A_2476 : vector<16xi1>, vector<16xf32>
      %ge3A_2478 = arith.constant 0.000000e+00 : f32
      %ge3A_2479 = vector.broadcast %ge3A_2478 : f32 to vector<16xf32>
      %ge3A_2480 = arith.cmpf oge, %gather3A_2430, %ge3A_2479 : vector<16xf32>
      %select_n3A_2481 = arith.select %ge3A_2480, %mul3A_2468, %sub3A_2466 : vector<16xi1>, vector<16xf32>
      %mul3A_2482 = arith.mulf %select_n3A_2477, %select_n3A_2481 : vector<16xf32>
      %select_n3A_2483 = arith.select %ge3A_2480, %add3A_2465, %mul3A_2468 : vector<16xi1>, vector<16xf32>
      %sub3A_2484 = arith.subf %mul3A_2482, %select_n3A_2483 : vector<16xf32>
      %lt3A_2485 = arith.constant 16 : i32
      %lt3A_2486 = vector.broadcast %lt3A_2485 : i32 to vector<16xi32>
      %lt3A_2487 = arith.cmpi slt, %get3A_1675, %lt3A_2486 : vector<16xi32>
      %jit3A_2488 = arith.constant 0.000000e+00 : f32
      %broadcast_in_dim3A_2489 = vector.broadcast %jit3A_2488 : f32 to vector<16xf32>
      %select_n3A_2490 = arith.select %lt3A_2487, %sub3A_2484, %broadcast_in_dim3A_2489 : vector<16xi1>, vector<16xf32>
      %add3A_2491 = arith.addf %add3A_2424, %select_n3A_2490 : vector<16xf32>
      %add3A_2492 = arith.addf %scan3A_1671, %add3A_2491 : vector<16xf32>
      scf.yield %add3A_2492 : vector<16xf32>
    }
    %scan3A_13 = arith.constant 192 : i32
    %broadcast_in_dim3A_14 = arith.constant 0.000000e+00 : f32
    %broadcast_in_dim3A_15 = vector.broadcast %broadcast_in_dim3A_14 : f32 to vector<16xf32>
    %scan3A_16 = arith.constant 0 : i32
    %scan3A_17 = arith.constant 8 : i32
    %scan3A_18 = arith.addi %scan3A_16, %scan3A_17 : i32
    %scan3A_19 = arith.constant 1 : i32
    %scan3A_20 = scf.for %scan3A_1670 = %scan3A_16 to %scan3A_18 step %scan3A_19 iter_args(%scan3A_1671 = %broadcast_in_dim3A_15) -> (vector<16xf32>)  : i32 {
      %mul3A_1672 = arith.constant 16 : i32
      %mul3A_1673 = arith.muli %scan3A_1670, %mul3A_1672 : i32
      %get3A_1674 = arith.index_cast %mul3A_1673 : i32 to index
      %get3A_1675 = tpu.vector_load %arg11[%get3A_1674] {strides = array<i32>} : memref<128xi32, #tpu.memory_space<vmem>>, vector<16xi32>,
      %get3A_1676 = arith.index_cast %mul3A_1673 : i32 to index
      %get3A_1677 = tpu.vector_load %arg12[%get3A_1676] {strides = array<i32>} : memref<128xf32, #tpu.memory_space<vmem>>, vector<16xf32>,
      %broadcast_in_dim3A_1678 = arith.constant 0.000000e+00 : f32
      %broadcast_in_dim3A_1679 = vector.broadcast %broadcast_in_dim3A_1678 : f32 to vector<16xf32>
      %broadcast_in_dim3A_1680 = arith.constant 0.000000e+00 : f32
      %broadcast_in_dim3A_1681 = vector.broadcast %broadcast_in_dim3A_1680 : f32 to vector<16xf32>
      %broadcast_in_dim3A_1682 = arith.constant 0.000000e+00 : f32
      %broadcast_in_dim3A_1683 = vector.broadcast %broadcast_in_dim3A_1682 : f32 to vector<16xf32>
      %broadcast_in_dim3A_1684 = arith.constant 0.000000e+00 : f32
      %broadcast_in_dim3A_1685 = vector.broadcast %broadcast_in_dim3A_1684 : f32 to vector<16xf32>
      %get3A_1686 = arith.constant 0 : i32
      %get3A_1687 = arith.index_cast %get3A_1686 : i32 to index
      %get3A_1688 = arith.index_cast %mul3A_1673 : i32 to index
      %get3A_1689 = tpu.vector_load %arg7[%get3A_1687, %get3A_1688] {strides = array<i32>} : memref<16x128xf32, #tpu.memory_space<vmem>>, vector<16xf32>,
      %neg3A_1690 = arith.constant 0.000000e+00 : f32
      %neg3A_1691 = vector.broadcast %neg3A_1690 : f32 to vector<16xf32>
      %neg3A_1692 = arith.subf %neg3A_1691, %get3A_1689 : vector<16xf32>
      %min3A_1693 = arith.minimumf %get3A_1689, %neg3A_1692 : vector<16xf32>
      %exp3A_1694 = math.exp %min3A_1693 : vector<16xf32>
      %mul3A_1695 = arith.constant -0.513961852 : f32
      %mul3A_1696 = vector.broadcast %mul3A_1695 : f32 to vector<16xf32>
      %mul3A_1697 = arith.mulf %mul3A_1696, %exp3A_1694 : vector<16xf32>
      %add3A_1698 = arith.constant 1.0934037 : f32
      %add3A_1699 = vector.broadcast %add3A_1698 : f32 to vector<16xf32>
      %add3A_1700 = arith.addf %mul3A_1697, %add3A_1699 : vector<16xf32>
      %mul3A_1701 = arith.mulf %add3A_1700, %exp3A_1694 : vector<16xf32>
      %add3A_1702 = arith.constant -0.971954882 : f32
      %add3A_1703 = vector.broadcast %add3A_1702 : f32 to vector<16xf32>
      %add3A_1704 = arith.addf %mul3A_1701, %add3A_1703 : vector<16xf32>
      %mul3A_1705 = arith.mulf %add3A_1704, %exp3A_1694 : vector<16xf32>
      %add3A_1706 = arith.constant 5.000000e-01 : f32
      %add3A_1707 = vector.broadcast %add3A_1706 : f32 to vector<16xf32>
      %add3A_1708 = arith.addf %mul3A_1705, %add3A_1707 : vector<16xf32>
      %mul3A_1709 = arith.constant 0.435844094 : f32
      %mul3A_1710 = vector.broadcast %mul3A_1709 : f32 to vector<16xf32>
      %mul3A_1711 = arith.mulf %mul3A_1710, %exp3A_1694 : vector<16xf32>
      %add3A_1712 = arith.constant -0.801728367 : f32
      %add3A_1713 = vector.broadcast %add3A_1712 : f32 to vector<16xf32>
      %add3A_1714 = arith.addf %mul3A_1711, %add3A_1713 : vector<16xf32>
      %mul3A_1715 = arith.mulf %add3A_1714, %exp3A_1694 : vector<16xf32>
      %add3A_1716 = arith.constant 0.469989896 : f32
      %add3A_1717 = vector.broadcast %add3A_1716 : f32 to vector<16xf32>
      %add3A_1718 = arith.addf %mul3A_1715, %add3A_1717 : vector<16xf32>
      %mul3A_1719 = arith.mulf %add3A_1718, %exp3A_1694 : vector<16xf32>
      %add3A_1720 = arith.constant 0.000000e+00 : f32
      %add3A_1721 = vector.broadcast %add3A_1720 : f32 to vector<16xf32>
      %add3A_1722 = arith.addf %mul3A_1719, %add3A_1721 : vector<16xf32>
      %ge3A_1723 = arith.constant 0.000000e+00 : f32
      %ge3A_1724 = vector.broadcast %ge3A_1723 : f32 to vector<16xf32>
      %ge3A_1725 = arith.cmpf oge, %get3A_1689, %ge3A_1724 : vector<16xf32>
      %mul3A_1726 = arith.mulf %get3A_1689, %add3A_1708 : vector<16xf32>
      %add3A_1727 = arith.addf %mul3A_1726, %add3A_1722 : vector<16xf32>
      %mul3A_1728 = arith.mulf %exp3A_1694, %exp3A_1694 : vector<16xf32>
      %mul3A_1729 = arith.mulf %mul3A_1728, %add3A_1722 : vector<16xf32>
      %select_n3A_1730 = arith.select %ge3A_1725, %add3A_1727, %mul3A_1729 : vector<16xi1>, vector<16xf32>
      %add3A_1731 = arith.addf %broadcast_in_dim3A_1679, %select_n3A_1730 : vector<16xf32>
      %get3A_1732 = arith.constant 1 : i32
      %get3A_1733 = arith.index_cast %get3A_1732 : i32 to index
      %get3A_1734 = arith.index_cast %mul3A_1673 : i32 to index
      %get3A_1735 = tpu.vector_load %arg7[%get3A_1733, %get3A_1734] {strides = array<i32>} : memref<16x128xf32, #tpu.memory_space<vmem>>, vector<16xf32>,
      %neg3A_1736 = arith.constant 0.000000e+00 : f32
      %neg3A_1737 = vector.broadcast %neg3A_1736 : f32 to vector<16xf32>
      %neg3A_1738 = arith.subf %neg3A_1737, %get3A_1735 : vector<16xf32>
      %min3A_1739 = arith.minimumf %get3A_1735, %neg3A_1738 : vector<16xf32>
      %exp3A_1740 = math.exp %min3A_1739 : vector<16xf32>
      %mul3A_1741 = arith.constant -0.513961852 : f32
      %mul3A_1742 = vector.broadcast %mul3A_1741 : f32 to vector<16xf32>
      %mul3A_1743 = arith.mulf %mul3A_1742, %exp3A_1740 : vector<16xf32>
      %add3A_1744 = arith.constant 1.0934037 : f32
      %add3A_1745 = vector.broadcast %add3A_1744 : f32 to vector<16xf32>
      %add3A_1746 = arith.addf %mul3A_1743, %add3A_1745 : vector<16xf32>
      %mul3A_1747 = arith.mulf %add3A_1746, %exp3A_1740 : vector<16xf32>
      %add3A_1748 = arith.constant -0.971954882 : f32
      %add3A_1749 = vector.broadcast %add3A_1748 : f32 to vector<16xf32>
      %add3A_1750 = arith.addf %mul3A_1747, %add3A_1749 : vector<16xf32>
      %mul3A_1751 = arith.mulf %add3A_1750, %exp3A_1740 : vector<16xf32>
      %add3A_1752 = arith.constant 5.000000e-01 : f32
      %add3A_1753 = vector.broadcast %add3A_1752 : f32 to vector<16xf32>
      %add3A_1754 = arith.addf %mul3A_1751, %add3A_1753 : vector<16xf32>
      %mul3A_1755 = arith.constant 0.435844094 : f32
      %mul3A_1756 = vector.broadcast %mul3A_1755 : f32 to vector<16xf32>
      %mul3A_1757 = arith.mulf %mul3A_1756, %exp3A_1740 : vector<16xf32>
      %add3A_1758 = arith.constant -0.801728367 : f32
      %add3A_1759 = vector.broadcast %add3A_1758 : f32 to vector<16xf32>
      %add3A_1760 = arith.addf %mul3A_1757, %add3A_1759 : vector<16xf32>
      %mul3A_1761 = arith.mulf %add3A_1760, %exp3A_1740 : vector<16xf32>
      %add3A_1762 = arith.constant 0.469989896 : f32
      %add3A_1763 = vector.broadcast %add3A_1762 : f32 to vector<16xf32>
      %add3A_1764 = arith.addf %mul3A_1761, %add3A_1763 : vector<16xf32>
      %mul3A_1765 = arith.mulf %add3A_1764, %exp3A_1740 : vector<16xf32>
      %add3A_1766 = arith.constant 0.000000e+00 : f32
      %add3A_1767 = vector.broadcast %add3A_1766 : f32 to vector<16xf32>
      %add3A_1768 = arith.addf %mul3A_1765, %add3A_1767 : vector<16xf32>
      %ge3A_1769 = arith.constant 0.000000e+00 : f32
      %ge3A_1770 = vector.broadcast %ge3A_1769 : f32 to vector<16xf32>
      %ge3A_1771 = arith.cmpf oge, %get3A_1735, %ge3A_1770 : vector<16xf32>
      %mul3A_1772 = arith.mulf %get3A_1735, %add3A_1754 : vector<16xf32>
      %add3A_1773 = arith.addf %mul3A_1772, %add3A_1768 : vector<16xf32>
      %mul3A_1774 = arith.mulf %exp3A_1740, %exp3A_1740 : vector<16xf32>
      %mul3A_1775 = arith.mulf %mul3A_1774, %add3A_1768 : vector<16xf32>
      %select_n3A_1776 = arith.select %ge3A_1771, %add3A_1773, %mul3A_1775 : vector<16xi1>, vector<16xf32>
      %add3A_1777 = arith.addf %broadcast_in_dim3A_1681, %select_n3A_1776 : vector<16xf32>
      %get3A_1778 = arith.constant 2 : i32
      %get3A_1779 = arith.index_cast %get3A_1778 : i32 to index
      %get3A_1780 = arith.index_cast %mul3A_1673 : i32 to index
      %get3A_1781 = tpu.vector_load %arg7[%get3A_1779, %get3A_1780] {strides = array<i32>} : memref<16x128xf32, #tpu.memory_space<vmem>>, vector<16xf32>,
      %neg3A_1782 = arith.constant 0.000000e+00 : f32
      %neg3A_1783 = vector.broadcast %neg3A_1782 : f32 to vector<16xf32>
      %neg3A_1784 = arith.subf %neg3A_1783, %get3A_1781 : vector<16xf32>
      %min3A_1785 = arith.minimumf %get3A_1781, %neg3A_1784 : vector<16xf32>
      %exp3A_1786 = math.exp %min3A_1785 : vector<16xf32>
      %mul3A_1787 = arith.constant -0.513961852 : f32
      %mul3A_1788 = vector.broadcast %mul3A_1787 : f32 to vector<16xf32>
      %mul3A_1789 = arith.mulf %mul3A_1788, %exp3A_1786 : vector<16xf32>
      %add3A_1790 = arith.constant 1.0934037 : f32
      %add3A_1791 = vector.broadcast %add3A_1790 : f32 to vector<16xf32>
      %add3A_1792 = arith.addf %mul3A_1789, %add3A_1791 : vector<16xf32>
      %mul3A_1793 = arith.mulf %add3A_1792, %exp3A_1786 : vector<16xf32>
      %add3A_1794 = arith.constant -0.971954882 : f32
      %add3A_1795 = vector.broadcast %add3A_1794 : f32 to vector<16xf32>
      %add3A_1796 = arith.addf %mul3A_1793, %add3A_1795 : vector<16xf32>
      %mul3A_1797 = arith.mulf %add3A_1796, %exp3A_1786 : vector<16xf32>
      %add3A_1798 = arith.constant 5.000000e-01 : f32
      %add3A_1799 = vector.broadcast %add3A_1798 : f32 to vector<16xf32>
      %add3A_1800 = arith.addf %mul3A_1797, %add3A_1799 : vector<16xf32>
      %mul3A_1801 = arith.constant 0.435844094 : f32
      %mul3A_1802 = vector.broadcast %mul3A_1801 : f32 to vector<16xf32>
      %mul3A_1803 = arith.mulf %mul3A_1802, %exp3A_1786 : vector<16xf32>
      %add3A_1804 = arith.constant -0.801728367 : f32
      %add3A_1805 = vector.broadcast %add3A_1804 : f32 to vector<16xf32>
      %add3A_1806 = arith.addf %mul3A_1803, %add3A_1805 : vector<16xf32>
      %mul3A_1807 = arith.mulf %add3A_1806, %exp3A_1786 : vector<16xf32>
      %add3A_1808 = arith.constant 0.469989896 : f32
      %add3A_1809 = vector.broadcast %add3A_1808 : f32 to vector<16xf32>
      %add3A_1810 = arith.addf %mul3A_1807, %add3A_1809 : vector<16xf32>
      %mul3A_1811 = arith.mulf %add3A_1810, %exp3A_1786 : vector<16xf32>
      %add3A_1812 = arith.constant 0.000000e+00 : f32
      %add3A_1813 = vector.broadcast %add3A_1812 : f32 to vector<16xf32>
      %add3A_1814 = arith.addf %mul3A_1811, %add3A_1813 : vector<16xf32>
      %ge3A_1815 = arith.constant 0.000000e+00 : f32
      %ge3A_1816 = vector.broadcast %ge3A_1815 : f32 to vector<16xf32>
      %ge3A_1817 = arith.cmpf oge, %get3A_1781, %ge3A_1816 : vector<16xf32>
      %mul3A_1818 = arith.mulf %get3A_1781, %add3A_1800 : vector<16xf32>
      %add3A_1819 = arith.addf %mul3A_1818, %add3A_1814 : vector<16xf32>
      %mul3A_1820 = arith.mulf %exp3A_1786, %exp3A_1786 : vector<16xf32>
      %mul3A_1821 = arith.mulf %mul3A_1820, %add3A_1814 : vector<16xf32>
      %select_n3A_1822 = arith.select %ge3A_1817, %add3A_1819, %mul3A_1821 : vector<16xi1>, vector<16xf32>
      %add3A_1823 = arith.addf %broadcast_in_dim3A_1683, %select_n3A_1822 : vector<16xf32>
      %get3A_1824 = arith.constant 3 : i32
      %get3A_1825 = arith.index_cast %get3A_1824 : i32 to index
      %get3A_1826 = arith.index_cast %mul3A_1673 : i32 to index
      %get3A_1827 = tpu.vector_load %arg7[%get3A_1825, %get3A_1826] {strides = array<i32>} : memref<16x128xf32, #tpu.memory_space<vmem>>, vector<16xf32>,
      %neg3A_1828 = arith.constant 0.000000e+00 : f32
      %neg3A_1829 = vector.broadcast %neg3A_1828 : f32 to vector<16xf32>
      %neg3A_1830 = arith.subf %neg3A_1829, %get3A_1827 : vector<16xf32>
      %min3A_1831 = arith.minimumf %get3A_1827, %neg3A_1830 : vector<16xf32>
      %exp3A_1832 = math.exp %min3A_1831 : vector<16xf32>
      %mul3A_1833 = arith.constant -0.513961852 : f32
      %mul3A_1834 = vector.broadcast %mul3A_1833 : f32 to vector<16xf32>
      %mul3A_1835 = arith.mulf %mul3A_1834, %exp3A_1832 : vector<16xf32>
      %add3A_1836 = arith.constant 1.0934037 : f32
      %add3A_1837 = vector.broadcast %add3A_1836 : f32 to vector<16xf32>
      %add3A_1838 = arith.addf %mul3A_1835, %add3A_1837 : vector<16xf32>
      %mul3A_1839 = arith.mulf %add3A_1838, %exp3A_1832 : vector<16xf32>
      %add3A_1840 = arith.constant -0.971954882 : f32
      %add3A_1841 = vector.broadcast %add3A_1840 : f32 to vector<16xf32>
      %add3A_1842 = arith.addf %mul3A_1839, %add3A_1841 : vector<16xf32>
      %mul3A_1843 = arith.mulf %add3A_1842, %exp3A_1832 : vector<16xf32>
      %add3A_1844 = arith.constant 5.000000e-01 : f32
      %add3A_1845 = vector.broadcast %add3A_1844 : f32 to vector<16xf32>
      %add3A_1846 = arith.addf %mul3A_1843, %add3A_1845 : vector<16xf32>
      %mul3A_1847 = arith.constant 0.435844094 : f32
      %mul3A_1848 = vector.broadcast %mul3A_1847 : f32 to vector<16xf32>
      %mul3A_1849 = arith.mulf %mul3A_1848, %exp3A_1832 : vector<16xf32>
      %add3A_1850 = arith.constant -0.801728367 : f32
      %add3A_1851 = vector.broadcast %add3A_1850 : f32 to vector<16xf32>
      %add3A_1852 = arith.addf %mul3A_1849, %add3A_1851 : vector<16xf32>
      %mul3A_1853 = arith.mulf %add3A_1852, %exp3A_1832 : vector<16xf32>
      %add3A_1854 = arith.constant 0.469989896 : f32
      %add3A_1855 = vector.broadcast %add3A_1854 : f32 to vector<16xf32>
      %add3A_1856 = arith.addf %mul3A_1853, %add3A_1855 : vector<16xf32>
      %mul3A_1857 = arith.mulf %add3A_1856, %exp3A_1832 : vector<16xf32>
      %add3A_1858 = arith.constant 0.000000e+00 : f32
      %add3A_1859 = vector.broadcast %add3A_1858 : f32 to vector<16xf32>
      %add3A_1860 = arith.addf %mul3A_1857, %add3A_1859 : vector<16xf32>
      %ge3A_1861 = arith.constant 0.000000e+00 : f32
      %ge3A_1862 = vector.broadcast %ge3A_1861 : f32 to vector<16xf32>
      %ge3A_1863 = arith.cmpf oge, %get3A_1827, %ge3A_1862 : vector<16xf32>
      %mul3A_1864 = arith.mulf %get3A_1827, %add3A_1846 : vector<16xf32>
      %add3A_1865 = arith.addf %mul3A_1864, %add3A_1860 : vector<16xf32>
      %mul3A_1866 = arith.mulf %exp3A_1832, %exp3A_1832 : vector<16xf32>
      %mul3A_1867 = arith.mulf %mul3A_1866, %add3A_1860 : vector<16xf32>
      %select_n3A_1868 = arith.select %ge3A_1863, %add3A_1865, %mul3A_1867 : vector<16xi1>, vector<16xf32>
      %add3A_1869 = arith.addf %broadcast_in_dim3A_1685, %select_n3A_1868 : vector<16xf32>
      %get3A_1870 = arith.constant 4 : i32
      %get3A_1871 = arith.index_cast %get3A_1870 : i32 to index
      %get3A_1872 = arith.index_cast %mul3A_1673 : i32 to index
      %get3A_1873 = tpu.vector_load %arg7[%get3A_1871, %get3A_1872] {strides = array<i32>} : memref<16x128xf32, #tpu.memory_space<vmem>>, vector<16xf32>,
      %neg3A_1874 = arith.constant 0.000000e+00 : f32
      %neg3A_1875 = vector.broadcast %neg3A_1874 : f32 to vector<16xf32>
      %neg3A_1876 = arith.subf %neg3A_1875, %get3A_1873 : vector<16xf32>
      %min3A_1877 = arith.minimumf %get3A_1873, %neg3A_1876 : vector<16xf32>
      %exp3A_1878 = math.exp %min3A_1877 : vector<16xf32>
      %mul3A_1879 = arith.constant -0.513961852 : f32
      %mul3A_1880 = vector.broadcast %mul3A_1879 : f32 to vector<16xf32>
      %mul3A_1881 = arith.mulf %mul3A_1880, %exp3A_1878 : vector<16xf32>
      %add3A_1882 = arith.constant 1.0934037 : f32
      %add3A_1883 = vector.broadcast %add3A_1882 : f32 to vector<16xf32>
      %add3A_1884 = arith.addf %mul3A_1881, %add3A_1883 : vector<16xf32>
      %mul3A_1885 = arith.mulf %add3A_1884, %exp3A_1878 : vector<16xf32>
      %add3A_1886 = arith.constant -0.971954882 : f32
      %add3A_1887 = vector.broadcast %add3A_1886 : f32 to vector<16xf32>
      %add3A_1888 = arith.addf %mul3A_1885, %add3A_1887 : vector<16xf32>
      %mul3A_1889 = arith.mulf %add3A_1888, %exp3A_1878 : vector<16xf32>
      %add3A_1890 = arith.constant 5.000000e-01 : f32
      %add3A_1891 = vector.broadcast %add3A_1890 : f32 to vector<16xf32>
      %add3A_1892 = arith.addf %mul3A_1889, %add3A_1891 : vector<16xf32>
      %mul3A_1893 = arith.constant 0.435844094 : f32
      %mul3A_1894 = vector.broadcast %mul3A_1893 : f32 to vector<16xf32>
      %mul3A_1895 = arith.mulf %mul3A_1894, %exp3A_1878 : vector<16xf32>
      %add3A_1896 = arith.constant -0.801728367 : f32
      %add3A_1897 = vector.broadcast %add3A_1896 : f32 to vector<16xf32>
      %add3A_1898 = arith.addf %mul3A_1895, %add3A_1897 : vector<16xf32>
      %mul3A_1899 = arith.mulf %add3A_1898, %exp3A_1878 : vector<16xf32>
      %add3A_1900 = arith.constant 0.469989896 : f32
      %add3A_1901 = vector.broadcast %add3A_1900 : f32 to vector<16xf32>
      %add3A_1902 = arith.addf %mul3A_1899, %add3A_1901 : vector<16xf32>
      %mul3A_1903 = arith.mulf %add3A_1902, %exp3A_1878 : vector<16xf32>
      %add3A_1904 = arith.constant 0.000000e+00 : f32
      %add3A_1905 = vector.broadcast %add3A_1904 : f32 to vector<16xf32>
      %add3A_1906 = arith.addf %mul3A_1903, %add3A_1905 : vector<16xf32>
      %ge3A_1907 = arith.constant 0.000000e+00 : f32
      %ge3A_1908 = vector.broadcast %ge3A_1907 : f32 to vector<16xf32>
      %ge3A_1909 = arith.cmpf oge, %get3A_1873, %ge3A_1908 : vector<16xf32>
      %mul3A_1910 = arith.mulf %get3A_1873, %add3A_1892 : vector<16xf32>
      %add3A_1911 = arith.addf %mul3A_1910, %add3A_1906 : vector<16xf32>
      %mul3A_1912 = arith.mulf %exp3A_1878, %exp3A_1878 : vector<16xf32>
      %mul3A_1913 = arith.mulf %mul3A_1912, %add3A_1906 : vector<16xf32>
      %select_n3A_1914 = arith.select %ge3A_1909, %add3A_1911, %mul3A_1913 : vector<16xi1>, vector<16xf32>
      %add3A_1915 = arith.addf %add3A_1731, %select_n3A_1914 : vector<16xf32>
      %get3A_1916 = arith.constant 5 : i32
      %get3A_1917 = arith.index_cast %get3A_1916 : i32 to index
      %get3A_1918 = arith.index_cast %mul3A_1673 : i32 to index
      %get3A_1919 = tpu.vector_load %arg7[%get3A_1917, %get3A_1918] {strides = array<i32>} : memref<16x128xf32, #tpu.memory_space<vmem>>, vector<16xf32>,
      %neg3A_1920 = arith.constant 0.000000e+00 : f32
      %neg3A_1921 = vector.broadcast %neg3A_1920 : f32 to vector<16xf32>
      %neg3A_1922 = arith.subf %neg3A_1921, %get3A_1919 : vector<16xf32>
      %min3A_1923 = arith.minimumf %get3A_1919, %neg3A_1922 : vector<16xf32>
      %exp3A_1924 = math.exp %min3A_1923 : vector<16xf32>
      %mul3A_1925 = arith.constant -0.513961852 : f32
      %mul3A_1926 = vector.broadcast %mul3A_1925 : f32 to vector<16xf32>
      %mul3A_1927 = arith.mulf %mul3A_1926, %exp3A_1924 : vector<16xf32>
      %add3A_1928 = arith.constant 1.0934037 : f32
      %add3A_1929 = vector.broadcast %add3A_1928 : f32 to vector<16xf32>
      %add3A_1930 = arith.addf %mul3A_1927, %add3A_1929 : vector<16xf32>
      %mul3A_1931 = arith.mulf %add3A_1930, %exp3A_1924 : vector<16xf32>
      %add3A_1932 = arith.constant -0.971954882 : f32
      %add3A_1933 = vector.broadcast %add3A_1932 : f32 to vector<16xf32>
      %add3A_1934 = arith.addf %mul3A_1931, %add3A_1933 : vector<16xf32>
      %mul3A_1935 = arith.mulf %add3A_1934, %exp3A_1924 : vector<16xf32>
      %add3A_1936 = arith.constant 5.000000e-01 : f32
      %add3A_1937 = vector.broadcast %add3A_1936 : f32 to vector<16xf32>
      %add3A_1938 = arith.addf %mul3A_1935, %add3A_1937 : vector<16xf32>
      %mul3A_1939 = arith.constant 0.435844094 : f32
      %mul3A_1940 = vector.broadcast %mul3A_1939 : f32 to vector<16xf32>
      %mul3A_1941 = arith.mulf %mul3A_1940, %exp3A_1924 : vector<16xf32>
      %add3A_1942 = arith.constant -0.801728367 : f32
      %add3A_1943 = vector.broadcast %add3A_1942 : f32 to vector<16xf32>
      %add3A_1944 = arith.addf %mul3A_1941, %add3A_1943 : vector<16xf32>
      %mul3A_1945 = arith.mulf %add3A_1944, %exp3A_1924 : vector<16xf32>
      %add3A_1946 = arith.constant 0.469989896 : f32
      %add3A_1947 = vector.broadcast %add3A_1946 : f32 to vector<16xf32>
      %add3A_1948 = arith.addf %mul3A_1945, %add3A_1947 : vector<16xf32>
      %mul3A_1949 = arith.mulf %add3A_1948, %exp3A_1924 : vector<16xf32>
      %add3A_1950 = arith.constant 0.000000e+00 : f32
      %add3A_1951 = vector.broadcast %add3A_1950 : f32 to vector<16xf32>
      %add3A_1952 = arith.addf %mul3A_1949, %add3A_1951 : vector<16xf32>
      %ge3A_1953 = arith.constant 0.000000e+00 : f32
      %ge3A_1954 = vector.broadcast %ge3A_1953 : f32 to vector<16xf32>
      %ge3A_1955 = arith.cmpf oge, %get3A_1919, %ge3A_1954 : vector<16xf32>
      %mul3A_1956 = arith.mulf %get3A_1919, %add3A_1938 : vector<16xf32>
      %add3A_1957 = arith.addf %mul3A_1956, %add3A_1952 : vector<16xf32>
      %mul3A_1958 = arith.mulf %exp3A_1924, %exp3A_1924 : vector<16xf32>
      %mul3A_1959 = arith.mulf %mul3A_1958, %add3A_1952 : vector<16xf32>
      %select_n3A_1960 = arith.select %ge3A_1955, %add3A_1957, %mul3A_1959 : vector<16xi1>, vector<16xf32>
      %add3A_1961 = arith.addf %add3A_1777, %select_n3A_1960 : vector<16xf32>
      %get3A_1962 = arith.constant 6 : i32
      %get3A_1963 = arith.index_cast %get3A_1962 : i32 to index
      %get3A_1964 = arith.index_cast %mul3A_1673 : i32 to index
      %get3A_1965 = tpu.vector_load %arg7[%get3A_1963, %get3A_1964] {strides = array<i32>} : memref<16x128xf32, #tpu.memory_space<vmem>>, vector<16xf32>,
      %neg3A_1966 = arith.constant 0.000000e+00 : f32
      %neg3A_1967 = vector.broadcast %neg3A_1966 : f32 to vector<16xf32>
      %neg3A_1968 = arith.subf %neg3A_1967, %get3A_1965 : vector<16xf32>
      %min3A_1969 = arith.minimumf %get3A_1965, %neg3A_1968 : vector<16xf32>
      %exp3A_1970 = math.exp %min3A_1969 : vector<16xf32>
      %mul3A_1971 = arith.constant -0.513961852 : f32
      %mul3A_1972 = vector.broadcast %mul3A_1971 : f32 to vector<16xf32>
      %mul3A_1973 = arith.mulf %mul3A_1972, %exp3A_1970 : vector<16xf32>
      %add3A_1974 = arith.constant 1.0934037 : f32
      %add3A_1975 = vector.broadcast %add3A_1974 : f32 to vector<16xf32>
      %add3A_1976 = arith.addf %mul3A_1973, %add3A_1975 : vector<16xf32>
      %mul3A_1977 = arith.mulf %add3A_1976, %exp3A_1970 : vector<16xf32>
      %add3A_1978 = arith.constant -0.971954882 : f32
      %add3A_1979 = vector.broadcast %add3A_1978 : f32 to vector<16xf32>
      %add3A_1980 = arith.addf %mul3A_1977, %add3A_1979 : vector<16xf32>
      %mul3A_1981 = arith.mulf %add3A_1980, %exp3A_1970 : vector<16xf32>
      %add3A_1982 = arith.constant 5.000000e-01 : f32
      %add3A_1983 = vector.broadcast %add3A_1982 : f32 to vector<16xf32>
      %add3A_1984 = arith.addf %mul3A_1981, %add3A_1983 : vector<16xf32>
      %mul3A_1985 = arith.constant 0.435844094 : f32
      %mul3A_1986 = vector.broadcast %mul3A_1985 : f32 to vector<16xf32>
      %mul3A_1987 = arith.mulf %mul3A_1986, %exp3A_1970 : vector<16xf32>
      %add3A_1988 = arith.constant -0.801728367 : f32
      %add3A_1989 = vector.broadcast %add3A_1988 : f32 to vector<16xf32>
      %add3A_1990 = arith.addf %mul3A_1987, %add3A_1989 : vector<16xf32>
      %mul3A_1991 = arith.mulf %add3A_1990, %exp3A_1970 : vector<16xf32>
      %add3A_1992 = arith.constant 0.469989896 : f32
      %add3A_1993 = vector.broadcast %add3A_1992 : f32 to vector<16xf32>
      %add3A_1994 = arith.addf %mul3A_1991, %add3A_1993 : vector<16xf32>
      %mul3A_1995 = arith.mulf %add3A_1994, %exp3A_1970 : vector<16xf32>
      %add3A_1996 = arith.constant 0.000000e+00 : f32
      %add3A_1997 = vector.broadcast %add3A_1996 : f32 to vector<16xf32>
      %add3A_1998 = arith.addf %mul3A_1995, %add3A_1997 : vector<16xf32>
      %ge3A_1999 = arith.constant 0.000000e+00 : f32
      %ge3A_2000 = vector.broadcast %ge3A_1999 : f32 to vector<16xf32>
      %ge3A_2001 = arith.cmpf oge, %get3A_1965, %ge3A_2000 : vector<16xf32>
      %mul3A_2002 = arith.mulf %get3A_1965, %add3A_1984 : vector<16xf32>
      %add3A_2003 = arith.addf %mul3A_2002, %add3A_1998 : vector<16xf32>
      %mul3A_2004 = arith.mulf %exp3A_1970, %exp3A_1970 : vector<16xf32>
      %mul3A_2005 = arith.mulf %mul3A_2004, %add3A_1998 : vector<16xf32>
      %select_n3A_2006 = arith.select %ge3A_2001, %add3A_2003, %mul3A_2005 : vector<16xi1>, vector<16xf32>
      %add3A_2007 = arith.addf %add3A_1823, %select_n3A_2006 : vector<16xf32>
      %get3A_2008 = arith.constant 7 : i32
      %get3A_2009 = arith.index_cast %get3A_2008 : i32 to index
      %get3A_2010 = arith.index_cast %mul3A_1673 : i32 to index
      %get3A_2011 = tpu.vector_load %arg7[%get3A_2009, %get3A_2010] {strides = array<i32>} : memref<16x128xf32, #tpu.memory_space<vmem>>, vector<16xf32>,
      %neg3A_2012 = arith.constant 0.000000e+00 : f32
      %neg3A_2013 = vector.broadcast %neg3A_2012 : f32 to vector<16xf32>
      %neg3A_2014 = arith.subf %neg3A_2013, %get3A_2011 : vector<16xf32>
      %min3A_2015 = arith.minimumf %get3A_2011, %neg3A_2014 : vector<16xf32>
      %exp3A_2016 = math.exp %min3A_2015 : vector<16xf32>
      %mul3A_2017 = arith.constant -0.513961852 : f32
      %mul3A_2018 = vector.broadcast %mul3A_2017 : f32 to vector<16xf32>
      %mul3A_2019 = arith.mulf %mul3A_2018, %exp3A_2016 : vector<16xf32>
      %add3A_2020 = arith.constant 1.0934037 : f32
      %add3A_2021 = vector.broadcast %add3A_2020 : f32 to vector<16xf32>
      %add3A_2022 = arith.addf %mul3A_2019, %add3A_2021 : vector<16xf32>
      %mul3A_2023 = arith.mulf %add3A_2022, %exp3A_2016 : vector<16xf32>
      %add3A_2024 = arith.constant -0.971954882 : f32
      %add3A_2025 = vector.broadcast %add3A_2024 : f32 to vector<16xf32>
      %add3A_2026 = arith.addf %mul3A_2023, %add3A_2025 : vector<16xf32>
      %mul3A_2027 = arith.mulf %add3A_2026, %exp3A_2016 : vector<16xf32>
      %add3A_2028 = arith.constant 5.000000e-01 : f32
      %add3A_2029 = vector.broadcast %add3A_2028 : f32 to vector<16xf32>
      %add3A_2030 = arith.addf %mul3A_2027, %add3A_2029 : vector<16xf32>
      %mul3A_2031 = arith.constant 0.435844094 : f32
      %mul3A_2032 = vector.broadcast %mul3A_2031 : f32 to vector<16xf32>
      %mul3A_2033 = arith.mulf %mul3A_2032, %exp3A_2016 : vector<16xf32>
      %add3A_2034 = arith.constant -0.801728367 : f32
      %add3A_2035 = vector.broadcast %add3A_2034 : f32 to vector<16xf32>
      %add3A_2036 = arith.addf %mul3A_2033, %add3A_2035 : vector<16xf32>
      %mul3A_2037 = arith.mulf %add3A_2036, %exp3A_2016 : vector<16xf32>
      %add3A_2038 = arith.constant 0.469989896 : f32
      %add3A_2039 = vector.broadcast %add3A_2038 : f32 to vector<16xf32>
      %add3A_2040 = arith.addf %mul3A_2037, %add3A_2039 : vector<16xf32>
      %mul3A_2041 = arith.mulf %add3A_2040, %exp3A_2016 : vector<16xf32>
      %add3A_2042 = arith.constant 0.000000e+00 : f32
      %add3A_2043 = vector.broadcast %add3A_2042 : f32 to vector<16xf32>
      %add3A_2044 = arith.addf %mul3A_2041, %add3A_2043 : vector<16xf32>
      %ge3A_2045 = arith.constant 0.000000e+00 : f32
      %ge3A_2046 = vector.broadcast %ge3A_2045 : f32 to vector<16xf32>
      %ge3A_2047 = arith.cmpf oge, %get3A_2011, %ge3A_2046 : vector<16xf32>
      %mul3A_2048 = arith.mulf %get3A_2011, %add3A_2030 : vector<16xf32>
      %add3A_2049 = arith.addf %mul3A_2048, %add3A_2044 : vector<16xf32>
      %mul3A_2050 = arith.mulf %exp3A_2016, %exp3A_2016 : vector<16xf32>
      %mul3A_2051 = arith.mulf %mul3A_2050, %add3A_2044 : vector<16xf32>
      %select_n3A_2052 = arith.select %ge3A_2047, %add3A_2049, %mul3A_2051 : vector<16xi1>, vector<16xf32>
      %add3A_2053 = arith.addf %add3A_1869, %select_n3A_2052 : vector<16xf32>
      %get3A_2054 = arith.constant 8 : i32
      %get3A_2055 = arith.index_cast %get3A_2054 : i32 to index
      %get3A_2056 = arith.index_cast %mul3A_1673 : i32 to index
      %get3A_2057 = tpu.vector_load %arg7[%get3A_2055, %get3A_2056] {strides = array<i32>} : memref<16x128xf32, #tpu.memory_space<vmem>>, vector<16xf32>,
      %neg3A_2058 = arith.constant 0.000000e+00 : f32
      %neg3A_2059 = vector.broadcast %neg3A_2058 : f32 to vector<16xf32>
      %neg3A_2060 = arith.subf %neg3A_2059, %get3A_2057 : vector<16xf32>
      %min3A_2061 = arith.minimumf %get3A_2057, %neg3A_2060 : vector<16xf32>
      %exp3A_2062 = math.exp %min3A_2061 : vector<16xf32>
      %mul3A_2063 = arith.constant -0.513961852 : f32
      %mul3A_2064 = vector.broadcast %mul3A_2063 : f32 to vector<16xf32>
      %mul3A_2065 = arith.mulf %mul3A_2064, %exp3A_2062 : vector<16xf32>
      %add3A_2066 = arith.constant 1.0934037 : f32
      %add3A_2067 = vector.broadcast %add3A_2066 : f32 to vector<16xf32>
      %add3A_2068 = arith.addf %mul3A_2065, %add3A_2067 : vector<16xf32>
      %mul3A_2069 = arith.mulf %add3A_2068, %exp3A_2062 : vector<16xf32>
      %add3A_2070 = arith.constant -0.971954882 : f32
      %add3A_2071 = vector.broadcast %add3A_2070 : f32 to vector<16xf32>
      %add3A_2072 = arith.addf %mul3A_2069, %add3A_2071 : vector<16xf32>
      %mul3A_2073 = arith.mulf %add3A_2072, %exp3A_2062 : vector<16xf32>
      %add3A_2074 = arith.constant 5.000000e-01 : f32
      %add3A_2075 = vector.broadcast %add3A_2074 : f32 to vector<16xf32>
      %add3A_2076 = arith.addf %mul3A_2073, %add3A_2075 : vector<16xf32>
      %mul3A_2077 = arith.constant 0.435844094 : f32
      %mul3A_2078 = vector.broadcast %mul3A_2077 : f32 to vector<16xf32>
      %mul3A_2079 = arith.mulf %mul3A_2078, %exp3A_2062 : vector<16xf32>
      %add3A_2080 = arith.constant -0.801728367 : f32
      %add3A_2081 = vector.broadcast %add3A_2080 : f32 to vector<16xf32>
      %add3A_2082 = arith.addf %mul3A_2079, %add3A_2081 : vector<16xf32>
      %mul3A_2083 = arith.mulf %add3A_2082, %exp3A_2062 : vector<16xf32>
      %add3A_2084 = arith.constant 0.469989896 : f32
      %add3A_2085 = vector.broadcast %add3A_2084 : f32 to vector<16xf32>
      %add3A_2086 = arith.addf %mul3A_2083, %add3A_2085 : vector<16xf32>
      %mul3A_2087 = arith.mulf %add3A_2086, %exp3A_2062 : vector<16xf32>
      %add3A_2088 = arith.constant 0.000000e+00 : f32
      %add3A_2089 = vector.broadcast %add3A_2088 : f32 to vector<16xf32>
      %add3A_2090 = arith.addf %mul3A_2087, %add3A_2089 : vector<16xf32>
      %ge3A_2091 = arith.constant 0.000000e+00 : f32
      %ge3A_2092 = vector.broadcast %ge3A_2091 : f32 to vector<16xf32>
      %ge3A_2093 = arith.cmpf oge, %get3A_2057, %ge3A_2092 : vector<16xf32>
      %mul3A_2094 = arith.mulf %get3A_2057, %add3A_2076 : vector<16xf32>
      %add3A_2095 = arith.addf %mul3A_2094, %add3A_2090 : vector<16xf32>
      %mul3A_2096 = arith.mulf %exp3A_2062, %exp3A_2062 : vector<16xf32>
      %mul3A_2097 = arith.mulf %mul3A_2096, %add3A_2090 : vector<16xf32>
      %select_n3A_2098 = arith.select %ge3A_2093, %add3A_2095, %mul3A_2097 : vector<16xi1>, vector<16xf32>
      %add3A_2099 = arith.addf %add3A_1915, %select_n3A_2098 : vector<16xf32>
      %get3A_2100 = arith.constant 9 : i32
      %get3A_2101 = arith.index_cast %get3A_2100 : i32 to index
      %get3A_2102 = arith.index_cast %mul3A_1673 : i32 to index
      %get3A_2103 = tpu.vector_load %arg7[%get3A_2101, %get3A_2102] {strides = array<i32>} : memref<16x128xf32, #tpu.memory_space<vmem>>, vector<16xf32>,
      %neg3A_2104 = arith.constant 0.000000e+00 : f32
      %neg3A_2105 = vector.broadcast %neg3A_2104 : f32 to vector<16xf32>
      %neg3A_2106 = arith.subf %neg3A_2105, %get3A_2103 : vector<16xf32>
      %min3A_2107 = arith.minimumf %get3A_2103, %neg3A_2106 : vector<16xf32>
      %exp3A_2108 = math.exp %min3A_2107 : vector<16xf32>
      %mul3A_2109 = arith.constant -0.513961852 : f32
      %mul3A_2110 = vector.broadcast %mul3A_2109 : f32 to vector<16xf32>
      %mul3A_2111 = arith.mulf %mul3A_2110, %exp3A_2108 : vector<16xf32>
      %add3A_2112 = arith.constant 1.0934037 : f32
      %add3A_2113 = vector.broadcast %add3A_2112 : f32 to vector<16xf32>
      %add3A_2114 = arith.addf %mul3A_2111, %add3A_2113 : vector<16xf32>
      %mul3A_2115 = arith.mulf %add3A_2114, %exp3A_2108 : vector<16xf32>
      %add3A_2116 = arith.constant -0.971954882 : f32
      %add3A_2117 = vector.broadcast %add3A_2116 : f32 to vector<16xf32>
      %add3A_2118 = arith.addf %mul3A_2115, %add3A_2117 : vector<16xf32>
      %mul3A_2119 = arith.mulf %add3A_2118, %exp3A_2108 : vector<16xf32>
      %add3A_2120 = arith.constant 5.000000e-01 : f32
      %add3A_2121 = vector.broadcast %add3A_2120 : f32 to vector<16xf32>
      %add3A_2122 = arith.addf %mul3A_2119, %add3A_2121 : vector<16xf32>
      %mul3A_2123 = arith.constant 0.435844094 : f32
      %mul3A_2124 = vector.broadcast %mul3A_2123 : f32 to vector<16xf32>
      %mul3A_2125 = arith.mulf %mul3A_2124, %exp3A_2108 : vector<16xf32>
      %add3A_2126 = arith.constant -0.801728367 : f32
      %add3A_2127 = vector.broadcast %add3A_2126 : f32 to vector<16xf32>
      %add3A_2128 = arith.addf %mul3A_2125, %add3A_2127 : vector<16xf32>
      %mul3A_2129 = arith.mulf %add3A_2128, %exp3A_2108 : vector<16xf32>
      %add3A_2130 = arith.constant 0.469989896 : f32
      %add3A_2131 = vector.broadcast %add3A_2130 : f32 to vector<16xf32>
      %add3A_2132 = arith.addf %mul3A_2129, %add3A_2131 : vector<16xf32>
      %mul3A_2133 = arith.mulf %add3A_2132, %exp3A_2108 : vector<16xf32>
      %add3A_2134 = arith.constant 0.000000e+00 : f32
      %add3A_2135 = vector.broadcast %add3A_2134 : f32 to vector<16xf32>
      %add3A_2136 = arith.addf %mul3A_2133, %add3A_2135 : vector<16xf32>
      %ge3A_2137 = arith.constant 0.000000e+00 : f32
      %ge3A_2138 = vector.broadcast %ge3A_2137 : f32 to vector<16xf32>
      %ge3A_2139 = arith.cmpf oge, %get3A_2103, %ge3A_2138 : vector<16xf32>
      %mul3A_2140 = arith.mulf %get3A_2103, %add3A_2122 : vector<16xf32>
      %add3A_2141 = arith.addf %mul3A_2140, %add3A_2136 : vector<16xf32>
      %mul3A_2142 = arith.mulf %exp3A_2108, %exp3A_2108 : vector<16xf32>
      %mul3A_2143 = arith.mulf %mul3A_2142, %add3A_2136 : vector<16xf32>
      %select_n3A_2144 = arith.select %ge3A_2139, %add3A_2141, %mul3A_2143 : vector<16xi1>, vector<16xf32>
      %add3A_2145 = arith.addf %add3A_1961, %select_n3A_2144 : vector<16xf32>
      %get3A_2146 = arith.constant 10 : i32
      %get3A_2147 = arith.index_cast %get3A_2146 : i32 to index
      %get3A_2148 = arith.index_cast %mul3A_1673 : i32 to index
      %get3A_2149 = tpu.vector_load %arg7[%get3A_2147, %get3A_2148] {strides = array<i32>} : memref<16x128xf32, #tpu.memory_space<vmem>>, vector<16xf32>,
      %neg3A_2150 = arith.constant 0.000000e+00 : f32
      %neg3A_2151 = vector.broadcast %neg3A_2150 : f32 to vector<16xf32>
      %neg3A_2152 = arith.subf %neg3A_2151, %get3A_2149 : vector<16xf32>
      %min3A_2153 = arith.minimumf %get3A_2149, %neg3A_2152 : vector<16xf32>
      %exp3A_2154 = math.exp %min3A_2153 : vector<16xf32>
      %mul3A_2155 = arith.constant -0.513961852 : f32
      %mul3A_2156 = vector.broadcast %mul3A_2155 : f32 to vector<16xf32>
      %mul3A_2157 = arith.mulf %mul3A_2156, %exp3A_2154 : vector<16xf32>
      %add3A_2158 = arith.constant 1.0934037 : f32
      %add3A_2159 = vector.broadcast %add3A_2158 : f32 to vector<16xf32>
      %add3A_2160 = arith.addf %mul3A_2157, %add3A_2159 : vector<16xf32>
      %mul3A_2161 = arith.mulf %add3A_2160, %exp3A_2154 : vector<16xf32>
      %add3A_2162 = arith.constant -0.971954882 : f32
      %add3A_2163 = vector.broadcast %add3A_2162 : f32 to vector<16xf32>
      %add3A_2164 = arith.addf %mul3A_2161, %add3A_2163 : vector<16xf32>
      %mul3A_2165 = arith.mulf %add3A_2164, %exp3A_2154 : vector<16xf32>
      %add3A_2166 = arith.constant 5.000000e-01 : f32
      %add3A_2167 = vector.broadcast %add3A_2166 : f32 to vector<16xf32>
      %add3A_2168 = arith.addf %mul3A_2165, %add3A_2167 : vector<16xf32>
      %mul3A_2169 = arith.constant 0.435844094 : f32
      %mul3A_2170 = vector.broadcast %mul3A_2169 : f32 to vector<16xf32>
      %mul3A_2171 = arith.mulf %mul3A_2170, %exp3A_2154 : vector<16xf32>
      %add3A_2172 = arith.constant -0.801728367 : f32
      %add3A_2173 = vector.broadcast %add3A_2172 : f32 to vector<16xf32>
      %add3A_2174 = arith.addf %mul3A_2171, %add3A_2173 : vector<16xf32>
      %mul3A_2175 = arith.mulf %add3A_2174, %exp3A_2154 : vector<16xf32>
      %add3A_2176 = arith.constant 0.469989896 : f32
      %add3A_2177 = vector.broadcast %add3A_2176 : f32 to vector<16xf32>
      %add3A_2178 = arith.addf %mul3A_2175, %add3A_2177 : vector<16xf32>
      %mul3A_2179 = arith.mulf %add3A_2178, %exp3A_2154 : vector<16xf32>
      %add3A_2180 = arith.constant 0.000000e+00 : f32
      %add3A_2181 = vector.broadcast %add3A_2180 : f32 to vector<16xf32>
      %add3A_2182 = arith.addf %mul3A_2179, %add3A_2181 : vector<16xf32>
      %ge3A_2183 = arith.constant 0.000000e+00 : f32
      %ge3A_2184 = vector.broadcast %ge3A_2183 : f32 to vector<16xf32>
      %ge3A_2185 = arith.cmpf oge, %get3A_2149, %ge3A_2184 : vector<16xf32>
      %mul3A_2186 = arith.mulf %get3A_2149, %add3A_2168 : vector<16xf32>
      %add3A_2187 = arith.addf %mul3A_2186, %add3A_2182 : vector<16xf32>
      %mul3A_2188 = arith.mulf %exp3A_2154, %exp3A_2154 : vector<16xf32>
      %mul3A_2189 = arith.mulf %mul3A_2188, %add3A_2182 : vector<16xf32>
      %select_n3A_2190 = arith.select %ge3A_2185, %add3A_2187, %mul3A_2189 : vector<16xi1>, vector<16xf32>
      %add3A_2191 = arith.addf %add3A_2007, %select_n3A_2190 : vector<16xf32>
      %get3A_2192 = arith.constant 11 : i32
      %get3A_2193 = arith.index_cast %get3A_2192 : i32 to index
      %get3A_2194 = arith.index_cast %mul3A_1673 : i32 to index
      %get3A_2195 = tpu.vector_load %arg7[%get3A_2193, %get3A_2194] {strides = array<i32>} : memref<16x128xf32, #tpu.memory_space<vmem>>, vector<16xf32>,
      %neg3A_2196 = arith.constant 0.000000e+00 : f32
      %neg3A_2197 = vector.broadcast %neg3A_2196 : f32 to vector<16xf32>
      %neg3A_2198 = arith.subf %neg3A_2197, %get3A_2195 : vector<16xf32>
      %min3A_2199 = arith.minimumf %get3A_2195, %neg3A_2198 : vector<16xf32>
      %exp3A_2200 = math.exp %min3A_2199 : vector<16xf32>
      %mul3A_2201 = arith.constant -0.513961852 : f32
      %mul3A_2202 = vector.broadcast %mul3A_2201 : f32 to vector<16xf32>
      %mul3A_2203 = arith.mulf %mul3A_2202, %exp3A_2200 : vector<16xf32>
      %add3A_2204 = arith.constant 1.0934037 : f32
      %add3A_2205 = vector.broadcast %add3A_2204 : f32 to vector<16xf32>
      %add3A_2206 = arith.addf %mul3A_2203, %add3A_2205 : vector<16xf32>
      %mul3A_2207 = arith.mulf %add3A_2206, %exp3A_2200 : vector<16xf32>
      %add3A_2208 = arith.constant -0.971954882 : f32
      %add3A_2209 = vector.broadcast %add3A_2208 : f32 to vector<16xf32>
      %add3A_2210 = arith.addf %mul3A_2207, %add3A_2209 : vector<16xf32>
      %mul3A_2211 = arith.mulf %add3A_2210, %exp3A_2200 : vector<16xf32>
      %add3A_2212 = arith.constant 5.000000e-01 : f32
      %add3A_2213 = vector.broadcast %add3A_2212 : f32 to vector<16xf32>
      %add3A_2214 = arith.addf %mul3A_2211, %add3A_2213 : vector<16xf32>
      %mul3A_2215 = arith.constant 0.435844094 : f32
      %mul3A_2216 = vector.broadcast %mul3A_2215 : f32 to vector<16xf32>
      %mul3A_2217 = arith.mulf %mul3A_2216, %exp3A_2200 : vector<16xf32>
      %add3A_2218 = arith.constant -0.801728367 : f32
      %add3A_2219 = vector.broadcast %add3A_2218 : f32 to vector<16xf32>
      %add3A_2220 = arith.addf %mul3A_2217, %add3A_2219 : vector<16xf32>
      %mul3A_2221 = arith.mulf %add3A_2220, %exp3A_2200 : vector<16xf32>
      %add3A_2222 = arith.constant 0.469989896 : f32
      %add3A_2223 = vector.broadcast %add3A_2222 : f32 to vector<16xf32>
      %add3A_2224 = arith.addf %mul3A_2221, %add3A_2223 : vector<16xf32>
      %mul3A_2225 = arith.mulf %add3A_2224, %exp3A_2200 : vector<16xf32>
      %add3A_2226 = arith.constant 0.000000e+00 : f32
      %add3A_2227 = vector.broadcast %add3A_2226 : f32 to vector<16xf32>
      %add3A_2228 = arith.addf %mul3A_2225, %add3A_2227 : vector<16xf32>
      %ge3A_2229 = arith.constant 0.000000e+00 : f32
      %ge3A_2230 = vector.broadcast %ge3A_2229 : f32 to vector<16xf32>
      %ge3A_2231 = arith.cmpf oge, %get3A_2195, %ge3A_2230 : vector<16xf32>
      %mul3A_2232 = arith.mulf %get3A_2195, %add3A_2214 : vector<16xf32>
      %add3A_2233 = arith.addf %mul3A_2232, %add3A_2228 : vector<16xf32>
      %mul3A_2234 = arith.mulf %exp3A_2200, %exp3A_2200 : vector<16xf32>
      %mul3A_2235 = arith.mulf %mul3A_2234, %add3A_2228 : vector<16xf32>
      %select_n3A_2236 = arith.select %ge3A_2231, %add3A_2233, %mul3A_2235 : vector<16xi1>, vector<16xf32>
      %add3A_2237 = arith.addf %add3A_2053, %select_n3A_2236 : vector<16xf32>
      %get3A_2238 = arith.constant 12 : i32
      %get3A_2239 = arith.index_cast %get3A_2238 : i32 to index
      %get3A_2240 = arith.index_cast %mul3A_1673 : i32 to index
      %get3A_2241 = tpu.vector_load %arg7[%get3A_2239, %get3A_2240] {strides = array<i32>} : memref<16x128xf32, #tpu.memory_space<vmem>>, vector<16xf32>,
      %neg3A_2242 = arith.constant 0.000000e+00 : f32
      %neg3A_2243 = vector.broadcast %neg3A_2242 : f32 to vector<16xf32>
      %neg3A_2244 = arith.subf %neg3A_2243, %get3A_2241 : vector<16xf32>
      %min3A_2245 = arith.minimumf %get3A_2241, %neg3A_2244 : vector<16xf32>
      %exp3A_2246 = math.exp %min3A_2245 : vector<16xf32>
      %mul3A_2247 = arith.constant -0.513961852 : f32
      %mul3A_2248 = vector.broadcast %mul3A_2247 : f32 to vector<16xf32>
      %mul3A_2249 = arith.mulf %mul3A_2248, %exp3A_2246 : vector<16xf32>
      %add3A_2250 = arith.constant 1.0934037 : f32
      %add3A_2251 = vector.broadcast %add3A_2250 : f32 to vector<16xf32>
      %add3A_2252 = arith.addf %mul3A_2249, %add3A_2251 : vector<16xf32>
      %mul3A_2253 = arith.mulf %add3A_2252, %exp3A_2246 : vector<16xf32>
      %add3A_2254 = arith.constant -0.971954882 : f32
      %add3A_2255 = vector.broadcast %add3A_2254 : f32 to vector<16xf32>
      %add3A_2256 = arith.addf %mul3A_2253, %add3A_2255 : vector<16xf32>
      %mul3A_2257 = arith.mulf %add3A_2256, %exp3A_2246 : vector<16xf32>
      %add3A_2258 = arith.constant 5.000000e-01 : f32
      %add3A_2259 = vector.broadcast %add3A_2258 : f32 to vector<16xf32>
      %add3A_2260 = arith.addf %mul3A_2257, %add3A_2259 : vector<16xf32>
      %mul3A_2261 = arith.constant 0.435844094 : f32
      %mul3A_2262 = vector.broadcast %mul3A_2261 : f32 to vector<16xf32>
      %mul3A_2263 = arith.mulf %mul3A_2262, %exp3A_2246 : vector<16xf32>
      %add3A_2264 = arith.constant -0.801728367 : f32
      %add3A_2265 = vector.broadcast %add3A_2264 : f32 to vector<16xf32>
      %add3A_2266 = arith.addf %mul3A_2263, %add3A_2265 : vector<16xf32>
      %mul3A_2267 = arith.mulf %add3A_2266, %exp3A_2246 : vector<16xf32>
      %add3A_2268 = arith.constant 0.469989896 : f32
      %add3A_2269 = vector.broadcast %add3A_2268 : f32 to vector<16xf32>
      %add3A_2270 = arith.addf %mul3A_2267, %add3A_2269 : vector<16xf32>
      %mul3A_2271 = arith.mulf %add3A_2270, %exp3A_2246 : vector<16xf32>
      %add3A_2272 = arith.constant 0.000000e+00 : f32
      %add3A_2273 = vector.broadcast %add3A_2272 : f32 to vector<16xf32>
      %add3A_2274 = arith.addf %mul3A_2271, %add3A_2273 : vector<16xf32>
      %ge3A_2275 = arith.constant 0.000000e+00 : f32
      %ge3A_2276 = vector.broadcast %ge3A_2275 : f32 to vector<16xf32>
      %ge3A_2277 = arith.cmpf oge, %get3A_2241, %ge3A_2276 : vector<16xf32>
      %mul3A_2278 = arith.mulf %get3A_2241, %add3A_2260 : vector<16xf32>
      %add3A_2279 = arith.addf %mul3A_2278, %add3A_2274 : vector<16xf32>
      %mul3A_2280 = arith.mulf %exp3A_2246, %exp3A_2246 : vector<16xf32>
      %mul3A_2281 = arith.mulf %mul3A_2280, %add3A_2274 : vector<16xf32>
      %select_n3A_2282 = arith.select %ge3A_2277, %add3A_2279, %mul3A_2281 : vector<16xi1>, vector<16xf32>
      %add3A_2283 = arith.addf %add3A_2099, %select_n3A_2282 : vector<16xf32>
      %get3A_2284 = arith.constant 13 : i32
      %get3A_2285 = arith.index_cast %get3A_2284 : i32 to index
      %get3A_2286 = arith.index_cast %mul3A_1673 : i32 to index
      %get3A_2287 = tpu.vector_load %arg7[%get3A_2285, %get3A_2286] {strides = array<i32>} : memref<16x128xf32, #tpu.memory_space<vmem>>, vector<16xf32>,
      %neg3A_2288 = arith.constant 0.000000e+00 : f32
      %neg3A_2289 = vector.broadcast %neg3A_2288 : f32 to vector<16xf32>
      %neg3A_2290 = arith.subf %neg3A_2289, %get3A_2287 : vector<16xf32>
      %min3A_2291 = arith.minimumf %get3A_2287, %neg3A_2290 : vector<16xf32>
      %exp3A_2292 = math.exp %min3A_2291 : vector<16xf32>
      %mul3A_2293 = arith.constant -0.513961852 : f32
      %mul3A_2294 = vector.broadcast %mul3A_2293 : f32 to vector<16xf32>
      %mul3A_2295 = arith.mulf %mul3A_2294, %exp3A_2292 : vector<16xf32>
      %add3A_2296 = arith.constant 1.0934037 : f32
      %add3A_2297 = vector.broadcast %add3A_2296 : f32 to vector<16xf32>
      %add3A_2298 = arith.addf %mul3A_2295, %add3A_2297 : vector<16xf32>
      %mul3A_2299 = arith.mulf %add3A_2298, %exp3A_2292 : vector<16xf32>
      %add3A_2300 = arith.constant -0.971954882 : f32
      %add3A_2301 = vector.broadcast %add3A_2300 : f32 to vector<16xf32>
      %add3A_2302 = arith.addf %mul3A_2299, %add3A_2301 : vector<16xf32>
      %mul3A_2303 = arith.mulf %add3A_2302, %exp3A_2292 : vector<16xf32>
      %add3A_2304 = arith.constant 5.000000e-01 : f32
      %add3A_2305 = vector.broadcast %add3A_2304 : f32 to vector<16xf32>
      %add3A_2306 = arith.addf %mul3A_2303, %add3A_2305 : vector<16xf32>
      %mul3A_2307 = arith.constant 0.435844094 : f32
      %mul3A_2308 = vector.broadcast %mul3A_2307 : f32 to vector<16xf32>
      %mul3A_2309 = arith.mulf %mul3A_2308, %exp3A_2292 : vector<16xf32>
      %add3A_2310 = arith.constant -0.801728367 : f32
      %add3A_2311 = vector.broadcast %add3A_2310 : f32 to vector<16xf32>
      %add3A_2312 = arith.addf %mul3A_2309, %add3A_2311 : vector<16xf32>
      %mul3A_2313 = arith.mulf %add3A_2312, %exp3A_2292 : vector<16xf32>
      %add3A_2314 = arith.constant 0.469989896 : f32
      %add3A_2315 = vector.broadcast %add3A_2314 : f32 to vector<16xf32>
      %add3A_2316 = arith.addf %mul3A_2313, %add3A_2315 : vector<16xf32>
      %mul3A_2317 = arith.mulf %add3A_2316, %exp3A_2292 : vector<16xf32>
      %add3A_2318 = arith.constant 0.000000e+00 : f32
      %add3A_2319 = vector.broadcast %add3A_2318 : f32 to vector<16xf32>
      %add3A_2320 = arith.addf %mul3A_2317, %add3A_2319 : vector<16xf32>
      %ge3A_2321 = arith.constant 0.000000e+00 : f32
      %ge3A_2322 = vector.broadcast %ge3A_2321 : f32 to vector<16xf32>
      %ge3A_2323 = arith.cmpf oge, %get3A_2287, %ge3A_2322 : vector<16xf32>
      %mul3A_2324 = arith.mulf %get3A_2287, %add3A_2306 : vector<16xf32>
      %add3A_2325 = arith.addf %mul3A_2324, %add3A_2320 : vector<16xf32>
      %mul3A_2326 = arith.mulf %exp3A_2292, %exp3A_2292 : vector<16xf32>
      %mul3A_2327 = arith.mulf %mul3A_2326, %add3A_2320 : vector<16xf32>
      %select_n3A_2328 = arith.select %ge3A_2323, %add3A_2325, %mul3A_2327 : vector<16xi1>, vector<16xf32>
      %add3A_2329 = arith.addf %add3A_2145, %select_n3A_2328 : vector<16xf32>
      %get3A_2330 = arith.constant 14 : i32
      %get3A_2331 = arith.index_cast %get3A_2330 : i32 to index
      %get3A_2332 = arith.index_cast %mul3A_1673 : i32 to index
      %get3A_2333 = tpu.vector_load %arg7[%get3A_2331, %get3A_2332] {strides = array<i32>} : memref<16x128xf32, #tpu.memory_space<vmem>>, vector<16xf32>,
      %neg3A_2334 = arith.constant 0.000000e+00 : f32
      %neg3A_2335 = vector.broadcast %neg3A_2334 : f32 to vector<16xf32>
      %neg3A_2336 = arith.subf %neg3A_2335, %get3A_2333 : vector<16xf32>
      %min3A_2337 = arith.minimumf %get3A_2333, %neg3A_2336 : vector<16xf32>
      %exp3A_2338 = math.exp %min3A_2337 : vector<16xf32>
      %mul3A_2339 = arith.constant -0.513961852 : f32
      %mul3A_2340 = vector.broadcast %mul3A_2339 : f32 to vector<16xf32>
      %mul3A_2341 = arith.mulf %mul3A_2340, %exp3A_2338 : vector<16xf32>
      %add3A_2342 = arith.constant 1.0934037 : f32
      %add3A_2343 = vector.broadcast %add3A_2342 : f32 to vector<16xf32>
      %add3A_2344 = arith.addf %mul3A_2341, %add3A_2343 : vector<16xf32>
      %mul3A_2345 = arith.mulf %add3A_2344, %exp3A_2338 : vector<16xf32>
      %add3A_2346 = arith.constant -0.971954882 : f32
      %add3A_2347 = vector.broadcast %add3A_2346 : f32 to vector<16xf32>
      %add3A_2348 = arith.addf %mul3A_2345, %add3A_2347 : vector<16xf32>
      %mul3A_2349 = arith.mulf %add3A_2348, %exp3A_2338 : vector<16xf32>
      %add3A_2350 = arith.constant 5.000000e-01 : f32
      %add3A_2351 = vector.broadcast %add3A_2350 : f32 to vector<16xf32>
      %add3A_2352 = arith.addf %mul3A_2349, %add3A_2351 : vector<16xf32>
      %mul3A_2353 = arith.constant 0.435844094 : f32
      %mul3A_2354 = vector.broadcast %mul3A_2353 : f32 to vector<16xf32>
      %mul3A_2355 = arith.mulf %mul3A_2354, %exp3A_2338 : vector<16xf32>
      %add3A_2356 = arith.constant -0.801728367 : f32
      %add3A_2357 = vector.broadcast %add3A_2356 : f32 to vector<16xf32>
      %add3A_2358 = arith.addf %mul3A_2355, %add3A_2357 : vector<16xf32>
      %mul3A_2359 = arith.mulf %add3A_2358, %exp3A_2338 : vector<16xf32>
      %add3A_2360 = arith.constant 0.469989896 : f32
      %add3A_2361 = vector.broadcast %add3A_2360 : f32 to vector<16xf32>
      %add3A_2362 = arith.addf %mul3A_2359, %add3A_2361 : vector<16xf32>
      %mul3A_2363 = arith.mulf %add3A_2362, %exp3A_2338 : vector<16xf32>
      %add3A_2364 = arith.constant 0.000000e+00 : f32
      %add3A_2365 = vector.broadcast %add3A_2364 : f32 to vector<16xf32>
      %add3A_2366 = arith.addf %mul3A_2363, %add3A_2365 : vector<16xf32>
      %ge3A_2367 = arith.constant 0.000000e+00 : f32
      %ge3A_2368 = vector.broadcast %ge3A_2367 : f32 to vector<16xf32>
      %ge3A_2369 = arith.cmpf oge, %get3A_2333, %ge3A_2368 : vector<16xf32>
      %mul3A_2370 = arith.mulf %get3A_2333, %add3A_2352 : vector<16xf32>
      %add3A_2371 = arith.addf %mul3A_2370, %add3A_2366 : vector<16xf32>
      %mul3A_2372 = arith.mulf %exp3A_2338, %exp3A_2338 : vector<16xf32>
      %mul3A_2373 = arith.mulf %mul3A_2372, %add3A_2366 : vector<16xf32>
      %select_n3A_2374 = arith.select %ge3A_2369, %add3A_2371, %mul3A_2373 : vector<16xi1>, vector<16xf32>
      %add3A_2375 = arith.addf %add3A_2191, %select_n3A_2374 : vector<16xf32>
      %get3A_2376 = arith.constant 15 : i32
      %get3A_2377 = arith.index_cast %get3A_2376 : i32 to index
      %get3A_2378 = arith.index_cast %mul3A_1673 : i32 to index
      %get3A_2379 = tpu.vector_load %arg7[%get3A_2377, %get3A_2378] {strides = array<i32>} : memref<16x128xf32, #tpu.memory_space<vmem>>, vector<16xf32>,
      %neg3A_2380 = arith.constant 0.000000e+00 : f32
      %neg3A_2381 = vector.broadcast %neg3A_2380 : f32 to vector<16xf32>
      %neg3A_2382 = arith.subf %neg3A_2381, %get3A_2379 : vector<16xf32>
      %min3A_2383 = arith.minimumf %get3A_2379, %neg3A_2382 : vector<16xf32>
      %exp3A_2384 = math.exp %min3A_2383 : vector<16xf32>
      %mul3A_2385 = arith.constant -0.513961852 : f32
      %mul3A_2386 = vector.broadcast %mul3A_2385 : f32 to vector<16xf32>
      %mul3A_2387 = arith.mulf %mul3A_2386, %exp3A_2384 : vector<16xf32>
      %add3A_2388 = arith.constant 1.0934037 : f32
      %add3A_2389 = vector.broadcast %add3A_2388 : f32 to vector<16xf32>
      %add3A_2390 = arith.addf %mul3A_2387, %add3A_2389 : vector<16xf32>
      %mul3A_2391 = arith.mulf %add3A_2390, %exp3A_2384 : vector<16xf32>
      %add3A_2392 = arith.constant -0.971954882 : f32
      %add3A_2393 = vector.broadcast %add3A_2392 : f32 to vector<16xf32>
      %add3A_2394 = arith.addf %mul3A_2391, %add3A_2393 : vector<16xf32>
      %mul3A_2395 = arith.mulf %add3A_2394, %exp3A_2384 : vector<16xf32>
      %add3A_2396 = arith.constant 5.000000e-01 : f32
      %add3A_2397 = vector.broadcast %add3A_2396 : f32 to vector<16xf32>
      %add3A_2398 = arith.addf %mul3A_2395, %add3A_2397 : vector<16xf32>
      %mul3A_2399 = arith.constant 0.435844094 : f32
      %mul3A_2400 = vector.broadcast %mul3A_2399 : f32 to vector<16xf32>
      %mul3A_2401 = arith.mulf %mul3A_2400, %exp3A_2384 : vector<16xf32>
      %add3A_2402 = arith.constant -0.801728367 : f32
      %add3A_2403 = vector.broadcast %add3A_2402 : f32 to vector<16xf32>
      %add3A_2404 = arith.addf %mul3A_2401, %add3A_2403 : vector<16xf32>
      %mul3A_2405 = arith.mulf %add3A_2404, %exp3A_2384 : vector<16xf32>
      %add3A_2406 = arith.constant 0.469989896 : f32
      %add3A_2407 = vector.broadcast %add3A_2406 : f32 to vector<16xf32>
      %add3A_2408 = arith.addf %mul3A_2405, %add3A_2407 : vector<16xf32>
      %mul3A_2409 = arith.mulf %add3A_2408, %exp3A_2384 : vector<16xf32>
      %add3A_2410 = arith.constant 0.000000e+00 : f32
      %add3A_2411 = vector.broadcast %add3A_2410 : f32 to vector<16xf32>
      %add3A_2412 = arith.addf %mul3A_2409, %add3A_2411 : vector<16xf32>
      %ge3A_2413 = arith.constant 0.000000e+00 : f32
      %ge3A_2414 = vector.broadcast %ge3A_2413 : f32 to vector<16xf32>
      %ge3A_2415 = arith.cmpf oge, %get3A_2379, %ge3A_2414 : vector<16xf32>
      %mul3A_2416 = arith.mulf %get3A_2379, %add3A_2398 : vector<16xf32>
      %add3A_2417 = arith.addf %mul3A_2416, %add3A_2412 : vector<16xf32>
      %mul3A_2418 = arith.mulf %exp3A_2384, %exp3A_2384 : vector<16xf32>
      %mul3A_2419 = arith.mulf %mul3A_2418, %add3A_2412 : vector<16xf32>
      %select_n3A_2420 = arith.select %ge3A_2415, %add3A_2417, %mul3A_2419 : vector<16xi1>, vector<16xf32>
      %add3A_2421 = arith.addf %add3A_2237, %select_n3A_2420 : vector<16xf32>
      %add3A_2422 = arith.addf %add3A_2283, %add3A_2329 : vector<16xf32>
      %add3A_2423 = arith.addf %add3A_2375, %add3A_2421 : vector<16xf32>
      %add3A_2424 = arith.addf %add3A_2422, %add3A_2423 : vector<16xf32>
      %min3A_2425 = arith.constant 15 : i32
      %min3A_2426 = vector.broadcast %min3A_2425 : i32 to vector<16xi32>
      %min3A_2427 = arith.minsi %get3A_1675, %min3A_2426 : vector<16xi32>
      %add3A_2428 = vector.broadcast %mul3A_1673 : i32 to vector<16xi32>
      %add3A_2429 = arith.addi %add3A_2428, %iota3A : vector<16xi32>
      %gather3A_2430 = tpu.vector_load_idx %arg7[%min3A_2427, %add3A_2429] : memref<16x128xf32, #tpu.memory_space<vmem>>[vector<16xi32>, vector<16xi32>], vector<16xf32>,
      %neg3A_2431 = arith.constant 0.000000e+00 : f32
      %neg3A_2432 = vector.broadcast %neg3A_2431 : f32 to vector<16xf32>
      %neg3A_2433 = arith.subf %neg3A_2432, %gather3A_2430 : vector<16xf32>
      %min3A_2434 = arith.minimumf %gather3A_2430, %neg3A_2433 : vector<16xf32>
      %exp3A_2435 = math.exp %min3A_2434 : vector<16xf32>
      %mul3A_2436 = arith.constant -0.513961852 : f32
      %mul3A_2437 = vector.broadcast %mul3A_2436 : f32 to vector<16xf32>
      %mul3A_2438 = arith.mulf %mul3A_2437, %exp3A_2435 : vector<16xf32>
      %add3A_2439 = arith.constant 1.0934037 : f32
      %add3A_2440 = vector.broadcast %add3A_2439 : f32 to vector<16xf32>
      %add3A_2441 = arith.addf %mul3A_2438, %add3A_2440 : vector<16xf32>
      %mul3A_2442 = arith.mulf %add3A_2441, %exp3A_2435 : vector<16xf32>
      %add3A_2443 = arith.constant -0.971954882 : f32
      %add3A_2444 = vector.broadcast %add3A_2443 : f32 to vector<16xf32>
      %add3A_2445 = arith.addf %mul3A_2442, %add3A_2444 : vector<16xf32>
      %mul3A_2446 = arith.mulf %add3A_2445, %exp3A_2435 : vector<16xf32>
      %add3A_2447 = arith.constant 5.000000e-01 : f32
      %add3A_2448 = vector.broadcast %add3A_2447 : f32 to vector<16xf32>
      %add3A_2449 = arith.addf %mul3A_2446, %add3A_2448 : vector<16xf32>
      %mul3A_2450 = arith.constant 0.435844094 : f32
      %mul3A_2451 = vector.broadcast %mul3A_2450 : f32 to vector<16xf32>
      %mul3A_2452 = arith.mulf %mul3A_2451, %exp3A_2435 : vector<16xf32>
      %add3A_2453 = arith.constant -0.801728367 : f32
      %add3A_2454 = vector.broadcast %add3A_2453 : f32 to vector<16xf32>
      %add3A_2455 = arith.addf %mul3A_2452, %add3A_2454 : vector<16xf32>
      %mul3A_2456 = arith.mulf %add3A_2455, %exp3A_2435 : vector<16xf32>
      %add3A_2457 = arith.constant 0.469989896 : f32
      %add3A_2458 = vector.broadcast %add3A_2457 : f32 to vector<16xf32>
      %add3A_2459 = arith.addf %mul3A_2456, %add3A_2458 : vector<16xf32>
      %mul3A_2460 = arith.mulf %add3A_2459, %exp3A_2435 : vector<16xf32>
      %add3A_2461 = arith.constant 0.000000e+00 : f32
      %add3A_2462 = vector.broadcast %add3A_2461 : f32 to vector<16xf32>
      %add3A_2463 = arith.addf %mul3A_2460, %add3A_2462 : vector<16xf32>
      %mul3A_2464 = arith.mulf %gather3A_2430, %add3A_2449 : vector<16xf32>
      %add3A_2465 = arith.addf %mul3A_2464, %add3A_2463 : vector<16xf32>
      %sub3A_2466 = arith.subf %add3A_2463, %mul3A_2464 : vector<16xf32>
      %mul3A_2467 = arith.mulf %exp3A_2435, %exp3A_2435 : vector<16xf32>
      %mul3A_2468 = arith.mulf %mul3A_2467, %add3A_2463 : vector<16xf32>
      %ge3A_2469 = arith.constant 4.000000e-01 : f32
      %ge3A_2470 = vector.broadcast %ge3A_2469 : f32 to vector<16xf32>
      %ge3A_2471 = arith.cmpf oge, %get3A_1677, %ge3A_2470 : vector<16xf32>
      %sub3A_2472 = arith.constant 2.000000e+00 : f32
      %sub3A_2473 = vector.broadcast %sub3A_2472 : f32 to vector<16xf32>
      %sub3A_2474 = arith.subf %sub3A_2473, %get3A_1677 : vector<16xf32>
      %mul3A_2475 = arith.mulf %get3A_1677, %sub3A_2474 : vector<16xf32>
      %mul3A_2476 = arith.mulf %get3A_1677, %get3A_1677 : vector<16xf32>
      %select_n3A_2477 = arith.select %ge3A_2471, %mul3A_2475, %mul3A_2476 : vector<16xi1>, vector<16xf32>
      %ge3A_2478 = arith.constant 0.000000e+00 : f32
      %ge3A_2479 = vector.broadcast %ge3A_2478 : f32 to vector<16xf32>
      %ge3A_2480 = arith.cmpf oge, %gather3A_2430, %ge3A_2479 : vector<16xf32>
      %select_n3A_2481 = arith.select %ge3A_2480, %mul3A_2468, %sub3A_2466 : vector<16xi1>, vector<16xf32>
      %mul3A_2482 = arith.mulf %select_n3A_2477, %select_n3A_2481 : vector<16xf32>
      %select_n3A_2483 = arith.select %ge3A_2480, %add3A_2465, %mul3A_2468 : vector<16xi1>, vector<16xf32>
      %sub3A_2484 = arith.subf %mul3A_2482, %select_n3A_2483 : vector<16xf32>
      %lt3A_2485 = arith.constant 16 : i32
      %lt3A_2486 = vector.broadcast %lt3A_2485 : i32 to vector<16xi32>
      %lt3A_2487 = arith.cmpi slt, %get3A_1675, %lt3A_2486 : vector<16xi32>
      %jit3A_2488 = arith.constant 0.000000e+00 : f32
      %broadcast_in_dim3A_2489 = vector.broadcast %jit3A_2488 : f32 to vector<16xf32>
      %select_n3A_2490 = arith.select %lt3A_2487, %sub3A_2484, %broadcast_in_dim3A_2489 : vector<16xi1>, vector<16xf32>
      %add3A_2491 = arith.addf %add3A_2424, %select_n3A_2490 : vector<16xf32>
      %add3A_2492 = arith.addf %scan3A_1671, %add3A_2491 : vector<16xf32>
      scf.yield %add3A_2492 : vector<16xf32>
    }
    %scan3A_21 = arith.constant 8 : i32
    %lt3A = arith.constant 13 : i32
    %lt3A_22 = arith.cmpi slt, %add3A, %lt3A : i32
    %convert_element_type3A = arith.extui %lt3A_22 : i1 to i32
    %convert_element_type3A_23 = arith.sitofp %convert_element_type3A : i32 to f32
    %mul3A_24 = vector.broadcast %convert_element_type3A_23 : f32 to vector<16xf32>
    %mul3A_25 = arith.mulf %scan3A_20, %mul3A_24 : vector<16xf32>
    %add3A_26 = arith.addf %scan3A_12, %mul3A_25 : vector<16xf32>
    %broadcast_in_dim3A_27 = arith.constant 0.000000e+00 : f32
    %broadcast_in_dim3A_28 = vector.broadcast %broadcast_in_dim3A_27 : f32 to vector<16xf32>
    %get3A = arith.constant 0 : index
    %get3A_29 = tpu.vector_load %arg13[%get3A] {strides = array<i32>} : memref<32xi32, #tpu.memory_space<vmem>>, vector<16xi32>,
    %get3A_30 = arith.constant 0 : index
    %get3A_31 = tpu.vector_load %arg14[%get3A_30] {strides = array<i32>} : memref<32xf32, #tpu.memory_space<vmem>>, vector<16xf32>,
    %broadcast_in_dim3A_32 = arith.constant 0.000000e+00 : f32
    %broadcast_in_dim3A_33 = vector.broadcast %broadcast_in_dim3A_32 : f32 to vector<16xf32>
    %broadcast_in_dim3A_34 = arith.constant 0.000000e+00 : f32
    %broadcast_in_dim3A_35 = vector.broadcast %broadcast_in_dim3A_34 : f32 to vector<16xf32>
    %broadcast_in_dim3A_36 = arith.constant 0.000000e+00 : f32
    %broadcast_in_dim3A_37 = vector.broadcast %broadcast_in_dim3A_36 : f32 to vector<16xf32>
    %broadcast_in_dim3A_38 = arith.constant 0.000000e+00 : f32
    %broadcast_in_dim3A_39 = vector.broadcast %broadcast_in_dim3A_38 : f32 to vector<16xf32>
    %get3A_40 = arith.constant 0 : i32
    %get3A_41 = arith.index_cast %get3A_40 : i32 to index
    %get3A_42 = arith.constant 0 : index
    %get3A_43 = tpu.vector_load %arg8[%get3A_41, %get3A_42] {strides = array<i32>} : memref<16x32xf32, #tpu.memory_space<vmem>>, vector<16xf32>,
    %neg3A = arith.constant 0.000000e+00 : f32
    %neg3A_44 = vector.broadcast %neg3A : f32 to vector<16xf32>
    %neg3A_45 = arith.subf %neg3A_44, %get3A_43 : vector<16xf32>
    %min3A_46 = arith.minimumf %get3A_43, %neg3A_45 : vector<16xf32>
    %exp3A = math.exp %min3A_46 : vector<16xf32>
    %mul3A_47 = arith.constant -0.513961852 : f32
    %mul3A_48 = vector.broadcast %mul3A_47 : f32 to vector<16xf32>
    %mul3A_49 = arith.mulf %mul3A_48, %exp3A : vector<16xf32>
    %add3A_50 = arith.constant 1.0934037 : f32
    %add3A_51 = vector.broadcast %add3A_50 : f32 to vector<16xf32>
    %add3A_52 = arith.addf %mul3A_49, %add3A_51 : vector<16xf32>
    %mul3A_53 = arith.mulf %add3A_52, %exp3A : vector<16xf32>
    %add3A_54 = arith.constant -0.971954882 : f32
    %add3A_55 = vector.broadcast %add3A_54 : f32 to vector<16xf32>
    %add3A_56 = arith.addf %mul3A_53, %add3A_55 : vector<16xf32>
    %mul3A_57 = arith.mulf %add3A_56, %exp3A : vector<16xf32>
    %add3A_58 = arith.constant 5.000000e-01 : f32
    %add3A_59 = vector.broadcast %add3A_58 : f32 to vector<16xf32>
    %add3A_60 = arith.addf %mul3A_57, %add3A_59 : vector<16xf32>
    %mul3A_61 = arith.constant 0.435844094 : f32
    %mul3A_62 = vector.broadcast %mul3A_61 : f32 to vector<16xf32>
    %mul3A_63 = arith.mulf %mul3A_62, %exp3A : vector<16xf32>
    %add3A_64 = arith.constant -0.801728367 : f32
    %add3A_65 = vector.broadcast %add3A_64 : f32 to vector<16xf32>
    %add3A_66 = arith.addf %mul3A_63, %add3A_65 : vector<16xf32>
    %mul3A_67 = arith.mulf %add3A_66, %exp3A : vector<16xf32>
    %add3A_68 = arith.constant 0.469989896 : f32
    %add3A_69 = vector.broadcast %add3A_68 : f32 to vector<16xf32>
    %add3A_70 = arith.addf %mul3A_67, %add3A_69 : vector<16xf32>
    %mul3A_71 = arith.mulf %add3A_70, %exp3A : vector<16xf32>
    %add3A_72 = arith.constant 0.000000e+00 : f32
    %add3A_73 = vector.broadcast %add3A_72 : f32 to vector<16xf32>
    %add3A_74 = arith.addf %mul3A_71, %add3A_73 : vector<16xf32>
    %ge3A = arith.constant 0.000000e+00 : f32
    %ge3A_75 = vector.broadcast %ge3A : f32 to vector<16xf32>
    %ge3A_76 = arith.cmpf oge, %get3A_43, %ge3A_75 : vector<16xf32>
    %mul3A_77 = arith.mulf %get3A_43, %add3A_60 : vector<16xf32>
    %add3A_78 = arith.addf %mul3A_77, %add3A_74 : vector<16xf32>
    %mul3A_79 = arith.mulf %exp3A, %exp3A : vector<16xf32>
    %mul3A_80 = arith.mulf %mul3A_79, %add3A_74 : vector<16xf32>
    %select_n3A = arith.select %ge3A_76, %add3A_78, %mul3A_80 : vector<16xi1>, vector<16xf32>
    %add3A_81 = arith.addf %broadcast_in_dim3A_33, %select_n3A : vector<16xf32>
    %get3A_82 = arith.constant 1 : i32
    %get3A_83 = arith.index_cast %get3A_82 : i32 to index
    %get3A_84 = arith.constant 0 : index
    %get3A_85 = tpu.vector_load %arg8[%get3A_83, %get3A_84] {strides = array<i32>} : memref<16x32xf32, #tpu.memory_space<vmem>>, vector<16xf32>,
    %neg3A_86 = arith.constant 0.000000e+00 : f32
    %neg3A_87 = vector.broadcast %neg3A_86 : f32 to vector<16xf32>
    %neg3A_88 = arith.subf %neg3A_87, %get3A_85 : vector<16xf32>
    %min3A_89 = arith.minimumf %get3A_85, %neg3A_88 : vector<16xf32>
    %exp3A_90 = math.exp %min3A_89 : vector<16xf32>
    %mul3A_91 = arith.constant -0.513961852 : f32
    %mul3A_92 = vector.broadcast %mul3A_91 : f32 to vector<16xf32>
    %mul3A_93 = arith.mulf %mul3A_92, %exp3A_90 : vector<16xf32>
    %add3A_94 = arith.constant 1.0934037 : f32
    %add3A_95 = vector.broadcast %add3A_94 : f32 to vector<16xf32>
    %add3A_96 = arith.addf %mul3A_93, %add3A_95 : vector<16xf32>
    %mul3A_97 = arith.mulf %add3A_96, %exp3A_90 : vector<16xf32>
    %add3A_98 = arith.constant -0.971954882 : f32
    %add3A_99 = vector.broadcast %add3A_98 : f32 to vector<16xf32>
    %add3A_100 = arith.addf %mul3A_97, %add3A_99 : vector<16xf32>
    %mul3A_101 = arith.mulf %add3A_100, %exp3A_90 : vector<16xf32>
    %add3A_102 = arith.constant 5.000000e-01 : f32
    %add3A_103 = vector.broadcast %add3A_102 : f32 to vector<16xf32>
    %add3A_104 = arith.addf %mul3A_101, %add3A_103 : vector<16xf32>
    %mul3A_105 = arith.constant 0.435844094 : f32
    %mul3A_106 = vector.broadcast %mul3A_105 : f32 to vector<16xf32>
    %mul3A_107 = arith.mulf %mul3A_106, %exp3A_90 : vector<16xf32>
    %add3A_108 = arith.constant -0.801728367 : f32
    %add3A_109 = vector.broadcast %add3A_108 : f32 to vector<16xf32>
    %add3A_110 = arith.addf %mul3A_107, %add3A_109 : vector<16xf32>
    %mul3A_111 = arith.mulf %add3A_110, %exp3A_90 : vector<16xf32>
    %add3A_112 = arith.constant 0.469989896 : f32
    %add3A_113 = vector.broadcast %add3A_112 : f32 to vector<16xf32>
    %add3A_114 = arith.addf %mul3A_111, %add3A_113 : vector<16xf32>
    %mul3A_115 = arith.mulf %add3A_114, %exp3A_90 : vector<16xf32>
    %add3A_116 = arith.constant 0.000000e+00 : f32
    %add3A_117 = vector.broadcast %add3A_116 : f32 to vector<16xf32>
    %add3A_118 = arith.addf %mul3A_115, %add3A_117 : vector<16xf32>
    %ge3A_119 = arith.constant 0.000000e+00 : f32
    %ge3A_120 = vector.broadcast %ge3A_119 : f32 to vector<16xf32>
    %ge3A_121 = arith.cmpf oge, %get3A_85, %ge3A_120 : vector<16xf32>
    %mul3A_122 = arith.mulf %get3A_85, %add3A_104 : vector<16xf32>
    %add3A_123 = arith.addf %mul3A_122, %add3A_118 : vector<16xf32>
    %mul3A_124 = arith.mulf %exp3A_90, %exp3A_90 : vector<16xf32>
    %mul3A_125 = arith.mulf %mul3A_124, %add3A_118 : vector<16xf32>
    %select_n3A_126 = arith.select %ge3A_121, %add3A_123, %mul3A_125 : vector<16xi1>, vector<16xf32>
    %add3A_127 = arith.addf %broadcast_in_dim3A_35, %select_n3A_126 : vector<16xf32>
    %get3A_128 = arith.constant 2 : i32
    %get3A_129 = arith.index_cast %get3A_128 : i32 to index
    %get3A_130 = arith.constant 0 : index
    %get3A_131 = tpu.vector_load %arg8[%get3A_129, %get3A_130] {strides = array<i32>} : memref<16x32xf32, #tpu.memory_space<vmem>>, vector<16xf32>,
    %neg3A_132 = arith.constant 0.000000e+00 : f32
    %neg3A_133 = vector.broadcast %neg3A_132 : f32 to vector<16xf32>
    %neg3A_134 = arith.subf %neg3A_133, %get3A_131 : vector<16xf32>
    %min3A_135 = arith.minimumf %get3A_131, %neg3A_134 : vector<16xf32>
    %exp3A_136 = math.exp %min3A_135 : vector<16xf32>
    %mul3A_137 = arith.constant -0.513961852 : f32
    %mul3A_138 = vector.broadcast %mul3A_137 : f32 to vector<16xf32>
    %mul3A_139 = arith.mulf %mul3A_138, %exp3A_136 : vector<16xf32>
    %add3A_140 = arith.constant 1.0934037 : f32
    %add3A_141 = vector.broadcast %add3A_140 : f32 to vector<16xf32>
    %add3A_142 = arith.addf %mul3A_139, %add3A_141 : vector<16xf32>
    %mul3A_143 = arith.mulf %add3A_142, %exp3A_136 : vector<16xf32>
    %add3A_144 = arith.constant -0.971954882 : f32
    %add3A_145 = vector.broadcast %add3A_144 : f32 to vector<16xf32>
    %add3A_146 = arith.addf %mul3A_143, %add3A_145 : vector<16xf32>
    %mul3A_147 = arith.mulf %add3A_146, %exp3A_136 : vector<16xf32>
    %add3A_148 = arith.constant 5.000000e-01 : f32
    %add3A_149 = vector.broadcast %add3A_148 : f32 to vector<16xf32>
    %add3A_150 = arith.addf %mul3A_147, %add3A_149 : vector<16xf32>
    %mul3A_151 = arith.constant 0.435844094 : f32
    %mul3A_152 = vector.broadcast %mul3A_151 : f32 to vector<16xf32>
    %mul3A_153 = arith.mulf %mul3A_152, %exp3A_136 : vector<16xf32>
    %add3A_154 = arith.constant -0.801728367 : f32
    %add3A_155 = vector.broadcast %add3A_154 : f32 to vector<16xf32>
    %add3A_156 = arith.addf %mul3A_153, %add3A_155 : vector<16xf32>
    %mul3A_157 = arith.mulf %add3A_156, %exp3A_136 : vector<16xf32>
    %add3A_158 = arith.constant 0.469989896 : f32
    %add3A_159 = vector.broadcast %add3A_158 : f32 to vector<16xf32>
    %add3A_160 = arith.addf %mul3A_157, %add3A_159 : vector<16xf32>
    %mul3A_161 = arith.mulf %add3A_160, %exp3A_136 : vector<16xf32>
    %add3A_162 = arith.constant 0.000000e+00 : f32
    %add3A_163 = vector.broadcast %add3A_162 : f32 to vector<16xf32>
    %add3A_164 = arith.addf %mul3A_161, %add3A_163 : vector<16xf32>
    %ge3A_165 = arith.constant 0.000000e+00 : f32
    %ge3A_166 = vector.broadcast %ge3A_165 : f32 to vector<16xf32>
    %ge3A_167 = arith.cmpf oge, %get3A_131, %ge3A_166 : vector<16xf32>
    %mul3A_168 = arith.mulf %get3A_131, %add3A_150 : vector<16xf32>
    %add3A_169 = arith.addf %mul3A_168, %add3A_164 : vector<16xf32>
    %mul3A_170 = arith.mulf %exp3A_136, %exp3A_136 : vector<16xf32>
    %mul3A_171 = arith.mulf %mul3A_170, %add3A_164 : vector<16xf32>
    %select_n3A_172 = arith.select %ge3A_167, %add3A_169, %mul3A_171 : vector<16xi1>, vector<16xf32>
    %add3A_173 = arith.addf %broadcast_in_dim3A_37, %select_n3A_172 : vector<16xf32>
    %get3A_174 = arith.constant 3 : i32
    %get3A_175 = arith.index_cast %get3A_174 : i32 to index
    %get3A_176 = arith.constant 0 : index
    %get3A_177 = tpu.vector_load %arg8[%get3A_175, %get3A_176] {strides = array<i32>} : memref<16x32xf32, #tpu.memory_space<vmem>>, vector<16xf32>,
    %neg3A_178 = arith.constant 0.000000e+00 : f32
    %neg3A_179 = vector.broadcast %neg3A_178 : f32 to vector<16xf32>
    %neg3A_180 = arith.subf %neg3A_179, %get3A_177 : vector<16xf32>
    %min3A_181 = arith.minimumf %get3A_177, %neg3A_180 : vector<16xf32>
    %exp3A_182 = math.exp %min3A_181 : vector<16xf32>
    %mul3A_183 = arith.constant -0.513961852 : f32
    %mul3A_184 = vector.broadcast %mul3A_183 : f32 to vector<16xf32>
    %mul3A_185 = arith.mulf %mul3A_184, %exp3A_182 : vector<16xf32>
    %add3A_186 = arith.constant 1.0934037 : f32
    %add3A_187 = vector.broadcast %add3A_186 : f32 to vector<16xf32>
    %add3A_188 = arith.addf %mul3A_185, %add3A_187 : vector<16xf32>
    %mul3A_189 = arith.mulf %add3A_188, %exp3A_182 : vector<16xf32>
    %add3A_190 = arith.constant -0.971954882 : f32
    %add3A_191 = vector.broadcast %add3A_190 : f32 to vector<16xf32>
    %add3A_192 = arith.addf %mul3A_189, %add3A_191 : vector<16xf32>
    %mul3A_193 = arith.mulf %add3A_192, %exp3A_182 : vector<16xf32>
    %add3A_194 = arith.constant 5.000000e-01 : f32
    %add3A_195 = vector.broadcast %add3A_194 : f32 to vector<16xf32>
    %add3A_196 = arith.addf %mul3A_193, %add3A_195 : vector<16xf32>
    %mul3A_197 = arith.constant 0.435844094 : f32
    %mul3A_198 = vector.broadcast %mul3A_197 : f32 to vector<16xf32>
    %mul3A_199 = arith.mulf %mul3A_198, %exp3A_182 : vector<16xf32>
    %add3A_200 = arith.constant -0.801728367 : f32
    %add3A_201 = vector.broadcast %add3A_200 : f32 to vector<16xf32>
    %add3A_202 = arith.addf %mul3A_199, %add3A_201 : vector<16xf32>
    %mul3A_203 = arith.mulf %add3A_202, %exp3A_182 : vector<16xf32>
    %add3A_204 = arith.constant 0.469989896 : f32
    %add3A_205 = vector.broadcast %add3A_204 : f32 to vector<16xf32>
    %add3A_206 = arith.addf %mul3A_203, %add3A_205 : vector<16xf32>
    %mul3A_207 = arith.mulf %add3A_206, %exp3A_182 : vector<16xf32>
    %add3A_208 = arith.constant 0.000000e+00 : f32
    %add3A_209 = vector.broadcast %add3A_208 : f32 to vector<16xf32>
    %add3A_210 = arith.addf %mul3A_207, %add3A_209 : vector<16xf32>
    %ge3A_211 = arith.constant 0.000000e+00 : f32
    %ge3A_212 = vector.broadcast %ge3A_211 : f32 to vector<16xf32>
    %ge3A_213 = arith.cmpf oge, %get3A_177, %ge3A_212 : vector<16xf32>
    %mul3A_214 = arith.mulf %get3A_177, %add3A_196 : vector<16xf32>
    %add3A_215 = arith.addf %mul3A_214, %add3A_210 : vector<16xf32>
    %mul3A_216 = arith.mulf %exp3A_182, %exp3A_182 : vector<16xf32>
    %mul3A_217 = arith.mulf %mul3A_216, %add3A_210 : vector<16xf32>
    %select_n3A_218 = arith.select %ge3A_213, %add3A_215, %mul3A_217 : vector<16xi1>, vector<16xf32>
    %add3A_219 = arith.addf %broadcast_in_dim3A_39, %select_n3A_218 : vector<16xf32>
    %get3A_220 = arith.constant 4 : i32
    %get3A_221 = arith.index_cast %get3A_220 : i32 to index
    %get3A_222 = arith.constant 0 : index
    %get3A_223 = tpu.vector_load %arg8[%get3A_221, %get3A_222] {strides = array<i32>} : memref<16x32xf32, #tpu.memory_space<vmem>>, vector<16xf32>,
    %neg3A_224 = arith.constant 0.000000e+00 : f32
    %neg3A_225 = vector.broadcast %neg3A_224 : f32 to vector<16xf32>
    %neg3A_226 = arith.subf %neg3A_225, %get3A_223 : vector<16xf32>
    %min3A_227 = arith.minimumf %get3A_223, %neg3A_226 : vector<16xf32>
    %exp3A_228 = math.exp %min3A_227 : vector<16xf32>
    %mul3A_229 = arith.constant -0.513961852 : f32
    %mul3A_230 = vector.broadcast %mul3A_229 : f32 to vector<16xf32>
    %mul3A_231 = arith.mulf %mul3A_230, %exp3A_228 : vector<16xf32>
    %add3A_232 = arith.constant 1.0934037 : f32
    %add3A_233 = vector.broadcast %add3A_232 : f32 to vector<16xf32>
    %add3A_234 = arith.addf %mul3A_231, %add3A_233 : vector<16xf32>
    %mul3A_235 = arith.mulf %add3A_234, %exp3A_228 : vector<16xf32>
    %add3A_236 = arith.constant -0.971954882 : f32
    %add3A_237 = vector.broadcast %add3A_236 : f32 to vector<16xf32>
    %add3A_238 = arith.addf %mul3A_235, %add3A_237 : vector<16xf32>
    %mul3A_239 = arith.mulf %add3A_238, %exp3A_228 : vector<16xf32>
    %add3A_240 = arith.constant 5.000000e-01 : f32
    %add3A_241 = vector.broadcast %add3A_240 : f32 to vector<16xf32>
    %add3A_242 = arith.addf %mul3A_239, %add3A_241 : vector<16xf32>
    %mul3A_243 = arith.constant 0.435844094 : f32
    %mul3A_244 = vector.broadcast %mul3A_243 : f32 to vector<16xf32>
    %mul3A_245 = arith.mulf %mul3A_244, %exp3A_228 : vector<16xf32>
    %add3A_246 = arith.constant -0.801728367 : f32
    %add3A_247 = vector.broadcast %add3A_246 : f32 to vector<16xf32>
    %add3A_248 = arith.addf %mul3A_245, %add3A_247 : vector<16xf32>
    %mul3A_249 = arith.mulf %add3A_248, %exp3A_228 : vector<16xf32>
    %add3A_250 = arith.constant 0.469989896 : f32
    %add3A_251 = vector.broadcast %add3A_250 : f32 to vector<16xf32>
    %add3A_252 = arith.addf %mul3A_249, %add3A_251 : vector<16xf32>
    %mul3A_253 = arith.mulf %add3A_252, %exp3A_228 : vector<16xf32>
    %add3A_254 = arith.constant 0.000000e+00 : f32
    %add3A_255 = vector.broadcast %add3A_254 : f32 to vector<16xf32>
    %add3A_256 = arith.addf %mul3A_253, %add3A_255 : vector<16xf32>
    %ge3A_257 = arith.constant 0.000000e+00 : f32
    %ge3A_258 = vector.broadcast %ge3A_257 : f32 to vector<16xf32>
    %ge3A_259 = arith.cmpf oge, %get3A_223, %ge3A_258 : vector<16xf32>
    %mul3A_260 = arith.mulf %get3A_223, %add3A_242 : vector<16xf32>
    %add3A_261 = arith.addf %mul3A_260, %add3A_256 : vector<16xf32>
    %mul3A_262 = arith.mulf %exp3A_228, %exp3A_228 : vector<16xf32>
    %mul3A_263 = arith.mulf %mul3A_262, %add3A_256 : vector<16xf32>
    %select_n3A_264 = arith.select %ge3A_259, %add3A_261, %mul3A_263 : vector<16xi1>, vector<16xf32>
    %add3A_265 = arith.addf %add3A_81, %select_n3A_264 : vector<16xf32>
    %get3A_266 = arith.constant 5 : i32
    %get3A_267 = arith.index_cast %get3A_266 : i32 to index
    %get3A_268 = arith.constant 0 : index
    %get3A_269 = tpu.vector_load %arg8[%get3A_267, %get3A_268] {strides = array<i32>} : memref<16x32xf32, #tpu.memory_space<vmem>>, vector<16xf32>,
    %neg3A_270 = arith.constant 0.000000e+00 : f32
    %neg3A_271 = vector.broadcast %neg3A_270 : f32 to vector<16xf32>
    %neg3A_272 = arith.subf %neg3A_271, %get3A_269 : vector<16xf32>
    %min3A_273 = arith.minimumf %get3A_269, %neg3A_272 : vector<16xf32>
    %exp3A_274 = math.exp %min3A_273 : vector<16xf32>
    %mul3A_275 = arith.constant -0.513961852 : f32
    %mul3A_276 = vector.broadcast %mul3A_275 : f32 to vector<16xf32>
    %mul3A_277 = arith.mulf %mul3A_276, %exp3A_274 : vector<16xf32>
    %add3A_278 = arith.constant 1.0934037 : f32
    %add3A_279 = vector.broadcast %add3A_278 : f32 to vector<16xf32>
    %add3A_280 = arith.addf %mul3A_277, %add3A_279 : vector<16xf32>
    %mul3A_281 = arith.mulf %add3A_280, %exp3A_274 : vector<16xf32>
    %add3A_282 = arith.constant -0.971954882 : f32
    %add3A_283 = vector.broadcast %add3A_282 : f32 to vector<16xf32>
    %add3A_284 = arith.addf %mul3A_281, %add3A_283 : vector<16xf32>
    %mul3A_285 = arith.mulf %add3A_284, %exp3A_274 : vector<16xf32>
    %add3A_286 = arith.constant 5.000000e-01 : f32
    %add3A_287 = vector.broadcast %add3A_286 : f32 to vector<16xf32>
    %add3A_288 = arith.addf %mul3A_285, %add3A_287 : vector<16xf32>
    %mul3A_289 = arith.constant 0.435844094 : f32
    %mul3A_290 = vector.broadcast %mul3A_289 : f32 to vector<16xf32>
    %mul3A_291 = arith.mulf %mul3A_290, %exp3A_274 : vector<16xf32>
    %add3A_292 = arith.constant -0.801728367 : f32
    %add3A_293 = vector.broadcast %add3A_292 : f32 to vector<16xf32>
    %add3A_294 = arith.addf %mul3A_291, %add3A_293 : vector<16xf32>
    %mul3A_295 = arith.mulf %add3A_294, %exp3A_274 : vector<16xf32>
    %add3A_296 = arith.constant 0.469989896 : f32
    %add3A_297 = vector.broadcast %add3A_296 : f32 to vector<16xf32>
    %add3A_298 = arith.addf %mul3A_295, %add3A_297 : vector<16xf32>
    %mul3A_299 = arith.mulf %add3A_298, %exp3A_274 : vector<16xf32>
    %add3A_300 = arith.constant 0.000000e+00 : f32
    %add3A_301 = vector.broadcast %add3A_300 : f32 to vector<16xf32>
    %add3A_302 = arith.addf %mul3A_299, %add3A_301 : vector<16xf32>
    %ge3A_303 = arith.constant 0.000000e+00 : f32
    %ge3A_304 = vector.broadcast %ge3A_303 : f32 to vector<16xf32>
    %ge3A_305 = arith.cmpf oge, %get3A_269, %ge3A_304 : vector<16xf32>
    %mul3A_306 = arith.mulf %get3A_269, %add3A_288 : vector<16xf32>
    %add3A_307 = arith.addf %mul3A_306, %add3A_302 : vector<16xf32>
    %mul3A_308 = arith.mulf %exp3A_274, %exp3A_274 : vector<16xf32>
    %mul3A_309 = arith.mulf %mul3A_308, %add3A_302 : vector<16xf32>
    %select_n3A_310 = arith.select %ge3A_305, %add3A_307, %mul3A_309 : vector<16xi1>, vector<16xf32>
    %add3A_311 = arith.addf %add3A_127, %select_n3A_310 : vector<16xf32>
    %get3A_312 = arith.constant 6 : i32
    %get3A_313 = arith.index_cast %get3A_312 : i32 to index
    %get3A_314 = arith.constant 0 : index
    %get3A_315 = tpu.vector_load %arg8[%get3A_313, %get3A_314] {strides = array<i32>} : memref<16x32xf32, #tpu.memory_space<vmem>>, vector<16xf32>,
    %neg3A_316 = arith.constant 0.000000e+00 : f32
    %neg3A_317 = vector.broadcast %neg3A_316 : f32 to vector<16xf32>
    %neg3A_318 = arith.subf %neg3A_317, %get3A_315 : vector<16xf32>
    %min3A_319 = arith.minimumf %get3A_315, %neg3A_318 : vector<16xf32>
    %exp3A_320 = math.exp %min3A_319 : vector<16xf32>
    %mul3A_321 = arith.constant -0.513961852 : f32
    %mul3A_322 = vector.broadcast %mul3A_321 : f32 to vector<16xf32>
    %mul3A_323 = arith.mulf %mul3A_322, %exp3A_320 : vector<16xf32>
    %add3A_324 = arith.constant 1.0934037 : f32
    %add3A_325 = vector.broadcast %add3A_324 : f32 to vector<16xf32>
    %add3A_326 = arith.addf %mul3A_323, %add3A_325 : vector<16xf32>
    %mul3A_327 = arith.mulf %add3A_326, %exp3A_320 : vector<16xf32>
    %add3A_328 = arith.constant -0.971954882 : f32
    %add3A_329 = vector.broadcast %add3A_328 : f32 to vector<16xf32>
    %add3A_330 = arith.addf %mul3A_327, %add3A_329 : vector<16xf32>
    %mul3A_331 = arith.mulf %add3A_330, %exp3A_320 : vector<16xf32>
    %add3A_332 = arith.constant 5.000000e-01 : f32
    %add3A_333 = vector.broadcast %add3A_332 : f32 to vector<16xf32>
    %add3A_334 = arith.addf %mul3A_331, %add3A_333 : vector<16xf32>
    %mul3A_335 = arith.constant 0.435844094 : f32
    %mul3A_336 = vector.broadcast %mul3A_335 : f32 to vector<16xf32>
    %mul3A_337 = arith.mulf %mul3A_336, %exp3A_320 : vector<16xf32>
    %add3A_338 = arith.constant -0.801728367 : f32
    %add3A_339 = vector.broadcast %add3A_338 : f32 to vector<16xf32>
    %add3A_340 = arith.addf %mul3A_337, %add3A_339 : vector<16xf32>
    %mul3A_341 = arith.mulf %add3A_340, %exp3A_320 : vector<16xf32>
    %add3A_342 = arith.constant 0.469989896 : f32
    %add3A_343 = vector.broadcast %add3A_342 : f32 to vector<16xf32>
    %add3A_344 = arith.addf %mul3A_341, %add3A_343 : vector<16xf32>
    %mul3A_345 = arith.mulf %add3A_344, %exp3A_320 : vector<16xf32>
    %add3A_346 = arith.constant 0.000000e+00 : f32
    %add3A_347 = vector.broadcast %add3A_346 : f32 to vector<16xf32>
    %add3A_348 = arith.addf %mul3A_345, %add3A_347 : vector<16xf32>
    %ge3A_349 = arith.constant 0.000000e+00 : f32
    %ge3A_350 = vector.broadcast %ge3A_349 : f32 to vector<16xf32>
    %ge3A_351 = arith.cmpf oge, %get3A_315, %ge3A_350 : vector<16xf32>
    %mul3A_352 = arith.mulf %get3A_315, %add3A_334 : vector<16xf32>
    %add3A_353 = arith.addf %mul3A_352, %add3A_348 : vector<16xf32>
    %mul3A_354 = arith.mulf %exp3A_320, %exp3A_320 : vector<16xf32>
    %mul3A_355 = arith.mulf %mul3A_354, %add3A_348 : vector<16xf32>
    %select_n3A_356 = arith.select %ge3A_351, %add3A_353, %mul3A_355 : vector<16xi1>, vector<16xf32>
    %add3A_357 = arith.addf %add3A_173, %select_n3A_356 : vector<16xf32>
    %get3A_358 = arith.constant 7 : i32
    %get3A_359 = arith.index_cast %get3A_358 : i32 to index
    %get3A_360 = arith.constant 0 : index
    %get3A_361 = tpu.vector_load %arg8[%get3A_359, %get3A_360] {strides = array<i32>} : memref<16x32xf32, #tpu.memory_space<vmem>>, vector<16xf32>,
    %neg3A_362 = arith.constant 0.000000e+00 : f32
    %neg3A_363 = vector.broadcast %neg3A_362 : f32 to vector<16xf32>
    %neg3A_364 = arith.subf %neg3A_363, %get3A_361 : vector<16xf32>
    %min3A_365 = arith.minimumf %get3A_361, %neg3A_364 : vector<16xf32>
    %exp3A_366 = math.exp %min3A_365 : vector<16xf32>
    %mul3A_367 = arith.constant -0.513961852 : f32
    %mul3A_368 = vector.broadcast %mul3A_367 : f32 to vector<16xf32>
    %mul3A_369 = arith.mulf %mul3A_368, %exp3A_366 : vector<16xf32>
    %add3A_370 = arith.constant 1.0934037 : f32
    %add3A_371 = vector.broadcast %add3A_370 : f32 to vector<16xf32>
    %add3A_372 = arith.addf %mul3A_369, %add3A_371 : vector<16xf32>
    %mul3A_373 = arith.mulf %add3A_372, %exp3A_366 : vector<16xf32>
    %add3A_374 = arith.constant -0.971954882 : f32
    %add3A_375 = vector.broadcast %add3A_374 : f32 to vector<16xf32>
    %add3A_376 = arith.addf %mul3A_373, %add3A_375 : vector<16xf32>
    %mul3A_377 = arith.mulf %add3A_376, %exp3A_366 : vector<16xf32>
    %add3A_378 = arith.constant 5.000000e-01 : f32
    %add3A_379 = vector.broadcast %add3A_378 : f32 to vector<16xf32>
    %add3A_380 = arith.addf %mul3A_377, %add3A_379 : vector<16xf32>
    %mul3A_381 = arith.constant 0.435844094 : f32
    %mul3A_382 = vector.broadcast %mul3A_381 : f32 to vector<16xf32>
    %mul3A_383 = arith.mulf %mul3A_382, %exp3A_366 : vector<16xf32>
    %add3A_384 = arith.constant -0.801728367 : f32
    %add3A_385 = vector.broadcast %add3A_384 : f32 to vector<16xf32>
    %add3A_386 = arith.addf %mul3A_383, %add3A_385 : vector<16xf32>
    %mul3A_387 = arith.mulf %add3A_386, %exp3A_366 : vector<16xf32>
    %add3A_388 = arith.constant 0.469989896 : f32
    %add3A_389 = vector.broadcast %add3A_388 : f32 to vector<16xf32>
    %add3A_390 = arith.addf %mul3A_387, %add3A_389 : vector<16xf32>
    %mul3A_391 = arith.mulf %add3A_390, %exp3A_366 : vector<16xf32>
    %add3A_392 = arith.constant 0.000000e+00 : f32
    %add3A_393 = vector.broadcast %add3A_392 : f32 to vector<16xf32>
    %add3A_394 = arith.addf %mul3A_391, %add3A_393 : vector<16xf32>
    %ge3A_395 = arith.constant 0.000000e+00 : f32
    %ge3A_396 = vector.broadcast %ge3A_395 : f32 to vector<16xf32>
    %ge3A_397 = arith.cmpf oge, %get3A_361, %ge3A_396 : vector<16xf32>
    %mul3A_398 = arith.mulf %get3A_361, %add3A_380 : vector<16xf32>
    %add3A_399 = arith.addf %mul3A_398, %add3A_394 : vector<16xf32>
    %mul3A_400 = arith.mulf %exp3A_366, %exp3A_366 : vector<16xf32>
    %mul3A_401 = arith.mulf %mul3A_400, %add3A_394 : vector<16xf32>
    %select_n3A_402 = arith.select %ge3A_397, %add3A_399, %mul3A_401 : vector<16xi1>, vector<16xf32>
    %add3A_403 = arith.addf %add3A_219, %select_n3A_402 : vector<16xf32>
    %get3A_404 = arith.constant 8 : i32
    %get3A_405 = arith.index_cast %get3A_404 : i32 to index
    %get3A_406 = arith.constant 0 : index
    %get3A_407 = tpu.vector_load %arg8[%get3A_405, %get3A_406] {strides = array<i32>} : memref<16x32xf32, #tpu.memory_space<vmem>>, vector<16xf32>,
    %neg3A_408 = arith.constant 0.000000e+00 : f32
    %neg3A_409 = vector.broadcast %neg3A_408 : f32 to vector<16xf32>
    %neg3A_410 = arith.subf %neg3A_409, %get3A_407 : vector<16xf32>
    %min3A_411 = arith.minimumf %get3A_407, %neg3A_410 : vector<16xf32>
    %exp3A_412 = math.exp %min3A_411 : vector<16xf32>
    %mul3A_413 = arith.constant -0.513961852 : f32
    %mul3A_414 = vector.broadcast %mul3A_413 : f32 to vector<16xf32>
    %mul3A_415 = arith.mulf %mul3A_414, %exp3A_412 : vector<16xf32>
    %add3A_416 = arith.constant 1.0934037 : f32
    %add3A_417 = vector.broadcast %add3A_416 : f32 to vector<16xf32>
    %add3A_418 = arith.addf %mul3A_415, %add3A_417 : vector<16xf32>
    %mul3A_419 = arith.mulf %add3A_418, %exp3A_412 : vector<16xf32>
    %add3A_420 = arith.constant -0.971954882 : f32
    %add3A_421 = vector.broadcast %add3A_420 : f32 to vector<16xf32>
    %add3A_422 = arith.addf %mul3A_419, %add3A_421 : vector<16xf32>
    %mul3A_423 = arith.mulf %add3A_422, %exp3A_412 : vector<16xf32>
    %add3A_424 = arith.constant 5.000000e-01 : f32
    %add3A_425 = vector.broadcast %add3A_424 : f32 to vector<16xf32>
    %add3A_426 = arith.addf %mul3A_423, %add3A_425 : vector<16xf32>
    %mul3A_427 = arith.constant 0.435844094 : f32
    %mul3A_428 = vector.broadcast %mul3A_427 : f32 to vector<16xf32>
    %mul3A_429 = arith.mulf %mul3A_428, %exp3A_412 : vector<16xf32>
    %add3A_430 = arith.constant -0.801728367 : f32
    %add3A_431 = vector.broadcast %add3A_430 : f32 to vector<16xf32>
    %add3A_432 = arith.addf %mul3A_429, %add3A_431 : vector<16xf32>
    %mul3A_433 = arith.mulf %add3A_432, %exp3A_412 : vector<16xf32>
    %add3A_434 = arith.constant 0.469989896 : f32
    %add3A_435 = vector.broadcast %add3A_434 : f32 to vector<16xf32>
    %add3A_436 = arith.addf %mul3A_433, %add3A_435 : vector<16xf32>
    %mul3A_437 = arith.mulf %add3A_436, %exp3A_412 : vector<16xf32>
    %add3A_438 = arith.constant 0.000000e+00 : f32
    %add3A_439 = vector.broadcast %add3A_438 : f32 to vector<16xf32>
    %add3A_440 = arith.addf %mul3A_437, %add3A_439 : vector<16xf32>
    %ge3A_441 = arith.constant 0.000000e+00 : f32
    %ge3A_442 = vector.broadcast %ge3A_441 : f32 to vector<16xf32>
    %ge3A_443 = arith.cmpf oge, %get3A_407, %ge3A_442 : vector<16xf32>
    %mul3A_444 = arith.mulf %get3A_407, %add3A_426 : vector<16xf32>
    %add3A_445 = arith.addf %mul3A_444, %add3A_440 : vector<16xf32>
    %mul3A_446 = arith.mulf %exp3A_412, %exp3A_412 : vector<16xf32>
    %mul3A_447 = arith.mulf %mul3A_446, %add3A_440 : vector<16xf32>
    %select_n3A_448 = arith.select %ge3A_443, %add3A_445, %mul3A_447 : vector<16xi1>, vector<16xf32>
    %add3A_449 = arith.addf %add3A_265, %select_n3A_448 : vector<16xf32>
    %get3A_450 = arith.constant 9 : i32
    %get3A_451 = arith.index_cast %get3A_450 : i32 to index
    %get3A_452 = arith.constant 0 : index
    %get3A_453 = tpu.vector_load %arg8[%get3A_451, %get3A_452] {strides = array<i32>} : memref<16x32xf32, #tpu.memory_space<vmem>>, vector<16xf32>,
    %neg3A_454 = arith.constant 0.000000e+00 : f32
    %neg3A_455 = vector.broadcast %neg3A_454 : f32 to vector<16xf32>
    %neg3A_456 = arith.subf %neg3A_455, %get3A_453 : vector<16xf32>
    %min3A_457 = arith.minimumf %get3A_453, %neg3A_456 : vector<16xf32>
    %exp3A_458 = math.exp %min3A_457 : vector<16xf32>
    %mul3A_459 = arith.constant -0.513961852 : f32
    %mul3A_460 = vector.broadcast %mul3A_459 : f32 to vector<16xf32>
    %mul3A_461 = arith.mulf %mul3A_460, %exp3A_458 : vector<16xf32>
    %add3A_462 = arith.constant 1.0934037 : f32
    %add3A_463 = vector.broadcast %add3A_462 : f32 to vector<16xf32>
    %add3A_464 = arith.addf %mul3A_461, %add3A_463 : vector<16xf32>
    %mul3A_465 = arith.mulf %add3A_464, %exp3A_458 : vector<16xf32>
    %add3A_466 = arith.constant -0.971954882 : f32
    %add3A_467 = vector.broadcast %add3A_466 : f32 to vector<16xf32>
    %add3A_468 = arith.addf %mul3A_465, %add3A_467 : vector<16xf32>
    %mul3A_469 = arith.mulf %add3A_468, %exp3A_458 : vector<16xf32>
    %add3A_470 = arith.constant 5.000000e-01 : f32
    %add3A_471 = vector.broadcast %add3A_470 : f32 to vector<16xf32>
    %add3A_472 = arith.addf %mul3A_469, %add3A_471 : vector<16xf32>
    %mul3A_473 = arith.constant 0.435844094 : f32
    %mul3A_474 = vector.broadcast %mul3A_473 : f32 to vector<16xf32>
    %mul3A_475 = arith.mulf %mul3A_474, %exp3A_458 : vector<16xf32>
    %add3A_476 = arith.constant -0.801728367 : f32
    %add3A_477 = vector.broadcast %add3A_476 : f32 to vector<16xf32>
    %add3A_478 = arith.addf %mul3A_475, %add3A_477 : vector<16xf32>
    %mul3A_479 = arith.mulf %add3A_478, %exp3A_458 : vector<16xf32>
    %add3A_480 = arith.constant 0.469989896 : f32
    %add3A_481 = vector.broadcast %add3A_480 : f32 to vector<16xf32>
    %add3A_482 = arith.addf %mul3A_479, %add3A_481 : vector<16xf32>
    %mul3A_483 = arith.mulf %add3A_482, %exp3A_458 : vector<16xf32>
    %add3A_484 = arith.constant 0.000000e+00 : f32
    %add3A_485 = vector.broadcast %add3A_484 : f32 to vector<16xf32>
    %add3A_486 = arith.addf %mul3A_483, %add3A_485 : vector<16xf32>
    %ge3A_487 = arith.constant 0.000000e+00 : f32
    %ge3A_488 = vector.broadcast %ge3A_487 : f32 to vector<16xf32>
    %ge3A_489 = arith.cmpf oge, %get3A_453, %ge3A_488 : vector<16xf32>
    %mul3A_490 = arith.mulf %get3A_453, %add3A_472 : vector<16xf32>
    %add3A_491 = arith.addf %mul3A_490, %add3A_486 : vector<16xf32>
    %mul3A_492 = arith.mulf %exp3A_458, %exp3A_458 : vector<16xf32>
    %mul3A_493 = arith.mulf %mul3A_492, %add3A_486 : vector<16xf32>
    %select_n3A_494 = arith.select %ge3A_489, %add3A_491, %mul3A_493 : vector<16xi1>, vector<16xf32>
    %add3A_495 = arith.addf %add3A_311, %select_n3A_494 : vector<16xf32>
    %get3A_496 = arith.constant 10 : i32
    %get3A_497 = arith.index_cast %get3A_496 : i32 to index
    %get3A_498 = arith.constant 0 : index
    %get3A_499 = tpu.vector_load %arg8[%get3A_497, %get3A_498] {strides = array<i32>} : memref<16x32xf32, #tpu.memory_space<vmem>>, vector<16xf32>,
    %neg3A_500 = arith.constant 0.000000e+00 : f32
    %neg3A_501 = vector.broadcast %neg3A_500 : f32 to vector<16xf32>
    %neg3A_502 = arith.subf %neg3A_501, %get3A_499 : vector<16xf32>
    %min3A_503 = arith.minimumf %get3A_499, %neg3A_502 : vector<16xf32>
    %exp3A_504 = math.exp %min3A_503 : vector<16xf32>
    %mul3A_505 = arith.constant -0.513961852 : f32
    %mul3A_506 = vector.broadcast %mul3A_505 : f32 to vector<16xf32>
    %mul3A_507 = arith.mulf %mul3A_506, %exp3A_504 : vector<16xf32>
    %add3A_508 = arith.constant 1.0934037 : f32
    %add3A_509 = vector.broadcast %add3A_508 : f32 to vector<16xf32>
    %add3A_510 = arith.addf %mul3A_507, %add3A_509 : vector<16xf32>
    %mul3A_511 = arith.mulf %add3A_510, %exp3A_504 : vector<16xf32>
    %add3A_512 = arith.constant -0.971954882 : f32
    %add3A_513 = vector.broadcast %add3A_512 : f32 to vector<16xf32>
    %add3A_514 = arith.addf %mul3A_511, %add3A_513 : vector<16xf32>
    %mul3A_515 = arith.mulf %add3A_514, %exp3A_504 : vector<16xf32>
    %add3A_516 = arith.constant 5.000000e-01 : f32
    %add3A_517 = vector.broadcast %add3A_516 : f32 to vector<16xf32>
    %add3A_518 = arith.addf %mul3A_515, %add3A_517 : vector<16xf32>
    %mul3A_519 = arith.constant 0.435844094 : f32
    %mul3A_520 = vector.broadcast %mul3A_519 : f32 to vector<16xf32>
    %mul3A_521 = arith.mulf %mul3A_520, %exp3A_504 : vector<16xf32>
    %add3A_522 = arith.constant -0.801728367 : f32
    %add3A_523 = vector.broadcast %add3A_522 : f32 to vector<16xf32>
    %add3A_524 = arith.addf %mul3A_521, %add3A_523 : vector<16xf32>
    %mul3A_525 = arith.mulf %add3A_524, %exp3A_504 : vector<16xf32>
    %add3A_526 = arith.constant 0.469989896 : f32
    %add3A_527 = vector.broadcast %add3A_526 : f32 to vector<16xf32>
    %add3A_528 = arith.addf %mul3A_525, %add3A_527 : vector<16xf32>
    %mul3A_529 = arith.mulf %add3A_528, %exp3A_504 : vector<16xf32>
    %add3A_530 = arith.constant 0.000000e+00 : f32
    %add3A_531 = vector.broadcast %add3A_530 : f32 to vector<16xf32>
    %add3A_532 = arith.addf %mul3A_529, %add3A_531 : vector<16xf32>
    %ge3A_533 = arith.constant 0.000000e+00 : f32
    %ge3A_534 = vector.broadcast %ge3A_533 : f32 to vector<16xf32>
    %ge3A_535 = arith.cmpf oge, %get3A_499, %ge3A_534 : vector<16xf32>
    %mul3A_536 = arith.mulf %get3A_499, %add3A_518 : vector<16xf32>
    %add3A_537 = arith.addf %mul3A_536, %add3A_532 : vector<16xf32>
    %mul3A_538 = arith.mulf %exp3A_504, %exp3A_504 : vector<16xf32>
    %mul3A_539 = arith.mulf %mul3A_538, %add3A_532 : vector<16xf32>
    %select_n3A_540 = arith.select %ge3A_535, %add3A_537, %mul3A_539 : vector<16xi1>, vector<16xf32>
    %add3A_541 = arith.addf %add3A_357, %select_n3A_540 : vector<16xf32>
    %get3A_542 = arith.constant 11 : i32
    %get3A_543 = arith.index_cast %get3A_542 : i32 to index
    %get3A_544 = arith.constant 0 : index
    %get3A_545 = tpu.vector_load %arg8[%get3A_543, %get3A_544] {strides = array<i32>} : memref<16x32xf32, #tpu.memory_space<vmem>>, vector<16xf32>,
    %neg3A_546 = arith.constant 0.000000e+00 : f32
    %neg3A_547 = vector.broadcast %neg3A_546 : f32 to vector<16xf32>
    %neg3A_548 = arith.subf %neg3A_547, %get3A_545 : vector<16xf32>
    %min3A_549 = arith.minimumf %get3A_545, %neg3A_548 : vector<16xf32>
    %exp3A_550 = math.exp %min3A_549 : vector<16xf32>
    %mul3A_551 = arith.constant -0.513961852 : f32
    %mul3A_552 = vector.broadcast %mul3A_551 : f32 to vector<16xf32>
    %mul3A_553 = arith.mulf %mul3A_552, %exp3A_550 : vector<16xf32>
    %add3A_554 = arith.constant 1.0934037 : f32
    %add3A_555 = vector.broadcast %add3A_554 : f32 to vector<16xf32>
    %add3A_556 = arith.addf %mul3A_553, %add3A_555 : vector<16xf32>
    %mul3A_557 = arith.mulf %add3A_556, %exp3A_550 : vector<16xf32>
    %add3A_558 = arith.constant -0.971954882 : f32
    %add3A_559 = vector.broadcast %add3A_558 : f32 to vector<16xf32>
    %add3A_560 = arith.addf %mul3A_557, %add3A_559 : vector<16xf32>
    %mul3A_561 = arith.mulf %add3A_560, %exp3A_550 : vector<16xf32>
    %add3A_562 = arith.constant 5.000000e-01 : f32
    %add3A_563 = vector.broadcast %add3A_562 : f32 to vector<16xf32>
    %add3A_564 = arith.addf %mul3A_561, %add3A_563 : vector<16xf32>
    %mul3A_565 = arith.constant 0.435844094 : f32
    %mul3A_566 = vector.broadcast %mul3A_565 : f32 to vector<16xf32>
    %mul3A_567 = arith.mulf %mul3A_566, %exp3A_550 : vector<16xf32>
    %add3A_568 = arith.constant -0.801728367 : f32
    %add3A_569 = vector.broadcast %add3A_568 : f32 to vector<16xf32>
    %add3A_570 = arith.addf %mul3A_567, %add3A_569 : vector<16xf32>
    %mul3A_571 = arith.mulf %add3A_570, %exp3A_550 : vector<16xf32>
    %add3A_572 = arith.constant 0.469989896 : f32
    %add3A_573 = vector.broadcast %add3A_572 : f32 to vector<16xf32>
    %add3A_574 = arith.addf %mul3A_571, %add3A_573 : vector<16xf32>
    %mul3A_575 = arith.mulf %add3A_574, %exp3A_550 : vector<16xf32>
    %add3A_576 = arith.constant 0.000000e+00 : f32
    %add3A_577 = vector.broadcast %add3A_576 : f32 to vector<16xf32>
    %add3A_578 = arith.addf %mul3A_575, %add3A_577 : vector<16xf32>
    %ge3A_579 = arith.constant 0.000000e+00 : f32
    %ge3A_580 = vector.broadcast %ge3A_579 : f32 to vector<16xf32>
    %ge3A_581 = arith.cmpf oge, %get3A_545, %ge3A_580 : vector<16xf32>
    %mul3A_582 = arith.mulf %get3A_545, %add3A_564 : vector<16xf32>
    %add3A_583 = arith.addf %mul3A_582, %add3A_578 : vector<16xf32>
    %mul3A_584 = arith.mulf %exp3A_550, %exp3A_550 : vector<16xf32>
    %mul3A_585 = arith.mulf %mul3A_584, %add3A_578 : vector<16xf32>
    %select_n3A_586 = arith.select %ge3A_581, %add3A_583, %mul3A_585 : vector<16xi1>, vector<16xf32>
    %add3A_587 = arith.addf %add3A_403, %select_n3A_586 : vector<16xf32>
    %get3A_588 = arith.constant 12 : i32
    %get3A_589 = arith.index_cast %get3A_588 : i32 to index
    %get3A_590 = arith.constant 0 : index
    %get3A_591 = tpu.vector_load %arg8[%get3A_589, %get3A_590] {strides = array<i32>} : memref<16x32xf32, #tpu.memory_space<vmem>>, vector<16xf32>,
    %neg3A_592 = arith.constant 0.000000e+00 : f32
    %neg3A_593 = vector.broadcast %neg3A_592 : f32 to vector<16xf32>
    %neg3A_594 = arith.subf %neg3A_593, %get3A_591 : vector<16xf32>
    %min3A_595 = arith.minimumf %get3A_591, %neg3A_594 : vector<16xf32>
    %exp3A_596 = math.exp %min3A_595 : vector<16xf32>
    %mul3A_597 = arith.constant -0.513961852 : f32
    %mul3A_598 = vector.broadcast %mul3A_597 : f32 to vector<16xf32>
    %mul3A_599 = arith.mulf %mul3A_598, %exp3A_596 : vector<16xf32>
    %add3A_600 = arith.constant 1.0934037 : f32
    %add3A_601 = vector.broadcast %add3A_600 : f32 to vector<16xf32>
    %add3A_602 = arith.addf %mul3A_599, %add3A_601 : vector<16xf32>
    %mul3A_603 = arith.mulf %add3A_602, %exp3A_596 : vector<16xf32>
    %add3A_604 = arith.constant -0.971954882 : f32
    %add3A_605 = vector.broadcast %add3A_604 : f32 to vector<16xf32>
    %add3A_606 = arith.addf %mul3A_603, %add3A_605 : vector<16xf32>
    %mul3A_607 = arith.mulf %add3A_606, %exp3A_596 : vector<16xf32>
    %add3A_608 = arith.constant 5.000000e-01 : f32
    %add3A_609 = vector.broadcast %add3A_608 : f32 to vector<16xf32>
    %add3A_610 = arith.addf %mul3A_607, %add3A_609 : vector<16xf32>
    %mul3A_611 = arith.constant 0.435844094 : f32
    %mul3A_612 = vector.broadcast %mul3A_611 : f32 to vector<16xf32>
    %mul3A_613 = arith.mulf %mul3A_612, %exp3A_596 : vector<16xf32>
    %add3A_614 = arith.constant -0.801728367 : f32
    %add3A_615 = vector.broadcast %add3A_614 : f32 to vector<16xf32>
    %add3A_616 = arith.addf %mul3A_613, %add3A_615 : vector<16xf32>
    %mul3A_617 = arith.mulf %add3A_616, %exp3A_596 : vector<16xf32>
    %add3A_618 = arith.constant 0.469989896 : f32
    %add3A_619 = vector.broadcast %add3A_618 : f32 to vector<16xf32>
    %add3A_620 = arith.addf %mul3A_617, %add3A_619 : vector<16xf32>
    %mul3A_621 = arith.mulf %add3A_620, %exp3A_596 : vector<16xf32>
    %add3A_622 = arith.constant 0.000000e+00 : f32
    %add3A_623 = vector.broadcast %add3A_622 : f32 to vector<16xf32>
    %add3A_624 = arith.addf %mul3A_621, %add3A_623 : vector<16xf32>
    %ge3A_625 = arith.constant 0.000000e+00 : f32
    %ge3A_626 = vector.broadcast %ge3A_625 : f32 to vector<16xf32>
    %ge3A_627 = arith.cmpf oge, %get3A_591, %ge3A_626 : vector<16xf32>
    %mul3A_628 = arith.mulf %get3A_591, %add3A_610 : vector<16xf32>
    %add3A_629 = arith.addf %mul3A_628, %add3A_624 : vector<16xf32>
    %mul3A_630 = arith.mulf %exp3A_596, %exp3A_596 : vector<16xf32>
    %mul3A_631 = arith.mulf %mul3A_630, %add3A_624 : vector<16xf32>
    %select_n3A_632 = arith.select %ge3A_627, %add3A_629, %mul3A_631 : vector<16xi1>, vector<16xf32>
    %add3A_633 = arith.addf %add3A_449, %select_n3A_632 : vector<16xf32>
    %get3A_634 = arith.constant 13 : i32
    %get3A_635 = arith.index_cast %get3A_634 : i32 to index
    %get3A_636 = arith.constant 0 : index
    %get3A_637 = tpu.vector_load %arg8[%get3A_635, %get3A_636] {strides = array<i32>} : memref<16x32xf32, #tpu.memory_space<vmem>>, vector<16xf32>,
    %neg3A_638 = arith.constant 0.000000e+00 : f32
    %neg3A_639 = vector.broadcast %neg3A_638 : f32 to vector<16xf32>
    %neg3A_640 = arith.subf %neg3A_639, %get3A_637 : vector<16xf32>
    %min3A_641 = arith.minimumf %get3A_637, %neg3A_640 : vector<16xf32>
    %exp3A_642 = math.exp %min3A_641 : vector<16xf32>
    %mul3A_643 = arith.constant -0.513961852 : f32
    %mul3A_644 = vector.broadcast %mul3A_643 : f32 to vector<16xf32>
    %mul3A_645 = arith.mulf %mul3A_644, %exp3A_642 : vector<16xf32>
    %add3A_646 = arith.constant 1.0934037 : f32
    %add3A_647 = vector.broadcast %add3A_646 : f32 to vector<16xf32>
    %add3A_648 = arith.addf %mul3A_645, %add3A_647 : vector<16xf32>
    %mul3A_649 = arith.mulf %add3A_648, %exp3A_642 : vector<16xf32>
    %add3A_650 = arith.constant -0.971954882 : f32
    %add3A_651 = vector.broadcast %add3A_650 : f32 to vector<16xf32>
    %add3A_652 = arith.addf %mul3A_649, %add3A_651 : vector<16xf32>
    %mul3A_653 = arith.mulf %add3A_652, %exp3A_642 : vector<16xf32>
    %add3A_654 = arith.constant 5.000000e-01 : f32
    %add3A_655 = vector.broadcast %add3A_654 : f32 to vector<16xf32>
    %add3A_656 = arith.addf %mul3A_653, %add3A_655 : vector<16xf32>
    %mul3A_657 = arith.constant 0.435844094 : f32
    %mul3A_658 = vector.broadcast %mul3A_657 : f32 to vector<16xf32>
    %mul3A_659 = arith.mulf %mul3A_658, %exp3A_642 : vector<16xf32>
    %add3A_660 = arith.constant -0.801728367 : f32
    %add3A_661 = vector.broadcast %add3A_660 : f32 to vector<16xf32>
    %add3A_662 = arith.addf %mul3A_659, %add3A_661 : vector<16xf32>
    %mul3A_663 = arith.mulf %add3A_662, %exp3A_642 : vector<16xf32>
    %add3A_664 = arith.constant 0.469989896 : f32
    %add3A_665 = vector.broadcast %add3A_664 : f32 to vector<16xf32>
    %add3A_666 = arith.addf %mul3A_663, %add3A_665 : vector<16xf32>
    %mul3A_667 = arith.mulf %add3A_666, %exp3A_642 : vector<16xf32>
    %add3A_668 = arith.constant 0.000000e+00 : f32
    %add3A_669 = vector.broadcast %add3A_668 : f32 to vector<16xf32>
    %add3A_670 = arith.addf %mul3A_667, %add3A_669 : vector<16xf32>
    %ge3A_671 = arith.constant 0.000000e+00 : f32
    %ge3A_672 = vector.broadcast %ge3A_671 : f32 to vector<16xf32>
    %ge3A_673 = arith.cmpf oge, %get3A_637, %ge3A_672 : vector<16xf32>
    %mul3A_674 = arith.mulf %get3A_637, %add3A_656 : vector<16xf32>
    %add3A_675 = arith.addf %mul3A_674, %add3A_670 : vector<16xf32>
    %mul3A_676 = arith.mulf %exp3A_642, %exp3A_642 : vector<16xf32>
    %mul3A_677 = arith.mulf %mul3A_676, %add3A_670 : vector<16xf32>
    %select_n3A_678 = arith.select %ge3A_673, %add3A_675, %mul3A_677 : vector<16xi1>, vector<16xf32>
    %add3A_679 = arith.addf %add3A_495, %select_n3A_678 : vector<16xf32>
    %get3A_680 = arith.constant 14 : i32
    %get3A_681 = arith.index_cast %get3A_680 : i32 to index
    %get3A_682 = arith.constant 0 : index
    %get3A_683 = tpu.vector_load %arg8[%get3A_681, %get3A_682] {strides = array<i32>} : memref<16x32xf32, #tpu.memory_space<vmem>>, vector<16xf32>,
    %neg3A_684 = arith.constant 0.000000e+00 : f32
    %neg3A_685 = vector.broadcast %neg3A_684 : f32 to vector<16xf32>
    %neg3A_686 = arith.subf %neg3A_685, %get3A_683 : vector<16xf32>
    %min3A_687 = arith.minimumf %get3A_683, %neg3A_686 : vector<16xf32>
    %exp3A_688 = math.exp %min3A_687 : vector<16xf32>
    %mul3A_689 = arith.constant -0.513961852 : f32
    %mul3A_690 = vector.broadcast %mul3A_689 : f32 to vector<16xf32>
    %mul3A_691 = arith.mulf %mul3A_690, %exp3A_688 : vector<16xf32>
    %add3A_692 = arith.constant 1.0934037 : f32
    %add3A_693 = vector.broadcast %add3A_692 : f32 to vector<16xf32>
    %add3A_694 = arith.addf %mul3A_691, %add3A_693 : vector<16xf32>
    %mul3A_695 = arith.mulf %add3A_694, %exp3A_688 : vector<16xf32>
    %add3A_696 = arith.constant -0.971954882 : f32
    %add3A_697 = vector.broadcast %add3A_696 : f32 to vector<16xf32>
    %add3A_698 = arith.addf %mul3A_695, %add3A_697 : vector<16xf32>
    %mul3A_699 = arith.mulf %add3A_698, %exp3A_688 : vector<16xf32>
    %add3A_700 = arith.constant 5.000000e-01 : f32
    %add3A_701 = vector.broadcast %add3A_700 : f32 to vector<16xf32>
    %add3A_702 = arith.addf %mul3A_699, %add3A_701 : vector<16xf32>
    %mul3A_703 = arith.constant 0.435844094 : f32
    %mul3A_704 = vector.broadcast %mul3A_703 : f32 to vector<16xf32>
    %mul3A_705 = arith.mulf %mul3A_704, %exp3A_688 : vector<16xf32>
    %add3A_706 = arith.constant -0.801728367 : f32
    %add3A_707 = vector.broadcast %add3A_706 : f32 to vector<16xf32>
    %add3A_708 = arith.addf %mul3A_705, %add3A_707 : vector<16xf32>
    %mul3A_709 = arith.mulf %add3A_708, %exp3A_688 : vector<16xf32>
    %add3A_710 = arith.constant 0.469989896 : f32
    %add3A_711 = vector.broadcast %add3A_710 : f32 to vector<16xf32>
    %add3A_712 = arith.addf %mul3A_709, %add3A_711 : vector<16xf32>
    %mul3A_713 = arith.mulf %add3A_712, %exp3A_688 : vector<16xf32>
    %add3A_714 = arith.constant 0.000000e+00 : f32
    %add3A_715 = vector.broadcast %add3A_714 : f32 to vector<16xf32>
    %add3A_716 = arith.addf %mul3A_713, %add3A_715 : vector<16xf32>
    %ge3A_717 = arith.constant 0.000000e+00 : f32
    %ge3A_718 = vector.broadcast %ge3A_717 : f32 to vector<16xf32>
    %ge3A_719 = arith.cmpf oge, %get3A_683, %ge3A_718 : vector<16xf32>
    %mul3A_720 = arith.mulf %get3A_683, %add3A_702 : vector<16xf32>
    %add3A_721 = arith.addf %mul3A_720, %add3A_716 : vector<16xf32>
    %mul3A_722 = arith.mulf %exp3A_688, %exp3A_688 : vector<16xf32>
    %mul3A_723 = arith.mulf %mul3A_722, %add3A_716 : vector<16xf32>
    %select_n3A_724 = arith.select %ge3A_719, %add3A_721, %mul3A_723 : vector<16xi1>, vector<16xf32>
    %add3A_725 = arith.addf %add3A_541, %select_n3A_724 : vector<16xf32>
    %get3A_726 = arith.constant 15 : i32
    %get3A_727 = arith.index_cast %get3A_726 : i32 to index
    %get3A_728 = arith.constant 0 : index
    %get3A_729 = tpu.vector_load %arg8[%get3A_727, %get3A_728] {strides = array<i32>} : memref<16x32xf32, #tpu.memory_space<vmem>>, vector<16xf32>,
    %neg3A_730 = arith.constant 0.000000e+00 : f32
    %neg3A_731 = vector.broadcast %neg3A_730 : f32 to vector<16xf32>
    %neg3A_732 = arith.subf %neg3A_731, %get3A_729 : vector<16xf32>
    %min3A_733 = arith.minimumf %get3A_729, %neg3A_732 : vector<16xf32>
    %exp3A_734 = math.exp %min3A_733 : vector<16xf32>
    %mul3A_735 = arith.constant -0.513961852 : f32
    %mul3A_736 = vector.broadcast %mul3A_735 : f32 to vector<16xf32>
    %mul3A_737 = arith.mulf %mul3A_736, %exp3A_734 : vector<16xf32>
    %add3A_738 = arith.constant 1.0934037 : f32
    %add3A_739 = vector.broadcast %add3A_738 : f32 to vector<16xf32>
    %add3A_740 = arith.addf %mul3A_737, %add3A_739 : vector<16xf32>
    %mul3A_741 = arith.mulf %add3A_740, %exp3A_734 : vector<16xf32>
    %add3A_742 = arith.constant -0.971954882 : f32
    %add3A_743 = vector.broadcast %add3A_742 : f32 to vector<16xf32>
    %add3A_744 = arith.addf %mul3A_741, %add3A_743 : vector<16xf32>
    %mul3A_745 = arith.mulf %add3A_744, %exp3A_734 : vector<16xf32>
    %add3A_746 = arith.constant 5.000000e-01 : f32
    %add3A_747 = vector.broadcast %add3A_746 : f32 to vector<16xf32>
    %add3A_748 = arith.addf %mul3A_745, %add3A_747 : vector<16xf32>
    %mul3A_749 = arith.constant 0.435844094 : f32
    %mul3A_750 = vector.broadcast %mul3A_749 : f32 to vector<16xf32>
    %mul3A_751 = arith.mulf %mul3A_750, %exp3A_734 : vector<16xf32>
    %add3A_752 = arith.constant -0.801728367 : f32
    %add3A_753 = vector.broadcast %add3A_752 : f32 to vector<16xf32>
    %add3A_754 = arith.addf %mul3A_751, %add3A_753 : vector<16xf32>
    %mul3A_755 = arith.mulf %add3A_754, %exp3A_734 : vector<16xf32>
    %add3A_756 = arith.constant 0.469989896 : f32
    %add3A_757 = vector.broadcast %add3A_756 : f32 to vector<16xf32>
    %add3A_758 = arith.addf %mul3A_755, %add3A_757 : vector<16xf32>
    %mul3A_759 = arith.mulf %add3A_758, %exp3A_734 : vector<16xf32>
    %add3A_760 = arith.constant 0.000000e+00 : f32
    %add3A_761 = vector.broadcast %add3A_760 : f32 to vector<16xf32>
    %add3A_762 = arith.addf %mul3A_759, %add3A_761 : vector<16xf32>
    %ge3A_763 = arith.constant 0.000000e+00 : f32
    %ge3A_764 = vector.broadcast %ge3A_763 : f32 to vector<16xf32>
    %ge3A_765 = arith.cmpf oge, %get3A_729, %ge3A_764 : vector<16xf32>
    %mul3A_766 = arith.mulf %get3A_729, %add3A_748 : vector<16xf32>
    %add3A_767 = arith.addf %mul3A_766, %add3A_762 : vector<16xf32>
    %mul3A_768 = arith.mulf %exp3A_734, %exp3A_734 : vector<16xf32>
    %mul3A_769 = arith.mulf %mul3A_768, %add3A_762 : vector<16xf32>
    %select_n3A_770 = arith.select %ge3A_765, %add3A_767, %mul3A_769 : vector<16xi1>, vector<16xf32>
    %add3A_771 = arith.addf %add3A_587, %select_n3A_770 : vector<16xf32>
    %add3A_772 = arith.addf %add3A_633, %add3A_679 : vector<16xf32>
    %add3A_773 = arith.addf %add3A_725, %add3A_771 : vector<16xf32>
    %add3A_774 = arith.addf %add3A_772, %add3A_773 : vector<16xf32>
    %min3A_775 = arith.constant 15 : i32
    %min3A_776 = vector.broadcast %min3A_775 : i32 to vector<16xi32>
    %min3A_777 = arith.minsi %get3A_29, %min3A_776 : vector<16xi32>
    %add3A_778 = arith.constant 0 : i32
    %add3A_779 = vector.broadcast %add3A_778 : i32 to vector<16xi32>
    %add3A_780 = arith.addi %add3A_779, %iota3A : vector<16xi32>
    %gather3A = tpu.vector_load_idx %arg8[%min3A_777, %add3A_780] : memref<16x32xf32, #tpu.memory_space<vmem>>[vector<16xi32>, vector<16xi32>], vector<16xf32>,
    %neg3A_781 = arith.constant 0.000000e+00 : f32
    %neg3A_782 = vector.broadcast %neg3A_781 : f32 to vector<16xf32>
    %neg3A_783 = arith.subf %neg3A_782, %gather3A : vector<16xf32>
    %min3A_784 = arith.minimumf %gather3A, %neg3A_783 : vector<16xf32>
    %exp3A_785 = math.exp %min3A_784 : vector<16xf32>
    %mul3A_786 = arith.constant -0.513961852 : f32
    %mul3A_787 = vector.broadcast %mul3A_786 : f32 to vector<16xf32>
    %mul3A_788 = arith.mulf %mul3A_787, %exp3A_785 : vector<16xf32>
    %add3A_789 = arith.constant 1.0934037 : f32
    %add3A_790 = vector.broadcast %add3A_789 : f32 to vector<16xf32>
    %add3A_791 = arith.addf %mul3A_788, %add3A_790 : vector<16xf32>
    %mul3A_792 = arith.mulf %add3A_791, %exp3A_785 : vector<16xf32>
    %add3A_793 = arith.constant -0.971954882 : f32
    %add3A_794 = vector.broadcast %add3A_793 : f32 to vector<16xf32>
    %add3A_795 = arith.addf %mul3A_792, %add3A_794 : vector<16xf32>
    %mul3A_796 = arith.mulf %add3A_795, %exp3A_785 : vector<16xf32>
    %add3A_797 = arith.constant 5.000000e-01 : f32
    %add3A_798 = vector.broadcast %add3A_797 : f32 to vector<16xf32>
    %add3A_799 = arith.addf %mul3A_796, %add3A_798 : vector<16xf32>
    %mul3A_800 = arith.constant 0.435844094 : f32
    %mul3A_801 = vector.broadcast %mul3A_800 : f32 to vector<16xf32>
    %mul3A_802 = arith.mulf %mul3A_801, %exp3A_785 : vector<16xf32>
    %add3A_803 = arith.constant -0.801728367 : f32
    %add3A_804 = vector.broadcast %add3A_803 : f32 to vector<16xf32>
    %add3A_805 = arith.addf %mul3A_802, %add3A_804 : vector<16xf32>
    %mul3A_806 = arith.mulf %add3A_805, %exp3A_785 : vector<16xf32>
    %add3A_807 = arith.constant 0.469989896 : f32
    %add3A_808 = vector.broadcast %add3A_807 : f32 to vector<16xf32>
    %add3A_809 = arith.addf %mul3A_806, %add3A_808 : vector<16xf32>
    %mul3A_810 = arith.mulf %add3A_809, %exp3A_785 : vector<16xf32>
    %add3A_811 = arith.constant 0.000000e+00 : f32
    %add3A_812 = vector.broadcast %add3A_811 : f32 to vector<16xf32>
    %add3A_813 = arith.addf %mul3A_810, %add3A_812 : vector<16xf32>
    %mul3A_814 = arith.mulf %gather3A, %add3A_799 : vector<16xf32>
    %add3A_815 = arith.addf %mul3A_814, %add3A_813 : vector<16xf32>
    %sub3A = arith.subf %add3A_813, %mul3A_814 : vector<16xf32>
    %mul3A_816 = arith.mulf %exp3A_785, %exp3A_785 : vector<16xf32>
    %mul3A_817 = arith.mulf %mul3A_816, %add3A_813 : vector<16xf32>
    %ge3A_818 = arith.constant 4.000000e-01 : f32
    %ge3A_819 = vector.broadcast %ge3A_818 : f32 to vector<16xf32>
    %ge3A_820 = arith.cmpf oge, %get3A_31, %ge3A_819 : vector<16xf32>
    %sub3A_821 = arith.constant 2.000000e+00 : f32
    %sub3A_822 = vector.broadcast %sub3A_821 : f32 to vector<16xf32>
    %sub3A_823 = arith.subf %sub3A_822, %get3A_31 : vector<16xf32>
    %mul3A_824 = arith.mulf %get3A_31, %sub3A_823 : vector<16xf32>
    %mul3A_825 = arith.mulf %get3A_31, %get3A_31 : vector<16xf32>
    %select_n3A_826 = arith.select %ge3A_820, %mul3A_824, %mul3A_825 : vector<16xi1>, vector<16xf32>
    %ge3A_827 = arith.constant 0.000000e+00 : f32
    %ge3A_828 = vector.broadcast %ge3A_827 : f32 to vector<16xf32>
    %ge3A_829 = arith.cmpf oge, %gather3A, %ge3A_828 : vector<16xf32>
    %select_n3A_830 = arith.select %ge3A_829, %mul3A_817, %sub3A : vector<16xi1>, vector<16xf32>
    %mul3A_831 = arith.mulf %select_n3A_826, %select_n3A_830 : vector<16xf32>
    %select_n3A_832 = arith.select %ge3A_829, %add3A_815, %mul3A_817 : vector<16xi1>, vector<16xf32>
    %sub3A_833 = arith.subf %mul3A_831, %select_n3A_832 : vector<16xf32>
    %lt3A_834 = arith.constant 16 : i32
    %lt3A_835 = vector.broadcast %lt3A_834 : i32 to vector<16xi32>
    %lt3A_836 = arith.cmpi slt, %get3A_29, %lt3A_835 : vector<16xi32>
    %jit3A = arith.constant 0.000000e+00 : f32
    %broadcast_in_dim3A_837 = vector.broadcast %jit3A : f32 to vector<16xf32>
    %select_n3A_838 = arith.select %lt3A_836, %sub3A_833, %broadcast_in_dim3A_837 : vector<16xi1>, vector<16xf32>
    %add3A_839 = arith.addf %add3A_774, %select_n3A_838 : vector<16xf32>
    %add3A_840 = arith.addf %broadcast_in_dim3A_28, %add3A_839 : vector<16xf32>
    %get3A_841 = arith.constant 16 : index
    %get3A_842 = tpu.vector_load %arg13[%get3A_841] {strides = array<i32>} : memref<32xi32, #tpu.memory_space<vmem>>, vector<16xi32>,
    %get3A_843 = arith.constant 16 : index
    %get3A_844 = tpu.vector_load %arg14[%get3A_843] {strides = array<i32>} : memref<32xf32, #tpu.memory_space<vmem>>, vector<16xf32>,
    %broadcast_in_dim3A_845 = arith.constant 0.000000e+00 : f32
    %broadcast_in_dim3A_846 = vector.broadcast %broadcast_in_dim3A_845 : f32 to vector<16xf32>
    %broadcast_in_dim3A_847 = arith.constant 0.000000e+00 : f32
    %broadcast_in_dim3A_848 = vector.broadcast %broadcast_in_dim3A_847 : f32 to vector<16xf32>
    %broadcast_in_dim3A_849 = arith.constant 0.000000e+00 : f32
    %broadcast_in_dim3A_850 = vector.broadcast %broadcast_in_dim3A_849 : f32 to vector<16xf32>
    %broadcast_in_dim3A_851 = arith.constant 0.000000e+00 : f32
    %broadcast_in_dim3A_852 = vector.broadcast %broadcast_in_dim3A_851 : f32 to vector<16xf32>
    %get3A_853 = arith.constant 0 : i32
    %get3A_854 = arith.index_cast %get3A_853 : i32 to index
    %get3A_855 = arith.constant 16 : index
    %get3A_856 = tpu.vector_load %arg8[%get3A_854, %get3A_855] {strides = array<i32>} : memref<16x32xf32, #tpu.memory_space<vmem>>, vector<16xf32>,
    %neg3A_857 = arith.constant 0.000000e+00 : f32
    %neg3A_858 = vector.broadcast %neg3A_857 : f32 to vector<16xf32>
    %neg3A_859 = arith.subf %neg3A_858, %get3A_856 : vector<16xf32>
    %min3A_860 = arith.minimumf %get3A_856, %neg3A_859 : vector<16xf32>
    %exp3A_861 = math.exp %min3A_860 : vector<16xf32>
    %mul3A_862 = arith.constant -0.513961852 : f32
    %mul3A_863 = vector.broadcast %mul3A_862 : f32 to vector<16xf32>
    %mul3A_864 = arith.mulf %mul3A_863, %exp3A_861 : vector<16xf32>
    %add3A_865 = arith.constant 1.0934037 : f32
    %add3A_866 = vector.broadcast %add3A_865 : f32 to vector<16xf32>
    %add3A_867 = arith.addf %mul3A_864, %add3A_866 : vector<16xf32>
    %mul3A_868 = arith.mulf %add3A_867, %exp3A_861 : vector<16xf32>
    %add3A_869 = arith.constant -0.971954882 : f32
    %add3A_870 = vector.broadcast %add3A_869 : f32 to vector<16xf32>
    %add3A_871 = arith.addf %mul3A_868, %add3A_870 : vector<16xf32>
    %mul3A_872 = arith.mulf %add3A_871, %exp3A_861 : vector<16xf32>
    %add3A_873 = arith.constant 5.000000e-01 : f32
    %add3A_874 = vector.broadcast %add3A_873 : f32 to vector<16xf32>
    %add3A_875 = arith.addf %mul3A_872, %add3A_874 : vector<16xf32>
    %mul3A_876 = arith.constant 0.435844094 : f32
    %mul3A_877 = vector.broadcast %mul3A_876 : f32 to vector<16xf32>
    %mul3A_878 = arith.mulf %mul3A_877, %exp3A_861 : vector<16xf32>
    %add3A_879 = arith.constant -0.801728367 : f32
    %add3A_880 = vector.broadcast %add3A_879 : f32 to vector<16xf32>
    %add3A_881 = arith.addf %mul3A_878, %add3A_880 : vector<16xf32>
    %mul3A_882 = arith.mulf %add3A_881, %exp3A_861 : vector<16xf32>
    %add3A_883 = arith.constant 0.469989896 : f32
    %add3A_884 = vector.broadcast %add3A_883 : f32 to vector<16xf32>
    %add3A_885 = arith.addf %mul3A_882, %add3A_884 : vector<16xf32>
    %mul3A_886 = arith.mulf %add3A_885, %exp3A_861 : vector<16xf32>
    %add3A_887 = arith.constant 0.000000e+00 : f32
    %add3A_888 = vector.broadcast %add3A_887 : f32 to vector<16xf32>
    %add3A_889 = arith.addf %mul3A_886, %add3A_888 : vector<16xf32>
    %ge3A_890 = arith.constant 0.000000e+00 : f32
    %ge3A_891 = vector.broadcast %ge3A_890 : f32 to vector<16xf32>
    %ge3A_892 = arith.cmpf oge, %get3A_856, %ge3A_891 : vector<16xf32>
    %mul3A_893 = arith.mulf %get3A_856, %add3A_875 : vector<16xf32>
    %add3A_894 = arith.addf %mul3A_893, %add3A_889 : vector<16xf32>
    %mul3A_895 = arith.mulf %exp3A_861, %exp3A_861 : vector<16xf32>
    %mul3A_896 = arith.mulf %mul3A_895, %add3A_889 : vector<16xf32>
    %select_n3A_897 = arith.select %ge3A_892, %add3A_894, %mul3A_896 : vector<16xi1>, vector<16xf32>
    %add3A_898 = arith.addf %broadcast_in_dim3A_846, %select_n3A_897 : vector<16xf32>
    %get3A_899 = arith.constant 1 : i32
    %get3A_900 = arith.index_cast %get3A_899 : i32 to index
    %get3A_901 = arith.constant 16 : index
    %get3A_902 = tpu.vector_load %arg8[%get3A_900, %get3A_901] {strides = array<i32>} : memref<16x32xf32, #tpu.memory_space<vmem>>, vector<16xf32>,
    %neg3A_903 = arith.constant 0.000000e+00 : f32
    %neg3A_904 = vector.broadcast %neg3A_903 : f32 to vector<16xf32>
    %neg3A_905 = arith.subf %neg3A_904, %get3A_902 : vector<16xf32>
    %min3A_906 = arith.minimumf %get3A_902, %neg3A_905 : vector<16xf32>
    %exp3A_907 = math.exp %min3A_906 : vector<16xf32>
    %mul3A_908 = arith.constant -0.513961852 : f32
    %mul3A_909 = vector.broadcast %mul3A_908 : f32 to vector<16xf32>
    %mul3A_910 = arith.mulf %mul3A_909, %exp3A_907 : vector<16xf32>
    %add3A_911 = arith.constant 1.0934037 : f32
    %add3A_912 = vector.broadcast %add3A_911 : f32 to vector<16xf32>
    %add3A_913 = arith.addf %mul3A_910, %add3A_912 : vector<16xf32>
    %mul3A_914 = arith.mulf %add3A_913, %exp3A_907 : vector<16xf32>
    %add3A_915 = arith.constant -0.971954882 : f32
    %add3A_916 = vector.broadcast %add3A_915 : f32 to vector<16xf32>
    %add3A_917 = arith.addf %mul3A_914, %add3A_916 : vector<16xf32>
    %mul3A_918 = arith.mulf %add3A_917, %exp3A_907 : vector<16xf32>
    %add3A_919 = arith.constant 5.000000e-01 : f32
    %add3A_920 = vector.broadcast %add3A_919 : f32 to vector<16xf32>
    %add3A_921 = arith.addf %mul3A_918, %add3A_920 : vector<16xf32>
    %mul3A_922 = arith.constant 0.435844094 : f32
    %mul3A_923 = vector.broadcast %mul3A_922 : f32 to vector<16xf32>
    %mul3A_924 = arith.mulf %mul3A_923, %exp3A_907 : vector<16xf32>
    %add3A_925 = arith.constant -0.801728367 : f32
    %add3A_926 = vector.broadcast %add3A_925 : f32 to vector<16xf32>
    %add3A_927 = arith.addf %mul3A_924, %add3A_926 : vector<16xf32>
    %mul3A_928 = arith.mulf %add3A_927, %exp3A_907 : vector<16xf32>
    %add3A_929 = arith.constant 0.469989896 : f32
    %add3A_930 = vector.broadcast %add3A_929 : f32 to vector<16xf32>
    %add3A_931 = arith.addf %mul3A_928, %add3A_930 : vector<16xf32>
    %mul3A_932 = arith.mulf %add3A_931, %exp3A_907 : vector<16xf32>
    %add3A_933 = arith.constant 0.000000e+00 : f32
    %add3A_934 = vector.broadcast %add3A_933 : f32 to vector<16xf32>
    %add3A_935 = arith.addf %mul3A_932, %add3A_934 : vector<16xf32>
    %ge3A_936 = arith.constant 0.000000e+00 : f32
    %ge3A_937 = vector.broadcast %ge3A_936 : f32 to vector<16xf32>
    %ge3A_938 = arith.cmpf oge, %get3A_902, %ge3A_937 : vector<16xf32>
    %mul3A_939 = arith.mulf %get3A_902, %add3A_921 : vector<16xf32>
    %add3A_940 = arith.addf %mul3A_939, %add3A_935 : vector<16xf32>
    %mul3A_941 = arith.mulf %exp3A_907, %exp3A_907 : vector<16xf32>
    %mul3A_942 = arith.mulf %mul3A_941, %add3A_935 : vector<16xf32>
    %select_n3A_943 = arith.select %ge3A_938, %add3A_940, %mul3A_942 : vector<16xi1>, vector<16xf32>
    %add3A_944 = arith.addf %broadcast_in_dim3A_848, %select_n3A_943 : vector<16xf32>
    %get3A_945 = arith.constant 2 : i32
    %get3A_946 = arith.index_cast %get3A_945 : i32 to index
    %get3A_947 = arith.constant 16 : index
    %get3A_948 = tpu.vector_load %arg8[%get3A_946, %get3A_947] {strides = array<i32>} : memref<16x32xf32, #tpu.memory_space<vmem>>, vector<16xf32>,
    %neg3A_949 = arith.constant 0.000000e+00 : f32
    %neg3A_950 = vector.broadcast %neg3A_949 : f32 to vector<16xf32>
    %neg3A_951 = arith.subf %neg3A_950, %get3A_948 : vector<16xf32>
    %min3A_952 = arith.minimumf %get3A_948, %neg3A_951 : vector<16xf32>
    %exp3A_953 = math.exp %min3A_952 : vector<16xf32>
    %mul3A_954 = arith.constant -0.513961852 : f32
    %mul3A_955 = vector.broadcast %mul3A_954 : f32 to vector<16xf32>
    %mul3A_956 = arith.mulf %mul3A_955, %exp3A_953 : vector<16xf32>
    %add3A_957 = arith.constant 1.0934037 : f32
    %add3A_958 = vector.broadcast %add3A_957 : f32 to vector<16xf32>
    %add3A_959 = arith.addf %mul3A_956, %add3A_958 : vector<16xf32>
    %mul3A_960 = arith.mulf %add3A_959, %exp3A_953 : vector<16xf32>
    %add3A_961 = arith.constant -0.971954882 : f32
    %add3A_962 = vector.broadcast %add3A_961 : f32 to vector<16xf32>
    %add3A_963 = arith.addf %mul3A_960, %add3A_962 : vector<16xf32>
    %mul3A_964 = arith.mulf %add3A_963, %exp3A_953 : vector<16xf32>
    %add3A_965 = arith.constant 5.000000e-01 : f32
    %add3A_966 = vector.broadcast %add3A_965 : f32 to vector<16xf32>
    %add3A_967 = arith.addf %mul3A_964, %add3A_966 : vector<16xf32>
    %mul3A_968 = arith.constant 0.435844094 : f32
    %mul3A_969 = vector.broadcast %mul3A_968 : f32 to vector<16xf32>
    %mul3A_970 = arith.mulf %mul3A_969, %exp3A_953 : vector<16xf32>
    %add3A_971 = arith.constant -0.801728367 : f32
    %add3A_972 = vector.broadcast %add3A_971 : f32 to vector<16xf32>
    %add3A_973 = arith.addf %mul3A_970, %add3A_972 : vector<16xf32>
    %mul3A_974 = arith.mulf %add3A_973, %exp3A_953 : vector<16xf32>
    %add3A_975 = arith.constant 0.469989896 : f32
    %add3A_976 = vector.broadcast %add3A_975 : f32 to vector<16xf32>
    %add3A_977 = arith.addf %mul3A_974, %add3A_976 : vector<16xf32>
    %mul3A_978 = arith.mulf %add3A_977, %exp3A_953 : vector<16xf32>
    %add3A_979 = arith.constant 0.000000e+00 : f32
    %add3A_980 = vector.broadcast %add3A_979 : f32 to vector<16xf32>
    %add3A_981 = arith.addf %mul3A_978, %add3A_980 : vector<16xf32>
    %ge3A_982 = arith.constant 0.000000e+00 : f32
    %ge3A_983 = vector.broadcast %ge3A_982 : f32 to vector<16xf32>
    %ge3A_984 = arith.cmpf oge, %get3A_948, %ge3A_983 : vector<16xf32>
    %mul3A_985 = arith.mulf %get3A_948, %add3A_967 : vector<16xf32>
    %add3A_986 = arith.addf %mul3A_985, %add3A_981 : vector<16xf32>
    %mul3A_987 = arith.mulf %exp3A_953, %exp3A_953 : vector<16xf32>
    %mul3A_988 = arith.mulf %mul3A_987, %add3A_981 : vector<16xf32>
    %select_n3A_989 = arith.select %ge3A_984, %add3A_986, %mul3A_988 : vector<16xi1>, vector<16xf32>
    %add3A_990 = arith.addf %broadcast_in_dim3A_850, %select_n3A_989 : vector<16xf32>
    %get3A_991 = arith.constant 3 : i32
    %get3A_992 = arith.index_cast %get3A_991 : i32 to index
    %get3A_993 = arith.constant 16 : index
    %get3A_994 = tpu.vector_load %arg8[%get3A_992, %get3A_993] {strides = array<i32>} : memref<16x32xf32, #tpu.memory_space<vmem>>, vector<16xf32>,
    %neg3A_995 = arith.constant 0.000000e+00 : f32
    %neg3A_996 = vector.broadcast %neg3A_995 : f32 to vector<16xf32>
    %neg3A_997 = arith.subf %neg3A_996, %get3A_994 : vector<16xf32>
    %min3A_998 = arith.minimumf %get3A_994, %neg3A_997 : vector<16xf32>
    %exp3A_999 = math.exp %min3A_998 : vector<16xf32>
    %mul3A_1000 = arith.constant -0.513961852 : f32
    %mul3A_1001 = vector.broadcast %mul3A_1000 : f32 to vector<16xf32>
    %mul3A_1002 = arith.mulf %mul3A_1001, %exp3A_999 : vector<16xf32>
    %add3A_1003 = arith.constant 1.0934037 : f32
    %add3A_1004 = vector.broadcast %add3A_1003 : f32 to vector<16xf32>
    %add3A_1005 = arith.addf %mul3A_1002, %add3A_1004 : vector<16xf32>
    %mul3A_1006 = arith.mulf %add3A_1005, %exp3A_999 : vector<16xf32>
    %add3A_1007 = arith.constant -0.971954882 : f32
    %add3A_1008 = vector.broadcast %add3A_1007 : f32 to vector<16xf32>
    %add3A_1009 = arith.addf %mul3A_1006, %add3A_1008 : vector<16xf32>
    %mul3A_1010 = arith.mulf %add3A_1009, %exp3A_999 : vector<16xf32>
    %add3A_1011 = arith.constant 5.000000e-01 : f32
    %add3A_1012 = vector.broadcast %add3A_1011 : f32 to vector<16xf32>
    %add3A_1013 = arith.addf %mul3A_1010, %add3A_1012 : vector<16xf32>
    %mul3A_1014 = arith.constant 0.435844094 : f32
    %mul3A_1015 = vector.broadcast %mul3A_1014 : f32 to vector<16xf32>
    %mul3A_1016 = arith.mulf %mul3A_1015, %exp3A_999 : vector<16xf32>
    %add3A_1017 = arith.constant -0.801728367 : f32
    %add3A_1018 = vector.broadcast %add3A_1017 : f32 to vector<16xf32>
    %add3A_1019 = arith.addf %mul3A_1016, %add3A_1018 : vector<16xf32>
    %mul3A_1020 = arith.mulf %add3A_1019, %exp3A_999 : vector<16xf32>
    %add3A_1021 = arith.constant 0.469989896 : f32
    %add3A_1022 = vector.broadcast %add3A_1021 : f32 to vector<16xf32>
    %add3A_1023 = arith.addf %mul3A_1020, %add3A_1022 : vector<16xf32>
    %mul3A_1024 = arith.mulf %add3A_1023, %exp3A_999 : vector<16xf32>
    %add3A_1025 = arith.constant 0.000000e+00 : f32
    %add3A_1026 = vector.broadcast %add3A_1025 : f32 to vector<16xf32>
    %add3A_1027 = arith.addf %mul3A_1024, %add3A_1026 : vector<16xf32>
    %ge3A_1028 = arith.constant 0.000000e+00 : f32
    %ge3A_1029 = vector.broadcast %ge3A_1028 : f32 to vector<16xf32>
    %ge3A_1030 = arith.cmpf oge, %get3A_994, %ge3A_1029 : vector<16xf32>
    %mul3A_1031 = arith.mulf %get3A_994, %add3A_1013 : vector<16xf32>
    %add3A_1032 = arith.addf %mul3A_1031, %add3A_1027 : vector<16xf32>
    %mul3A_1033 = arith.mulf %exp3A_999, %exp3A_999 : vector<16xf32>
    %mul3A_1034 = arith.mulf %mul3A_1033, %add3A_1027 : vector<16xf32>
    %select_n3A_1035 = arith.select %ge3A_1030, %add3A_1032, %mul3A_1034 : vector<16xi1>, vector<16xf32>
    %add3A_1036 = arith.addf %broadcast_in_dim3A_852, %select_n3A_1035 : vector<16xf32>
    %get3A_1037 = arith.constant 4 : i32
    %get3A_1038 = arith.index_cast %get3A_1037 : i32 to index
    %get3A_1039 = arith.constant 16 : index
    %get3A_1040 = tpu.vector_load %arg8[%get3A_1038, %get3A_1039] {strides = array<i32>} : memref<16x32xf32, #tpu.memory_space<vmem>>, vector<16xf32>,
    %neg3A_1041 = arith.constant 0.000000e+00 : f32
    %neg3A_1042 = vector.broadcast %neg3A_1041 : f32 to vector<16xf32>
    %neg3A_1043 = arith.subf %neg3A_1042, %get3A_1040 : vector<16xf32>
    %min3A_1044 = arith.minimumf %get3A_1040, %neg3A_1043 : vector<16xf32>
    %exp3A_1045 = math.exp %min3A_1044 : vector<16xf32>
    %mul3A_1046 = arith.constant -0.513961852 : f32
    %mul3A_1047 = vector.broadcast %mul3A_1046 : f32 to vector<16xf32>
    %mul3A_1048 = arith.mulf %mul3A_1047, %exp3A_1045 : vector<16xf32>
    %add3A_1049 = arith.constant 1.0934037 : f32
    %add3A_1050 = vector.broadcast %add3A_1049 : f32 to vector<16xf32>
    %add3A_1051 = arith.addf %mul3A_1048, %add3A_1050 : vector<16xf32>
    %mul3A_1052 = arith.mulf %add3A_1051, %exp3A_1045 : vector<16xf32>
    %add3A_1053 = arith.constant -0.971954882 : f32
    %add3A_1054 = vector.broadcast %add3A_1053 : f32 to vector<16xf32>
    %add3A_1055 = arith.addf %mul3A_1052, %add3A_1054 : vector<16xf32>
    %mul3A_1056 = arith.mulf %add3A_1055, %exp3A_1045 : vector<16xf32>
    %add3A_1057 = arith.constant 5.000000e-01 : f32
    %add3A_1058 = vector.broadcast %add3A_1057 : f32 to vector<16xf32>
    %add3A_1059 = arith.addf %mul3A_1056, %add3A_1058 : vector<16xf32>
    %mul3A_1060 = arith.constant 0.435844094 : f32
    %mul3A_1061 = vector.broadcast %mul3A_1060 : f32 to vector<16xf32>
    %mul3A_1062 = arith.mulf %mul3A_1061, %exp3A_1045 : vector<16xf32>
    %add3A_1063 = arith.constant -0.801728367 : f32
    %add3A_1064 = vector.broadcast %add3A_1063 : f32 to vector<16xf32>
    %add3A_1065 = arith.addf %mul3A_1062, %add3A_1064 : vector<16xf32>
    %mul3A_1066 = arith.mulf %add3A_1065, %exp3A_1045 : vector<16xf32>
    %add3A_1067 = arith.constant 0.469989896 : f32
    %add3A_1068 = vector.broadcast %add3A_1067 : f32 to vector<16xf32>
    %add3A_1069 = arith.addf %mul3A_1066, %add3A_1068 : vector<16xf32>
    %mul3A_1070 = arith.mulf %add3A_1069, %exp3A_1045 : vector<16xf32>
    %add3A_1071 = arith.constant 0.000000e+00 : f32
    %add3A_1072 = vector.broadcast %add3A_1071 : f32 to vector<16xf32>
    %add3A_1073 = arith.addf %mul3A_1070, %add3A_1072 : vector<16xf32>
    %ge3A_1074 = arith.constant 0.000000e+00 : f32
    %ge3A_1075 = vector.broadcast %ge3A_1074 : f32 to vector<16xf32>
    %ge3A_1076 = arith.cmpf oge, %get3A_1040, %ge3A_1075 : vector<16xf32>
    %mul3A_1077 = arith.mulf %get3A_1040, %add3A_1059 : vector<16xf32>
    %add3A_1078 = arith.addf %mul3A_1077, %add3A_1073 : vector<16xf32>
    %mul3A_1079 = arith.mulf %exp3A_1045, %exp3A_1045 : vector<16xf32>
    %mul3A_1080 = arith.mulf %mul3A_1079, %add3A_1073 : vector<16xf32>
    %select_n3A_1081 = arith.select %ge3A_1076, %add3A_1078, %mul3A_1080 : vector<16xi1>, vector<16xf32>
    %add3A_1082 = arith.addf %add3A_898, %select_n3A_1081 : vector<16xf32>
    %get3A_1083 = arith.constant 5 : i32
    %get3A_1084 = arith.index_cast %get3A_1083 : i32 to index
    %get3A_1085 = arith.constant 16 : index
    %get3A_1086 = tpu.vector_load %arg8[%get3A_1084, %get3A_1085] {strides = array<i32>} : memref<16x32xf32, #tpu.memory_space<vmem>>, vector<16xf32>,
    %neg3A_1087 = arith.constant 0.000000e+00 : f32
    %neg3A_1088 = vector.broadcast %neg3A_1087 : f32 to vector<16xf32>
    %neg3A_1089 = arith.subf %neg3A_1088, %get3A_1086 : vector<16xf32>
    %min3A_1090 = arith.minimumf %get3A_1086, %neg3A_1089 : vector<16xf32>
    %exp3A_1091 = math.exp %min3A_1090 : vector<16xf32>
    %mul3A_1092 = arith.constant -0.513961852 : f32
    %mul3A_1093 = vector.broadcast %mul3A_1092 : f32 to vector<16xf32>
    %mul3A_1094 = arith.mulf %mul3A_1093, %exp3A_1091 : vector<16xf32>
    %add3A_1095 = arith.constant 1.0934037 : f32
    %add3A_1096 = vector.broadcast %add3A_1095 : f32 to vector<16xf32>
    %add3A_1097 = arith.addf %mul3A_1094, %add3A_1096 : vector<16xf32>
    %mul3A_1098 = arith.mulf %add3A_1097, %exp3A_1091 : vector<16xf32>
    %add3A_1099 = arith.constant -0.971954882 : f32
    %add3A_1100 = vector.broadcast %add3A_1099 : f32 to vector<16xf32>
    %add3A_1101 = arith.addf %mul3A_1098, %add3A_1100 : vector<16xf32>
    %mul3A_1102 = arith.mulf %add3A_1101, %exp3A_1091 : vector<16xf32>
    %add3A_1103 = arith.constant 5.000000e-01 : f32
    %add3A_1104 = vector.broadcast %add3A_1103 : f32 to vector<16xf32>
    %add3A_1105 = arith.addf %mul3A_1102, %add3A_1104 : vector<16xf32>
    %mul3A_1106 = arith.constant 0.435844094 : f32
    %mul3A_1107 = vector.broadcast %mul3A_1106 : f32 to vector<16xf32>
    %mul3A_1108 = arith.mulf %mul3A_1107, %exp3A_1091 : vector<16xf32>
    %add3A_1109 = arith.constant -0.801728367 : f32
    %add3A_1110 = vector.broadcast %add3A_1109 : f32 to vector<16xf32>
    %add3A_1111 = arith.addf %mul3A_1108, %add3A_1110 : vector<16xf32>
    %mul3A_1112 = arith.mulf %add3A_1111, %exp3A_1091 : vector<16xf32>
    %add3A_1113 = arith.constant 0.469989896 : f32
    %add3A_1114 = vector.broadcast %add3A_1113 : f32 to vector<16xf32>
    %add3A_1115 = arith.addf %mul3A_1112, %add3A_1114 : vector<16xf32>
    %mul3A_1116 = arith.mulf %add3A_1115, %exp3A_1091 : vector<16xf32>
    %add3A_1117 = arith.constant 0.000000e+00 : f32
    %add3A_1118 = vector.broadcast %add3A_1117 : f32 to vector<16xf32>
    %add3A_1119 = arith.addf %mul3A_1116, %add3A_1118 : vector<16xf32>
    %ge3A_1120 = arith.constant 0.000000e+00 : f32
    %ge3A_1121 = vector.broadcast %ge3A_1120 : f32 to vector<16xf32>
    %ge3A_1122 = arith.cmpf oge, %get3A_1086, %ge3A_1121 : vector<16xf32>
    %mul3A_1123 = arith.mulf %get3A_1086, %add3A_1105 : vector<16xf32>
    %add3A_1124 = arith.addf %mul3A_1123, %add3A_1119 : vector<16xf32>
    %mul3A_1125 = arith.mulf %exp3A_1091, %exp3A_1091 : vector<16xf32>
    %mul3A_1126 = arith.mulf %mul3A_1125, %add3A_1119 : vector<16xf32>
    %select_n3A_1127 = arith.select %ge3A_1122, %add3A_1124, %mul3A_1126 : vector<16xi1>, vector<16xf32>
    %add3A_1128 = arith.addf %add3A_944, %select_n3A_1127 : vector<16xf32>
    %get3A_1129 = arith.constant 6 : i32
    %get3A_1130 = arith.index_cast %get3A_1129 : i32 to index
    %get3A_1131 = arith.constant 16 : index
    %get3A_1132 = tpu.vector_load %arg8[%get3A_1130, %get3A_1131] {strides = array<i32>} : memref<16x32xf32, #tpu.memory_space<vmem>>, vector<16xf32>,
    %neg3A_1133 = arith.constant 0.000000e+00 : f32
    %neg3A_1134 = vector.broadcast %neg3A_1133 : f32 to vector<16xf32>
    %neg3A_1135 = arith.subf %neg3A_1134, %get3A_1132 : vector<16xf32>
    %min3A_1136 = arith.minimumf %get3A_1132, %neg3A_1135 : vector<16xf32>
    %exp3A_1137 = math.exp %min3A_1136 : vector<16xf32>
    %mul3A_1138 = arith.constant -0.513961852 : f32
    %mul3A_1139 = vector.broadcast %mul3A_1138 : f32 to vector<16xf32>
    %mul3A_1140 = arith.mulf %mul3A_1139, %exp3A_1137 : vector<16xf32>
    %add3A_1141 = arith.constant 1.0934037 : f32
    %add3A_1142 = vector.broadcast %add3A_1141 : f32 to vector<16xf32>
    %add3A_1143 = arith.addf %mul3A_1140, %add3A_1142 : vector<16xf32>
    %mul3A_1144 = arith.mulf %add3A_1143, %exp3A_1137 : vector<16xf32>
    %add3A_1145 = arith.constant -0.971954882 : f32
    %add3A_1146 = vector.broadcast %add3A_1145 : f32 to vector<16xf32>
    %add3A_1147 = arith.addf %mul3A_1144, %add3A_1146 : vector<16xf32>
    %mul3A_1148 = arith.mulf %add3A_1147, %exp3A_1137 : vector<16xf32>
    %add3A_1149 = arith.constant 5.000000e-01 : f32
    %add3A_1150 = vector.broadcast %add3A_1149 : f32 to vector<16xf32>
    %add3A_1151 = arith.addf %mul3A_1148, %add3A_1150 : vector<16xf32>
    %mul3A_1152 = arith.constant 0.435844094 : f32
    %mul3A_1153 = vector.broadcast %mul3A_1152 : f32 to vector<16xf32>
    %mul3A_1154 = arith.mulf %mul3A_1153, %exp3A_1137 : vector<16xf32>
    %add3A_1155 = arith.constant -0.801728367 : f32
    %add3A_1156 = vector.broadcast %add3A_1155 : f32 to vector<16xf32>
    %add3A_1157 = arith.addf %mul3A_1154, %add3A_1156 : vector<16xf32>
    %mul3A_1158 = arith.mulf %add3A_1157, %exp3A_1137 : vector<16xf32>
    %add3A_1159 = arith.constant 0.469989896 : f32
    %add3A_1160 = vector.broadcast %add3A_1159 : f32 to vector<16xf32>
    %add3A_1161 = arith.addf %mul3A_1158, %add3A_1160 : vector<16xf32>
    %mul3A_1162 = arith.mulf %add3A_1161, %exp3A_1137 : vector<16xf32>
    %add3A_1163 = arith.constant 0.000000e+00 : f32
    %add3A_1164 = vector.broadcast %add3A_1163 : f32 to vector<16xf32>
    %add3A_1165 = arith.addf %mul3A_1162, %add3A_1164 : vector<16xf32>
    %ge3A_1166 = arith.constant 0.000000e+00 : f32
    %ge3A_1167 = vector.broadcast %ge3A_1166 : f32 to vector<16xf32>
    %ge3A_1168 = arith.cmpf oge, %get3A_1132, %ge3A_1167 : vector<16xf32>
    %mul3A_1169 = arith.mulf %get3A_1132, %add3A_1151 : vector<16xf32>
    %add3A_1170 = arith.addf %mul3A_1169, %add3A_1165 : vector<16xf32>
    %mul3A_1171 = arith.mulf %exp3A_1137, %exp3A_1137 : vector<16xf32>
    %mul3A_1172 = arith.mulf %mul3A_1171, %add3A_1165 : vector<16xf32>
    %select_n3A_1173 = arith.select %ge3A_1168, %add3A_1170, %mul3A_1172 : vector<16xi1>, vector<16xf32>
    %add3A_1174 = arith.addf %add3A_990, %select_n3A_1173 : vector<16xf32>
    %get3A_1175 = arith.constant 7 : i32
    %get3A_1176 = arith.index_cast %get3A_1175 : i32 to index
    %get3A_1177 = arith.constant 16 : index
    %get3A_1178 = tpu.vector_load %arg8[%get3A_1176, %get3A_1177] {strides = array<i32>} : memref<16x32xf32, #tpu.memory_space<vmem>>, vector<16xf32>,
    %neg3A_1179 = arith.constant 0.000000e+00 : f32
    %neg3A_1180 = vector.broadcast %neg3A_1179 : f32 to vector<16xf32>
    %neg3A_1181 = arith.subf %neg3A_1180, %get3A_1178 : vector<16xf32>
    %min3A_1182 = arith.minimumf %get3A_1178, %neg3A_1181 : vector<16xf32>
    %exp3A_1183 = math.exp %min3A_1182 : vector<16xf32>
    %mul3A_1184 = arith.constant -0.513961852 : f32
    %mul3A_1185 = vector.broadcast %mul3A_1184 : f32 to vector<16xf32>
    %mul3A_1186 = arith.mulf %mul3A_1185, %exp3A_1183 : vector<16xf32>
    %add3A_1187 = arith.constant 1.0934037 : f32
    %add3A_1188 = vector.broadcast %add3A_1187 : f32 to vector<16xf32>
    %add3A_1189 = arith.addf %mul3A_1186, %add3A_1188 : vector<16xf32>
    %mul3A_1190 = arith.mulf %add3A_1189, %exp3A_1183 : vector<16xf32>
    %add3A_1191 = arith.constant -0.971954882 : f32
    %add3A_1192 = vector.broadcast %add3A_1191 : f32 to vector<16xf32>
    %add3A_1193 = arith.addf %mul3A_1190, %add3A_1192 : vector<16xf32>
    %mul3A_1194 = arith.mulf %add3A_1193, %exp3A_1183 : vector<16xf32>
    %add3A_1195 = arith.constant 5.000000e-01 : f32
    %add3A_1196 = vector.broadcast %add3A_1195 : f32 to vector<16xf32>
    %add3A_1197 = arith.addf %mul3A_1194, %add3A_1196 : vector<16xf32>
    %mul3A_1198 = arith.constant 0.435844094 : f32
    %mul3A_1199 = vector.broadcast %mul3A_1198 : f32 to vector<16xf32>
    %mul3A_1200 = arith.mulf %mul3A_1199, %exp3A_1183 : vector<16xf32>
    %add3A_1201 = arith.constant -0.801728367 : f32
    %add3A_1202 = vector.broadcast %add3A_1201 : f32 to vector<16xf32>
    %add3A_1203 = arith.addf %mul3A_1200, %add3A_1202 : vector<16xf32>
    %mul3A_1204 = arith.mulf %add3A_1203, %exp3A_1183 : vector<16xf32>
    %add3A_1205 = arith.constant 0.469989896 : f32
    %add3A_1206 = vector.broadcast %add3A_1205 : f32 to vector<16xf32>
    %add3A_1207 = arith.addf %mul3A_1204, %add3A_1206 : vector<16xf32>
    %mul3A_1208 = arith.mulf %add3A_1207, %exp3A_1183 : vector<16xf32>
    %add3A_1209 = arith.constant 0.000000e+00 : f32
    %add3A_1210 = vector.broadcast %add3A_1209 : f32 to vector<16xf32>
    %add3A_1211 = arith.addf %mul3A_1208, %add3A_1210 : vector<16xf32>
    %ge3A_1212 = arith.constant 0.000000e+00 : f32
    %ge3A_1213 = vector.broadcast %ge3A_1212 : f32 to vector<16xf32>
    %ge3A_1214 = arith.cmpf oge, %get3A_1178, %ge3A_1213 : vector<16xf32>
    %mul3A_1215 = arith.mulf %get3A_1178, %add3A_1197 : vector<16xf32>
    %add3A_1216 = arith.addf %mul3A_1215, %add3A_1211 : vector<16xf32>
    %mul3A_1217 = arith.mulf %exp3A_1183, %exp3A_1183 : vector<16xf32>
    %mul3A_1218 = arith.mulf %mul3A_1217, %add3A_1211 : vector<16xf32>
    %select_n3A_1219 = arith.select %ge3A_1214, %add3A_1216, %mul3A_1218 : vector<16xi1>, vector<16xf32>
    %add3A_1220 = arith.addf %add3A_1036, %select_n3A_1219 : vector<16xf32>
    %get3A_1221 = arith.constant 8 : i32
    %get3A_1222 = arith.index_cast %get3A_1221 : i32 to index
    %get3A_1223 = arith.constant 16 : index
    %get3A_1224 = tpu.vector_load %arg8[%get3A_1222, %get3A_1223] {strides = array<i32>} : memref<16x32xf32, #tpu.memory_space<vmem>>, vector<16xf32>,
    %neg3A_1225 = arith.constant 0.000000e+00 : f32
    %neg3A_1226 = vector.broadcast %neg3A_1225 : f32 to vector<16xf32>
    %neg3A_1227 = arith.subf %neg3A_1226, %get3A_1224 : vector<16xf32>
    %min3A_1228 = arith.minimumf %get3A_1224, %neg3A_1227 : vector<16xf32>
    %exp3A_1229 = math.exp %min3A_1228 : vector<16xf32>
    %mul3A_1230 = arith.constant -0.513961852 : f32
    %mul3A_1231 = vector.broadcast %mul3A_1230 : f32 to vector<16xf32>
    %mul3A_1232 = arith.mulf %mul3A_1231, %exp3A_1229 : vector<16xf32>
    %add3A_1233 = arith.constant 1.0934037 : f32
    %add3A_1234 = vector.broadcast %add3A_1233 : f32 to vector<16xf32>
    %add3A_1235 = arith.addf %mul3A_1232, %add3A_1234 : vector<16xf32>
    %mul3A_1236 = arith.mulf %add3A_1235, %exp3A_1229 : vector<16xf32>
    %add3A_1237 = arith.constant -0.971954882 : f32
    %add3A_1238 = vector.broadcast %add3A_1237 : f32 to vector<16xf32>
    %add3A_1239 = arith.addf %mul3A_1236, %add3A_1238 : vector<16xf32>
    %mul3A_1240 = arith.mulf %add3A_1239, %exp3A_1229 : vector<16xf32>
    %add3A_1241 = arith.constant 5.000000e-01 : f32
    %add3A_1242 = vector.broadcast %add3A_1241 : f32 to vector<16xf32>
    %add3A_1243 = arith.addf %mul3A_1240, %add3A_1242 : vector<16xf32>
    %mul3A_1244 = arith.constant 0.435844094 : f32
    %mul3A_1245 = vector.broadcast %mul3A_1244 : f32 to vector<16xf32>
    %mul3A_1246 = arith.mulf %mul3A_1245, %exp3A_1229 : vector<16xf32>
    %add3A_1247 = arith.constant -0.801728367 : f32
    %add3A_1248 = vector.broadcast %add3A_1247 : f32 to vector<16xf32>
    %add3A_1249 = arith.addf %mul3A_1246, %add3A_1248 : vector<16xf32>
    %mul3A_1250 = arith.mulf %add3A_1249, %exp3A_1229 : vector<16xf32>
    %add3A_1251 = arith.constant 0.469989896 : f32
    %add3A_1252 = vector.broadcast %add3A_1251 : f32 to vector<16xf32>
    %add3A_1253 = arith.addf %mul3A_1250, %add3A_1252 : vector<16xf32>
    %mul3A_1254 = arith.mulf %add3A_1253, %exp3A_1229 : vector<16xf32>
    %add3A_1255 = arith.constant 0.000000e+00 : f32
    %add3A_1256 = vector.broadcast %add3A_1255 : f32 to vector<16xf32>
    %add3A_1257 = arith.addf %mul3A_1254, %add3A_1256 : vector<16xf32>
    %ge3A_1258 = arith.constant 0.000000e+00 : f32
    %ge3A_1259 = vector.broadcast %ge3A_1258 : f32 to vector<16xf32>
    %ge3A_1260 = arith.cmpf oge, %get3A_1224, %ge3A_1259 : vector<16xf32>
    %mul3A_1261 = arith.mulf %get3A_1224, %add3A_1243 : vector<16xf32>
    %add3A_1262 = arith.addf %mul3A_1261, %add3A_1257 : vector<16xf32>
    %mul3A_1263 = arith.mulf %exp3A_1229, %exp3A_1229 : vector<16xf32>
    %mul3A_1264 = arith.mulf %mul3A_1263, %add3A_1257 : vector<16xf32>
    %select_n3A_1265 = arith.select %ge3A_1260, %add3A_1262, %mul3A_1264 : vector<16xi1>, vector<16xf32>
    %add3A_1266 = arith.addf %add3A_1082, %select_n3A_1265 : vector<16xf32>
    %get3A_1267 = arith.constant 9 : i32
    %get3A_1268 = arith.index_cast %get3A_1267 : i32 to index
    %get3A_1269 = arith.constant 16 : index
    %get3A_1270 = tpu.vector_load %arg8[%get3A_1268, %get3A_1269] {strides = array<i32>} : memref<16x32xf32, #tpu.memory_space<vmem>>, vector<16xf32>,
    %neg3A_1271 = arith.constant 0.000000e+00 : f32
    %neg3A_1272 = vector.broadcast %neg3A_1271 : f32 to vector<16xf32>
    %neg3A_1273 = arith.subf %neg3A_1272, %get3A_1270 : vector<16xf32>
    %min3A_1274 = arith.minimumf %get3A_1270, %neg3A_1273 : vector<16xf32>
    %exp3A_1275 = math.exp %min3A_1274 : vector<16xf32>
    %mul3A_1276 = arith.constant -0.513961852 : f32
    %mul3A_1277 = vector.broadcast %mul3A_1276 : f32 to vector<16xf32>
    %mul3A_1278 = arith.mulf %mul3A_1277, %exp3A_1275 : vector<16xf32>
    %add3A_1279 = arith.constant 1.0934037 : f32
    %add3A_1280 = vector.broadcast %add3A_1279 : f32 to vector<16xf32>
    %add3A_1281 = arith.addf %mul3A_1278, %add3A_1280 : vector<16xf32>
    %mul3A_1282 = arith.mulf %add3A_1281, %exp3A_1275 : vector<16xf32>
    %add3A_1283 = arith.constant -0.971954882 : f32
    %add3A_1284 = vector.broadcast %add3A_1283 : f32 to vector<16xf32>
    %add3A_1285 = arith.addf %mul3A_1282, %add3A_1284 : vector<16xf32>
    %mul3A_1286 = arith.mulf %add3A_1285, %exp3A_1275 : vector<16xf32>
    %add3A_1287 = arith.constant 5.000000e-01 : f32
    %add3A_1288 = vector.broadcast %add3A_1287 : f32 to vector<16xf32>
    %add3A_1289 = arith.addf %mul3A_1286, %add3A_1288 : vector<16xf32>
    %mul3A_1290 = arith.constant 0.435844094 : f32
    %mul3A_1291 = vector.broadcast %mul3A_1290 : f32 to vector<16xf32>
    %mul3A_1292 = arith.mulf %mul3A_1291, %exp3A_1275 : vector<16xf32>
    %add3A_1293 = arith.constant -0.801728367 : f32
    %add3A_1294 = vector.broadcast %add3A_1293 : f32 to vector<16xf32>
    %add3A_1295 = arith.addf %mul3A_1292, %add3A_1294 : vector<16xf32>
    %mul3A_1296 = arith.mulf %add3A_1295, %exp3A_1275 : vector<16xf32>
    %add3A_1297 = arith.constant 0.469989896 : f32
    %add3A_1298 = vector.broadcast %add3A_1297 : f32 to vector<16xf32>
    %add3A_1299 = arith.addf %mul3A_1296, %add3A_1298 : vector<16xf32>
    %mul3A_1300 = arith.mulf %add3A_1299, %exp3A_1275 : vector<16xf32>
    %add3A_1301 = arith.constant 0.000000e+00 : f32
    %add3A_1302 = vector.broadcast %add3A_1301 : f32 to vector<16xf32>
    %add3A_1303 = arith.addf %mul3A_1300, %add3A_1302 : vector<16xf32>
    %ge3A_1304 = arith.constant 0.000000e+00 : f32
    %ge3A_1305 = vector.broadcast %ge3A_1304 : f32 to vector<16xf32>
    %ge3A_1306 = arith.cmpf oge, %get3A_1270, %ge3A_1305 : vector<16xf32>
    %mul3A_1307 = arith.mulf %get3A_1270, %add3A_1289 : vector<16xf32>
    %add3A_1308 = arith.addf %mul3A_1307, %add3A_1303 : vector<16xf32>
    %mul3A_1309 = arith.mulf %exp3A_1275, %exp3A_1275 : vector<16xf32>
    %mul3A_1310 = arith.mulf %mul3A_1309, %add3A_1303 : vector<16xf32>
    %select_n3A_1311 = arith.select %ge3A_1306, %add3A_1308, %mul3A_1310 : vector<16xi1>, vector<16xf32>
    %add3A_1312 = arith.addf %add3A_1128, %select_n3A_1311 : vector<16xf32>
    %get3A_1313 = arith.constant 10 : i32
    %get3A_1314 = arith.index_cast %get3A_1313 : i32 to index
    %get3A_1315 = arith.constant 16 : index
    %get3A_1316 = tpu.vector_load %arg8[%get3A_1314, %get3A_1315] {strides = array<i32>} : memref<16x32xf32, #tpu.memory_space<vmem>>, vector<16xf32>,
    %neg3A_1317 = arith.constant 0.000000e+00 : f32
    %neg3A_1318 = vector.broadcast %neg3A_1317 : f32 to vector<16xf32>
    %neg3A_1319 = arith.subf %neg3A_1318, %get3A_1316 : vector<16xf32>
    %min3A_1320 = arith.minimumf %get3A_1316, %neg3A_1319 : vector<16xf32>
    %exp3A_1321 = math.exp %min3A_1320 : vector<16xf32>
    %mul3A_1322 = arith.constant -0.513961852 : f32
    %mul3A_1323 = vector.broadcast %mul3A_1322 : f32 to vector<16xf32>
    %mul3A_1324 = arith.mulf %mul3A_1323, %exp3A_1321 : vector<16xf32>
    %add3A_1325 = arith.constant 1.0934037 : f32
    %add3A_1326 = vector.broadcast %add3A_1325 : f32 to vector<16xf32>
    %add3A_1327 = arith.addf %mul3A_1324, %add3A_1326 : vector<16xf32>
    %mul3A_1328 = arith.mulf %add3A_1327, %exp3A_1321 : vector<16xf32>
    %add3A_1329 = arith.constant -0.971954882 : f32
    %add3A_1330 = vector.broadcast %add3A_1329 : f32 to vector<16xf32>
    %add3A_1331 = arith.addf %mul3A_1328, %add3A_1330 : vector<16xf32>
    %mul3A_1332 = arith.mulf %add3A_1331, %exp3A_1321 : vector<16xf32>
    %add3A_1333 = arith.constant 5.000000e-01 : f32
    %add3A_1334 = vector.broadcast %add3A_1333 : f32 to vector<16xf32>
    %add3A_1335 = arith.addf %mul3A_1332, %add3A_1334 : vector<16xf32>
    %mul3A_1336 = arith.constant 0.435844094 : f32
    %mul3A_1337 = vector.broadcast %mul3A_1336 : f32 to vector<16xf32>
    %mul3A_1338 = arith.mulf %mul3A_1337, %exp3A_1321 : vector<16xf32>
    %add3A_1339 = arith.constant -0.801728367 : f32
    %add3A_1340 = vector.broadcast %add3A_1339 : f32 to vector<16xf32>
    %add3A_1341 = arith.addf %mul3A_1338, %add3A_1340 : vector<16xf32>
    %mul3A_1342 = arith.mulf %add3A_1341, %exp3A_1321 : vector<16xf32>
    %add3A_1343 = arith.constant 0.469989896 : f32
    %add3A_1344 = vector.broadcast %add3A_1343 : f32 to vector<16xf32>
    %add3A_1345 = arith.addf %mul3A_1342, %add3A_1344 : vector<16xf32>
    %mul3A_1346 = arith.mulf %add3A_1345, %exp3A_1321 : vector<16xf32>
    %add3A_1347 = arith.constant 0.000000e+00 : f32
    %add3A_1348 = vector.broadcast %add3A_1347 : f32 to vector<16xf32>
    %add3A_1349 = arith.addf %mul3A_1346, %add3A_1348 : vector<16xf32>
    %ge3A_1350 = arith.constant 0.000000e+00 : f32
    %ge3A_1351 = vector.broadcast %ge3A_1350 : f32 to vector<16xf32>
    %ge3A_1352 = arith.cmpf oge, %get3A_1316, %ge3A_1351 : vector<16xf32>
    %mul3A_1353 = arith.mulf %get3A_1316, %add3A_1335 : vector<16xf32>
    %add3A_1354 = arith.addf %mul3A_1353, %add3A_1349 : vector<16xf32>
    %mul3A_1355 = arith.mulf %exp3A_1321, %exp3A_1321 : vector<16xf32>
    %mul3A_1356 = arith.mulf %mul3A_1355, %add3A_1349 : vector<16xf32>
    %select_n3A_1357 = arith.select %ge3A_1352, %add3A_1354, %mul3A_1356 : vector<16xi1>, vector<16xf32>
    %add3A_1358 = arith.addf %add3A_1174, %select_n3A_1357 : vector<16xf32>
    %get3A_1359 = arith.constant 11 : i32
    %get3A_1360 = arith.index_cast %get3A_1359 : i32 to index
    %get3A_1361 = arith.constant 16 : index
    %get3A_1362 = tpu.vector_load %arg8[%get3A_1360, %get3A_1361] {strides = array<i32>} : memref<16x32xf32, #tpu.memory_space<vmem>>, vector<16xf32>,
    %neg3A_1363 = arith.constant 0.000000e+00 : f32
    %neg3A_1364 = vector.broadcast %neg3A_1363 : f32 to vector<16xf32>
    %neg3A_1365 = arith.subf %neg3A_1364, %get3A_1362 : vector<16xf32>
    %min3A_1366 = arith.minimumf %get3A_1362, %neg3A_1365 : vector<16xf32>
    %exp3A_1367 = math.exp %min3A_1366 : vector<16xf32>
    %mul3A_1368 = arith.constant -0.513961852 : f32
    %mul3A_1369 = vector.broadcast %mul3A_1368 : f32 to vector<16xf32>
    %mul3A_1370 = arith.mulf %mul3A_1369, %exp3A_1367 : vector<16xf32>
    %add3A_1371 = arith.constant 1.0934037 : f32
    %add3A_1372 = vector.broadcast %add3A_1371 : f32 to vector<16xf32>
    %add3A_1373 = arith.addf %mul3A_1370, %add3A_1372 : vector<16xf32>
    %mul3A_1374 = arith.mulf %add3A_1373, %exp3A_1367 : vector<16xf32>
    %add3A_1375 = arith.constant -0.971954882 : f32
    %add3A_1376 = vector.broadcast %add3A_1375 : f32 to vector<16xf32>
    %add3A_1377 = arith.addf %mul3A_1374, %add3A_1376 : vector<16xf32>
    %mul3A_1378 = arith.mulf %add3A_1377, %exp3A_1367 : vector<16xf32>
    %add3A_1379 = arith.constant 5.000000e-01 : f32
    %add3A_1380 = vector.broadcast %add3A_1379 : f32 to vector<16xf32>
    %add3A_1381 = arith.addf %mul3A_1378, %add3A_1380 : vector<16xf32>
    %mul3A_1382 = arith.constant 0.435844094 : f32
    %mul3A_1383 = vector.broadcast %mul3A_1382 : f32 to vector<16xf32>
    %mul3A_1384 = arith.mulf %mul3A_1383, %exp3A_1367 : vector<16xf32>
    %add3A_1385 = arith.constant -0.801728367 : f32
    %add3A_1386 = vector.broadcast %add3A_1385 : f32 to vector<16xf32>
    %add3A_1387 = arith.addf %mul3A_1384, %add3A_1386 : vector<16xf32>
    %mul3A_1388 = arith.mulf %add3A_1387, %exp3A_1367 : vector<16xf32>
    %add3A_1389 = arith.constant 0.469989896 : f32
    %add3A_1390 = vector.broadcast %add3A_1389 : f32 to vector<16xf32>
    %add3A_1391 = arith.addf %mul3A_1388, %add3A_1390 : vector<16xf32>
    %mul3A_1392 = arith.mulf %add3A_1391, %exp3A_1367 : vector<16xf32>
    %add3A_1393 = arith.constant 0.000000e+00 : f32
    %add3A_1394 = vector.broadcast %add3A_1393 : f32 to vector<16xf32>
    %add3A_1395 = arith.addf %mul3A_1392, %add3A_1394 : vector<16xf32>
    %ge3A_1396 = arith.constant 0.000000e+00 : f32
    %ge3A_1397 = vector.broadcast %ge3A_1396 : f32 to vector<16xf32>
    %ge3A_1398 = arith.cmpf oge, %get3A_1362, %ge3A_1397 : vector<16xf32>
    %mul3A_1399 = arith.mulf %get3A_1362, %add3A_1381 : vector<16xf32>
    %add3A_1400 = arith.addf %mul3A_1399, %add3A_1395 : vector<16xf32>
    %mul3A_1401 = arith.mulf %exp3A_1367, %exp3A_1367 : vector<16xf32>
    %mul3A_1402 = arith.mulf %mul3A_1401, %add3A_1395 : vector<16xf32>
    %select_n3A_1403 = arith.select %ge3A_1398, %add3A_1400, %mul3A_1402 : vector<16xi1>, vector<16xf32>
    %add3A_1404 = arith.addf %add3A_1220, %select_n3A_1403 : vector<16xf32>
    %get3A_1405 = arith.constant 12 : i32
    %get3A_1406 = arith.index_cast %get3A_1405 : i32 to index
    %get3A_1407 = arith.constant 16 : index
    %get3A_1408 = tpu.vector_load %arg8[%get3A_1406, %get3A_1407] {strides = array<i32>} : memref<16x32xf32, #tpu.memory_space<vmem>>, vector<16xf32>,
    %neg3A_1409 = arith.constant 0.000000e+00 : f32
    %neg3A_1410 = vector.broadcast %neg3A_1409 : f32 to vector<16xf32>
    %neg3A_1411 = arith.subf %neg3A_1410, %get3A_1408 : vector<16xf32>
    %min3A_1412 = arith.minimumf %get3A_1408, %neg3A_1411 : vector<16xf32>
    %exp3A_1413 = math.exp %min3A_1412 : vector<16xf32>
    %mul3A_1414 = arith.constant -0.513961852 : f32
    %mul3A_1415 = vector.broadcast %mul3A_1414 : f32 to vector<16xf32>
    %mul3A_1416 = arith.mulf %mul3A_1415, %exp3A_1413 : vector<16xf32>
    %add3A_1417 = arith.constant 1.0934037 : f32
    %add3A_1418 = vector.broadcast %add3A_1417 : f32 to vector<16xf32>
    %add3A_1419 = arith.addf %mul3A_1416, %add3A_1418 : vector<16xf32>
    %mul3A_1420 = arith.mulf %add3A_1419, %exp3A_1413 : vector<16xf32>
    %add3A_1421 = arith.constant -0.971954882 : f32
    %add3A_1422 = vector.broadcast %add3A_1421 : f32 to vector<16xf32>
    %add3A_1423 = arith.addf %mul3A_1420, %add3A_1422 : vector<16xf32>
    %mul3A_1424 = arith.mulf %add3A_1423, %exp3A_1413 : vector<16xf32>
    %add3A_1425 = arith.constant 5.000000e-01 : f32
    %add3A_1426 = vector.broadcast %add3A_1425 : f32 to vector<16xf32>
    %add3A_1427 = arith.addf %mul3A_1424, %add3A_1426 : vector<16xf32>
    %mul3A_1428 = arith.constant 0.435844094 : f32
    %mul3A_1429 = vector.broadcast %mul3A_1428 : f32 to vector<16xf32>
    %mul3A_1430 = arith.mulf %mul3A_1429, %exp3A_1413 : vector<16xf32>
    %add3A_1431 = arith.constant -0.801728367 : f32
    %add3A_1432 = vector.broadcast %add3A_1431 : f32 to vector<16xf32>
    %add3A_1433 = arith.addf %mul3A_1430, %add3A_1432 : vector<16xf32>
    %mul3A_1434 = arith.mulf %add3A_1433, %exp3A_1413 : vector<16xf32>
    %add3A_1435 = arith.constant 0.469989896 : f32
    %add3A_1436 = vector.broadcast %add3A_1435 : f32 to vector<16xf32>
    %add3A_1437 = arith.addf %mul3A_1434, %add3A_1436 : vector<16xf32>
    %mul3A_1438 = arith.mulf %add3A_1437, %exp3A_1413 : vector<16xf32>
    %add3A_1439 = arith.constant 0.000000e+00 : f32
    %add3A_1440 = vector.broadcast %add3A_1439 : f32 to vector<16xf32>
    %add3A_1441 = arith.addf %mul3A_1438, %add3A_1440 : vector<16xf32>
    %ge3A_1442 = arith.constant 0.000000e+00 : f32
    %ge3A_1443 = vector.broadcast %ge3A_1442 : f32 to vector<16xf32>
    %ge3A_1444 = arith.cmpf oge, %get3A_1408, %ge3A_1443 : vector<16xf32>
    %mul3A_1445 = arith.mulf %get3A_1408, %add3A_1427 : vector<16xf32>
    %add3A_1446 = arith.addf %mul3A_1445, %add3A_1441 : vector<16xf32>
    %mul3A_1447 = arith.mulf %exp3A_1413, %exp3A_1413 : vector<16xf32>
    %mul3A_1448 = arith.mulf %mul3A_1447, %add3A_1441 : vector<16xf32>
    %select_n3A_1449 = arith.select %ge3A_1444, %add3A_1446, %mul3A_1448 : vector<16xi1>, vector<16xf32>
    %add3A_1450 = arith.addf %add3A_1266, %select_n3A_1449 : vector<16xf32>
    %get3A_1451 = arith.constant 13 : i32
    %get3A_1452 = arith.index_cast %get3A_1451 : i32 to index
    %get3A_1453 = arith.constant 16 : index
    %get3A_1454 = tpu.vector_load %arg8[%get3A_1452, %get3A_1453] {strides = array<i32>} : memref<16x32xf32, #tpu.memory_space<vmem>>, vector<16xf32>,
    %neg3A_1455 = arith.constant 0.000000e+00 : f32
    %neg3A_1456 = vector.broadcast %neg3A_1455 : f32 to vector<16xf32>
    %neg3A_1457 = arith.subf %neg3A_1456, %get3A_1454 : vector<16xf32>
    %min3A_1458 = arith.minimumf %get3A_1454, %neg3A_1457 : vector<16xf32>
    %exp3A_1459 = math.exp %min3A_1458 : vector<16xf32>
    %mul3A_1460 = arith.constant -0.513961852 : f32
    %mul3A_1461 = vector.broadcast %mul3A_1460 : f32 to vector<16xf32>
    %mul3A_1462 = arith.mulf %mul3A_1461, %exp3A_1459 : vector<16xf32>
    %add3A_1463 = arith.constant 1.0934037 : f32
    %add3A_1464 = vector.broadcast %add3A_1463 : f32 to vector<16xf32>
    %add3A_1465 = arith.addf %mul3A_1462, %add3A_1464 : vector<16xf32>
    %mul3A_1466 = arith.mulf %add3A_1465, %exp3A_1459 : vector<16xf32>
    %add3A_1467 = arith.constant -0.971954882 : f32
    %add3A_1468 = vector.broadcast %add3A_1467 : f32 to vector<16xf32>
    %add3A_1469 = arith.addf %mul3A_1466, %add3A_1468 : vector<16xf32>
    %mul3A_1470 = arith.mulf %add3A_1469, %exp3A_1459 : vector<16xf32>
    %add3A_1471 = arith.constant 5.000000e-01 : f32
    %add3A_1472 = vector.broadcast %add3A_1471 : f32 to vector<16xf32>
    %add3A_1473 = arith.addf %mul3A_1470, %add3A_1472 : vector<16xf32>
    %mul3A_1474 = arith.constant 0.435844094 : f32
    %mul3A_1475 = vector.broadcast %mul3A_1474 : f32 to vector<16xf32>
    %mul3A_1476 = arith.mulf %mul3A_1475, %exp3A_1459 : vector<16xf32>
    %add3A_1477 = arith.constant -0.801728367 : f32
    %add3A_1478 = vector.broadcast %add3A_1477 : f32 to vector<16xf32>
    %add3A_1479 = arith.addf %mul3A_1476, %add3A_1478 : vector<16xf32>
    %mul3A_1480 = arith.mulf %add3A_1479, %exp3A_1459 : vector<16xf32>
    %add3A_1481 = arith.constant 0.469989896 : f32
    %add3A_1482 = vector.broadcast %add3A_1481 : f32 to vector<16xf32>
    %add3A_1483 = arith.addf %mul3A_1480, %add3A_1482 : vector<16xf32>
    %mul3A_1484 = arith.mulf %add3A_1483, %exp3A_1459 : vector<16xf32>
    %add3A_1485 = arith.constant 0.000000e+00 : f32
    %add3A_1486 = vector.broadcast %add3A_1485 : f32 to vector<16xf32>
    %add3A_1487 = arith.addf %mul3A_1484, %add3A_1486 : vector<16xf32>
    %ge3A_1488 = arith.constant 0.000000e+00 : f32
    %ge3A_1489 = vector.broadcast %ge3A_1488 : f32 to vector<16xf32>
    %ge3A_1490 = arith.cmpf oge, %get3A_1454, %ge3A_1489 : vector<16xf32>
    %mul3A_1491 = arith.mulf %get3A_1454, %add3A_1473 : vector<16xf32>
    %add3A_1492 = arith.addf %mul3A_1491, %add3A_1487 : vector<16xf32>
    %mul3A_1493 = arith.mulf %exp3A_1459, %exp3A_1459 : vector<16xf32>
    %mul3A_1494 = arith.mulf %mul3A_1493, %add3A_1487 : vector<16xf32>
    %select_n3A_1495 = arith.select %ge3A_1490, %add3A_1492, %mul3A_1494 : vector<16xi1>, vector<16xf32>
    %add3A_1496 = arith.addf %add3A_1312, %select_n3A_1495 : vector<16xf32>
    %get3A_1497 = arith.constant 14 : i32
    %get3A_1498 = arith.index_cast %get3A_1497 : i32 to index
    %get3A_1499 = arith.constant 16 : index
    %get3A_1500 = tpu.vector_load %arg8[%get3A_1498, %get3A_1499] {strides = array<i32>} : memref<16x32xf32, #tpu.memory_space<vmem>>, vector<16xf32>,
    %neg3A_1501 = arith.constant 0.000000e+00 : f32
    %neg3A_1502 = vector.broadcast %neg3A_1501 : f32 to vector<16xf32>
    %neg3A_1503 = arith.subf %neg3A_1502, %get3A_1500 : vector<16xf32>
    %min3A_1504 = arith.minimumf %get3A_1500, %neg3A_1503 : vector<16xf32>
    %exp3A_1505 = math.exp %min3A_1504 : vector<16xf32>
    %mul3A_1506 = arith.constant -0.513961852 : f32
    %mul3A_1507 = vector.broadcast %mul3A_1506 : f32 to vector<16xf32>
    %mul3A_1508 = arith.mulf %mul3A_1507, %exp3A_1505 : vector<16xf32>
    %add3A_1509 = arith.constant 1.0934037 : f32
    %add3A_1510 = vector.broadcast %add3A_1509 : f32 to vector<16xf32>
    %add3A_1511 = arith.addf %mul3A_1508, %add3A_1510 : vector<16xf32>
    %mul3A_1512 = arith.mulf %add3A_1511, %exp3A_1505 : vector<16xf32>
    %add3A_1513 = arith.constant -0.971954882 : f32
    %add3A_1514 = vector.broadcast %add3A_1513 : f32 to vector<16xf32>
    %add3A_1515 = arith.addf %mul3A_1512, %add3A_1514 : vector<16xf32>
    %mul3A_1516 = arith.mulf %add3A_1515, %exp3A_1505 : vector<16xf32>
    %add3A_1517 = arith.constant 5.000000e-01 : f32
    %add3A_1518 = vector.broadcast %add3A_1517 : f32 to vector<16xf32>
    %add3A_1519 = arith.addf %mul3A_1516, %add3A_1518 : vector<16xf32>
    %mul3A_1520 = arith.constant 0.435844094 : f32
    %mul3A_1521 = vector.broadcast %mul3A_1520 : f32 to vector<16xf32>
    %mul3A_1522 = arith.mulf %mul3A_1521, %exp3A_1505 : vector<16xf32>
    %add3A_1523 = arith.constant -0.801728367 : f32
    %add3A_1524 = vector.broadcast %add3A_1523 : f32 to vector<16xf32>
    %add3A_1525 = arith.addf %mul3A_1522, %add3A_1524 : vector<16xf32>
    %mul3A_1526 = arith.mulf %add3A_1525, %exp3A_1505 : vector<16xf32>
    %add3A_1527 = arith.constant 0.469989896 : f32
    %add3A_1528 = vector.broadcast %add3A_1527 : f32 to vector<16xf32>
    %add3A_1529 = arith.addf %mul3A_1526, %add3A_1528 : vector<16xf32>
    %mul3A_1530 = arith.mulf %add3A_1529, %exp3A_1505 : vector<16xf32>
    %add3A_1531 = arith.constant 0.000000e+00 : f32
    %add3A_1532 = vector.broadcast %add3A_1531 : f32 to vector<16xf32>
    %add3A_1533 = arith.addf %mul3A_1530, %add3A_1532 : vector<16xf32>
    %ge3A_1534 = arith.constant 0.000000e+00 : f32
    %ge3A_1535 = vector.broadcast %ge3A_1534 : f32 to vector<16xf32>
    %ge3A_1536 = arith.cmpf oge, %get3A_1500, %ge3A_1535 : vector<16xf32>
    %mul3A_1537 = arith.mulf %get3A_1500, %add3A_1519 : vector<16xf32>
    %add3A_1538 = arith.addf %mul3A_1537, %add3A_1533 : vector<16xf32>
    %mul3A_1539 = arith.mulf %exp3A_1505, %exp3A_1505 : vector<16xf32>
    %mul3A_1540 = arith.mulf %mul3A_1539, %add3A_1533 : vector<16xf32>
    %select_n3A_1541 = arith.select %ge3A_1536, %add3A_1538, %mul3A_1540 : vector<16xi1>, vector<16xf32>
    %add3A_1542 = arith.addf %add3A_1358, %select_n3A_1541 : vector<16xf32>
    %get3A_1543 = arith.constant 15 : i32
    %get3A_1544 = arith.index_cast %get3A_1543 : i32 to index
    %get3A_1545 = arith.constant 16 : index
    %get3A_1546 = tpu.vector_load %arg8[%get3A_1544, %get3A_1545] {strides = array<i32>} : memref<16x32xf32, #tpu.memory_space<vmem>>, vector<16xf32>,
    %neg3A_1547 = arith.constant 0.000000e+00 : f32
    %neg3A_1548 = vector.broadcast %neg3A_1547 : f32 to vector<16xf32>
    %neg3A_1549 = arith.subf %neg3A_1548, %get3A_1546 : vector<16xf32>
    %min3A_1550 = arith.minimumf %get3A_1546, %neg3A_1549 : vector<16xf32>
    %exp3A_1551 = math.exp %min3A_1550 : vector<16xf32>
    %mul3A_1552 = arith.constant -0.513961852 : f32
    %mul3A_1553 = vector.broadcast %mul3A_1552 : f32 to vector<16xf32>
    %mul3A_1554 = arith.mulf %mul3A_1553, %exp3A_1551 : vector<16xf32>
    %add3A_1555 = arith.constant 1.0934037 : f32
    %add3A_1556 = vector.broadcast %add3A_1555 : f32 to vector<16xf32>
    %add3A_1557 = arith.addf %mul3A_1554, %add3A_1556 : vector<16xf32>
    %mul3A_1558 = arith.mulf %add3A_1557, %exp3A_1551 : vector<16xf32>
    %add3A_1559 = arith.constant -0.971954882 : f32
    %add3A_1560 = vector.broadcast %add3A_1559 : f32 to vector<16xf32>
    %add3A_1561 = arith.addf %mul3A_1558, %add3A_1560 : vector<16xf32>
    %mul3A_1562 = arith.mulf %add3A_1561, %exp3A_1551 : vector<16xf32>
    %add3A_1563 = arith.constant 5.000000e-01 : f32
    %add3A_1564 = vector.broadcast %add3A_1563 : f32 to vector<16xf32>
    %add3A_1565 = arith.addf %mul3A_1562, %add3A_1564 : vector<16xf32>
    %mul3A_1566 = arith.constant 0.435844094 : f32
    %mul3A_1567 = vector.broadcast %mul3A_1566 : f32 to vector<16xf32>
    %mul3A_1568 = arith.mulf %mul3A_1567, %exp3A_1551 : vector<16xf32>
    %add3A_1569 = arith.constant -0.801728367 : f32
    %add3A_1570 = vector.broadcast %add3A_1569 : f32 to vector<16xf32>
    %add3A_1571 = arith.addf %mul3A_1568, %add3A_1570 : vector<16xf32>
    %mul3A_1572 = arith.mulf %add3A_1571, %exp3A_1551 : vector<16xf32>
    %add3A_1573 = arith.constant 0.469989896 : f32
    %add3A_1574 = vector.broadcast %add3A_1573 : f32 to vector<16xf32>
    %add3A_1575 = arith.addf %mul3A_1572, %add3A_1574 : vector<16xf32>
    %mul3A_1576 = arith.mulf %add3A_1575, %exp3A_1551 : vector<16xf32>
    %add3A_1577 = arith.constant 0.000000e+00 : f32
    %add3A_1578 = vector.broadcast %add3A_1577 : f32 to vector<16xf32>
    %add3A_1579 = arith.addf %mul3A_1576, %add3A_1578 : vector<16xf32>
    %ge3A_1580 = arith.constant 0.000000e+00 : f32
    %ge3A_1581 = vector.broadcast %ge3A_1580 : f32 to vector<16xf32>
    %ge3A_1582 = arith.cmpf oge, %get3A_1546, %ge3A_1581 : vector<16xf32>
    %mul3A_1583 = arith.mulf %get3A_1546, %add3A_1565 : vector<16xf32>
    %add3A_1584 = arith.addf %mul3A_1583, %add3A_1579 : vector<16xf32>
    %mul3A_1585 = arith.mulf %exp3A_1551, %exp3A_1551 : vector<16xf32>
    %mul3A_1586 = arith.mulf %mul3A_1585, %add3A_1579 : vector<16xf32>
    %select_n3A_1587 = arith.select %ge3A_1582, %add3A_1584, %mul3A_1586 : vector<16xi1>, vector<16xf32>
    %add3A_1588 = arith.addf %add3A_1404, %select_n3A_1587 : vector<16xf32>
    %add3A_1589 = arith.addf %add3A_1450, %add3A_1496 : vector<16xf32>
    %add3A_1590 = arith.addf %add3A_1542, %add3A_1588 : vector<16xf32>
    %add3A_1591 = arith.addf %add3A_1589, %add3A_1590 : vector<16xf32>
    %min3A_1592 = arith.constant 15 : i32
    %min3A_1593 = vector.broadcast %min3A_1592 : i32 to vector<16xi32>
    %min3A_1594 = arith.minsi %get3A_842, %min3A_1593 : vector<16xi32>
    %add3A_1595 = arith.constant 16 : i32
    %add3A_1596 = vector.broadcast %add3A_1595 : i32 to vector<16xi32>
    %add3A_1597 = arith.addi %add3A_1596, %iota3A : vector<16xi32>
    %gather3A_1598 = tpu.vector_load_idx %arg8[%min3A_1594, %add3A_1597] : memref<16x32xf32, #tpu.memory_space<vmem>>[vector<16xi32>, vector<16xi32>], vector<16xf32>,
    %neg3A_1599 = arith.constant 0.000000e+00 : f32
    %neg3A_1600 = vector.broadcast %neg3A_1599 : f32 to vector<16xf32>
    %neg3A_1601 = arith.subf %neg3A_1600, %gather3A_1598 : vector<16xf32>
    %min3A_1602 = arith.minimumf %gather3A_1598, %neg3A_1601 : vector<16xf32>
    %exp3A_1603 = math.exp %min3A_1602 : vector<16xf32>
    %mul3A_1604 = arith.constant -0.513961852 : f32
    %mul3A_1605 = vector.broadcast %mul3A_1604 : f32 to vector<16xf32>
    %mul3A_1606 = arith.mulf %mul3A_1605, %exp3A_1603 : vector<16xf32>
    %add3A_1607 = arith.constant 1.0934037 : f32
    %add3A_1608 = vector.broadcast %add3A_1607 : f32 to vector<16xf32>
    %add3A_1609 = arith.addf %mul3A_1606, %add3A_1608 : vector<16xf32>
    %mul3A_1610 = arith.mulf %add3A_1609, %exp3A_1603 : vector<16xf32>
    %add3A_1611 = arith.constant -0.971954882 : f32
    %add3A_1612 = vector.broadcast %add3A_1611 : f32 to vector<16xf32>
    %add3A_1613 = arith.addf %mul3A_1610, %add3A_1612 : vector<16xf32>
    %mul3A_1614 = arith.mulf %add3A_1613, %exp3A_1603 : vector<16xf32>
    %add3A_1615 = arith.constant 5.000000e-01 : f32
    %add3A_1616 = vector.broadcast %add3A_1615 : f32 to vector<16xf32>
    %add3A_1617 = arith.addf %mul3A_1614, %add3A_1616 : vector<16xf32>
    %mul3A_1618 = arith.constant 0.435844094 : f32
    %mul3A_1619 = vector.broadcast %mul3A_1618 : f32 to vector<16xf32>
    %mul3A_1620 = arith.mulf %mul3A_1619, %exp3A_1603 : vector<16xf32>
    %add3A_1621 = arith.constant -0.801728367 : f32
    %add3A_1622 = vector.broadcast %add3A_1621 : f32 to vector<16xf32>
    %add3A_1623 = arith.addf %mul3A_1620, %add3A_1622 : vector<16xf32>
    %mul3A_1624 = arith.mulf %add3A_1623, %exp3A_1603 : vector<16xf32>
    %add3A_1625 = arith.constant 0.469989896 : f32
    %add3A_1626 = vector.broadcast %add3A_1625 : f32 to vector<16xf32>
    %add3A_1627 = arith.addf %mul3A_1624, %add3A_1626 : vector<16xf32>
    %mul3A_1628 = arith.mulf %add3A_1627, %exp3A_1603 : vector<16xf32>
    %add3A_1629 = arith.constant 0.000000e+00 : f32
    %add3A_1630 = vector.broadcast %add3A_1629 : f32 to vector<16xf32>
    %add3A_1631 = arith.addf %mul3A_1628, %add3A_1630 : vector<16xf32>
    %mul3A_1632 = arith.mulf %gather3A_1598, %add3A_1617 : vector<16xf32>
    %add3A_1633 = arith.addf %mul3A_1632, %add3A_1631 : vector<16xf32>
    %sub3A_1634 = arith.subf %add3A_1631, %mul3A_1632 : vector<16xf32>
    %mul3A_1635 = arith.mulf %exp3A_1603, %exp3A_1603 : vector<16xf32>
    %mul3A_1636 = arith.mulf %mul3A_1635, %add3A_1631 : vector<16xf32>
    %ge3A_1637 = arith.constant 4.000000e-01 : f32
    %ge3A_1638 = vector.broadcast %ge3A_1637 : f32 to vector<16xf32>
    %ge3A_1639 = arith.cmpf oge, %get3A_844, %ge3A_1638 : vector<16xf32>
    %sub3A_1640 = arith.constant 2.000000e+00 : f32
    %sub3A_1641 = vector.broadcast %sub3A_1640 : f32 to vector<16xf32>
    %sub3A_1642 = arith.subf %sub3A_1641, %get3A_844 : vector<16xf32>
    %mul3A_1643 = arith.mulf %get3A_844, %sub3A_1642 : vector<16xf32>
    %mul3A_1644 = arith.mulf %get3A_844, %get3A_844 : vector<16xf32>
    %select_n3A_1645 = arith.select %ge3A_1639, %mul3A_1643, %mul3A_1644 : vector<16xi1>, vector<16xf32>
    %ge3A_1646 = arith.constant 0.000000e+00 : f32
    %ge3A_1647 = vector.broadcast %ge3A_1646 : f32 to vector<16xf32>
    %ge3A_1648 = arith.cmpf oge, %gather3A_1598, %ge3A_1647 : vector<16xf32>
    %select_n3A_1649 = arith.select %ge3A_1648, %mul3A_1636, %sub3A_1634 : vector<16xi1>, vector<16xf32>
    %mul3A_1650 = arith.mulf %select_n3A_1645, %select_n3A_1649 : vector<16xf32>
    %select_n3A_1651 = arith.select %ge3A_1648, %add3A_1633, %mul3A_1636 : vector<16xi1>, vector<16xf32>
    %sub3A_1652 = arith.subf %mul3A_1650, %select_n3A_1651 : vector<16xf32>
    %lt3A_1653 = arith.constant 16 : i32
    %lt3A_1654 = vector.broadcast %lt3A_1653 : i32 to vector<16xi32>
    %lt3A_1655 = arith.cmpi slt, %get3A_842, %lt3A_1654 : vector<16xi32>
    %jit3A_1656 = arith.constant 0.000000e+00 : f32
    %broadcast_in_dim3A_1657 = vector.broadcast %jit3A_1656 : f32 to vector<16xf32>
    %select_n3A_1658 = arith.select %lt3A_1655, %sub3A_1652, %broadcast_in_dim3A_1657 : vector<16xi1>, vector<16xf32>
    %add3A_1659 = arith.addf %add3A_1591, %select_n3A_1658 : vector<16xf32>
    %add3A_1660 = arith.addf %add3A_840, %add3A_1659 : vector<16xf32>
    %eq3A = arith.constant 13 : i32
    %eq3A_1661 = arith.cmpi eq, %add3A, %eq3A : i32
    %convert_element_type3A_1662 = arith.extui %eq3A_1661 : i1 to i32
    %convert_element_type3A_1663 = arith.sitofp %convert_element_type3A_1662 : i32 to f32
    %mul3A_1664 = vector.broadcast %convert_element_type3A_1663 : f32 to vector<16xf32>
    %mul3A_1665 = arith.mulf %add3A_1660, %mul3A_1664 : vector<16xf32>
    %add3A_1666 = arith.addf %add3A_26, %mul3A_1665 : vector<16xf32>
    %swap3A = arith.constant 0 : index
    %swap3A_1667 = tpu.vector_load %arg15[%swap3A] {strides = array<i32>} : memref<16xf32, #tpu.memory_space<vmem>>, vector<16xf32>,
    tpu.vector_store %arg15[%swap3A], %add3A_1666 {strides = array<i32>} : memref<16xf32, #tpu.memory_space<vmem>>, vector<16xf32>,
    %mul3A_1668 = arith.constant 16 : i32
    %mul3A_1669 = arith.muli %add3A, %mul3A_1668 : i32
    "tpu.region"() ({
      %run_scoped3A = tpu.sem_alloc : memref<!tpu.dma_semaphore, #tpu.memory_space<semaphore_mem>>
      %dma_start3A = tpu.memref_slice %arg5[%mul3A_1669] : memref<512xf32, #tpu.memory_space<hbm>> -> memref<16xf32, #tpu.memory_space<hbm>>
      %dma_start3A_1670 = tpu.memref_slice %arg5[%mul3A_1669] : memref<512xf32, #tpu.memory_space<hbm>> -> memref<16xf32, #tpu.memory_space<hbm>>
      tpu.enqueue_dma source(%arg15 : memref<16xf32, #tpu.memory_space<vmem>>) target(%dma_start3A_1670 : memref<16xf32, #tpu.memory_space<hbm>>) target_semaphore(%run_scoped3A : memref<!tpu.dma_semaphore, #tpu.memory_space<semaphore_mem>>)
      %dma_wait3A = tpu.memref_slice %arg5[%mul3A_1669] : memref<512xf32, #tpu.memory_space<hbm>> -> memref<16xf32, #tpu.memory_space<hbm>>
      %dma_wait3A_1671 = tpu.memref_slice %arg5[%mul3A_1669] : memref<512xf32, #tpu.memory_space<hbm>> -> memref<16xf32, #tpu.memory_space<hbm>>
      tpu.wait_dma2 semaphore(%run_scoped3A : memref<!tpu.dma_semaphore, #tpu.memory_space<semaphore_mem>>) src(%arg15 : memref<16xf32, #tpu.memory_space<vmem>>) dst(%dma_wait3A_1671 : memref<16xf32, #tpu.memory_space<hbm>>)
      tpu.yield
    }) : () -> ()
    return
  }
}

</mosaic_0001>

<sc_bundles>
// kernel: kernel.3.cloned.1.call-start
scs
__scs_entry_jumppad:
0x0: {  	(pc) =	sbr.rel $0x88, $3  }
0x1: {  	(tag) =	ssettag $0x0;
	lr =	simm.s32 $0x1  }
0x2: {  	[smem:$0x3F9E] =	sst lr;
	_ =	strace $0xD0000000  }
0x3: {  	_ = 	snop  }
0x4: {  	_ = 	snop  }
0x5: {  	_ = 	snop  }
0x6: {  	_ = 	snop  }
0x7: {  	_ = 	snop  }
__scs_overlays_trampoline_lowered:
0x8: {  	[smem:$0x3FAD] =	sst s0  }
0x9: {  	[smem:$0x3FAE] =	sst s1  }
0xa: {  	[smem:$0x3FAF] =	sst s2  }
0xb: {  	[smem:$0x3FB0] =	sst s3  }
0xc: {  	[smem:$0x3FB1] =	sst s4  }
0xd: {  	[smem:$0x3FB2] =	sst s5  }
0xe: {  	[smem:$0x3FB3] =	sst s6  }
0xf: {  	[smem:$0x3FB4] =	sst s7  }
0x10: {  	[smem:$0x3FB5] =	sst s8  }
0x11: {  	[smem:$0x3FB6] =	sst s9;
	s0 =	simm.s32 @!p0 $0x0  }
0x12: {  	s1 =	sld [smem:$0x3F9C];
	s0 =	simm.s32 @p0 $0x1  }
0x13: {  	[smem:$0x3FB7] =	sst s0;
	s0 =	simm.s32 @!p1 $0x0  }
0x14: {  	s2 =	sld [smem:$0x3F9B];
	s0 =	simm.s32 @p1 $0x1  }
0x15: {  	[smem:$0x3FB8] =	sst s0;
	s0 =	simm.s32 @!p2 $0x0  }
0x16: {  	s3 =	sld [smem:$0x3FDB];
	s0 =	simm.s32 @p2 $0x1  }
0x17: {  	s4 =	simm.s32 $0x1BF5;
	[smem:$0x3FBA] =	sst s0  }
0x18: {  	s0 =	sld [smem:$0x3F9D];
	_ =	swait.ge [sflag:s4], $0x0  }
0x19: {  	s7 =	sld [smem:$0x3F9E]  }
0x1a: {  	s8 =	sadd.s32 $0xFFFFE003, lr  }
0x1b: {  	s9 =	sadd.s32 $0xFFFFFEF7, lr;
	s5 =	simm.s32 $0xFFFFFFFF;
	p2 =	slt.u32 s8, $0xFFFFF086  }
0x1c: {  	p1 =	slt.u32 s9, $0xF7A;
	s5 =	simm.s32 @!p2 $0x0  }
0x1d: {  	s5 =	simm.s32 @p1 $0x1;
	p0 =	seq.s32 s7, s2  }
0x1e: {  	s7 =	smul.u32 @!p0 $0xF7A, s2;
	p2 =	seq.s32 @!p0 s5, $0x0  }
0x1f: {  	s9 =	smul.u32 $0xF7A, s1;
	s8 =	simm.s32 @!p0 $0x1BF5;
	p2 =	por !p2, p0  }
0x20: {  	[sflag:s8] =	ssyncset.s32 @!p0 $0xFFFFF086;
	s6 =	sadd.s32 @!p0 s3, s7;
	s7 =	simm.s32 @!p0 $0x108  }
0x21: {  	s3 =	sadd.s32 s3, s9;
	s6 =	sadd.s32 @!p0 $0x88, s6;
	s7 =	simm.s32 @p2 $0x1082  }
0x22: {  	[simem:s7], [sflag:s8] =	dma.local @!p0 [hbm:s6], $0xF7A  }
0x23: {  	s9 =	sor.u32 $0xD0000000, s2;
	s6 =	simm.s32 $0x108;
	_ =	swait.ge @!p0 [sflag:s8], $0x0  }
0x24: {  	s3 =	sadd.s32 $0x88, s3;
	s6 =	simm.s32 @!p1 $0x1082;
	[sflag:s4] =	ssyncset.s32 $0xFFFFF086  }
0x25: {  	[simem:s6], [sflag:s4] =	dma.local [hbm:s3], $0xF7A  }
0x26: {  	[smem:$0x3F9E] =	sst s1;
	(tag) =	ssettag s2;
	_ =	strace s9  }
0x27: {  	s1 =	sld [smem:$0x3FAE]  }
0x28: {  	s2 =	sld [smem:$0x3FAF]  }
0x29: {  	s4 =	sld [smem:$0x3FB1]  }
0x2a: {  	p0 =	seq.s32 s5, $0x0;
	s5 =	sld [smem:$0x3FB2]  }
0x2b: {  	s6 =	sld [smem:$0x3FB3]  }
0x2c: {  	s7 =	sld [smem:$0x3FB4]  }
0x2d: {  	s3 =	simm.s32 $0x108;
	s8 =	sld [smem:$0x3FB5]  }
0x2e: {  	s3 =	simm.s32 @!p0 $0x1082;
	s9 =	sld [smem:$0x3FB6]  }
0x2f: {  	lr =	sadd.s32 s0, s3;
	s0 =	sld [smem:$0x3FAD]  }
0x30: {  	s3 =	sld [smem:$0x3FB0]  }
0x31: {  	[smem:$0x3FB9] =	sst s10  }
0x32: {  	s10 =	sld [smem:$0x3FB7];
	_ =	sdelay $0x3  }
0x33: {  	p0 =	seq.s32 s10, $0x1;
	s10 =	sld [smem:$0x3FB9];
	_ =	sdelay $0x3  }
0x34: {  	[smem:$0x3FB9] =	sst s10  }
0x35: {  	s10 =	sld [smem:$0x3FB8];
	_ =	sdelay $0x3  }
0x36: {  	p1 =	seq.s32 s10, $0x1;
	s10 =	sld [smem:$0x3FB9];
	_ =	sdelay $0x3  }
0x37: {  	[smem:$0x3FB9] =	sst s10  }
0x38: {  	s10 =	sld [smem:$0x3FBA]  }
0x39: {  	_ = 	snop;
	(pc) =	sbr.ind lr, $3  }
0x3a: {  	_ = 	snop  }
0x3b: {  	_ = 	snop  }
0x3c: {  	p2 =	seq.s32 s10, $0x1;
	s10 =	sld [smem:$0x3FB9]  }
0x3d: {  	_ =	shalt  }
0x3e: {  	_ =	shalt  }
0x3f: {  	_ =	shalt  }
0x40: {  	_ =	shalt  }
0x41: {  	_ =	shalt  }
0x42: {  	_ =	shalt  }
0x43: {  	_ =	shalt  }
0x44: {  	_ =	shalt  }
0x45: {  	_ =	shalt  }
0x46: {  	_ =	shalt  }
0x47: {  	_ =	shalt  }
0x48: {  	_ =	shalt  }
0x49: {  	_ =	shalt  }
0x4a: {  	_ =	shalt  }
0x4b: {  	_ =	shalt  }
0x4c: {  	_ =	shalt  }
0x4d: {  	_ =	shalt  }
0x4e: {  	_ =	shalt  }
0x4f: {  	_ =	shalt  }
0x50: {  	_ =	shalt  }
0x51: {  	_ =	shalt  }
0x52: {  	_ =	shalt  }
0x53: {  	_ =	shalt  }
0x54: {  	_ =	shalt  }
0x55: {  	_ =	shalt  }
0x56: {  	_ =	shalt  }
0x57: {  	_ =	shalt  }
0x58: {  	_ =	shalt  }
0x59: {  	_ =	shalt  }
0x5a: {  	_ =	shalt  }
0x5b: {  	_ =	shalt  }
0x5c: {  	_ =	shalt  }
0x5d: {  	_ =	shalt  }
0x5e: {  	_ =	shalt  }
0x5f: {  	_ =	shalt  }
0x60: {  	_ =	shalt  }
0x61: {  	_ =	shalt  }
0x62: {  	_ =	shalt  }
0x63: {  	_ =	shalt  }
0x64: {  	_ =	shalt  }
0x65: {  	_ =	shalt  }
0x66: {  	_ =	shalt  }
0x67: {  	_ =	shalt  }
0x68: {  	_ =	shalt  }
0x69: {  	_ =	shalt  }
0x6a: {  	_ =	shalt  }
0x6b: {  	_ =	shalt  }
0x6c: {  	_ =	shalt  }
0x6d: {  	_ =	shalt  }
0x6e: {  	_ =	shalt  }
0x6f: {  	_ =	shalt  }
0x70: {  	_ =	shalt  }
0x71: {  	_ =	shalt  }
0x72: {  	_ =	shalt  }
0x73: {  	_ =	shalt  }
0x74: {  	_ =	shalt  }
0x75: {  	_ =	shalt  }
0x76: {  	_ =	shalt  }
0x77: {  	_ =	shalt  }
0x78: {  	_ =	shalt  }
0x79: {  	_ =	shalt  }
0x7a: {  	_ =	shalt  }
0x7b: {  	_ =	shalt  }
0x7c: {  	_ =	shalt  }
0x7d: {  	_ =	shalt  }
0x7e: {  	_ =	shalt  }
0x7f: {  	_ =	shalt  }
0x80: {  	_ =	shalt  }
0x81: {  	_ =	shalt  }
0x82: {  	_ =	shalt  }
0x83: {  	_ =	shalt  }
0x84: {  	_ =	shalt  }
0x85: {  	_ =	shalt  }
0x86: {  	_ =	shalt  }
0x87: {  	_ =	shalt  }
.Lfunc_end0:
.L_simem_size_0:
called_computation_lowered:
.L_overlay_start_0:
0x88: {  	s2 =	sld [smem:$0x3FD9]  }
0x89: {  	s3 =	sld [smem:$0x3FFE];
	_ =	sdelay $0x1  }
0x8a: {  	s1 =	srdreg.scid  }
0x8b: {  	s0 =	sand.u32 $0x1, s1  }
0x8c: {  	s17 =	sshll.u32 s0, $0xA;
	s2 =	sadd.s32 s3, s2  }
0x8d: {  	s2 =	sadd.s32 s2, s17  }
0x8e: {  	[smem:$0x3FC5] =	sst s2  }
0x8f: {  	_ = 	snop  }
0x90: {  	s2 =	sld [smem:$0x3FC9]  }
0x91: {  	s18 =	sld [smem:$0x3FC8]  }
0x92: {  	s4 =	sld [smem:$0x3FC7];
	(tm) =	ssettm $0x1  }
0x93: {  	s5 =	sld [smem:$0x3FFB];
	_ =	sdelay $0x3  }
0x94: {  	_ =	strace s5  }
0x95: {  	s5 =	sld [smem:$0x3FFC];
	_ =	sdelay $0x3  }
0x96: {  	_ =	strace s5  }
0x97: {  	s5 =	sld [smem:$0x3FFD];
	_ =	sdelay $0x3  }
0x98: {  	_ =	strace s5  }
0x99: {  	_ =	strace $0x8FFFFFFF  }
0x9a: {  	s19 =	sld [smem:$0x3FDB];
	_ =	sdelay $0x1  }
0x9b: {  	s6 =	simm.s32 $_scs_section_size  }
0x9c: {  	s7 =	simm.s32 $_size__tile_overlayer_lowered;
	s8 =	simm.s32 $_tile_overlayer_lowered  }
0x9d: {  	s22 =	simm.s32 $0x1BFF;
	s21 =	sshll.u32 s8, $0x1;
	s5 =	sadd.s32 s6, s19  }
0x9e: {  	s9 =	simm.s32 $0x0;
	s20 =	sshll.u32 s7, $0x1;
	s7 =	sadd.s32 s21, s5  }
0x9f: {  	[timem:s9], [sflag:s22] =	dma.local [hbm:s7], s20  }
0xa0: {  	_ =	swait.ge [sflag:s22], s20  }
0xa1: {  	s6 =	ssub.s32 $0x0, s20;
	[sflag:s22] =	ssyncset.done $0x0  }
0xa2: {  	[sflag:s22] =	ssyncadd.s32 s6;
	_ =	sdelay $0x1  }
0xa3: {  	s23 =	simm.s32 $0x1B8B  }
0xa4: {  	_ =	swait.ge [sflag:s23], $0x1  }
0xa5: {  	[sflag:s23] =	ssyncset.done $0x0  }
0xa6: {  	s25 =	simm.s32 $0x1B8E;
	s24 =	sld [smem:$0x3FFE];
	[sflag:s23] =	ssyncadd.s32 $0xFFFFFFFF  }
0xa7: {  	s26 =	simm.s32 $execute0_lowered;
	[smem:$0x3FD2] =	sst s25  }
0xa8: {  	s7 =	sshll.u32 s26, $0x1;
	_ =	strace $0x80000046;
	[dreg:$0x1] =	wrdreg $0xFFFFFFFF  }
0xa9: {  	s28 =	simm.s32 $_size_execute0_lowered;
	s5 =	sadd.s32 s5, s7;
	[dreg:$0x0] =	wrdreg $0x0  }
0xaa: {  	s7 =	sshll.u32 s28, $0x1;
	[dreg:$0x2] =	wrdreg s5  }
0xab: {  	[dreg:$0x3] =	wrdreg s7  }
0xac: {  	[dreg:$0x4] =	wrdreg $0xC0  }
0xad: {  	_ =	task [dreg:s9], $0x5FFFF  }
0xae: {  	[dreg:$0x1] =	wrdreg $0xFFFFFFFF  }
0xaf: {  	[dreg:$0x0] =	wrdreg $0x60  }
0xb0: {  	[dreg:$0x2] =	wrdreg s2  }
0xb1: {  	[dreg:$0x3] =	wrdreg s18  }
0xb2: {  	[dreg:$0x4] =	wrdreg s4  }
0xb3: {  	[dreg:$0x5] =	wrdreg s24  }
0xb4: {  	[dreg:$0x6] =	wrdreg $0x9  }
0xb5: {  	_ =	task.clear_ibuf [dreg:s9], $0x7FFFF;
	_ =	strace $0x90000046  }
0xb6: {  	s29 =	simm.s32 $0x9;
	_ =	strace $0x80000048  }
0xb7: {  	_ =	swait.ge [sflag:s29], $0x1  }
0xb8: {  	[sflag:s29] =	ssyncadd.s32 $0xFFFFFFFF  }
0xb9: {  	_ =	strace $0x90000048  }
0xba: {  	_ =	sfence  }
0xbb: {  	s30 =	sld [smem:$0x0];
	_ =	sdelay $0x2  }
0xbc: {  	s31 =	sshll.u32 s1, $0xD;
	s1 =	sshrl.u32 s1, $0x2  }
0xbd: {  	s3 =	sand.u32 $0x4000, s31;
	s1 =	sadd.s32 s1, s30  }
0xbe: {  	s0 =	sor.u32 s3, s0;
	s1 =	sshll.u32 s1, $0x11  }
0xbf: {  	s0 =	sor.u32 s1, s0  }
0xc0: {  	s0 =	sadd.s32 $0x8F2B, s0  }
0xc1: {  	[sflag:s0] =	ssyncadd.remote.s32 $0x1  }
0xc2: {  	_ =	sfence.sel $0xFFFF  }
0xc3: {  	[dreg:$0x0] =	wrdreg $0xFFFFFFFF;
	(pc) =	sbr.abs _section_cstart, $3  }
0xc4: {  	[dreg:$0x1] =	wrdreg $0xFFFFFFFF  }
0xc5: {  	_ =	task.clear_ibuf [dreg:s9], $0x2FFFF;
	_ =	strace $0x9FFFFFFF  }
0xc6: {  	(tm) =	ssettm $0x7FFFFFFF  }
0xc7: {  	_ =	shalt  }
tec
execute0_lowered:
.L_overlay_start_1:
0x0: {  	(tag) =	ssettag $0x1  }
0x1: {  	s1 =	rddreg [dreg:$0x0]  }
0x2: {  	s10 =	rddreg [dreg:$0x1]  }
0x3: {  	s11 =	rddreg [dreg:$0x2];
	s2 =	srdreg.scid  }
0x4: {  	s0 =	stileid.u32;
	s12 =	rddreg [dreg:$0x3]  }
0x5: {  	s23 =	simm.f32 $1.000000000e+00;
	s15 =	simm.s32 $0xC3800;
	s16 =	simm.s32 $0x1  }
0x6: {  	s17 =	simm.s32 $0x400;
	s18 =	simm.s32 $0xC000;
	s19 =	simm.s32 $0xE800  }
0x7: {  	s20 =	simm.s32 $0xE880;
	s21 =	simm.s32 $0xC800;
	s22 =	simm.s32 $0xE900  }
0x8: {  	s24 =	simm.s32 $0xEA00;
	s3 =	sand.u32 $0x1, s2;
	s29 =	sshll.u32 s0, $0x1  }
0x9: {  	s25 =	simm.s32 $0x0;
	s2 =	simm.s32 $0x0;
	s13 =	sor.u32 s3, s29  }
0xa: {  	s9 =	sadd.s32 $0x18680, s1;
	s3 =	ssub.s32 $0x2, s3;
	s4 =	smul.u32 $0xC00, s13  }
0xb: {  	[smem:$0x7FF] =	sst s2;
	s5 =	sshrl.u32 s3, $0x1;
	s6 =	smul.u32 $0x180, s13  }
0xc: {  	_ =	strace $0x80000047;
	s30 =	smin.u32 s13, $0xC;
	p0 =	slt.u32 s13, $0xD  }
0xd: {  	s14 =	ssub.s32 s3, s5;
	s7 =	sor.u32 $0x300, s30;
	s23 =	simm.s32 @!p0 $0x0  }
0xe: {  	p0 =	seq.s32 s13, $0xD;
	s13 =	sshll.u32 s13, $0x1;
	s3 =	sadd.s32 s1, s4  }
0xf: {  	s4 =	sadd.s32 s10, s6;
	s5 =	sadd.s32 s11, s6;
	s31 =	sshll.u32 s7, $0x7  }
0x10: {  	s8 =	sshll.u32 s7, $0x4;
	s6 =	sadd.s32 s1, s31;
	s1 =	simm.f32 $1.000000000e+00  }
0x11: {  	s12 =	sadd.s32 s12, s13;
	s13 =	smax.u32 s14, $0x1;
	v0 =	vmov s23;
	s1 =	simm.s32 @!p0 $0x0  }
0x12: {  	s14 =	simm.s32 $0x6000;
	s23 =	simm.s32 $0xE980;
	s7 =	sadd.s32 s10, s8;
	[tilespmem:$0x1FFE0] =	vst v0;
	v63 =	vmov s1  }
0x13: {  	s8 =	sadd.s32 s11, s8;
	s10 =	sadd.s32 $0x30D0, s10;
	s11 =	sadd.s32 $0x30D0, s11;
	[tilespmem:$0x1FFF0] =	vst v63  }
.LBB2_1:
0x14: {  	[tilespmem:s2], [sflag:$0x1] =	stream.strided.gather [hbm4b:s3+s14], $0xC000, s15, s14, $0x38;
	[tilespmem:$0xEA80] =	vst v63  }
0x15: {  	_ =	swait.ge [sflag:s16], $0xC000  }
0x16: {  	[sflag:s16] =	ssyncset.done $0x0  }
0x17: {  	s26 =	simm.s32 $0xD000;
	[sflag:s16] =	ssyncadd.s32 $0xFFFF4000  }
0x18: {  	[tilespmem:s26], [sflag:$0x1] =	stream.linear.gather [hbm4b:s4+s2], $0xC00, $0x38;
	[tilespmem:$0xEA80] =	vst v63  }
0x19: {  	_ =	swait.ge [sflag:s16], $0xC00  }
0x1a: {  	[sflag:s16] =	ssyncset.done $0x0  }
0x1b: {  	s28 =	simm.s32 $0xDC00;
	[sflag:s16] =	ssyncadd.s32 $0xFFFFF400  }
0x1c: {  	[tilespmem:s28], [sflag:$0x1] =	stream.linear.gather [hbm4b:s5+s2], $0xC00, $0x38;
	[tilespmem:$0xEA80] =	vst v63  }
0x1d: {  	_ =	swait.ge [sflag:s16], $0xC00  }
0x1e: {  	[sflag:s16] =	ssyncset.done $0x0  }
0x1f: {  	[sflag:s16] =	ssyncadd.s32 $0xFFFFF400  }
0x20: {  	[tilespmem:s18], [sflag:$0x1] =	stream.strided.gather [hbm4b:s6+s17], $0x800, s15, s17, $0x38;
	[tilespmem:$0xEA80] =	vst v63  }
0x21: {  	_ =	swait.ge [sflag:s16], $0x800  }
0x22: {  	[sflag:s16] =	ssyncset.done $0x0  }
0x23: {  	[sflag:s16] =	ssyncadd.s32 $0xFFFFF800  }
0x24: {  	[tilespmem:s19], [sflag:$0x1] =	stream.linear.gather [hbm4b:s7+s2], $0x80, $0x38;
	[tilespmem:$0xEA80] =	vst v63  }
0x25: {  	_ =	swait.ge [sflag:s16], $0x80  }
0x26: {  	[sflag:s16] =	ssyncset.done $0x0  }
0x27: {  	[sflag:s16] =	ssyncadd.s32 $0xFFFFFF80  }
0x28: {  	[tilespmem:s20], [sflag:$0x1] =	stream.linear.gather [hbm4b:s8+s2], $0x80, $0x38;
	[tilespmem:$0xEA80] =	vst v63  }
0x29: {  	_ =	swait.ge [sflag:s16], $0x80  }
0x2a: {  	[sflag:s16] =	ssyncset.done $0x0  }
0x2b: {  	[sflag:s16] =	ssyncadd.s32 $0xFFFFFF80  }
0x2c: {  	[tilespmem:s21], [sflag:$0x1] =	stream.strided.gather [hbm4b:s9+s17], $0x800, s15, s17, $0x38;
	[tilespmem:$0xEA80] =	vst v63  }
0x2d: {  	_ =	swait.ge [sflag:s16], $0x800  }
0x2e: {  	[sflag:s16] =	ssyncset.done $0x0  }
0x2f: {  	[sflag:s16] =	ssyncadd.s32 $0xFFFFF800  }
0x30: {  	[tilespmem:s22], [sflag:$0x1] =	stream.linear.gather [hbm4b:s10+s2], $0x20, $0x38;
	[tilespmem:$0xEA80] =	vst v63  }
0x31: {  	_ =	swait.ge [sflag:s16], $0x20  }
0x32: {  	[sflag:s16] =	ssyncset.done $0x0  }
0x33: {  	[sflag:s16] =	ssyncadd.s32 $0xFFFFFFE0  }
0x34: {  	[tilespmem:s23], [sflag:$0x1] =	stream.linear.gather [hbm4b:s11+s2], $0x20, $0x38;
	[tilespmem:$0xEA80] =	vst v63  }
0x35: {  	_ =	swait.ge [sflag:s16], $0x20  }
0x36: {  	[sflag:s16] =	ssyncset.done $0x0  }
0x37: {  	[sflag:s16] =	ssyncadd.s32 $0xFFFFFFE0  }
0x38: {  	s1 =	sand.u32 $0x70, s2;
	s29 =	sand.u32 $0x7C00, s2;
	v0 =	vld [tilespmem:s28+$0x0]  }
0x39: {  	s1 =	sor.u32 s1, s29;
	v19 =	vld [tilespmem:s26+$0x0]  }
0x3a: {  	v27 =	vld [tilespmem:s1+$0x6200]  }
0x3b: {  	v31 =	vld [tilespmem:s1+$0x6280]  }
0x3c: {  	v29 =	vld [tilespmem:s1+$0x6300]  }
0x3d: {  	v28 =	vld [tilespmem:s1+$0x6380]  }
0x3e: {  	v23 =	vld [tilespmem:s1+$0x6000]  }
0x3f: {  	v30 =	vld [tilespmem:s1+$0x6080]  }
0x40: {  	v35 =	vld [tilespmem:s1+$0x6100]  }
0x41: {  	v36 =	vld [tilespmem:s1+$0x6180]  }
0x42: {  	v40 =	vld [tilespmem:s1+$0x0]  }
0x43: {  	v39 =	vld [tilespmem:s1+$0x80]  }
0x44: {  	v38 =	vld [tilespmem:s1+$0x100]  }
0x45: {  	v1 =	vlaneseq.u32;
	v24 =	vld [tilespmem:s1+$0x180];
	v2 =	vsub.f32 $2.000000000e+00, v0  }
0x46: {  	v4 =	vmov s2;
	v20 =	vld [tilespmem:s1+$0x200];
	v3 =	vsub.f32 $0.0e+00, v27;
	v5 =	vsub.f32 $0.0e+00, v31  }
0x47: {  	v1 =	vor.u32 s2, v1;
	v21 =	vld [tilespmem:s1+$0x280];
	v6 =	vsub.f32 $0.0e+00, v29;
	v7 =	vsub.f32 $0.0e+00, v28  }
0x48: {  	v4 =	vshll.u32 v4, $0x3;
	v22 =	vld [tilespmem:s1+$0x300];
	v8 =	vsub.f32 $0.0e+00, v23;
	v9 =	vsub.f32 $0.0e+00, v30  }
0x49: {  	v1 =	vand.u32 $0x7F, v1;
	v10 =	vsub.f32 $0.0e+00, v35;
	v11 =	vsub.f32 $0.0e+00, v40  }
0x4a: {  	v4 =	vand.u32 $0x7C00, v4;
	v12 =	vsub.f32 $0.0e+00, v36;
	v13 =	vsub.f32 $0.0e+00, v39  }
0x4b: {  	vm0 =	vge.f32 v0, $4.000000060e-01;
	v14 =	vsub.f32 $0.0e+00, v38;
	v15 =	vsub.f32 $0.0e+00, v24  }
0x4c: {  	vm1 =	vlt.s32 v19, $0xF;
	v16 =	vsub.f32 $0.0e+00, v20;
	v17 =	vsub.f32 $0.0e+00, v21  }
0x4d: {  	v18 =	vsub.f32 $0.0e+00, v22;
	vm15 =	vge.f32 v27, $0.0e+00;
	vm3 =	vge.f32 v31, $0.0e+00  }
0x4e: {  	vm2 =	vge.f32 v29, $0.0e+00;
	vm4 =	vge.f32 v23, $0.0e+00;
	vm5 =	vge.f32 v30, $0.0e+00  }
0x4f: {  	vm6 =	vge.f32 v35, $0.0e+00;
	vm7 =	vge.f32 v40, $0.0e+00;
	vm9 =	vge.f32 v39, $0.0e+00  }
0x50: {  	vm11 =	vge.f32 v38, $0.0e+00;
	vm12 =	vge.f32 v24, $0.0e+00;
	vm13 =	vge.f32 v20, $0.0e+00  }
0x51: {  	vm14 =	vge.f32 v21, $0.0e+00;
	vm10 =	vge.f32 v22, $0.0e+00;
	v3 =	vmin.f32 v27, v3  }
0x52: {  	v5 =	vmin.f32 v31, v5;
	v6 =	vmin.f32 v29, v6;
	v7 =	vmin.f32 v28, v7  }
0x53: {  	v2 =	vsel vm0, v2, v0;
	v3 =	vmul.f32 $1.442695020e+00, v3;
	v5 =	vmul.f32 $1.442695020e+00, v5  }
0x54: {  	vm0 =	vge.f32 v28, $0.0e+00;
	v6 =	vmul.f32 $1.442695020e+00, v6;
	v7 =	vmul.f32 $1.442695020e+00, v7  }
0x55: {  	v0 =	vmul.f32 v2, v0;
	(erf) = vpow2.f32 v3;
	v3 =	vmin.f32 v23, v8  }
0x56: {  	s0 =	sand.u32 $0x7, s2;
	(erf) = vpow2.f32 v5;
	v3 =	vmul.f32 $1.442695020e+00, v3;
	v5 =	vmin.f32 v30, v9  }
0x57: {  	s1 =	sshll.u32 s0, $0x4;
	(erf) = vpow2.f32 v6;
	v5 =	vmul.f32 $1.442695020e+00, v5;
	v6 =	vmin.f32 v35, v10  }
0x58: {  	s1 =	sadd.s32 $0x0, s1;
	(erf) = vpow2.f32 v7;
	v6 =	vmul.f32 $1.442695020e+00, v6;
	v7 =	vmin.f32 v36, v12  }
0x59: {  	s1 =	sor.u32 $0x380, s1;
	(erf) = vpow2.f32 v3;
	v3 =	vmin.f32 v40, v11;
	v7 =	vmul.f32 $1.442695020e+00, v7  }
0x5a: {  	v41 =	vld [tilespmem:s1+$0x0];
	(erf) = vpow2.f32 v5;
	v3 =	vmul.f32 $1.442695020e+00, v3;
	v5 =	vmin.f32 v39, v13  }
0x5b: {  	(erf) = vpow2.f32 v6;
	v5 =	vmul.f32 $1.442695020e+00, v5;
	v6 =	vmin.f32 v20, v16  }
0x5c: {  	(erf) = vpow2.f32 v7;
	v6 =	vmul.f32 $1.442695020e+00, v6;
	v7 =	vmin.f32 v21, v17  }
0x5d: {  	(erf) = vpow2.f32 v3;
	v3 =	vmul.f32 $1.442695020e+00, v7;
	v7 =	vmin.f32 v22, v18  }
0x5e: {  	(erf) = vpow2.f32 v5;
	v5 =	vmin.f32 v38, v14;
	v7 =	vmul.f32 $1.442695020e+00, v7  }
0x5f: {  	vm8 =	vge.f32 v41, $0.0e+00;
	v25 =	vpop (erf);
	(erf) = vpow2.f32 v6;
	v5 =	vmul.f32 $1.442695020e+00, v5  }
0x60: {  	v6 =	vmin.f32 v24, v15;
	v9 =	vmul.f32 $5.139618520e-01, v25;
	v55 =	vmul.f32 v25, v25  }
0x61: {  	v26 =	vpop (erf);
	(erf) = vpow2.f32 v3;
	v3 =	vmul.f32 $1.442695020e+00, v6;
	v6 =	vsub.f32 $0.0e+00, v41  }
0x62: {  	[tilespmem:$0x1FE50] =	vst v27;
	v27 =	vpop (erf);
	v10 =	vmul.f32 $5.139618520e-01, v26;
	(erf) = vpow2.f32 v7;
	v7 =	vnsel vm1, $0xF, v19  }
0x63: {  	[tilespmem:$0x1FE70] =	vst v31;
	v31 =	vpop (erf);
	vm1 =	vge.f32 v36, $0.0e+00;
	v9 =	vsub.f32 $1.093403700e+00, v9;
	(erf) = vpow2.f32 v5  }
0x64: {  	v5 =	vmin.f32 v41, v6;
	v6 =	vimm.s32 $0x0;
	v11 =	vmul.f32 $5.139618520e-01, v31  }
0x65: {  	v32 =	vpop (erf);
	v10 =	vsub.f32 $1.093403700e+00, v10;
	(erf) = vpow2.f32 v3;
	v3 =	vmul.f32 $1.442695020e+00, v5  }
0x66: {  	v5 =	vshrl.u32 v7, $0x3;
	v6 =	vsel vm0, $0xFFFFFFFF, v6;
	v33 =	vpop (erf);
	v15 =	vmul.f32 $5.139618520e-01, v32  }
0x67: {  	v9 =	vmul.f32 v9, v25;
	v5 =	vmul.u32 $0x6000, v5;
	v16 =	vmul.f32 $5.139618520e-01, v33  }
0x68: {  	[tilespmem:$0x1FEB0] =	vst v6;
	v6 =	vshll.u32 v7, $0x7;
	v10 =	vmul.f32 v10, v26;
	(erf) = vpow2.f32 v3  }
0x69: {  	[tilespmem:$0x1FEC0] =	vst v0;
	v34 =	vpop (erf);
	v0 =	vand.u32 $0x380, v6;
	v3 =	vmul.f32 $4.358440940e-01, v27;
	v6 =	vmul.f32 $4.358440940e-01, v33  }
0x6a: {  	v11 =	vsub.f32 $1.093403700e+00, v11;
	v7 =	vmul.f32 $4.358440940e-01, v34;
	v17 =	vmul.f32 $5.139618520e-01, v34  }
0x6b: {  	[tilespmem:$0x1FEE0] =	vst v35;
	v35 =	vpop (erf);
	v15 =	vsub.f32 $1.093403700e+00, v15;
	v2 =	vadd.s32 v4, v5;
	v4 =	vmul.f32 $4.358440940e-01, v31  }
0x6c: {  	v9 =	vadd.f32 $-9.719548820e-01, v9;
	v5 =	vmul.f32 $4.358440940e-01, v32;
	v8 =	vmul.f32 $4.358440940e-01, v35  }
0x6d: {  	[tilespmem:$0x1FE60] =	vst v19;
	v19 =	vmul.f32 $5.139618520e-01, v35;
	v16 =	vsub.f32 $1.093403700e+00, v16;
	v11 =	vmul.f32 v11, v31  }
0x6e: {  	[tilespmem:$0x1FEF0] =	vst v36;
	v37 =	vpop (erf);
	v10 =	vadd.f32 $-9.719548820e-01, v10;
	v54 =	vmul.f32 v35, v35;
	v0 =	vor.u32 v0, v2  }
0x6f: {  	v2 =	vmul.f32 $4.358440940e-01, v26;
	v18 =	vmul.f32 $5.139618520e-01, v37;
	v3 =	vadd.f32 $-8.017283670e-01, v3  }
0x70: {  	[tilespmem:$0x1FF40] =	vst v20;
	v20 =	vmul.f32 $4.358440940e-01, v37;
	v6 =	vadd.f32 $-8.017283670e-01, v6;
	v7 =	vadd.f32 $-8.017283670e-01, v7  }
0x71: {  	[tilespmem:$0x1FF30] =	vst v24;
	v36 =	vpop (erf);
	v15 =	vmul.f32 v15, v32;
	v0 =	vor.u32 v1, v0;
	v1 =	vmul.f32 $4.358440940e-01, v25  }
0x72: {  	v17 =	vsub.f32 $1.093403700e+00, v17;
	v24 =	vmul.f32 $5.139618520e-01, v36;
	v59 =	vmul.f32 $4.358440940e-01, v36  }
0x73: {  	[tilespmem:$0x1FED0] =	vst v30;
	v30 =	vpop (erf);
	v4 =	vadd.f32 $-8.017283670e-01, v4;
	v5 =	vadd.f32 $-8.017283670e-01, v5;
	v16 =	vmul.f32 v16, v33  }
0x74: {  	v8 =	vadd.f32 $-8.017283670e-01, v8;
	v12 =	vmul.f32 $4.358440940e-01, v30;
	v45 =	vmul.f32 $5.139618520e-01, v30  }
0x75: {  	v19 =	vsub.f32 $1.093403700e+00, v19;
	v3 =	vmul.f32 v3, v27;
	v6 =	vmul.f32 v6, v33  }
0x76: {  	[tilespmem:$0x1FEA0] =	vst v28;
	v28 =	vpop (erf);
	v2 =	vadd.f32 $-8.017283670e-01, v2;
	v7 =	vmul.f32 v7, v34;
	v17 =	vmul.f32 v17, v34  }
0x77: {  	v18 =	vsub.f32 $1.093403700e+00, v18;
	v13 =	vmul.f32 $4.358440940e-01, v28;
	v46 =	vmul.f32 $5.139618520e-01, v28  }
0x78: {  	v20 =	vadd.f32 $-8.017283670e-01, v20;
	v4 =	vmul.f32 v4, v31;
	v5 =	vmul.f32 v5, v32  }
0x79: {  	[tilespmem:$0x1FE80] =	vst v29;
	v29 =	vpop (erf);
	v1 =	vadd.f32 $-8.017283670e-01, v1;
	v8 =	vmul.f32 v8, v35;
	v19 =	vmul.f32 v19, v35  }
0x7a: {  	v24 =	vsub.f32 $1.093403700e+00, v24;
	v14 =	vmul.f32 $4.358440940e-01, v29;
	v2 =	vmul.f32 v2, v26  }
0x7b: {  	[tilespmem:$0x1FF20] =	vst v38;
	v38 =	vadd.f32 $-8.017283670e-01, v59;
	v18 =	vmul.f32 v18, v37;
	v63 =	vmul.f32 $5.139618520e-01, v29  }
0x7c: {  	[tilespmem:$0x1FF60] =	vst v22;
	v43 =	vpop (erf);
	v12 =	vadd.f32 $-8.017283670e-01, v12;
	v50 =	vmul.f32 v20, v37;
	v22 =	vmul.f32 v29, v29  }
0x7d: {  	v49 =	vadd.f32 $4.699898960e-01, v3;
	v60 =	vmul.f32 $5.139618520e-01, v43;
	v61 =	vmul.f32 $4.358440940e-01, v43  }
0x7e: {  	v13 =	vadd.f32 $-8.017283670e-01, v13;
	v1 =	vmul.f32 v1, v25;
	v46 =	vsub.f32 $1.093403700e+00, v46  }
0x7f: {  	[tilespmem:$0x1FE90] =	vst v23;
	v53 =	vmul.f32 v24, v36;
	v38 =	vmul.f32 v38, v36;
	v5 =	vadd.f32 $4.699898960e-01, v5  }
0x80: {  	[tilespmem:$0x1FF10] =	vst v39;
	v42 =	vpop (erf);
	v4 =	vadd.f32 $4.699898960e-01, v4;
	v51 =	vadd.f32 $4.699898960e-01, v8;
	v23 =	vld.idx.msk [tilespmem:v0+s2+$0x0], $0xffff;
	v0 =	vmul.f32 $5.139618520e-01, v27  }
0x81: {  	v62 =	vmul.f32 $5.139618520e-01, v42;
	v44 =	vmul.f32 $4.358440940e-01, v42;
	v14 =	vadd.f32 $-8.017283670e-01, v14  }
0x82: {  	v12 =	vmul.f32 v12, v30;
	[tilespmem:$0x1FF80] =	vst v22;
	v22 =	vmul.f32 v37, v37;
	v39 =	vsub.f32 $1.093403700e+00, v60  }
0x83: {  	[tilespmem:$0x1FF00] =	vst v40;
	v13 =	vmul.f32 v13, v28;
	v40 =	vadd.f32 $-8.017283670e-01, v61;
	v61 =	vmul.f32 v46, v28  }
0x84: {  	v4 =	vmul.f32 v4, v31;
	v8 =	vmul.f32 v5, v32;
	v0 =	vsub.f32 $1.093403700e+00, v0  }
0x85: {  	[tilespmem:$0x1FF70] =	vst v41;
	v52 =	vpop (erf);
	v14 =	vmul.f32 v14, v29;
	v41 =	vsub.f32 $1.093403700e+00, v62;
	v44 =	vadd.f32 $-8.017283670e-01, v44  }
0x86: {  	v47 =	vmul.f32 $5.139618520e-01, v52;
	v48 =	vmul.f32 $4.358440940e-01, v52;
	v59 =	vadd.f32 $4.699898960e-01, v12  }
0x87: {  	[tilespmem:$0x1FF90] =	vst v22;
	v22 =	vmul.f32 v36, v36;
	v62 =	vadd.f32 $4.699898960e-01, v13;
	v13 =	vadd.f32 $-9.719548820e-01, v16  }
0x88: {  	v39 =	vmul.f32 v39, v43;
	v16 =	vadd.f32 $-9.719548820e-01, v17;
	v17 =	vadd.f32 $-9.719548820e-01, v18  }
0x89: {  	v18 =	vadd.f32 $4.699898960e-01, v50;
	v50 =	vmul.f32 v33, v33;
	v20 =	vadd.f32 $-8.017283670e-01, v48  }
0x8a: {  	v0 =	vmul.f32 v0, v27;
	v24 =	vsub.f32 $1.093403700e+00, v47;
	v47 =	vadd.f32 $4.699898960e-01, v1  }
0x8b: {  	v48 =	vadd.f32 $4.699898960e-01, v2;
	v1 =	vmul.f32 v40, v43;
	v2 =	vmul.f32 v41, v42  }
0x8c: {  	v40 =	vadd.f32 $4.699898960e-01, v7;
	v3 =	vmul.f32 v44, v42;
	v57 =	vadd.f32 $4.699898960e-01, v14  }
0x8d: {  	v14 =	vadd.f32 $-9.719548820e-01, v15;
	v15 =	vadd.f32 $-9.719548820e-01, v19;
	v44 =	vmul.f32 v26, v26  }
0x8e: {  	v19 =	vadd.f32 $-9.719548820e-01, v53;
	v41 =	vmul.f32 v28, v28;
	[tilespmem:$0x1FFA0] =	vst v22;
	v22 =	vmul.f32 v43, v43  }
0x8f: {  	[tilespmem:$0x1FF50] =	vst v21;
	v53 =	vmul.f32 v52, v52;
	v21 =	vsub.f32 $0.0e+00, v23;
	v58 =	vmul.f32 v20, v52  }
0x90: {  	v7 =	vadd.f32 $-9.719548820e-01, v0;
	v12 =	vmul.f32 v47, v25;
	v0 =	vmul.f32 v48, v26  }
0x91: {  	v20 =	vmul.f32 v49, v27;
	v5 =	vmul.f32 v40, v34;
	v21 =	vmin.f32 v23, v21  }
0x92: {  	v11 =	vadd.f32 $-9.719548820e-01, v11;
	v48 =	vmul.f32 v32, v32;
	v21 =	vmul.f32 $1.442695020e+00, v21  }
0x93: {  	v6 =	vadd.f32 $4.699898960e-01, v6;
	v49 =	vmul.f32 v31, v31;
	v40 =	vmul.f32 v30, v30  }
0x94: {  	[tilespmem:$0x1FFB0] =	vst v22;
	v22 =	vmul.f32 v42, v42;
	(erf) = vpow2.f32 v21;
	v21 =	vsub.f32 $1.093403700e+00, v45  }
0x95: {  	v45 =	vsub.f32 $1.093403700e+00, v63;
	v63 =	vmul.f32 v24, v52;
	v24 =	vmul.f32 v6, v33  }
0x96: {  	vm0 =	vge.f32 v23, $0.0e+00;
	v6 =	vmul.f32 v51, v35;
	v51 =	vmul.f32 v34, v34  }
0x97: {  	[tilespmem:$0x1FFC0] =	vst v22;
	v22 =	vimm.f32 $0.0e+00;
	v56 =	vmul.f32 v21, v30;
	v60 =	vmul.f32 v45, v29  }
0x98: {  	s30 =	simm.s32 $0x0;
	s31 =	simm.s32 $0x0;
	s29 =	simm.s32 $0x10;
	[tilespmem:$0x1FFD0] =	vst v22;
	v45 =	vmul.f32 v27, v27;
	v21 =	vadd.f32 $4.699898960e-01, v38;
	v38 =	vadd.f32 $-9.719548820e-01, v39  }
.LBB2_2:
0x99: {  	v22 =	vld [tilespmem:$0x1FE50]  }
0x9a: {  	v9 =	vmul.f32 v9, v25;
	_ =	sdelay $0x1  }
0x9b: {  	v9 =	vadd.f32 $5.000000000e-01, v9;
	_ =	sdelay $0x1  }
0x9c: {  	v9 =	vmul.f32 v9, v22;
	v22 =	vld [tilespmem:$0x1FE70]  }
0x9d: {  	v10 =	vmul.f32 v10, v26;
	_ =	sdelay $0x1  }
0x9e: {  	v10 =	vadd.f32 $5.000000000e-01, v10;
	_ =	sdelay $0x1  }
0x9f: {  	v10 =	vmul.f32 v10, v22;
	v22 =	vld [tilespmem:$0x1FE80]  }
0xa0: {  	v7 =	vmul.f32 v7, v27;
	_ =	sdelay $0x1  }
0xa1: {  	v7 =	vadd.f32 $5.000000000e-01, v7;
	_ =	sdelay $0x1  }
0xa2: {  	v7 =	vmul.f32 v7, v22;
	v22 =	vld [tilespmem:$0x1FEA0]  }
0xa3: {  	v11 =	vmul.f32 v11, v31;
	_ =	sdelay $0x1  }
0xa4: {  	v11 =	vadd.f32 $5.000000000e-01, v11;
	_ =	sdelay $0x1  }
0xa5: {  	v11 =	vmul.f32 v11, v22;
	v22 =	vld [tilespmem:$0x1FE90]  }
0xa6: {  	v14 =	vmul.f32 v14, v32;
	_ =	sdelay $0x1  }
0xa7: {  	v14 =	vadd.f32 $5.000000000e-01, v14;
	_ =	sdelay $0x1  }
0xa8: {  	v14 =	vmul.f32 v14, v22;
	v22 =	vld [tilespmem:$0x1FED0]  }
0xa9: {  	v1 =	vadd.f32 $4.699898960e-01, v1;
	v2 =	vadd.f32 $-9.719548820e-01, v2;
	v13 =	vmul.f32 v13, v33  }
0xaa: {  	v3 =	vadd.f32 $4.699898960e-01, v3;
	v26 =	vmul.f32 v59, v30;
	v27 =	vmul.f32 v62, v28  }
0xab: {  	v31 =	vadd.f32 $-9.719548820e-01, v56;
	v56 =	vmul.f32 v57, v29;
	v13 =	vadd.f32 $5.000000000e-01, v13  }
0xac: {  	v61 =	vadd.f32 $-9.719548820e-01, v61;
	v16 =	vmul.f32 v16, v34;
	v17 =	vmul.f32 v17, v37  }
0xad: {  	v62 =	vadd.f32 $-9.719548820e-01, v60;
	v15 =	vmul.f32 v15, v35;
	v13 =	vmul.f32 v13, v22;
	v22 =	vld [tilespmem:$0x1FEE0]  }
0xae: {  	v18 =	vmul.f32 v18, v37;
	v46 =	vadd.f32 $-9.719548820e-01, v63;
	v47 =	vadd.f32 $4.699898960e-01, v58  }
0xaf: {  	v19 =	vmul.f32 v19, v36;
	v12 =	vadd.f32 $0.0e+00, v12;
	v57 =	vadd.f32 $0.0e+00, v0  }
0xb0: {  	v0 =	vmul.f32 v21, v36;
	v20 =	vadd.f32 $0.0e+00, v20;
	v16 =	vadd.f32 $5.000000000e-01, v16  }
0xb1: {  	v4 =	vadd.f32 $0.0e+00, v4;
	v21 =	vmul.f32 v38, v43;
	v8 =	vadd.f32 $0.0e+00, v8  }
0xb2: {  	v24 =	vadd.f32 $0.0e+00, v24;
	v5 =	vadd.f32 $0.0e+00, v5;
	v16 =	vmul.f32 v16, v22;
	v22 =	vld [tilespmem:$0x1FF00]  }
0xb3: {  	v6 =	vadd.f32 $0.0e+00, v6;
	v1 =	vmul.f32 v1, v43;
	v2 =	vmul.f32 v2, v42  }
0xb4: {  	v3 =	vmul.f32 v3, v42;
	v30 =	vmul.f32 v31, v30;
	v26 =	vadd.f32 $0.0e+00, v26  }
0xb5: {  	v27 =	vadd.f32 $0.0e+00, v27;
	v28 =	vmul.f32 v61, v28;
	v17 =	vadd.f32 $5.000000000e-01, v17  }
0xb6: {  	v31 =	vadd.f32 $0.0e+00, v56;
	v29 =	vmul.f32 v62, v29;
	v58 =	vmul.f32 v47, v52  }
0xb7: {  	v15 =	vadd.f32 $5.000000000e-01, v15;
	v18 =	vadd.f32 $0.0e+00, v18;
	v17 =	vmul.f32 v17, v22;
	v22 =	vld [tilespmem:$0x1FEF0]  }
0xb8: {  	v59 =	vmul.f32 v46, v52;
	v60 =	vmul.f32 v12, v55;
	v19 =	vadd.f32 $5.000000000e-01, v19  }
0xb9: {  	v63 =	vadd.f32 $0.0e+00, v0;
	v48 =	vmul.f32 v8, v48;
	v9 =	vadd.f32 v9, v12;
	v12 =	vld [tilespmem:$0x1FF20]  }
0xba: {  	v0 =	vmul.f32 v4, v49;
	v21 =	vadd.f32 $5.000000000e-01, v21;
	v50 =	vmul.f32 v24, v50  }
0xbb: {  	s30 =	sadd.s32 $0x80, s30;
	v46 =	vmul.f32 v5, v51;
	v62 =	vmul.f32 v20, v45;
	v7 =	vadd.f32 v7, v20;
	v20 =	vld [tilespmem:$0x1FFB0]  }
0xbc: {  	s1 =	sand.u32 $0x70, s29;
	s0 =	sand.u32 $0x7C00, s30;
	v47 =	vmul.f32 v6, v54;
	v1 =	vadd.f32 $0.0e+00, v1;
	v15 =	vmul.f32 v15, v22;
	v22 =	vld [tilespmem:$0x1FF90]  }
0xbd: {  	s1 =	sor.u32 s1, s0;
	v61 =	vmul.f32 v57, v44;
	v2 =	vadd.f32 $5.000000000e-01, v2;
	v4 =	vadd.f32 v11, v4;
	v11 =	vld [tilespmem:$0x1FF30]  }
0xbe: {  	v3 =	vadd.f32 $0.0e+00, v3;
	v32 =	vadd.f32 $0.0e+00, v58;
	v58 =	vld [tilespmem:s1+$0x6280];
	v12 =	vmul.f32 v21, v12  }
0xbf: {  	v52 =	vmul.f32 v26, v40;
	v30 =	vadd.f32 $5.000000000e-01, v30;
	v8 =	vadd.f32 v14, v8;
	v14 =	vld [tilespmem:$0x1FFC0]  }
0xc0: {  	v54 =	vmul.f32 v27, v41;
	v25 =	vpop (erf);
	v20 =	vmul.f32 v1, v20;
	v1 =	vadd.f32 v12, v1;
	v12 =	vld [tilespmem:$0x1FF50]  }
0xc1: {  	v28 =	vadd.f32 $5.000000000e-01, v28;
	v21 =	vmul.f32 $5.139618520e-01, v25;
	v55 =	vmul.f32 v18, v22;
	v22 =	vld [tilespmem:$0x1FF10]  }
0xc2: {  	v29 =	vadd.f32 $5.000000000e-01, v29;
	v10 =	vadd.f32 v10, v57;
	v57 =	vld [tilespmem:s1+$0x6200];
	v2 =	vmul.f32 v2, v11  }
0xc3: {  	v33 =	vadd.f32 $5.000000000e-01, v59;
	v9 =	vsel vm15, v9, v60;
	v21 =	vsub.f32 $1.093403700e+00, v21  }
0xc4: {  	v10 =	vsel vm3, v10, v61;
	v2 =	vadd.f32 v2, v3;
	v14 =	vmul.f32 v3, v14;
	v3 =	vld [tilespmem:$0x1FF60]  }
0xc5: {  	v59 =	vld [tilespmem:s1+$0x6100];
	vm3 =	vge.f32 v58, $0.0e+00;
	v21 =	vmul.f32 v21, v25;
	v12 =	vmul.f32 v28, v12  }
0xc6: {  	v11 =	vadd.f32 v13, v24;
	v13 =	vadd.f32 v17, v18;
	v17 =	vld [tilespmem:$0x1FF40];
	v19 =	vmul.f32 v19, v22  }
0xc7: {  	vm15 =	vge.f32 v57, $0.0e+00;
	v12 =	vadd.f32 v12, v27;
	v5 =	vadd.f32 v16, v5;
	v22 =	vld [tilespmem:$0x1FFA0]  }
0xc8: {  	v7 =	vsel vm2, v7, v62;
	v16 =	vadd.f32 v19, v63;
	v19 =	vadd.f32 $0.0e+00, v20;
	v20 =	vld [tilespmem:$0x1FF80]  }
0xc9: {  	v24 =	vmul.f32 $4.358440940e-01, v25;
	v14 =	vadd.f32 $0.0e+00, v14;
	v3 =	vmul.f32 v29, v3  }
0xca: {  	v8 =	vsel vm4, v8, v48;
	v12 =	vsel vm14, v12, v54;
	v11 =	vsel vm5, v11, v50  }
0xcb: {  	v24 =	vadd.f32 $-8.017283670e-01, v24;
	v2 =	vsel vm12, v2, v14;
	v3 =	vadd.f32 v3, v31  }
0xcc: {  	v5 =	vsel vm6, v5, v46;
	vm6 =	vge.f32 v59, $0.0e+00;
	v17 =	vmul.f32 v30, v17  }
0xcd: {  	v6 =	vadd.f32 v15, v6;
	v56 =	vmul.f32 v63, v22;
	v22 =	vld [tilespmem:$0x1FF70];
	v20 =	vmul.f32 v31, v20  }
0xce: {  	v17 =	vadd.f32 v17, v26;
	v26 =	vmul.f32 v32, v53;
	v15 =	vadd.f32 $0.0e+00, v55  }
0xcf: {  	v1 =	vsel vm11, v1, v19;
	v18 =	vadd.f32 $0.0e+00, v56;
	v3 =	vsel vm10, v3, v20  }
0xd0: {  	v39 =	vld [tilespmem:s1+$0x6180];
	v14 =	vsel vm13, v17, v52;
	v19 =	vmul.f32 v24, v25;
	v1 =	vadd.f32 v3, v1  }
0xd1: {  	v60 =	vld [tilespmem:s1+$0x0];
	v13 =	vsel vm7, v13, v15;
	v15 =	vsel vm9, v16, v18;
	v18 =	vadd.f32 $-9.719548820e-01, v21  }
0xd2: {  	v29 =	vld [tilespmem:s1+$0x6300];
	v19 =	vadd.f32 $4.699898960e-01, v19;
	v22 =	vmul.f32 v33, v22;
	v1 =	vadd.f32 v5, v1  }
0xd3: {  	v61 =	vld [tilespmem:s1+$0x80];
	v13 =	vadd.f32 v14, v13;
	v12 =	vadd.f32 v12, v15;
	v18 =	vmul.f32 v18, v25  }
0xd4: {  	v14 =	vmul.f32 v19, v25;
	v17 =	vadd.f32 v22, v32;
	v1 =	vadd.f32 v7, v1;
	v7 =	vld [tilespmem:$0x1FEB0]  }
0xd5: {  	v30 =	vld [tilespmem:s1+$0x6080];
	v8 =	vadd.f32 v8, v13;
	v16 =	vmul.f32 v25, v25;
	v3 =	vadd.f32 $5.000000000e-01, v18  }
0xd6: {  	v62 =	vld [tilespmem:s1+$0x100];
	v11 =	vadd.f32 v11, v12;
	v12 =	vadd.f32 $0.0e+00, v14;
	v15 =	vsel vm8, v17, v26  }
0xd7: {  	s26 =	sadd.s32 $0x10, s26;
	vm2 =	vge.f32 v29, $0.0e+00;
	v19 =	vld [tilespmem:s1+$0x200];
	v2 =	vadd.f32 v15, v2;
	v3 =	vmul.f32 v3, v23  }
0xd8: {  	v21 =	vld [tilespmem:s26+$0x0];
	v5 =	vsel vm1, v6, v47;
	v6 =	vadd.f32 v9, v8;
	v8 =	vmul.f32 v12, v16  }
0xd9: {  	v20 =	vld [tilespmem:s1+$0x280];
	v2 =	vadd.f32 v5, v2;
	v5 =	vsub.f32 v12, v3;
	vm1 =	vnez.u8 v7  }
0xda: {  	vm5 =	vge.f32 v30, $0.0e+00;
	vm7 =	vge.f32 v60, $0.0e+00;
	v22 =	vld [tilespmem:s1+$0x180];
	v0 =	vsel vm1, v4, v0  }
0xdb: {  	v0 =	vadd.f32 v0, v2;
	v2 =	vadd.f32 v3, v12;
	v3 =	vsel vm0, v8, v5;
	v5 =	vld [tilespmem:$0x1FEC0]  }
0xdc: {  	v13 =	vsub.f32 $0.0e+00, v62;
	vm11 =	vge.f32 v62, $0.0e+00;
	vm9 =	vge.f32 v61, $0.0e+00;
	v23 =	vld [tilespmem:s1+$0x6000]  }
0xdd: {  	s31 =	sadd.s32 $0x1, s31;
	vm13 =	vge.f32 v19, $0.0e+00;
	v9 =	vadd.f32 v10, v11;
	v10 =	vsub.f32 $0.0e+00, v30;
	v18 =	vmovc v21;
	v21 =	vld [tilespmem:s1+$0x300]  }
0xde: {  	v28 =	vld [tilespmem:s1+$0x6380];
	v16 =	vsub.f32 $0.0e+00, v20;
	vm14 =	vge.f32 v20, $0.0e+00;
	v15 =	vsub.f32 $0.0e+00, v19;
	s1 =	sand.u32 $0x7, s31  }
0xdf: {  	s0 =	sshll.u32 s1, $0x4;
	v14 =	vsub.f32 $0.0e+00, v22;
	vm12 =	vge.f32 v22, $0.0e+00;
	v7 =	vsub.f32 $0.0e+00, v58  }
0xe0: {  	s0 =	sadd.s32 s0, s30;
	v4 =	vlaneseq.u32;
	vm1 =	vlt.s32 v18, $0xF;
	v3 =	vmul.f32 v3, v5  }
0xe1: {  	s0 =	sor.u32 $0x380, s0;
	v0 =	vadd.f32 v0, v1;
	v1 =	vsel vm0, v2, v8;
	v5 =	vadd.f32 v9, v6  }
0xe2: {  	v63 =	vld [tilespmem:s0+$0x0];
	v17 =	vsub.f32 $0.0e+00, v21;
	vm4 =	vge.f32 v23, $0.0e+00;
	v1 =	vsub.f32 v3, v1  }
0xe3: {  	vm10 =	vge.f32 v21, $0.0e+00;
	v3 =	vsub.f32 $0.0e+00, v57;
	v5 =	vadd.f32 v0, v5;
	v0 =	vld [tilespmem:$0x1FE60]  }
0xe4: {  	v4 =	vor.u32 s29, v4;
	v7 =	vmin.f32 v58, v7;
	v8 =	vsub.f32 $0.0e+00, v29  }
0xe5: {  	v12 =	vsub.f32 $0.0e+00, v61;
	v7 =	vmul.f32 $1.442695020e+00, v7;
	v3 =	vmin.f32 v57, v3  }
0xe6: {  	v8 =	vmin.f32 v29, v8;
	v9 =	vsub.f32 $0.0e+00, v28;
	v3 =	vmul.f32 $1.442695020e+00, v3  }
0xe7: {  	v11 =	vld [tilespmem:$0x1FFD0];
	v2 =	vmov s29;
	vm8 =	vge.f32 v63, $0.0e+00;
	v8 =	vmul.f32 $1.442695020e+00, v8  }
0xe8: {  	v9 =	vmin.f32 v28, v9;
	vm0 =	vlt.s32 v0, $0x10;
	(erf) = vpow2.f32 v3  }
0xe9: {  	s28 =	sadd.s32 $0x10, s28;
	v0 =	vand.u32 $0x7F, v4;
	v1 =	vnsel vm0, $0x0, v1;
	(erf) = vpow2.f32 v7  }
0xea: {  	v24 =	vld [tilespmem:s28+$0x0];
	v7 =	vmin.f32 v30, v10;
	v4 =	vadd.f32 v1, v5;
	v5 =	vsub.f32 $0.0e+00, v23  }
0xeb: {  	v1 =	vshll.u32 v2, $0x3;
	v2 =	vsub.f32 $0.0e+00, v59;
	(erf) = vpow2.f32 v8  }
0xec: {  	v11 =	vadd.f32 v4, v11;
	v3 =	vmin.f32 v23, v5;
	v5 =	vmul.f32 $1.442695020e+00, v9  }
0xed: {  	v7 =	vmul.f32 $1.442695020e+00, v7;
	v4 =	vsub.f32 $0.0e+00, v60;
	v3 =	vmul.f32 $1.442695020e+00, v3  }
0xee: {  	v2 =	vmin.f32 v59, v2;
	[tilespmem:$0x1FFD0] =	vst v11;
	v11 =	vsub.f32 $0.0e+00, v39;
	(erf) = vpow2.f32 v5  }
0xef: {  	v6 =	vsub.f32 $2.000000000e+00, v24;
	v2 =	vmul.f32 $1.442695020e+00, v2;
	(erf) = vpow2.f32 v3  }
0xf0: {  	v3 =	vmin.f32 v60, v4;
	v5 =	vmin.f32 v39, v11;
	(erf) = vpow2.f32 v7  }
0xf1: {  	v3 =	vmul.f32 $1.442695020e+00, v3;
	v4 =	vmul.f32 $1.442695020e+00, v5;
	v5 =	vmin.f32 v61, v12  }
0xf2: {  	vm0 =	vge.f32 v24, $4.000000060e-01;
	(erf) = vpow2.f32 v2;
	v25 =	vpop (erf);
	v2 =	vmul.f32 $1.442695020e+00, v5  }
0xf3: {  	v5 =	vmin.f32 v19, v15;
	v55 =	vmul.f32 v25, v25;
	v9 =	vmul.f32 $5.139618520e-01, v25  }
0xf4: {  	v1 =	vand.u32 $0x7C00, v1;
	v26 =	vpop (erf);
	(erf) = vpow2.f32 v4;
	v4 =	vmul.f32 $1.442695020e+00, v5  }
0xf5: {  	v5 =	vmin.f32 v20, v16;
	v10 =	vmul.f32 $5.139618520e-01, v26;
	(erf) = vpow2.f32 v3  }
0xf6: {  	v3 =	vmul.f32 $1.442695020e+00, v5;
	v5 =	vmin.f32 v21, v17;
	v9 =	vsub.f32 $1.093403700e+00, v9  }
0xf7: {  	(erf) = vpow2.f32 v2;
	v2 =	vmin.f32 v62, v13;
	v5 =	vmul.f32 $1.442695020e+00, v5  }
0xf8: {  	v10 =	vsub.f32 $1.093403700e+00, v10;
	(erf) = vpow2.f32 v4;
	v2 =	vmul.f32 $1.442695020e+00, v2  }
0xf9: {  	v27 =	vpop (erf);
	v4 =	vmin.f32 v22, v14;
	v9 =	vmul.f32 v9, v25;
	(erf) = vpow2.f32 v3  }
0xfa: {  	v3 =	vmul.f32 $1.442695020e+00, v4;
	v4 =	vsub.f32 $0.0e+00, v63;
	v31 =	vpop (erf);
	v10 =	vmul.f32 v10, v26  }
0xfb: {  	(erf) = vpow2.f32 v5;
	v5 =	vnsel vm1, $0xF, v18;
	v49 =	vmul.f32 v31, v31  }
0xfc: {  	vm1 =	vge.f32 v39, $0.0e+00;
	v11 =	vmul.f32 $5.139618520e-01, v31;
	v9 =	vadd.f32 $-9.719548820e-01, v9  }
0xfd: {  	v32 =	vpop (erf);
	(erf) = vpow2.f32 v2;
	v2 =	vmin.f32 v63, v4;
	v4 =	vimm.s32 $0x0  }
0xfe: {  	v48 =	vmul.f32 v32, v32;
	v15 =	vmul.f32 $5.139618520e-01, v32;
	v10 =	vadd.f32 $-9.719548820e-01, v10  }
0xff: {  	v33 =	vpop (erf);
	(erf) = vpow2.f32 v3;
	v2 =	vmul.f32 $1.442695020e+00, v2;
	v3 =	vsel vm0, v6, v24  }
0x100: {  	vm0 =	vge.f32 v28, $0.0e+00;
	v50 =	vmul.f32 v33, v33;
	v6 =	vmul.f32 $4.358440940e-01, v33  }
0x101: {  	[tilespmem:$0x1FE70] =	vst v58;
	v34 =	vpop (erf);
	v16 =	vmul.f32 $5.139618520e-01, v33;
	v11 =	vsub.f32 $1.093403700e+00, v11;
	v3 =	vmul.f32 v3, v24  }
0x102: {  	[tilespmem:$0x1FEA0] =	vst v28;
	v4 =	vsel vm0, $0xFFFFFFFF, v4;
	v51 =	vmul.f32 v34, v34;
	v7 =	vmul.f32 $4.358440940e-01, v34  }
0x103: {  	[tilespmem:$0x1FF40] =	vst v19;
	v17 =	vmul.f32 $5.139618520e-01, v34;
	v15 =	vsub.f32 $1.093403700e+00, v15;
	v35 =	vpop (erf);
	v11 =	vmul.f32 v11, v31  }
0x104: {  	[tilespmem:$0x1FF50] =	vst v20;
	v6 =	vadd.f32 $-8.017283670e-01, v6;
	v37 =	vpop (erf);
	(erf) = vpow2.f32 v2;
	v2 =	vmul.f32 v26, v26  }
0x105: {  	[tilespmem:$0x1FE60] =	vst v18;
	v16 =	vsub.f32 $1.093403700e+00, v16;
	v54 =	vmul.f32 v35, v35;
	v8 =	vmul.f32 $4.358440940e-01, v35  }
0x106: {  	[tilespmem:$0x1FEC0] =	vst v3;
	v3 =	vshrl.u32 v5, $0x3;
	v19 =	vmul.f32 $5.139618520e-01, v35;
	v15 =	vmul.f32 v15, v32  }
0x107: {  	v7 =	vadd.f32 $-8.017283670e-01, v7;
	v18 =	vmul.f32 $5.139618520e-01, v37;
	v20 =	vmul.f32 $4.358440940e-01, v37  }
0x108: {  	[tilespmem:$0x1FF60] =	vst v21;
	v17 =	vsub.f32 $1.093403700e+00, v17;
	v36 =	vpop (erf);
	v6 =	vmul.f32 v6, v33;
	v16 =	vmul.f32 v16, v33  }
0x109: {  	v3 =	vmul.u32 $0x6000, v3;
	[tilespmem:$0x1FE20] =	vst v2;
	v2 =	vmul.f32 v27, v27;
	v21 =	vmul.f32 $5.139618520e-01, v36  }
0x10a: {  	[tilespmem:$0x1FED0] =	vst v30;
	v30 =	vpop (erf);
	v38 =	vmul.f32 $4.358440940e-01, v36;
	v8 =	vadd.f32 $-8.017283670e-01, v8;
	v7 =	vmul.f32 v7, v34  }
0x10b: {  	[tilespmem:$0x1FEB0] =	vst v4;
	v19 =	vsub.f32 $1.093403700e+00, v19;
	v17 =	vmul.f32 v17, v34;
	v4 =	vmul.f32 v30, v30  }
0x10c: {  	[tilespmem:$0x1FE80] =	vst v29;
	v1 =	vadd.s32 v1, v3;
	v3 =	vmul.f32 v37, v37;
	v12 =	vmul.f32 $4.358440940e-01, v30  }
0x10d: {  	v44 =	vmul.f32 $5.139618520e-01, v30;
	v18 =	vsub.f32 $1.093403700e+00, v18;
	v20 =	vadd.f32 $-8.017283670e-01, v20  }
0x10e: {  	v28 =	vpop (erf);
	v6 =	vadd.f32 $4.699898960e-01, v6;
	[tilespmem:$0x1FE30] =	vst v2;
	v2 =	vshll.u32 v5, $0x7;
	v5 =	vmul.f32 $4.358440940e-01, v32  }
0x10f: {  	v13 =	vmul.f32 $4.358440940e-01, v28;
	v45 =	vmul.f32 $5.139618520e-01, v28;
	v21 =	vsub.f32 $1.093403700e+00, v21  }
0x110: {  	v38 =	vadd.f32 $-8.017283670e-01, v38;
	v8 =	vmul.f32 v8, v35;
	v19 =	vmul.f32 v19, v35;
	[tilespmem:$0x1FE10] =	vst v4  }
0x111: {  	v29 =	vpop (erf);
	v2 =	vand.u32 $0x380, v2;
	v4 =	vmul.f32 v28, v28;
	[tilespmem:$0x1FF90] =	vst v3;
	v3 =	vmul.f32 v36, v36  }
0x112: {  	v14 =	vmul.f32 $4.358440940e-01, v29;
	v12 =	vadd.f32 $-8.017283670e-01, v12;
	v46 =	vmul.f32 $5.139618520e-01, v29  }
0x113: {  	[tilespmem:$0x1FF00] =	vst v60;
	v43 =	vpop (erf);
	v60 =	vsub.f32 $1.093403700e+00, v44;
	v18 =	vmul.f32 v18, v37;
	v20 =	vmul.f32 v20, v37  }
0x114: {  	[tilespmem:$0x1FE50] =	vst v57;
	v1 =	vor.u32 v2, v1;
	v2 =	vmul.f32 v43, v43;
	v56 =	vmul.f32 $5.139618520e-01, v43  }
0x115: {  	[tilespmem:$0x1FF10] =	vst v61;
	v57 =	vmul.f32 $4.358440940e-01, v43;
	v5 =	vadd.f32 $-8.017283670e-01, v5;
	v21 =	vmul.f32 v21, v36  }
0x116: {  	v13 =	vadd.f32 $-8.017283670e-01, v13;
	v38 =	vmul.f32 v38, v36;
	[tilespmem:$0x1FE40] =	vst v4;
	v4 =	vmul.f32 v29, v29  }
0x117: {  	v42 =	vpop (erf);
	[tilespmem:$0x1FFA0] =	vst v3;
	v0 =	vor.u32 v0, v1;
	v1 =	vmul.f32 $4.358440940e-01, v25;
	v3 =	vmul.f32 $4.358440940e-01, v27  }
0x118: {  	v61 =	vsub.f32 $1.093403700e+00, v45;
	v40 =	vmul.f32 $5.139618520e-01, v42;
	v41 =	vmul.f32 $4.358440940e-01, v42  }
0x119: {  	[tilespmem:$0x1FEF0] =	vst v39;
	v14 =	vadd.f32 $-8.017283670e-01, v14;
	v12 =	vmul.f32 v12, v30;
	v39 =	vsub.f32 $1.093403700e+00, v46  }
0x11a: {  	v46 =	vadd.f32 $4.699898960e-01, v7;
	[tilespmem:$0x1FFB0] =	vst v2;
	v2 =	vmul.f32 v42, v42;
	v56 =	vsub.f32 $1.093403700e+00, v56  }
0x11b: {  	[tilespmem:$0x1FEE0] =	vst v59;
	v5 =	vmul.f32 v5, v32;
	v57 =	vadd.f32 $-8.017283670e-01, v57;
	v13 =	vmul.f32 v13, v28  }
0x11c: {  	v61 =	vmul.f32 v61, v28;
	[tilespmem:$0x1FF80] =	vst v4;
	v4 =	vmul.f32 $4.358440940e-01, v31;
	v1 =	vadd.f32 $-8.017283670e-01, v1  }
0x11d: {  	[tilespmem:$0x1FF30] =	vst v22;
	v52 =	vpop (erf);
	v3 =	vadd.f32 $-8.017283670e-01, v3;
	v58 =	vsub.f32 $1.093403700e+00, v40;
	v14 =	vmul.f32 v14, v29  }
0x11e: {  	v59 =	vadd.f32 $-8.017283670e-01, v41;
	[tilespmem:$0x1FFC0] =	vst v2;
	v2 =	vmul.f32 $4.358440940e-01, v26;
	v53 =	vmul.f32 v52, v52  }
0x11f: {  	v47 =	vmul.f32 $5.139618520e-01, v52;
	v22 =	vmul.f32 $4.358440940e-01, v52;
	v5 =	vadd.f32 $4.699898960e-01, v5  }
0x120: {  	[tilespmem:$0x1FF20] =	vst v62;
	v41 =	vmul.f32 v56, v43;
	v62 =	vadd.f32 $4.699898960e-01, v13;
	v13 =	vadd.f32 $-9.719548820e-01, v16  }
0x121: {  	v56 =	vmul.f32 v60, v30;
	v16 =	vadd.f32 $-9.719548820e-01, v17;
	v17 =	vadd.f32 $-9.719548820e-01, v18  }
0x122: {  	[tilespmem:$0x1FE90] =	vst v23;
	v60 =	vmul.f32 v39, v29;
	v18 =	vadd.f32 $4.699898960e-01, v20;
	v4 =	vadd.f32 $-8.017283670e-01, v4  }
0x123: {  	s1 =	simm.s32 $0x0;
	[tilespmem:$0x1FF70] =	vst v63;
	v1 =	vmul.f32 v1, v25;
	v3 =	vmul.f32 v3, v27;
	v2 =	vadd.f32 $-8.017283670e-01, v2  }
0x124: {  	v23 =	vld.idx.msk [tilespmem:v0+s1+$0x0], $0xffff;
	v0 =	vmul.f32 $5.139618520e-01, v27;
	v22 =	vadd.f32 $-8.017283670e-01, v22;
	v63 =	vsub.f32 $1.093403700e+00, v47  }
0x125: {  	v47 =	vadd.f32 $4.699898960e-01, v8;
	v8 =	vmul.f32 v5, v32;
	v40 =	vadd.f32 $4.699898960e-01, v1  }
0x126: {  	v45 =	vadd.f32 $4.699898960e-01, v3;
	v3 =	vmul.f32 v59, v42;
	v59 =	vadd.f32 $4.699898960e-01, v12  }
0x127: {  	v1 =	vmul.f32 v57, v43;
	v57 =	vadd.f32 $4.699898960e-01, v14;
	v14 =	vadd.f32 $-9.719548820e-01, v15  }
0x128: {  	v5 =	vmul.f32 v46, v34;
	v15 =	vadd.f32 $-9.719548820e-01, v19;
	v19 =	vadd.f32 $-9.719548820e-01, v21  }
0x129: {  	v4 =	vmul.f32 v4, v31;
	v21 =	vadd.f32 $4.699898960e-01, v38;
	v38 =	vadd.f32 $-9.719548820e-01, v41  }
0x12a: {  	v0 =	vsub.f32 $1.093403700e+00, v0;
	v2 =	vmul.f32 v2, v26;
	v63 =	vmul.f32 v63, v52  }
0x12b: {  	p0 =	sne.s32 s29, $0xBF0;
	v4 =	vadd.f32 $4.699898960e-01, v4;
	v12 =	vmul.f32 v40, v25;
	v24 =	vsub.f32 $0.0e+00, v23  }
.Ltmp0:
0x12c: {  	v20 =	vmul.f32 v45, v27;
	v0 =	vmul.f32 v0, v27;
	v44 =	vadd.f32 $4.699898960e-01, v2;
	(pc) =	sbr.rel @p0 .LBB2_2-.Ltmp0, $4  }
0x12d: {  	v41 =	vld [tilespmem:$0x1FE40];
	v2 =	vmul.f32 v58, v42;
	v58 =	vmul.f32 v22, v52;
	v24 =	vmin.f32 v23, v24  }
0x12e: {  	v40 =	vld [tilespmem:$0x1FE10];
	v4 =	vmul.f32 v4, v31;
	v7 =	vadd.f32 $-9.719548820e-01, v0;
	v0 =	vmul.f32 $1.442695020e+00, v24  }
0x12f: {  	v11 =	vadd.f32 $-9.719548820e-01, v11;
	v45 =	vld [tilespmem:$0x1FE30];
	v24 =	vmul.f32 v6, v33;
	v6 =	vmul.f32 v47, v35  }
0x130: {  	s29 =	sadd.s32 $0x10, s29;
	vm0 =	vge.f32 v23, $0.0e+00;
	(erf) = vpow2.f32 v0;
	v0 =	vmul.f32 v44, v26;
	v44 =	vld [tilespmem:$0x1FE20]  }
0x131: {  	v12 =	vadd.f32 $0.0e+00, v12  }
0x132: {  	v9 =	vmul.f32 v9, v25;
	v1 =	vadd.f32 $4.699898960e-01, v1;
	v2 =	vadd.f32 $-9.719548820e-01, v2  }
0x133: {  	v10 =	vmul.f32 v10, v26;
	v3 =	vadd.f32 $4.699898960e-01, v3;
	v25 =	vadd.f32 $-9.719548820e-01, v61  }
0x134: {  	v11 =	vmul.f32 v11, v31;
	v26 =	vadd.f32 $-9.719548820e-01, v60;
	v31 =	vadd.f32 $4.699898960e-01, v58  }
0x135: {  	v20 =	vadd.f32 $0.0e+00, v20;
	v4 =	vadd.f32 $0.0e+00, v4  }
0x136: {  	v8 =	vadd.f32 $0.0e+00, v8;
	v24 =	vadd.f32 $0.0e+00, v24  }
0x137: {  	v14 =	vmul.f32 v14, v32;
	v5 =	vadd.f32 $0.0e+00, v5;
	v6 =	vadd.f32 $0.0e+00, v6  }
0x138: {  	v0 =	vadd.f32 $0.0e+00, v0;
	v1 =	vmul.f32 v1, v43;
	v2 =	vmul.f32 v2, v42  }
0x139: {  	v22 =	vld [tilespmem:$0x1FE50];
	v9 =	vadd.f32 $5.000000000e-01, v9;
	v3 =	vmul.f32 v3, v42;
	v25 =	vmul.f32 v25, v28  }
0x13a: {  	v58 =	vld [tilespmem:$0x1FE70];
	v10 =	vadd.f32 $5.000000000e-01, v10;
	v11 =	vadd.f32 $5.000000000e-01, v11;
	v26 =	vmul.f32 v26, v29  }
0x13b: {  	v14 =	vadd.f32 $5.000000000e-01, v14;
	v31 =	vmul.f32 v31, v52;
	v61 =	vmul.f32 v8, v48  }
0x13c: {  	v46 =	vmul.f32 v6, v54;
	v60 =	vmul.f32 v20, v45;
	v1 =	vadd.f32 $0.0e+00, v1  }
0x13d: {  	v45 =	vmul.f32 v5, v51;
	v2 =	vadd.f32 $5.000000000e-01, v2;
	v3 =	vadd.f32 $0.0e+00, v3  }
0x13e: {  	v25 =	vadd.f32 $5.000000000e-01, v25;
	v9 =	vmul.f32 v9, v22;
	v22 =	vmul.f32 v7, v27  }
0x13f: {  	v48 =	vld [tilespmem:$0x1FEA0];
	v7 =	vmul.f32 v12, v55;
	v27 =	vadd.f32 $-9.719548820e-01, v63;
	v10 =	vmul.f32 v10, v58  }
0x140: {  	v63 =	vmul.f32 v24, v50;
	v9 =	vadd.f32 v9, v12;
	v12 =	vmul.f32 v13, v33  }
0x141: {  	v26 =	vadd.f32 $5.000000000e-01, v26;
	v13 =	vmul.f32 v16, v34;
	v16 =	vmul.f32 v18, v37  }
0x142: {  	v18 =	vmul.f32 v21, v36;
	v21 =	vadd.f32 $-9.719548820e-01, v56;
	v56 =	vmul.f32 v59, v30  }
0x143: {  	v39 =	vld [tilespmem:$0x1FE80];
	v31 =	vadd.f32 $0.0e+00, v31;
	v27 =	vmul.f32 v27, v52;
	v59 =	vmul.f32 v0, v44  }
0x144: {  	v54 =	vld [tilespmem:$0x1FF00];
	v11 =	vmul.f32 v11, v48;
	v7 =	vsel vm15, v9, v7;
	v9 =	vmul.f32 v15, v35  }
0x145: {  	v51 =	vld [tilespmem:$0x1FED0];
	v22 =	vadd.f32 $5.000000000e-01, v22;
	v15 =	vmul.f32 v17, v37;
	v17 =	vmul.f32 v19, v36  }
0x146: {  	v50 =	vld [tilespmem:$0x1FE90];
	v0 =	vadd.f32 v10, v0;
	v21 =	vmul.f32 v21, v30;
	v30 =	vmul.f32 v62, v28  }
0x147: {  	v52 =	vld [tilespmem:$0x1FEE0];
	v28 =	vmul.f32 v57, v29;
	v29 =	vadd.f32 $0.0e+00, v56;
	v12 =	vadd.f32 $5.000000000e-01, v12  }
0x148: {  	v55 =	vld [tilespmem:$0x1FEF0];
	v19 =	vmul.f32 v38, v43;
	v13 =	vadd.f32 $5.000000000e-01, v13;
	v16 =	vadd.f32 $0.0e+00, v16  }
0x149: {  	v58 =	vld [tilespmem:$0x1FFA0];
	v18 =	vadd.f32 $0.0e+00, v18;
	v62 =	vmul.f32 v4, v49;
	v27 =	vadd.f32 $5.000000000e-01, v27  }
0x14a: {  	v22 =	vmul.f32 v22, v39;
	v56 =	vld [tilespmem:$0x1FF90];
	v4 =	vadd.f32 v11, v4;
	v30 =	vadd.f32 $0.0e+00, v30  }
0x14b: {  	v57 =	vld [tilespmem:$0x1FF10];
	v0 =	vsel vm3, v0, v59;
	v28 =	vadd.f32 $0.0e+00, v28;
	v15 =	vadd.f32 $5.000000000e-01, v15  }
0x14c: {  	v11 =	vld [tilespmem:$0x1FFB0];
	v9 =	vadd.f32 $5.000000000e-01, v9;
	v17 =	vadd.f32 $5.000000000e-01, v17;
	v13 =	vmul.f32 v13, v52  }
0x14d: {  	v14 =	vmul.f32 v14, v50;
	v19 =	vadd.f32 $5.000000000e-01, v19;
	v10 =	vadd.f32 v22, v20;
	v20 =	vld [tilespmem:$0x1FF20]  }
0x14e: {  	v47 =	vmul.f32 v29, v40;
	v12 =	vmul.f32 v12, v51;
	v5 =	vadd.f32 v13, v5;
	v13 =	vld [tilespmem:$0x1FF30]  }
0x14f: {  	v21 =	vadd.f32 $5.000000000e-01, v21;
	v42 =	vmul.f32 v18, v58;
	v9 =	vmul.f32 v9, v55  }
0x150: {  	v22 =	vld [tilespmem:$0x1FF70];
	v8 =	vadd.f32 v14, v8;
	v49 =	vmul.f32 v30, v41;
	v15 =	vmul.f32 v15, v54  }
0x151: {  	v41 =	vmul.f32 v16, v56;
	v11 =	vmul.f32 v1, v11;
	v6 =	vadd.f32 v9, v6;
	v9 =	vld [tilespmem:$0x1FFC0]  }
0x152: {  	v12 =	vadd.f32 v12, v24;
	v17 =	vmul.f32 v17, v57;
	v19 =	vmul.f32 v19, v20;
	v20 =	vld [tilespmem:$0x1FF80]  }
0x153: {  	v11 =	vadd.f32 $0.0e+00, v11;
	v2 =	vmul.f32 v2, v13;
	v13 =	vadd.f32 v15, v16;
	v16 =	vld [tilespmem:$0x1FF40]  }
0x154: {  	v24 =	vmul.f32 v31, v53;
	v1 =	vadd.f32 v19, v1;
	v15 =	vadd.f32 v17, v18;
	v18 =	vld [tilespmem:$0x1FF50]  }
0x155: {  	v8 =	vsel vm4, v8, v61;
	v14 =	vadd.f32 $0.0e+00, v41;
	v22 =	vmul.f32 v27, v22;
	v19 =	vld [tilespmem:$0x1FF60]  }
0x156: {  	v17 =	vadd.f32 $0.0e+00, v42;
	v9 =	vmul.f32 v3, v9;
	v1 =	vsel vm11, v1, v11  }
0x157: {  	v2 =	vadd.f32 v2, v3;
	v3 =	vpop (erf);
	v20 =	vmul.f32 v28, v20;
	v13 =	vsel vm7, v13, v14  }
0x158: {  	v14 =	vsel vm9, v15, v17;
	v16 =	vmul.f32 v21, v16;
	v21 =	vmul.f32 $5.139618520e-01, v3  }
0x159: {  	v9 =	vadd.f32 $0.0e+00, v9;
	v18 =	vmul.f32 v25, v18;
	v25 =	vmul.f32 $4.358440940e-01, v3  }
0x15a: {  	v19 =	vmul.f32 v26, v19;
	v16 =	vadd.f32 v16, v29;
	v21 =	vsub.f32 $1.093403700e+00, v21  }
0x15b: {  	v2 =	vsel vm12, v2, v9;
	v18 =	vadd.f32 v18, v30;
	v25 =	vadd.f32 $-8.017283670e-01, v25  }
0x15c: {  	v19 =	vadd.f32 v19, v28;
	v21 =	vmul.f32 v21, v3;
	v9 =	vsel vm13, v16, v47  }
0x15d: {  	v17 =	vmul.f32 v25, v3;
	v16 =	vsel vm14, v18, v49;
	v9 =	vadd.f32 v9, v13  }
0x15e: {  	s26 =	simm.s32 $0xC400;
	v13 =	vadd.f32 v16, v14;
	v14 =	vsel vm10, v19, v20;
	v11 =	vadd.f32 $-9.719548820e-01, v21  }
0x15f: {  	v59 =	vld [tilespmem:s26+$0xFFFFFC00];
	v5 =	vsel vm6, v5, v45;
	v1 =	vadd.f32 v14, v1;
	v8 =	vadd.f32 v8, v9  }
0x160: {  	v27 =	vld [tilespmem:s26+$0xFFFFFD80];
	v18 =	vadd.f32 v22, v31;
	v17 =	vadd.f32 $4.699898960e-01, v17;
	v11 =	vmul.f32 v11, v3  }
0x161: {  	v1 =	vadd.f32 v5, v1;
	v5 =	vsel vm1, v6, v46;
	v6 =	vadd.f32 v7, v8;
	v8 =	vld [tilespmem:$0x1FEB0]  }
0x162: {  	v12 =	vsel vm5, v12, v63;
	v15 =	vmul.f32 v3, v3;
	v26 =	vld [tilespmem:s26+$0x280]  }
0x163: {  	v28 =	vld [tilespmem:s26+$0xFFFFFC80];
	v14 =	vsel vm8, v18, v24;
	v3 =	vmul.f32 v17, v3;
	v11 =	vadd.f32 $5.000000000e-01, v11  }
0x164: {  	v30 =	vld [tilespmem:s26+$0x80];
	v9 =	vadd.f32 v12, v13;
	v2 =	vadd.f32 v14, v2  }
0x165: {  	v10 =	vsel vm2, v10, v60;
	v29 =	vld [tilespmem:s26+$0xFFFFFD00];
	v3 =	vadd.f32 $0.0e+00, v3;
	v11 =	vmul.f32 v11, v23  }
0x166: {  	v22 =	vld [tilespmem:s26+$0xFFFFFE80];
	v2 =	vadd.f32 v5, v2;
	v0 =	vadd.f32 v0, v9;
	vm1 =	vnez.u8 v8  }
0x167: {  	v19 =	vld [tilespmem:s26+$0xFFFFFF00];
	v7 =	vmul.f32 v3, v15;
	v5 =	vsub.f32 v3, v11;
	v4 =	vsel vm1, v4, v62  }
0x168: {  	v21 =	vld [tilespmem:s26+$0xFFFFFE00];
	v1 =	vadd.f32 v10, v1;
	v2 =	vadd.f32 v4, v2  }
0x169: {  	v4 =	vsel vm0, v7, v5;
	v5 =	vld [tilespmem:$0x1FEC0]  }
0x16a: {  	v18 =	vld [tilespmem:s26+$0xFFFFFF80];
	v0 =	vadd.f32 v0, v6;
	v1 =	vadd.f32 v2, v1  }
0x16b: {  	v17 =	vld [tilespmem:s26+$0x180]  }
0x16c: {  	vm4 =	vge.f32 v26, $0.0e+00;
	v0 =	vadd.f32 v1, v0;
	v1 =	vld [tilespmem:$0x1FE60]  }
0x16d: {  	vm14 =	vge.f32 v27, $0.0e+00;
	v20 =	vld [tilespmem:s26+$0x300];
	v12 =	vsub.f32 $0.0e+00, v27;
	v3 =	vadd.f32 v11, v3  }
0x16e: {  	v24 =	vld [tilespmem:s26+$0x200];
	v14 =	vsub.f32 $0.0e+00, v22;
	v10 =	vsub.f32 $0.0e+00, v28;
	v4 =	vmul.f32 v4, v5  }
0x16f: {  	v25 =	vld [tilespmem:s26+$0x100];
	v6 =	vsub.f32 $0.0e+00, v30;
	v13 =	vsub.f32 $0.0e+00, v21;
	v2 =	vsel vm0, v3, v7  }
0x170: {  	v16 =	vld [tilespmem:s26+$0x380];
	vm11 =	vge.f32 v28, $0.0e+00;
	v15 =	vsub.f32 $0.0e+00, v19;
	v2 =	vsub.f32 v4, v2  }
0x171: {  	v31 =	vld [tilespmem:s26+$0x0];
	v23 =	vsub.f32 $0.0e+00, v18;
	v9 =	vsub.f32 $0.0e+00, v17;
	vm0 =	vlt.s32 v1, $0x10  }
0x172: {  	v8 =	vsub.f32 $0.0e+00, v59;
	v3 =	vsub.f32 $0.0e+00, v20;
	v1 =	vnsel vm0, $0x0, v2  }
0x173: {  	vm7 =	vge.f32 v30, $0.0e+00;
	v0 =	vadd.f32 v1, v0;
	v1 =	vsub.f32 $0.0e+00, v24  }
0x174: {  	vm12 =	vge.f32 v29, $0.0e+00;
	v7 =	vsub.f32 $0.0e+00, v25;
	v2 =	vsub.f32 $0.0e+00, v26  }
0x175: {  	v3 =	vmin.f32 v20, v3;
	v4 =	vsub.f32 $0.0e+00, v16;
	v1 =	vmin.f32 v24, v1  }
0x176: {  	v5 =	vsub.f32 $0.0e+00, v31;
	v2 =	vmin.f32 v26, v2;
	v1 =	vmul.f32 $1.442695020e+00, v1  }
0x177: {  	v3 =	vmul.f32 $1.442695020e+00, v3;
	v4 =	vmin.f32 v16, v4;
	v2 =	vmul.f32 $1.442695020e+00, v2  }
0x178: {  	v4 =	vmul.f32 $1.442695020e+00, v4;
	(erf) = vpow2.f32 v1;
	v1 =	vmin.f32 v31, v5  }
0x179: {  	(erf) = vpow2.f32 v2;
	v1 =	vmul.f32 $1.442695020e+00, v1;
	v2 =	vmin.f32 v30, v6  }
0x17a: {  	(erf) = vpow2.f32 v3;
	v2 =	vmul.f32 $1.442695020e+00, v2;
	v3 =	vmin.f32 v25, v7  }
0x17b: {  	(erf) = vpow2.f32 v4;
	v3 =	vmul.f32 $1.442695020e+00, v3;
	v4 =	vmin.f32 v17, v9  }
0x17c: {  	(erf) = vpow2.f32 v1;
	v1 =	vmin.f32 v59, v8;
	v4 =	vmul.f32 $1.442695020e+00, v4  }
0x17d: {  	(erf) = vpow2.f32 v2;
	v1 =	vmul.f32 $1.442695020e+00, v1;
	v2 =	vmin.f32 v28, v10  }
0x17e: {  	(erf) = vpow2.f32 v3;
	v2 =	vmul.f32 $1.442695020e+00, v2;
	v3 =	vmin.f32 v21, v13  }
0x17f: {  	(erf) = vpow2.f32 v4;
	v3 =	vmul.f32 $1.442695020e+00, v3;
	v4 =	vmin.f32 v22, v14  }
0x180: {  	v5 =	vmin.f32 v19, v15;
	(erf) = vpow2.f32 v1;
	v4 =	vmul.f32 $1.442695020e+00, v4  }
0x181: {  	vm9 =	vge.f32 v31, $0.0e+00;
	(erf) = vpow2.f32 v2;
	v2 =	vmul.f32 $1.442695020e+00, v5  }
0x182: {  	vm5 =	vge.f32 v25, $0.0e+00;
	v5 =	vmin.f32 v18, v23;
	(erf) = vpow2.f32 v3  }
0x183: {  	s28 =	simm.s32 $0xE880;
	v11 =	vsub.f32 $0.0e+00, v29;
	v5 =	vmul.f32 $1.442695020e+00, v5;
	v3 =	vpop (erf);
	(erf) = vpow2.f32 v4  }
0x184: {  	vm13 =	vge.f32 v22, $0.0e+00;
	vm8 =	vge.f32 v19, $0.0e+00;
	v1 =	vld [tilespmem:s28+$0x0];
	v4 =	vpop (erf);
	(erf) = vpow2.f32 v2  }
0x185: {  	v6 =	vmin.f32 v29, v11;
	v13 =	vmul.f32 $5.139618520e-01, v3;
	v2 =	vpop (erf);
	(erf) = vpow2.f32 v5;
	v5 =	vld [tilespmem:$0x1FFD0]  }
0x186: {  	vm3 =	vge.f32 v24, $0.0e+00;
	vm10 =	vge.f32 v21, $0.0e+00;
	v6 =	vmul.f32 $1.442695020e+00, v6  }
0x187: {  	v7 =	vmin.f32 v27, v12;
	v14 =	vmul.f32 $5.139618520e-01, v2;
	v13 =	vsub.f32 $1.093403700e+00, v13  }
0x188: {  	vm6 =	vge.f32 v18, $0.0e+00;
	vm1 =	vge.f32 v20, $0.0e+00;
	v7 =	vmul.f32 $1.442695020e+00, v7  }
0x189: {  	s29 =	simm.s32 $0xE800;
	(erf) = vpow2.f32 v6;
	v13 =	vmul.f32 v13, v3;
	v14 =	vsub.f32 $1.093403700e+00, v14  }
0x18a: {  	v8 =	vld [tilespmem:s29+$0x0];
	v6 =	vmul.f32 v3, v3;
	v0 =	vadd.f32 v0, v5;
	v5 =	vsub.f32 $2.000000000e+00, v1  }
0x18b: {  	v23 =	vmovc v17;
	vm0 =	vge.f32 v1, $4.000000060e-01;
	v13 =	vadd.f32 $-9.719548820e-01, v13;
	v14 =	vmul.f32 v14, v2  }
0x18c: {  	vm2 =	vge.f32 v23, $0.0e+00;
	[tilespmem:$0x1FCC0] =	vst v6;
	v6 =	vimm.s32 $0x0;
	v5 =	vsel vm0, v5, v1  }
0x18d: {  	vm0 =	vge.f32 v16, $0.0e+00;
	v63 =	vmul.f32 v13, v3;
	v14 =	vadd.f32 $-9.719548820e-01, v14  }
0x18e: {  	[tilespmem:$0x1FCA0] =	vst v0;
	v6 =	vsel vm0, $0xFFFFFFFF, v6;
	v1 =	vmul.f32 v5, v1;
	v5 =	vmul.f32 v4, v4  }
0x18f: {  	vm0 =	vlt.s32 v8, $0xF;
	v0 =	vpop (erf);
	(erf) = vpow2.f32 v7;
	[tilespmem:$0x1FCE0] =	vst v6;
	v6 =	vmul.f32 $4.358440940e-01, v4  }
0x190: {  	v7 =	vmul.f32 $4.358440940e-01, v2;
	v53 =	vmul.f32 v14, v2;
	[tilespmem:$0x1FCF0] =	vst v1;
	v1 =	vnsel vm0, $0xF, v8  }
0x191: {  	v37 =	vpop (erf);
	[tilespmem:$0x1FD20] =	vst v5;
	v5 =	vmul.f32 v2, v2;
	vm0 =	vge.f32 v59, $0.0e+00;
	v9 =	vmul.f32 $4.358440940e-01, v0  }
0x192: {  	v17 =	vmovc v24;
	[tilespmem:$0x1FD10] =	vst v8;
	v24 =	vmul.f32 $5.139618520e-01, v0;
	v1 =	vshll.u32 v1, $0x7;
	v8 =	vmul.f32 $4.358440940e-01, v37  }
0x193: {  	[tilespmem:$0x1FDC0] =	vst v22;
	v36 =	vpop (erf);
	v34 =	vmul.f32 $5.139618520e-01, v37;
	v6 =	vadd.f32 $-8.017283670e-01, v6;
	v22 =	vmul.f32 v37, v37  }
0x194: {  	v7 =	vadd.f32 $-8.017283670e-01, v7;
	[tilespmem:$0x1FD30] =	vst v5;
	v5 =	vmul.f32 v0, v0;
	v10 =	vmul.f32 $4.358440940e-01, v36  }
0x195: {  	[tilespmem:$0x1FDD0] =	vst v19;
	v1 =	vadd.s32 s1, v1;
	v33 =	vpop (erf);
	v39 =	vmul.f32 $5.139618520e-01, v36;
	v19 =	vmul.f32 v36, v36  }
0x196: {  	v9 =	vadd.f32 $-8.017283670e-01, v9;
	v11 =	vmul.f32 $4.358440940e-01, v33;
	v40 =	vmul.f32 $5.139618520e-01, v33  }
0x197: {  	v51 =	vpop (erf);
	v8 =	vadd.f32 $-8.017283670e-01, v8;
	v6 =	vmul.f32 v6, v4;
	v7 =	vmul.f32 v7, v2  }
0x198: {  	[tilespmem:$0x1FD50] =	vst v5;
	v5 =	vlaneseq.u32;
	v12 =	vmul.f32 $4.358440940e-01, v51;
	v42 =	vmul.f32 $5.139618520e-01, v51  }
0x199: {  	v10 =	vadd.f32 $-8.017283670e-01, v10;
	v9 =	vmul.f32 v9, v0;
	v14 =	vsub.f32 $1.093403700e+00, v39  }
0x19a: {  	[tilespmem:$0x1FDB0] =	vst v21;
	v38 =	vpop (erf);
	v21 =	vmul.f32 v51, v51;
	v1 =	vadd.s32 v5, v1;
	v5 =	vmul.f32 $4.358440940e-01, v3  }
0x19b: {  	v41 =	vmul.f32 $5.139618520e-01, v38;
	v44 =	vmul.f32 $4.358440940e-01, v38;
	v11 =	vadd.f32 $-8.017283670e-01, v11  }
0x19c: {  	[tilespmem:$0x1FDE0] =	vst v18;
	v35 =	vpop (erf);
	v6 =	vadd.f32 $4.699898960e-01, v6;
	v8 =	vmul.f32 v8, v37;
	v18 =	vmul.f32 v38, v38  }
0x19d: {  	v7 =	vadd.f32 $4.699898960e-01, v7;
	v46 =	vmul.f32 $5.139618520e-01, v35;
	v47 =	vmul.f32 $4.358440940e-01, v35  }
0x19e: {  	[tilespmem:$0x1FDA0] =	vst v27;
	v32 =	vpop (erf);
	v12 =	vadd.f32 $-8.017283670e-01, v12;
	v9 =	vadd.f32 $4.699898960e-01, v9;
	v10 =	vmul.f32 v10, v36  }
0x19f: {  	[tilespmem:$0x1FD40] =	vst v30;
	v14 =	vmul.f32 v14, v36;
	v15 =	vmul.f32 $4.358440940e-01, v32;
	v5 =	vadd.f32 $-8.017283670e-01, v5  }
0x1a0: {  	[tilespmem:$0x1FD60] =	vst v25;
	v30 =	vpop (erf);
	v56 =	vmul.f32 v7, v2;
	v7 =	vsub.f32 $1.093403700e+00, v34;
	v11 =	vmul.f32 v11, v33  }
0x1a1: {  	v49 =	vmul.f32 $5.139618520e-01, v32;
	v34 =	vadd.f32 $4.699898960e-01, v8;
	v25 =	vmul.f32 $4.358440940e-01, v30  }
0x1a2: {  	[tilespmem:$0x1FD00] =	vst v31;
	v31 =	vpop (erf);
	v57 =	vmul.f32 v9, v0;
	v9 =	vsub.f32 $1.093403700e+00, v42;
	v12 =	vmul.f32 v12, v51  }
0x1a3: {  	[tilespmem:$0x1FD80] =	vst v28;
	v62 =	vadd.f32 $-8.017283670e-01, v47;
	v27 =	vmul.f32 $4.358440940e-01, v31;
	v5 =	vmul.f32 v5, v3  }
0x1a4: {  	[tilespmem:$0x1FCD0] =	vst v16;
	v28 =	vpop (erf);
	v13 =	vadd.f32 $-8.017283670e-01, v15;
	v7 =	vmul.f32 v7, v37;
	v16 =	vld.idx.msk [tilespmem:v1+s18+$0x0], $0xffff;
	v1 =	vmul.f32 $5.139618520e-01, v4  }
0x1a5: {  	[tilespmem:$0x1FD90] =	vst v29;
	v29 =	vmul.f32 $4.358440940e-01, v28;
	v9 =	vmul.f32 v9, v51;
	v5 =	vadd.f32 $4.699898960e-01, v5  }
0x1a6: {  	v15 =	vadd.f32 $-8.017283670e-01, v25;
	v50 =	vmul.f32 $5.139618520e-01, v28;
	v13 =	vmul.f32 v13, v32  }
0x1a7: {  	[tilespmem:$0x1FD70] =	vst v59;
	v1 =	vsub.f32 $1.093403700e+00, v1;
	v59 =	vmul.f32 v5, v3;
	v3 =	vsub.f32 $1.093403700e+00, v24  }
0x1a8: {  	v15 =	vmul.f32 v15, v30;
	v24 =	vadd.f32 $-8.017283670e-01, v27;
	v54 =	vadd.f32 $4.699898960e-01, v13  }
0x1a9: {  	v10 =	vadd.f32 $4.699898960e-01, v10;
	v1 =	vmul.f32 v1, v4;
	v27 =	vmul.f32 v3, v0  }
0x1aa: {  	v60 =	vsub.f32 $0.0e+00, v16;
	v24 =	vmul.f32 v24, v31;
	v54 =	vmul.f32 v54, v32  }
0x1ab: {  	v25 =	vadd.f32 $-9.719548820e-01, v1;
	v1 =	vmul.f32 v6, v4;
	v6 =	vadd.f32 $-8.017283670e-01, v29  }
0x1ac: {  	v29 =	vsub.f32 $1.093403700e+00, v46;
	v46 =	vmul.f32 v62, v35;
	v62 =	vadd.f32 $-9.719548820e-01, v9  }
0x1ad: {  	v43 =	vmin.f32 v16, v60;
	v3 =	vmul.f32 v25, v4;
	v4 =	vadd.f32 $-9.719548820e-01, v27  }
0x1ae: {  	v61 =	vmul.f32 $1.442695020e+00, v43;
	v25 =	vsub.f32 $1.093403700e+00, v41;
	v27 =	vadd.f32 $-8.017283670e-01, v44  }
0x1af: {  	v6 =	vmul.f32 v6, v28;
	v29 =	vmul.f32 v29, v35;
	v44 =	vsub.f32 $1.093403700e+00, v50  }
0x1b0: {  	v50 =	vadd.f32 $4.699898960e-01, v12;
	v43 =	vpop (erf);
	(erf) = vpow2.f32 v61;
	v52 =	vmul.f32 v4, v0  }
0x1b1: {  	v4 =	vsub.f32 $1.093403700e+00, v40;
	v40 =	vsub.f32 $1.093403700e+00, v49;
	v42 =	vmul.f32 v25, v38  }
0x1b2: {  	v25 =	vmul.f32 $5.139618520e-01, v31;
	v27 =	vmul.f32 v27, v38;
	v49 =	vadd.f32 $4.699898960e-01, v11  }
0x1b3: {  	v61 =	vmul.f32 v44, v28;
	v11 =	vadd.f32 $-9.719548820e-01, v14;
	v14 =	vmul.f32 v34, v37  }
0x1b4: {  	v58 =	vadd.f32 $4.699898960e-01, v6;
	v34 =	vmul.f32 v10, v36;
	v60 =	vmul.f32 v50, v51  }
0x1b5: {  	v44 =	vimm.f32 $0.0e+00;
	v48 =	vmul.f32 $5.139618520e-01, v43;
	v5 =	vmul.f32 $4.358440940e-01, v43;
	v45 =	vpop (erf)  }
0x1b6: {  	v2 =	vmul.f32 $5.139618520e-01, v45;
	v0 =	vmul.f32 $4.358440940e-01, v45;
	v25 =	vsub.f32 $1.093403700e+00, v25  }
0x1b7: {  	v41 =	vmul.f32 v4, v33;
	v13 =	vadd.f32 $-9.719548820e-01, v42;
	v12 =	vadd.f32 $4.699898960e-01, v27  }
0x1b8: {  	v4 =	vmul.f32 $5.139618520e-01, v30;
	v48 =	vsub.f32 $1.093403700e+00, v48;
	v5 =	vadd.f32 $-8.017283670e-01, v5  }
0x1b9: {  	v27 =	vadd.f32 $-9.719548820e-01, v29;
	v42 =	vmul.f32 v30, v30;
	v2 =	vsub.f32 $1.093403700e+00, v2  }
0x1ba: {  	v0 =	vadd.f32 $-8.017283670e-01, v0;
	v39 =	vmul.f32 v48, v43;
	v47 =	vmul.f32 v5, v43  }
0x1bb: {  	v4 =	vsub.f32 $1.093403700e+00, v4;
	v5 =	vmul.f32 v40, v32;
	v40 =	vmul.f32 v31, v31  }
0x1bc: {  	v29 =	vadd.f32 $4.699898960e-01, v46;
	v48 =	vmul.f32 v2, v45;
	v55 =	vmul.f32 v0, v45  }
0x1bd: {  	v8 =	vmul.f32 v4, v30;
	v2 =	vadd.f32 $4.699898960e-01, v15;
	v4 =	vadd.f32 $4.699898960e-01, v24  }
0x1be: {  	v0 =	vmul.f32 v25, v31;
	v6 =	vadd.f32 $4.699898960e-01, v47;
	v47 =	vmovc v16;
	v16 =	vmul.f32 v35, v35  }
0x1bf: {  	v25 =	vadd.f32 $-9.719548820e-01, v41;
	v24 =	vmul.f32 v49, v33;
	v41 =	vmul.f32 v32, v32  }
0x1c0: {  	v15 =	vadd.f32 $-9.719548820e-01, v7;
	v49 =	vmul.f32 v45, v45;
	[tilespmem:$0x1FDF0] =	vst v16;
	v16 =	vmul.f32 v43, v43  }
0x1c1: {  	[tilespmem:$0x1FCB0] =	vst v26;
	v7 =	vadd.f32 $-9.719548820e-01, v39;
	v39 =	vmul.f32 v33, v33;
	v10 =	vadd.f32 $-9.719548820e-01, v48  }
0x1c2: {  	s30 =	simm.s32 $0x10;
	v9 =	vadd.f32 $4.699898960e-01, v55;
	v48 =	vmul.f32 v28, v28;
	vm15 =	vge.f32 v47, $0.0e+00;
	[tilespmem:$0x1FE00] =	vst v16  }
.LBB2_4:
0x1c3: {  	v26 =	vmul.f32 v62, v51;
	v62 =	vadd.f32 $5.000000000e-01, v63  }
0x1c4: {  	v16 =	vld [tilespmem:$0x1FCB0]  }
0x1c5: {  	v62 =	vmul.f32 v62, v17;
	v17 =	vld [tilespmem:$0x1FCD0];
	_ =	sdelay $0x1  }
0x1c6: {  	v3 =	vadd.f32 $5.000000000e-01, v3  }
0x1c7: {  	v63 =	vadd.f32 $5.000000000e-01, v53;
	v52 =	vadd.f32 $5.000000000e-01, v52  }
0x1c8: {  	v2 =	vmul.f32 v2, v30;
	v3 =	vmul.f32 v3, v16  }
0x1c9: {  	v5 =	vadd.f32 $-9.719548820e-01, v5;
	v16 =	vmul.f32 v63, v20;
	v63 =	vmul.f32 v52, v17;
	v17 =	vld [tilespmem:$0x1FD00]  }
0x1ca: {  	v4 =	vmul.f32 v4, v31;
	v8 =	vadd.f32 $-9.719548820e-01, v8;
	v15 =	vmul.f32 v15, v37  }
0x1cb: {  	v55 =	vmul.f32 v58, v28;
	v0 =	vadd.f32 $-9.719548820e-01, v0;
	v11 =	vmul.f32 v11, v36  }
0x1cc: {  	v25 =	vmul.f32 v25, v33;
	v13 =	vmul.f32 v13, v38;
	v15 =	vadd.f32 $5.000000000e-01, v15  }
0x1cd: {  	v61 =	vadd.f32 $-9.719548820e-01, v61;
	v27 =	vmul.f32 v27, v35;
	v36 =	vadd.f32 $0.0e+00, v59  }
0x1ce: {  	v29 =	vmul.f32 v29, v35;
	v35 =	vadd.f32 $0.0e+00, v1;
	v15 =	vmul.f32 v15, v17;
	v17 =	vld [tilespmem:$0x1FD40]  }
0x1cf: {  	v12 =	vmul.f32 v12, v38;
	v38 =	vadd.f32 $0.0e+00, v56;
	v14 =	vadd.f32 $0.0e+00, v14  }
0x1d0: {  	v7 =	vmul.f32 v7, v43;
	v56 =	vadd.f32 $0.0e+00, v57;
	v34 =	vadd.f32 $0.0e+00, v34  }
0x1d1: {  	v8 =	vmul.f32 v8, v30;
	v30 =	vmul.f32 v0, v31;
	v11 =	vadd.f32 $5.000000000e-01, v11;
	v0 =	vld [tilespmem:$0x1FCC0]  }
0x1d2: {  	v6 =	vmul.f32 v6, v43;
	v24 =	vadd.f32 $0.0e+00, v24;
	v43 =	vadd.f32 $0.0e+00, v60  }
0x1d3: {  	v5 =	vmul.f32 v5, v32;
	v32 =	vadd.f32 $0.0e+00, v54;
	v11 =	vmul.f32 v11, v17;
	v17 =	vld [tilespmem:$0x1FD60]  }
0x1d4: {  	v2 =	vadd.f32 $0.0e+00, v2;
	v4 =	vadd.f32 $0.0e+00, v4  }
0x1d5: {  	v31 =	vadd.f32 $0.0e+00, v55;
	v25 =	vadd.f32 $5.000000000e-01, v25  }
0x1d6: {  	v13 =	vadd.f32 $5.000000000e-01, v13;
	v26 =	vadd.f32 $5.000000000e-01, v26;
	v58 =	vmul.f32 v36, v0;
	v0 =	vld [tilespmem:$0x1FD20]  }
0x1d7: {  	v28 =	vmul.f32 v61, v28;
	v12 =	vadd.f32 $0.0e+00, v12;
	v27 =	vadd.f32 $5.000000000e-01, v27  }
0x1d8: {  	v29 =	vadd.f32 $0.0e+00, v29;
	v61 =	vmul.f32 v43, v21;
	v21 =	vmul.f32 v25, v17;
	v17 =	vld [tilespmem:$0x1FD70]  }
0x1d9: {  	v10 =	vmul.f32 v10, v45;
	v7 =	vadd.f32 $5.000000000e-01, v7;
	v6 =	vadd.f32 $0.0e+00, v6  }
0x1da: {  	v9 =	vmul.f32 v9, v45;
	v25 =	vadd.f32 $5.000000000e-01, v30;
	v30 =	vadd.f32 v16, v38;
	v16 =	vld [tilespmem:$0x1FDA0]  }
0x1db: {  	v10 =	vadd.f32 $5.000000000e-01, v10;
	v60 =	vmul.f32 v14, v22;
	v59 =	vmul.f32 v35, v0;
	v0 =	vld [tilespmem:$0x1FD30]  }
0x1dc: {  	v9 =	vadd.f32 $0.0e+00, v9;
	v50 =	vmul.f32 v34, v19;
	v46 =	vmul.f32 v24, v39  }
0x1dd: {  	v41 =	vmul.f32 v32, v41;
	v5 =	vadd.f32 $5.000000000e-01, v5;
	v13 =	vmul.f32 v13, v17;
	v17 =	vld [tilespmem:$0x1FD80]  }
0x1de: {  	v42 =	vmul.f32 v2, v42;
	v40 =	vmul.f32 v4, v40;
	v8 =	vadd.f32 $5.000000000e-01, v8  }
0x1df: {  	v20 =	vmul.f32 v12, v18;
	v10 =	vmul.f32 v10, v16;
	v16 =	vadd.f32 v21, v24;
	v21 =	vld [tilespmem:$0x1FDC0]  }
0x1e0: {  	v19 =	vadd.f32 v62, v36;
	v14 =	vadd.f32 v15, v14;
	v1 =	vmul.f32 v38, v0;
	v0 =	vld [tilespmem:$0x1FD50]  }
0x1e1: {  	v15 =	vmul.f32 v9, v49;
	v12 =	vadd.f32 v13, v12;
	v13 =	vadd.f32 $0.0e+00, v20;
	v20 =	vld [tilespmem:$0x1FDB0]  }
0x1e2: {  	v3 =	vadd.f32 v3, v35;
	v11 =	vadd.f32 v11, v34;
	v18 =	vmul.f32 v27, v17;
	v17 =	vld [tilespmem:$0x1FDF0]  }
0x1e3: {  	v22 =	vmul.f32 v26, v23;
	v9 =	vadd.f32 v10, v9;
	v10 =	vadd.f32 $0.0e+00, v15;
	v15 =	vld [tilespmem:$0x1FDE0]  }
0x1e4: {  	v19 =	vsel vm3, v19, v58;
	v3 =	vsel vm4, v3, v59;
	v8 =	vmul.f32 v8, v21;
	v21 =	vld [tilespmem:$0x1FDD0]  }
0x1e5: {  	v37 =	vpop (erf);
	v14 =	vsel vm9, v14, v60;
	v11 =	vsel vm7, v11, v50;
	v0 =	vmul.f32 v56, v0  }
0x1e6: {  	v38 =	vadd.f32 v63, v56;
	v24 =	vmul.f32 v37, v37;
	v27 =	vadd.f32 $5.000000000e-01, v28  }
0x1e7: {  	v1 =	vsel vm1, v30, v1;
	v5 =	vmul.f32 v5, v20;
	v26 =	vmul.f32 v29, v17;
	v17 =	vld [tilespmem:$0x1FD90]  }
0x1e8: {  	s26 =	sadd.s32 $0x10, s26;
	v12 =	vsel vm0, v12, v13;
	v9 =	vsel vm14, v9, v10;
	v15 =	vmul.f32 v27, v15  }
0x1e9: {  	v23 =	vld [tilespmem:s26+$0xFFFFFD80];
	v18 =	vadd.f32 v18, v29;
	v5 =	vadd.f32 v5, v32;
	v21 =	vmul.f32 v25, v21  }
0x1ea: {  	v2 =	vadd.f32 v8, v2;
	v8 =	vmul.f32 $5.139618520e-01, v37;
	v27 =	vld [tilespmem:s26+$0x80];
	v15 =	vadd.f32 v15, v31  }
0x1eb: {  	v5 =	vsel vm10, v5, v41;
	v20 =	vadd.f32 $0.0e+00, v26;
	v4 =	vadd.f32 v21, v4  }
0x1ec: {  	v21 =	vmul.f32 v31, v48;
	v5 =	vadd.f32 v5, v12;
	v7 =	vmul.f32 v7, v17;
	v17 =	vld [tilespmem:$0x1FE00]  }
0x1ed: {  	v8 =	vsub.f32 $1.093403700e+00, v8;
	v2 =	vsel vm13, v2, v42;
	v26 =	vld [tilespmem:s26+$0x300];
	v13 =	vsel vm11, v18, v20  }
0x1ee: {  	v10 =	vsel vm6, v15, v21;
	v5 =	vadd.f32 v14, v5;
	v21 =	vld [tilespmem:s26+$0x100];
	v2 =	vadd.f32 v2, v13  }
0x1ef: {  	vm14 =	vge.f32 v23, $0.0e+00;
	v8 =	vmul.f32 v8, v37;
	vm7 =	vge.f32 v27, $0.0e+00;
	v20 =	vld [tilespmem:s26+$0xFFFFFE80]  }
0x1f0: {  	v18 =	vsel vm5, v16, v46;
	v5 =	vadd.f32 v19, v5;
	v2 =	vadd.f32 v11, v2  }
0x1f1: {  	v28 =	vmul.f32 v6, v17;
	v17 =	vadd.f32 v22, v43;
	v22 =	vmul.f32 $4.358440940e-01, v37  }
0x1f2: {  	v4 =	vsel vm8, v4, v40;
	v19 =	vld [tilespmem:s26+$0xFFFFFE00];
	v11 =	vsub.f32 $0.0e+00, v23;
	v6 =	vadd.f32 v7, v6  }
0x1f3: {  	vm1 =	vge.f32 v26, $0.0e+00;
	v7 =	vadd.f32 $0.0e+00, v28;
	v22 =	vadd.f32 $-8.017283670e-01, v22  }
0x1f4: {  	v2 =	vadd.f32 v3, v2;
	v13 =	vsub.f32 $0.0e+00, v20;
	vm5 =	vge.f32 v21, $0.0e+00  }
0x1f5: {  	v3 =	vld [tilespmem:$0x1FCE0];
	v6 =	vsel vm12, v6, v7;
	v7 =	vadd.f32 $-9.719548820e-01, v8;
	v8 =	vmul.f32 v22, v37  }
0x1f6: {  	v50 =	vld [tilespmem:s26+$0x200];
	vm13 =	vge.f32 v20, $0.0e+00;
	v2 =	vadd.f32 v2, v5;
	v5 =	vsub.f32 $0.0e+00, v27  }
0x1f7: {  	v25 =	vld [tilespmem:s26+$0xFFFFFD00];
	v12 =	vsub.f32 $0.0e+00, v19;
	v7 =	vmul.f32 v7, v37;
	v8 =	vadd.f32 $4.699898960e-01, v8  }
0x1f8: {  	vm10 =	vge.f32 v19, $0.0e+00;
	v28 =	vld [tilespmem:s26+$0x0];
	v5 =	vmin.f32 v27, v5;
	v4 =	vadd.f32 v4, v6  }
0x1f9: {  	v22 =	vld [tilespmem:s26+$0x280];
	v6 =	vadd.f32 $5.000000000e-01, v7;
	v7 =	vmul.f32 v8, v37;
	v8 =	vadd.f32 v10, v9  }
0x1fa: {  	vm0 =	vnez.u8 v3;
	v4 =	vadd.f32 v18, v4;
	v18 =	vld [tilespmem:s26+$0xFFFFFF00];
	v9 =	vsel vm2, v17, v61  }
0x1fb: {  	v17 =	vld [tilespmem:s26+$0xFFFFFF80];
	v7 =	vadd.f32 $0.0e+00, v7;
	v6 =	vmul.f32 v6, v47;
	v8 =	vadd.f32 v9, v8  }
0x1fc: {  	vm12 =	vge.f32 v25, $0.0e+00;
	v0 =	vsel vm0, v38, v0;
	v1 =	vadd.f32 v1, v4  }
0x1fd: {  	v30 =	vld [tilespmem:s26+$0x180];
	vm9 =	vge.f32 v28, $0.0e+00;
	v9 =	vsub.f32 v7, v6;
	v0 =	vadd.f32 v0, v8  }
0x1fe: {  	vm4 =	vge.f32 v22, $0.0e+00;
	v3 =	vadd.f32 v6, v7;
	v6 =	vsub.f32 $0.0e+00, v50  }
0x1ff: {  	v10 =	vmul.f32 v7, v24;
	v7 =	vsub.f32 $0.0e+00, v22;
	v8 =	vld [tilespmem:$0x1FCF0];
	v14 =	vsub.f32 $0.0e+00, v18  }
0x200: {  	vm8 =	vge.f32 v18, $0.0e+00;
	v15 =	vsub.f32 $0.0e+00, v17;
	vm6 =	vge.f32 v17, $0.0e+00  }
0x201: {  	v16 =	vld [tilespmem:s26+$0x380];
	v4 =	vsel vm15, v10, v9;
	v0 =	vadd.f32 v0, v1;
	v1 =	vsel vm15, v3, v10  }
0x202: {  	v24 =	vld [tilespmem:s26+$0xFFFFFC80];
	v3 =	vsub.f32 $0.0e+00, v26;
	v9 =	vsub.f32 $0.0e+00, v30;
	v6 =	vmin.f32 v50, v6  }
0x203: {  	v7 =	vmin.f32 v22, v7;
	v6 =	vmul.f32 $1.442695020e+00, v6;
	v0 =	vadd.f32 v0, v2;
	v2 =	vld [tilespmem:$0x1FD10]  }
0x204: {  	v7 =	vmul.f32 $1.442695020e+00, v7;
	v3 =	vmin.f32 v26, v3;
	v4 =	vmul.f32 v4, v8  }
0x205: {  	v8 =	vsub.f32 $0.0e+00, v21;
	v3 =	vmul.f32 $1.442695020e+00, v3;
	(erf) = vpow2.f32 v6  }
0x206: {  	v29 =	vld [tilespmem:s26+$0xFFFFFC00];
	(erf) = vpow2.f32 v7;
	v1 =	vsub.f32 v4, v1;
	v4 =	vsub.f32 $0.0e+00, v16  }
0x207: {  	v10 =	vsub.f32 $0.0e+00, v24;
	vm11 =	vge.f32 v24, $0.0e+00;
	(erf) = vpow2.f32 v3  }
0x208: {  	vm0 =	vlt.s32 v2, $0x10;
	v2 =	vsub.f32 $0.0e+00, v28;
	v4 =	vmin.f32 v16, v4  }
0x209: {  	v3 =	vmul.f32 $1.442695020e+00, v5;
	v1 =	vnsel vm0, $0x0, v1;
	v4 =	vmul.f32 $1.442695020e+00, v4  }
0x20a: {  	v5 =	vmin.f32 v21, v8;
	v0 =	vadd.f32 v1, v0;
	v2 =	vmin.f32 v28, v2  }
0x20b: {  	v1 =	vsub.f32 $0.0e+00, v29;
	v2 =	vmul.f32 $1.442695020e+00, v2;
	(erf) = vpow2.f32 v4  }
0x20c: {  	v4 =	vmul.f32 $1.442695020e+00, v5;
	v5 =	vmin.f32 v30, v9;
	v49 =	vadd.f32 v0, v44  }
0x20d: {  	v0 =	vsub.f32 $0.0e+00, v25;
	v1 =	vmin.f32 v29, v1;
	(erf) = vpow2.f32 v2  }
0x20e: {  	v2 =	vmul.f32 $1.442695020e+00, v5;
	v1 =	vmul.f32 $1.442695020e+00, v1;
	v5 =	vmin.f32 v18, v14;
	v52 =	vpop (erf)  }
0x20f: {  	(erf) = vpow2.f32 v3;
	v3 =	vmin.f32 v24, v10;
	v9 =	vmul.f32 $5.139618520e-01, v52  }
0x210: {  	v53 =	vpop (erf);
	v0 =	vmin.f32 v25, v0;
	(erf) = vpow2.f32 v4;
	v3 =	vmul.f32 $1.442695020e+00, v3  }
0x211: {  	v4 =	vmin.f32 v19, v12;
	v54 =	vpop (erf);
	v0 =	vmul.f32 $1.442695020e+00, v0;
	(erf) = vpow2.f32 v2  }
0x212: {  	v2 =	vmul.f32 $1.442695020e+00, v4;
	v4 =	vmin.f32 v20, v13;
	v10 =	vmul.f32 $5.139618520e-01, v54  }
0x213: {  	s28 =	sadd.s32 $0x10, s28;
	v9 =	vsub.f32 $1.093403700e+00, v9;
	(erf) = vpow2.f32 v1;
	v4 =	vmul.f32 $1.442695020e+00, v4  }
0x214: {  	v1 =	vld [tilespmem:s28+$0x0];
	(erf) = vpow2.f32 v3;
	v3 =	vmul.f32 $1.442695020e+00, v5;
	v5 =	vmin.f32 v17, v15  }
0x215: {  	v6 =	vmovc v30;
	v10 =	vsub.f32 $1.093403700e+00, v10;
	v9 =	vmul.f32 v9, v52;
	(erf) = vpow2.f32 v2  }
0x216: {  	vm2 =	vge.f32 v6, $0.0e+00;
	v2 =	vmul.f32 $1.442695020e+00, v5;
	(erf) = vpow2.f32 v4  }
0x217: {  	v4 =	vmin.f32 v23, v11;
	v55 =	vpop (erf);
	v10 =	vmul.f32 v10, v54;
	(erf) = vpow2.f32 v3  }
0x218: {  	v9 =	vadd.f32 $-9.719548820e-01, v9;
	v3 =	vmul.f32 $1.442695020e+00, v4;
	v5 =	vmul.f32 $4.358440940e-01, v55  }
0x219: {  	v12 =	vmul.f32 $5.139618520e-01, v55;
	(erf) = vpow2.f32 v2;
	v37 =	vpop (erf);
	v2 =	vsub.f32 $2.000000000e+00, v1  }
0x21a: {  	[tilespmem:$0x1FD80] =	vst v24;
	vm0 =	vge.f32 v1, $4.000000060e-01;
	(erf) = vpow2.f32 v0;
	v24 =	vmul.f32 $5.139618520e-01, v37  }
0x21b: {  	v36 =	vpop (erf);
	(erf) = vpow2.f32 v3;
	v0 =	vsel vm0, v2, v1;
	v2 =	vmul.f32 v52, v52  }
0x21c: {  	[tilespmem:$0x1FC80] =	vst v30;
	v5 =	vadd.f32 $-8.017283670e-01, v5;
	v3 =	vmul.f32 $4.358440940e-01, v54;
	v6 =	vmul.f32 $4.358440940e-01, v36  }
0x21d: {  	s29 =	sadd.s32 $0x10, s29;
	[tilespmem:$0x1FD90] =	vst v25;
	v12 =	vsub.f32 $1.093403700e+00, v12;
	v33 =	vpop (erf);
	v25 =	vmul.f32 $5.139618520e-01, v36;
	v0 =	vmul.f32 v0, v1  }
0x21e: {  	[tilespmem:$0x1FD40] =	vst v27;
	v4 =	vld [tilespmem:s29+$0x0];
	vm0 =	vge.f32 v16, $0.0e+00;
	v7 =	vmul.f32 $4.358440940e-01, v33;
	v27 =	vmul.f32 $5.139618520e-01, v33  }
0x21f: {  	[tilespmem:$0x1FCD0] =	vst v16;
	v51 =	vpop (erf);
	v24 =	vsub.f32 $1.093403700e+00, v24;
	v5 =	vmul.f32 v5, v55;
	v12 =	vmul.f32 v12, v55  }
0x220: {  	[tilespmem:$0x1FCC0] =	vst v2;
	v2 =	vimm.s32 $0x0;
	v8 =	vmul.f32 $4.358440940e-01, v51;
	v3 =	vadd.f32 $-8.017283670e-01, v3  }
0x221: {  	v38 =	vpop (erf);
	v34 =	vmul.f32 $5.139618520e-01, v51;
	v6 =	vadd.f32 $-8.017283670e-01, v6;
	v25 =	vsub.f32 $1.093403700e+00, v25  }
0x222: {  	v2 =	vsel vm0, $0xFFFFFFFF, v2;
	[tilespmem:$0x1FCF0] =	vst v0;
	v0 =	vmul.f32 v53, v53;
	v42 =	vmul.f32 $4.358440940e-01, v38  }
0x223: {  	v35 =	vpop (erf);
	vm0 =	vlt.s32 v4, $0xF;
	v24 =	vmul.f32 v24, v37;
	[tilespmem:$0x1FCE0] =	vst v2;
	v2 =	vmul.f32 $4.358440940e-01, v53  }
0x224: {  	v7 =	vadd.f32 $-8.017283670e-01, v7;
	v44 =	vmul.f32 $5.139618520e-01, v35;
	v47 =	vmul.f32 $4.358440940e-01, v35  }
0x225: {  	[tilespmem:$0x1FDB0] =	vst v19;
	v27 =	vsub.f32 $1.093403700e+00, v27;
	v3 =	vmul.f32 v3, v54;
	v6 =	vmul.f32 v6, v36  }
0x226: {  	v32 =	vpop (erf);
	v8 =	vadd.f32 $-8.017283670e-01, v8;
	v25 =	vmul.f32 v25, v36;
	[tilespmem:$0x1FD20] =	vst v0;
	v0 =	vmul.f32 v54, v54  }
0x227: {  	v34 =	vsub.f32 $1.093403700e+00, v34;
	v11 =	vmul.f32 $4.358440940e-01, v32;
	v16 =	vmul.f32 $5.139618520e-01, v32  }
0x228: {  	[tilespmem:$0x1FD00] =	vst v28;
	v30 =	vpop (erf);
	v56 =	vadd.f32 $-8.017283670e-01, v42;
	v7 =	vmul.f32 v7, v33;
	v27 =	vmul.f32 v27, v33  }
0x229: {  	[tilespmem:$0x1FDD0] =	vst v18;
	v1 =	vmul.f32 v30, v30;
	v13 =	vmul.f32 $4.358440940e-01, v30;
	v2 =	vadd.f32 $-8.017283670e-01, v2  }
0x22a: {  	[tilespmem:$0x1FDE0] =	vst v17;
	v17 =	vmul.f32 $5.139618520e-01, v30;
	v57 =	vsub.f32 $1.093403700e+00, v44;
	v8 =	vmul.f32 v8, v51  }
0x22b: {  	v31 =	vpop (erf);
	v42 =	vadd.f32 $-8.017283670e-01, v47;
	v34 =	vmul.f32 v34, v51;
	[tilespmem:$0x1FD30] =	vst v0;
	v0 =	vmul.f32 v37, v37  }
0x22c: {  	v3 =	vadd.f32 $4.699898960e-01, v3;
	v14 =	vmul.f32 $4.358440940e-01, v31;
	v18 =	vmul.f32 $5.139618520e-01, v31  }
0x22d: {  	v6 =	vadd.f32 $4.699898960e-01, v6;
	v28 =	vpop (erf);
	v56 =	vmul.f32 v56, v38;
	[tilespmem:$0x1FC50] =	vst v1;
	v1 =	vmul.f32 v31, v31  }
0x22e: {  	v11 =	vadd.f32 $-8.017283670e-01, v11;
	v15 =	vmul.f32 $4.358440940e-01, v28;
	v19 =	vmul.f32 $5.139618520e-01, v28  }
0x22f: {  	v16 =	vsub.f32 $1.093403700e+00, v16;
	v2 =	vmul.f32 v2, v53;
	[tilespmem:$0x1FC10] =	vst v0;
	v0 =	vmul.f32 v55, v55  }
0x230: {  	[tilespmem:$0x1FCB0] =	vst v22;
	v13 =	vadd.f32 $-8.017283670e-01, v13;
	v57 =	vmul.f32 v57, v35;
	v63 =	vmul.f32 v42, v35  }
0x231: {  	v43 =	vpop (erf);
	v62 =	vadd.f32 $-9.719548820e-01, v34;
	v34 =	vmul.f32 v6, v36;
	[tilespmem:$0x1FD50] =	vst v0;
	v0 =	vmul.f32 v36, v36  }
0x232: {  	v17 =	vsub.f32 $1.093403700e+00, v17;
	v48 =	vmul.f32 $5.139618520e-01, v43;
	[tilespmem:$0x1FC20] =	vst v1;
	v1 =	vmul.f32 v38, v38  }
0x233: {  	v42 =	vadd.f32 $4.699898960e-01, v7;
	v39 =	vmul.f32 $4.358440940e-01, v43;
	[tilespmem:$0x1FBF0] =	vst v0;
	v0 =	vmul.f32 v33, v33  }
0x234: {  	v45 =	vpop (erf);
	v14 =	vadd.f32 $-8.017283670e-01, v14;
	v11 =	vmul.f32 v11, v32;
	[tilespmem:$0x1FBE0] =	vst v1;
	v1 =	vmul.f32 v28, v28  }
0x235: {  	v18 =	vsub.f32 $1.093403700e+00, v18;
	v40 =	vmul.f32 $5.139618520e-01, v45;
	[tilespmem:$0x1FC30] =	vst v0;
	v0 =	vmul.f32 v32, v32  }
0x236: {  	v41 =	vmul.f32 $4.358440940e-01, v45;
	v15 =	vadd.f32 $-8.017283670e-01, v15;
	[tilespmem:$0x1FC90] =	vst v1;
	v1 =	vmul.f32 v35, v35  }
0x237: {  	v13 =	vmul.f32 v13, v30;
	v19 =	vsub.f32 $1.093403700e+00, v19;
	[tilespmem:$0x1FC70] =	vst v0;
	v0 =	vmul.f32 v51, v51  }
0x238: {  	v22 =	vadd.f32 $4.699898960e-01, v2;
	v44 =	vsub.f32 $1.093403700e+00, v48;
	v14 =	vmul.f32 v14, v31;
	[tilespmem:$0x1FDF0] =	vst v1  }
0x239: {  	v47 =	vsub.f32 $1.093403700e+00, v40;
	v1 =	vmul.f32 v43, v43;
	[tilespmem:$0x1FC00] =	vst v0;
	v0 =	vnsel vm0, $0xF, v4  }
0x23a: {  	v48 =	vadd.f32 $-8.017283670e-01, v41;
	v15 =	vmul.f32 v15, v28;
	v0 =	vshll.u32 v0, $0x7  }
0x23b: {  	v2 =	vadd.f32 $4.699898960e-01, v13;
	[tilespmem:$0x1FE00] =	vst v1;
	v1 =	vlaneseq.u32;
	v0 =	vadd.s32 s30, v0  }
0x23c: {  	[tilespmem:$0x1FDC0] =	vst v20;
	v20 =	vmul.f32 v44, v43;
	v44 =	vadd.f32 $4.699898960e-01, v8;
	v0 =	vadd.s32 v1, v0  }
0x23d: {  	[tilespmem:$0x1FD10] =	vst v4;
	v41 =	vmul.f32 v47, v45;
	v47 =	vadd.f32 $-9.719548820e-01, v12;
	v4 =	vmul.f32 $4.358440940e-01, v37  }
0x23e: {  	[tilespmem:$0x1FD70] =	vst v29;
	vm0 =	vge.f32 v29, $0.0e+00;
	v29 =	vmul.f32 $5.139618520e-01, v38;
	v1 =	vmul.f32 v45, v45  }
0x23f: {  	[tilespmem:$0x1FDA0] =	vst v23;
	v23 =	vmul.f32 v48, v45;
	v48 =	vadd.f32 $4.699898960e-01, v11;
	v4 =	vadd.f32 $-8.017283670e-01, v4  }
0x240: {  	v61 =	vmul.f32 v19, v28;
	v29 =	vsub.f32 $1.093403700e+00, v29;
	[tilespmem:$0x1FC60] =	vst v1;
	v1 =	vmul.f32 $4.358440940e-01, v52  }
0x241: {  	[tilespmem:$0x1FC40] =	vst v26;
	v11 =	vadd.f32 $-9.719548820e-01, v25;
	v25 =	vadd.f32 $-9.719548820e-01, v27;
	v4 =	vmul.f32 v4, v37;
	v26 =	vld.idx.msk [tilespmem:v0+s18+$0x0], $0xffff  }
0x242: {  	v12 =	vadd.f32 $4.699898960e-01, v56;
	v29 =	vmul.f32 v29, v38;
	v1 =	vadd.f32 $-8.017283670e-01, v1  }
0x243: {  	v7 =	vadd.f32 $-9.719548820e-01, v20;
	v40 =	vadd.f32 $4.699898960e-01, v4;
	v0 =	vmul.f32 $5.139618520e-01, v53  }
0x244: {  	v4 =	vadd.f32 $4.699898960e-01, v14;
	v13 =	vadd.f32 $-9.719548820e-01, v29;
	v1 =	vmul.f32 v1, v52  }
0x245: {  	v8 =	vmul.f32 v17, v30;
	v19 =	vld [tilespmem:$0x1FBF0];
	v29 =	vadd.f32 $4.699898960e-01, v63;
	v0 =	vsub.f32 $1.093403700e+00, v0  }
0x246: {  	v20 =	vld [tilespmem:$0x1FC40];
	v63 =	vmul.f32 v9, v52;
	v1 =	vadd.f32 $4.699898960e-01, v1;
	v46 =	vsub.f32 $0.0e+00, v26  }
0x247: {  	v9 =	vadd.f32 $4.699898960e-01, v23;
	v23 =	vld [tilespmem:$0x1FC80];
	v14 =	vmul.f32 v40, v37;
	v0 =	vmul.f32 v0, v53  }
0x248: {  	v40 =	vld [tilespmem:$0x1FC20];
	v59 =	vmul.f32 v1, v52;
	v1 =	vmul.f32 v22, v53;
	v58 =	vmin.f32 v26, v46  }
0x249: {  	p0 =	sne.s32 s30, $0x70;
	v22 =	vld [tilespmem:$0x1FC10];
	v46 =	vadd.f32 $-8.017283670e-01, v39;
	v39 =	vadd.f32 $4.699898960e-01, v5;
	v5 =	vmul.f32 v16, v32  }
0x24a: {  	[tilespmem:$0x1FD60] =	vst v21;
	v16 =	vadd.f32 $-9.719548820e-01, v10;
	v10 =	vadd.f32 $-9.719548820e-01, v41;
	v41 =	vld [tilespmem:$0x1FC70];
	v21 =	vmul.f32 $1.442695020e+00, v58  }
0x24b: {  	v58 =	vadd.f32 $4.699898960e-01, v15;
	v15 =	vadd.f32 $-9.719548820e-01, v24;
	v24 =	vmul.f32 v42, v33;
	v42 =	vld [tilespmem:$0x1FC50]  }
.Ltmp1:
0x24c: {  	v60 =	vmul.f32 v46, v43;
	v46 =	vadd.f32 $-9.719548820e-01, v0;
	v0 =	vmul.f32 v18, v31;
	v18 =	vld [tilespmem:$0x1FBE0];
	(pc) =	sbr.rel @p0 .LBB2_4-.Ltmp1, $4  }
0x24d: {  	v27 =	vadd.f32 $-9.719548820e-01, v57;
	v56 =	vmul.f32 v3, v54;
	v57 =	vmul.f32 v39, v55;
	v39 =	vld [tilespmem:$0x1FC30]  }
0x24e: {  	vm3 =	vge.f32 v50, $0.0e+00;
	v52 =	vmul.f32 v47, v55;
	(erf) = vpow2.f32 v21;
	v21 =	vld [tilespmem:$0x1FC00]  }
0x24f: {  	v6 =	vadd.f32 $4.699898960e-01, v60;
	v60 =	vmul.f32 v44, v51;
	v44 =	vmovc v49;
	v49 =	vld [tilespmem:$0x1FC60];
	v3 =	vmul.f32 v46, v53  }
0x250: {  	v17 =	vmovc v50;
	s30 =	sadd.s32 $0x10, s30;
	vm15 =	vge.f32 v26, $0.0e+00;
	v47 =	vmovc v26;
	v53 =	vmul.f32 v16, v54;
	v54 =	vmul.f32 v48, v32;
	v48 =	vld [tilespmem:$0x1FC90]  }
0x251: {  	v15 =	vmul.f32 v15, v37  }
0x252: {  	v14 =	vadd.f32 $0.0e+00, v14;
	v11 =	vmul.f32 v11, v36;
	v26 =	vadd.f32 $5.000000000e-01, v63  }
0x253: {  	v13 =	vmul.f32 v13, v38;
	v3 =	vadd.f32 $5.000000000e-01, v3;
	v12 =	vmul.f32 v12, v38  }
0x254: {  	v38 =	vadd.f32 $0.0e+00, v59;
	v1 =	vadd.f32 $0.0e+00, v1;
	v27 =	vmul.f32 v27, v35  }
0x255: {  	v55 =	vadd.f32 $0.0e+00, v34;
	v7 =	vmul.f32 v7, v43;
	v10 =	vmul.f32 v10, v45  }
0x256: {  	v6 =	vmul.f32 v6, v43;
	v9 =	vmul.f32 v9, v45;
	v43 =	vadd.f32 $0.0e+00, v24  }
0x257: {  	v5 =	vadd.f32 $-9.719548820e-01, v5;
	v8 =	vadd.f32 $-9.719548820e-01, v8;
	v2 =	vmul.f32 v2, v30  }
0x258: {  	v0 =	vadd.f32 $-9.719548820e-01, v0;
	v4 =	vmul.f32 v4, v31;
	v15 =	vadd.f32 $5.000000000e-01, v15  }
0x259: {  	v22 =	vmul.f32 v14, v22;
	v36 =	vmul.f32 v26, v17;
	v11 =	vadd.f32 $5.000000000e-01, v11  }
0x25a: {  	v16 =	vld [tilespmem:$0x1FD00];
	v13 =	vadd.f32 $5.000000000e-01, v13;
	v12 =	vadd.f32 $0.0e+00, v12;
	v19 =	vmul.f32 v55, v19  }
0x25b: {  	v37 =	vld [tilespmem:$0x1FCB0];
	v26 =	vmul.f32 v25, v33;
	v33 =	vmul.f32 v29, v35;
	v7 =	vadd.f32 $5.000000000e-01, v7  }
0x25c: {  	v46 =	vld [tilespmem:$0x1FD40];
	v10 =	vadd.f32 $5.000000000e-01, v10;
	v6 =	vadd.f32 $0.0e+00, v6;
	v5 =	vmul.f32 v5, v32  }
0x25d: {  	v50 =	vld [tilespmem:$0x1FD70];
	v9 =	vadd.f32 $0.0e+00, v9;
	v8 =	vmul.f32 v8, v30;
	v0 =	vmul.f32 v0, v31  }
0x25e: {  	v63 =	vld [tilespmem:$0x1FD20];
	v2 =	vadd.f32 $0.0e+00, v2;
	v4 =	vadd.f32 $0.0e+00, v4;
	v29 =	vmul.f32 v58, v28  }
0x25f: {  	v59 =	vld [tilespmem:$0x1FCC0];
	v31 =	vadd.f32 $0.0e+00, v60;
	v18 =	vmul.f32 v12, v18;
	v5 =	vadd.f32 $5.000000000e-01, v5  }
0x260: {  	v8 =	vadd.f32 $5.000000000e-01, v8;
	v24 =	vmul.f32 v2, v42;
	v30 =	vmul.f32 v4, v40  }
0x261: {  	v25 =	vadd.f32 $5.000000000e-01, v0;
	v15 =	vmul.f32 v15, v16;
	v3 =	vmul.f32 v3, v37  }
0x262: {  	v35 =	vld [tilespmem:$0x1FD80];
	v11 =	vmul.f32 v11, v46;
	v13 =	vmul.f32 v13, v50;
	v18 =	vadd.f32 $0.0e+00, v18  }
0x263: {  	v37 =	vld [tilespmem:$0x1FDA0];
	v14 =	vadd.f32 v15, v14;
	v15 =	vmul.f32 v1, v63;
	v1 =	vadd.f32 v3, v1  }
0x264: {  	v34 =	vld [tilespmem:$0x1FD60];
	v17 =	vmul.f32 v38, v59;
	v11 =	vadd.f32 v11, v55;
	v12 =	vadd.f32 v13, v12  }
0x265: {  	v45 =	vld [tilespmem:$0x1FE00];
	v13 =	vadd.f32 $5.000000000e-01, v27;
	v55 =	vmul.f32 v43, v39;
	v22 =	vsel vm9, v14, v22  }
0x266: {  	v0 =	vld [tilespmem:$0xC800];
	v14 =	vadd.f32 v36, v38;
	v1 =	vsel vm4, v1, v15;
	v11 =	vsel vm7, v11, v19  }
0x267: {  	v39 =	vld [tilespmem:$0xC880];
	v12 =	vsel vm0, v12, v18;
	v13 =	vmul.f32 v13, v35;
	v15 =	vadd.f32 $0.0e+00, v33  }
0x268: {  	v36 =	vld [tilespmem:$0x1FD90];
	v19 =	vadd.f32 $-9.719548820e-01, v61;
	v33 =	vmul.f32 v31, v21;
	v35 =	vpop (erf);
	v10 =	vmul.f32 v10, v37  }
0x269: {  	v38 =	vld [tilespmem:$0x1FDF0];
	v37 =	vmul.f32 $5.139618520e-01, v35;
	v3 =	vsel vm3, v14, v17;
	v14 =	vadd.f32 $5.000000000e-01, v26  }
0x26a: {  	v13 =	vadd.f32 v13, v15;
	v17 =	vmul.f32 v6, v45;
	v26 =	vmul.f32 v62, v51  }
0x26b: {  	v45 =	vadd.f32 $5.000000000e-01, v52;
	v46 =	vadd.f32 v10, v9;
	v9 =	vmul.f32 v9, v49  }
0x26c: {  	v52 =	vsub.f32 $0.0e+00, v39;
	v14 =	vmul.f32 v14, v34;
	v63 =	vadd.f32 $0.0e+00, v17  }
0x26d: {  	v34 =	vsub.f32 $0.0e+00, v0;
	v7 =	vmul.f32 v7, v36;
	v9 =	vadd.f32 $0.0e+00, v9  }
0x26e: {  	v49 =	vld [tilespmem:$0x1FCD0];
	v16 =	vmul.f32 v15, v38;
	v36 =	vadd.f32 $5.000000000e-01, v53;
	v50 =	vadd.f32 v14, v43  }
0x26f: {  	v42 =	vmul.f32 $4.358440940e-01, v35;
	v17 =	vld [tilespmem:$0x1FDC0];
	v14 =	vadd.f32 $5.000000000e-01, v26;
	v43 =	vadd.f32 $0.0e+00, v56  }
0x270: {  	v6 =	vadd.f32 v7, v6;
	v59 =	vadd.f32 $0.0e+00, v16;
	v7 =	vsel vm14, v46, v9  }
0x271: {  	v16 =	vadd.f32 $0.0e+00, v54;
	v9 =	vmul.f32 v19, v28;
	v40 =	vmul.f32 v36, v20  }
0x272: {  	v15 =	vld [tilespmem:$0x1FDB0];
	v46 =	vadd.f32 $0.0e+00, v57;
	v19 =	vadd.f32 $-8.017283670e-01, v42;
	v10 =	vsel vm5, v50, v55  }
0x273: {  	v32 =	vld [tilespmem:$0x1FDE0];
	v14 =	vmul.f32 v14, v23;
	v20 =	vmul.f32 v45, v49;
	v13 =	vsel vm11, v13, v59  }
0x274: {  	v27 =	vld [tilespmem:$0x1FDD0];
	v6 =	vsel vm12, v6, v63;
	v8 =	vmul.f32 v8, v17;
	v18 =	vmul.f32 v16, v41  }
0x275: {  	v54 =	vld [tilespmem:$0xC900];
	v9 =	vadd.f32 $5.000000000e-01, v9;
	v17 =	vmin.f32 v0, v34;
	v41 =	vsub.f32 $1.093403700e+00, v37  }
0x276: {  	v42 =	vld [tilespmem:$0xCB00];
	v51 =	vmul.f32 v19, v35;
	v19 =	vmin.f32 v39, v52;
	v59 =	vmul.f32 v35, v35  }
0x277: {  	vm11 =	vge.f32 v0, $0.0e+00;
	vm12 =	vge.f32 v39, $0.0e+00;
	v5 =	vmul.f32 v5, v15  }
0x278: {  	v15 =	vadd.f32 $0.0e+00, v29;
	v38 =	vmul.f32 $1.442695020e+00, v17;
	v20 =	vadd.f32 v20, v46  }
0x279: {  	v55 =	vmul.f32 $1.442695020e+00, v19;
	v2 =	vadd.f32 v8, v2;
	v8 =	vmul.f32 v25, v27  }
0x27a: {  	v9 =	vmul.f32 v9, v32;
	v5 =	vadd.f32 v5, v16;
	(erf) = vpow2.f32 v38  }
0x27b: {  	v62 =	vsub.f32 $0.0e+00, v54;
	v45 =	vsub.f32 $0.0e+00, v42;
	vm5 =	vge.f32 v42, $0.0e+00  }
0x27c: {  	v56 =	vld [tilespmem:$0x1FCE0];
	v2 =	vsel vm13, v2, v24;
	v4 =	vadd.f32 v8, v4;
	v8 =	vadd.f32 v14, v31  }
0x27d: {  	v9 =	vadd.f32 v9, v15;
	v15 =	vmul.f32 v15, v48;
	(erf) = vpow2.f32 v55  }
0x27e: {  	v48 =	vld [tilespmem:$0x1FD30];
	vm13 =	vge.f32 v54, $0.0e+00;
	v5 =	vsel vm10, v5, v18;
	v18 =	vmul.f32 v41, v35  }
0x27f: {  	v2 =	vadd.f32 v2, v13;
	v9 =	vsel vm6, v9, v15;
	v15 =	vadd.f32 v40, v43  }
0x280: {  	v24 =	vld [tilespmem:$0xC980];
	v4 =	vsel vm8, v4, v30;
	v5 =	vadd.f32 v5, v12;
	v50 =	vadd.f32 $-9.719548820e-01, v18  }
0x281: {  	vm10 =	vnez.u8 v56;
	v18 =	vadd.f32 $4.699898960e-01, v51;
	v4 =	vadd.f32 v4, v6  }
0x282: {  	v53 =	vld [tilespmem:$0x1FD50];
	v8 =	vsel vm2, v8, v33;
	v7 =	vadd.f32 v9, v7;
	v2 =	vadd.f32 v11, v2  }
0x283: {  	v5 =	vadd.f32 v22, v5;
	v23 =	vmul.f32 v43, v48;
	v17 =	vmul.f32 v50, v35  }
0x284: {  	v58 =	vmul.f32 v18, v35;
	v4 =	vadd.f32 v10, v4;
	v7 =	vadd.f32 v8, v7  }
0x285: {  	v18 =	vmin.f32 v54, v62;
	v1 =	vadd.f32 v1, v2;
	v30 =	vsub.f32 $0.0e+00, v24  }
0x286: {  	vm14 =	vge.f32 v24, $0.0e+00;
	v3 =	vadd.f32 v3, v5;
	v10 =	vmul.f32 $1.442695020e+00, v18  }
0x287: {  	v48 =	vld [tilespmem:$0xCB80];
	v15 =	vsel vm1, v15, v23;
	v23 =	vmul.f32 v46, v53;
	v57 =	vadd.f32 $5.000000000e-01, v17  }
0x288: {  	v60 =	vadd.f32 $0.0e+00, v58;
	v33 =	vmin.f32 v24, v30;
	v61 =	vpop (erf);
	(erf) = vpow2.f32 v10  }
0x289: {  	v34 =	vld [tilespmem:$0xCA00];
	v1 =	vadd.f32 v1, v3;
	v6 =	vmul.f32 v57, v47;
	v63 =	vmul.f32 $5.139618520e-01, v61  }
0x28a: {  	v13 =	vsel vm10, v20, v23;
	v19 =	vmul.f32 $4.358440940e-01, v61;
	v9 =	vmul.f32 v60, v59  }
0x28b: {  	v20 =	vadd.f32 v15, v4;
	v26 =	vpop (erf);
	v12 =	vmul.f32 v61, v61;
	v7 =	vadd.f32 v13, v7  }
0x28c: {  	v27 =	vmul.f32 $5.139618520e-01, v26;
	v55 =	vsub.f32 $0.0e+00, v48;
	v17 =	vsub.f32 v60, v6  }
0x28d: {  	v29 =	vmul.f32 $4.358440940e-01, v26;
	v8 =	vsub.f32 $1.093403700e+00, v63;
	v23 =	vadd.f32 $-8.017283670e-01, v19  }
0x28e: {  	v25 =	vld [tilespmem:$0x1FCF0];
	v11 =	vmul.f32 v26, v26;
	v6 =	vadd.f32 v6, v60;
	v60 =	vsub.f32 $0.0e+00, v34  }
0x28f: {  	vm6 =	vge.f32 v48, $0.0e+00;
	v2 =	vadd.f32 v7, v20;
	v3 =	vsub.f32 $1.093403700e+00, v27  }
0x290: {  	v32 =	vadd.f32 $-8.017283670e-01, v29;
	v10 =	vmin.f32 v48, v55;
	v22 =	vmul.f32 v8, v61  }
0x291: {  	v5 =	vsel vm15, v9, v17;
	v8 =	vmul.f32 v23, v61;
	v6 =	vsel vm15, v6, v9  }
0x292: {  	v14 =	vmin.f32 v34, v60;
	v63 =	vmul.f32 $1.442695020e+00, v10;
	vm15 =	vge.f32 v34, $0.0e+00  }
0x293: {  	v5 =	vmul.f32 v5, v25;
	v3 =	vmul.f32 v3, v26;
	v4 =	vadd.f32 $-9.719548820e-01, v22  }
0x294: {  	v7 =	vmul.f32 v32, v26;
	v28 =	vadd.f32 $4.699898960e-01, v8;
	v8 =	vmul.f32 $1.442695020e+00, v33  }
0x295: {  	v14 =	vmul.f32 $1.442695020e+00, v14;
	v3 =	vadd.f32 $-9.719548820e-01, v3;
	v4 =	vmul.f32 v4, v61  }
0x296: {  	v60 =	vld [tilespmem:$0xCC00];
	v7 =	vadd.f32 $4.699898960e-01, v7;
	v31 =	vmul.f32 v28, v61;
	v56 =	vpop (erf);
	(erf) = vpow2.f32 v8  }
0x297: {  	v6 =	vsub.f32 v5, v6;
	v57 =	vmul.f32 $5.139618520e-01, v56;
	v3 =	vmul.f32 v3, v26  }
0x298: {  	v59 =	vmul.f32 $4.358440940e-01, v56;
	v7 =	vmul.f32 v7, v26;
	v4 =	vadd.f32 $5.000000000e-01, v4  }
0x299: {  	(erf) = vpow2.f32 v14;
	v5 =	vadd.f32 $0.0e+00, v31;
	v58 =	vsub.f32 $1.093403700e+00, v57  }
0x29a: {  	v61 =	vld [tilespmem:$0xCA80];
	v3 =	vadd.f32 $5.000000000e-01, v3;
	v7 =	vadd.f32 $0.0e+00, v7;
	v4 =	vmul.f32 v4, v0  }
0x29b: {  	v13 =	vmul.f32 v56, v56;
	v25 =	vsub.f32 $0.0e+00, v60;
	v8 =	vmul.f32 v58, v56  }
0x29c: {  	v3 =	vmul.f32 v3, v39;
	v35 =	vmul.f32 v7, v11;
	v4 =	vadd.f32 v4, v5  }
0x29d: {  	v5 =	vmul.f32 v5, v12;
	v12 =	vadd.f32 $-8.017283670e-01, v59;
	v8 =	vadd.f32 $-9.719548820e-01, v8  }
0x29e: {  	vm7 =	vge.f32 v60, $0.0e+00;
	v3 =	vadd.f32 v3, v7;
	v0 =	vadd.f32 $0.0e+00, v35  }
0x29f: {  	v41 =	vsub.f32 $0.0e+00, v61;
	v5 =	vadd.f32 $0.0e+00, v5;
	v12 =	vmul.f32 v12, v56  }
0x2a0: {  	vm4 =	vge.f32 v61, $0.0e+00;
	v36 =	vmul.f32 v8, v56;
	v38 =	vpop (erf);
	v0 =	vsel vm12, v3, v0  }
0x2a1: {  	v4 =	vsel vm11, v4, v5;
	v37 =	vadd.f32 $4.699898960e-01, v12;
	v39 =	vmul.f32 $5.139618520e-01, v38  }
0x2a2: {  	v40 =	vmul.f32 $4.358440940e-01, v38;
	v12 =	vmin.f32 v61, v41;
	v43 =	vpop (erf);
	v49 =	vmul.f32 v38, v38  }
0x2a3: {  	v5 =	vadd.f32 $5.000000000e-01, v36;
	v12 =	vmul.f32 $1.442695020e+00, v12;
	v46 =	vmul.f32 $5.139618520e-01, v43  }
0x2a4: {  	v47 =	vmul.f32 $4.358440940e-01, v43;
	v8 =	vmul.f32 v37, v56;
	v11 =	vsub.f32 $1.093403700e+00, v39  }
0x2a5: {  	v3 =	vadd.f32 $-8.017283670e-01, v40;
	v5 =	vmul.f32 v5, v54;
	(erf) = vpow2.f32 v12  }
0x2a6: {  	v12 =	vmin.f32 v42, v45;
	v16 =	vsub.f32 $1.093403700e+00, v46;
	v11 =	vmul.f32 v11, v38  }
0x2a7: {  	v7 =	vadd.f32 v2, v1;
	v3 =	vmul.f32 v3, v38;
	v12 =	vmul.f32 $1.442695020e+00, v12  }
0x2a8: {  	v17 =	vadd.f32 $-8.017283670e-01, v47;
	v8 =	vadd.f32 $0.0e+00, v8;
	v16 =	vmul.f32 v16, v43  }
0x2a9: {  	v11 =	vadd.f32 $-9.719548820e-01, v11;
	v3 =	vadd.f32 $4.699898960e-01, v3;
	(erf) = vpow2.f32 v12  }
0x2aa: {  	v51 =	vmul.f32 v17, v43;
	v5 =	vadd.f32 v5, v8;
	v8 =	vmul.f32 v8, v13  }
0x2ab: {  	v54 =	vadd.f32 $-9.719548820e-01, v16;
	v11 =	vmul.f32 v11, v38;
	v3 =	vmul.f32 v3, v38  }
0x2ac: {  	v2 =	vadd.f32 $4.699898960e-01, v51;
	(erf) = vpow2.f32 v63;
	v8 =	vadd.f32 $0.0e+00, v8  }
0x2ad: {  	v57 =	vmul.f32 v54, v43;
	v11 =	vadd.f32 $5.000000000e-01, v11;
	v3 =	vadd.f32 $0.0e+00, v3  }
0x2ae: {  	v20 =	vmul.f32 v43, v43;
	v2 =	vmul.f32 v2, v43;
	v50 =	vsel vm13, v5, v8  }
0x2af: {  	v38 =	vld [tilespmem:$0xCD00];
	v62 =	vadd.f32 $5.000000000e-01, v57;
	v52 =	vmul.f32 v11, v24;
	v53 =	vmul.f32 v3, v49;
	v58 =	vpop (erf)  }
0x2b0: {  	v2 =	vadd.f32 $0.0e+00, v2;
	v59 =	vmul.f32 $5.139618520e-01, v58;
	v19 =	vmul.f32 $4.358440940e-01, v58  }
0x2b1: {  	v5 =	vmul.f32 v62, v34;
	v3 =	vadd.f32 v52, v3;
	v56 =	vadd.f32 $0.0e+00, v53  }
0x2b2: {  	v11 =	vmul.f32 v58, v58;
	v17 =	vsub.f32 $1.093403700e+00, v59;
	v22 =	vadd.f32 $-8.017283670e-01, v19;
	v23 =	vpop (erf)  }
0x2b3: {  	v5 =	vadd.f32 v5, v2;
	v2 =	vmul.f32 v2, v20;
	v24 =	vmul.f32 $5.139618520e-01, v23  }
0x2b4: {  	vm9 =	vge.f32 v38, $0.0e+00;
	v29 =	vmul.f32 $4.358440940e-01, v23;
	v12 =	vmul.f32 v23, v23  }
0x2b5: {  	v3 =	vsel vm14, v3, v56;
	v35 =	vpop (erf);
	v21 =	vmul.f32 v17, v58;
	v27 =	vmul.f32 v22, v58  }
0x2b6: {  	v34 =	vld [tilespmem:$0xCC80];
	v17 =	vmin.f32 v60, v25;
	v2 =	vsel vm15, v5, v2;
	v36 =	vmul.f32 $5.139618520e-01, v35  }
0x2b7: {  	v37 =	vmul.f32 $4.358440940e-01, v35;
	v28 =	vsub.f32 $1.093403700e+00, v24;
	v17 =	vmul.f32 $1.442695020e+00, v17  }
0x2b8: {  	v13 =	vmul.f32 v35, v35;
	v31 =	vadd.f32 $-8.017283670e-01, v29;
	v26 =	vadd.f32 $-9.719548820e-01, v21  }
0x2b9: {  	v25 =	vsub.f32 $0.0e+00, v38;
	v30 =	vmul.f32 v28, v23;
	(erf) = vpow2.f32 v17  }
0x2ba: {  	v9 =	vadd.f32 $4.699898960e-01, v27;
	v33 =	vmul.f32 v31, v23;
	v8 =	vmul.f32 v26, v58  }
0x2bb: {  	v2 =	vadd.f32 v2, v4;
	vm8 =	vge.f32 v34, $0.0e+00;
	v32 =	vadd.f32 $-9.719548820e-01, v30  }
0x2bc: {  	v9 =	vmul.f32 v9, v58;
	v5 =	vadd.f32 $4.699898960e-01, v33;
	v30 =	vld [tilespmem:$0xCD80];
	v8 =	vadd.f32 $5.000000000e-01, v8  }
0x2bd: {  	v27 =	vmin.f32 v38, v25;
	v17 =	vsub.f32 $1.093403700e+00, v36;
	v4 =	vmul.f32 v32, v23  }
0x2be: {  	v9 =	vadd.f32 $0.0e+00, v9;
	v5 =	vmul.f32 v5, v23;
	v8 =	vmul.f32 v8, v61  }
0x2bf: {  	v62 =	vmul.f32 v17, v35;
	v61 =	vsub.f32 $0.0e+00, v34;
	v4 =	vadd.f32 $5.000000000e-01, v4  }
0x2c0: {  	v5 =	vadd.f32 $0.0e+00, v5;
	v8 =	vadd.f32 v8, v9;
	v9 =	vmul.f32 v9, v11  }
0x2c1: {  	v11 =	vadd.f32 $-8.017283670e-01, v37;
	v15 =	vmin.f32 v34, v61;
	v43 =	vsub.f32 $0.0e+00, v30  }
0x2c2: {  	v4 =	vmul.f32 v4, v42;
	v15 =	vmul.f32 $1.442695020e+00, v15;
	v8 =	vsel vm4, v8, v9;
	v63 =	vpop (erf)  }
0x2c3: {  	v11 =	vmul.f32 v11, v35;
	v9 =	vadd.f32 $-9.719548820e-01, v62;
	v24 =	vmul.f32 $5.139618520e-01, v63  }
0x2c4: {  	(erf) = vpow2.f32 v15;
	v4 =	vadd.f32 v4, v5;
	v28 =	vmul.f32 $4.358440940e-01, v63  }
0x2c5: {  	v15 =	vmul.f32 $1.442695020e+00, v27;
	v11 =	vadd.f32 $4.699898960e-01, v11;
	v9 =	vmul.f32 v9, v35  }
0x2c6: {  	v5 =	vmul.f32 v5, v12;
	v26 =	vsub.f32 $1.093403700e+00, v24;
	v20 =	vadd.f32 $-8.017283670e-01, v28  }
0x2c7: {  	(erf) = vpow2.f32 v15;
	v11 =	vmul.f32 v11, v35;
	v9 =	vadd.f32 $5.000000000e-01, v9  }
0x2c8: {  	v0 =	vadd.f32 v8, v0;
	v4 =	vsel vm5, v4, v5;
	v29 =	vmul.f32 v26, v63  }
0x2c9: {  	v39 =	vmul.f32 v20, v63;
	v11 =	vadd.f32 $0.0e+00, v11;
	v9 =	vmul.f32 v9, v48  }
0x2ca: {  	vm11 =	vge.f32 v30, $0.0e+00;
	v1 =	vadd.f32 v4, v50;
	v12 =	vadd.f32 $-9.719548820e-01, v29  }
0x2cb: {  	v5 =	vadd.f32 $4.699898960e-01, v39;
	v40 =	vadd.f32 v9, v11;
	v41 =	vmul.f32 v11, v13  }
0x2cc: {  	v50 =	vmul.f32 v63, v63;
	v42 =	vmul.f32 v12, v63;
	v12 =	vmin.f32 v30, v43  }
0x2cd: {  	v11 =	vld [tilespmem:$0xCE00];
	v5 =	vmul.f32 v5, v63;
	v45 =	vsel vm6, v40, v41;
	v47 =	vpop (erf);
	v12 =	vmul.f32 $1.442695020e+00, v12  }
0x2ce: {  	v46 =	vadd.f32 $5.000000000e-01, v42;
	v48 =	vmul.f32 $5.139618520e-01, v47;
	v3 =	vadd.f32 v45, v3  }
0x2cf: {  	v49 =	vmul.f32 $4.358440940e-01, v47;
	v5 =	vadd.f32 $0.0e+00, v5;
	v9 =	vmul.f32 v47, v47  }
0x2d0: {  	v51 =	vpop (erf);
	(erf) = vpow2.f32 v12;
	v8 =	vmul.f32 v46, v60;
	v13 =	vsub.f32 $1.093403700e+00, v48  }
0x2d1: {  	v4 =	vadd.f32 $-8.017283670e-01, v49;
	v53 =	vmul.f32 $5.139618520e-01, v51;
	v15 =	vmul.f32 v5, v50  }
0x2d2: {  	v54 =	vsub.f32 $0.0e+00, v11;
	v56 =	vmul.f32 $4.358440940e-01, v51;
	v60 =	vld [tilespmem:$0xCE80];
	v17 =	vmul.f32 v51, v51  }
0x2d3: {  	v52 =	vmul.f32 v13, v47;
	v4 =	vmul.f32 v4, v47;
	v13 =	vsub.f32 $1.093403700e+00, v53  }
0x2d4: {  	v55 =	vmin.f32 v11, v54;
	v5 =	vadd.f32 v8, v5;
	v59 =	vadd.f32 $-8.017283670e-01, v56  }
0x2d5: {  	v16 =	vmul.f32 $1.442695020e+00, v55;
	v12 =	vadd.f32 $-9.719548820e-01, v52;
	v4 =	vadd.f32 $4.699898960e-01, v4  }
0x2d6: {  	v58 =	vmul.f32 v13, v51;
	v5 =	vsel vm7, v5, v15;
	v61 =	vmul.f32 v59, v51  }
0x2d7: {  	(erf) = vpow2.f32 v16;
	v2 =	vadd.f32 v5, v2;
	v24 =	vsub.f32 $0.0e+00, v60  }
0x2d8: {  	v57 =	vmul.f32 v12, v47;
	v12 =	vadd.f32 $-9.719548820e-01, v58;
	v5 =	vadd.f32 $4.699898960e-01, v61  }
0x2d9: {  	vm12 =	vge.f32 v11, $0.0e+00;
	v4 =	vmul.f32 v4, v47;
	v18 =	vmin.f32 v60, v24  }
0x2da: {  	v8 =	vadd.f32 $5.000000000e-01, v57;
	v62 =	vmul.f32 v12, v51;
	v63 =	vpop (erf);
	v5 =	vmul.f32 v5, v51  }
0x2db: {  	vm13 =	vge.f32 v60, $0.0e+00;
	v26 =	vmul.f32 $1.442695020e+00, v18;
	v22 =	vmul.f32 $5.139618520e-01, v63  }
0x2dc: {  	v4 =	vadd.f32 $0.0e+00, v4;
	v23 =	vmul.f32 $4.358440940e-01, v63;
	v8 =	vmul.f32 v8, v34  }
0x2dd: {  	v12 =	vmul.f32 v63, v63;
	v10 =	vadd.f32 $5.000000000e-01, v62;
	v13 =	vsub.f32 $1.093403700e+00, v22  }
0x2de: {  	v9 =	vmul.f32 v4, v9;
	v15 =	vadd.f32 $-8.017283670e-01, v23;
	v4 =	vadd.f32 v8, v4  }
0x2df: {  	v5 =	vadd.f32 $0.0e+00, v5;
	v10 =	vmul.f32 v10, v38;
	v25 =	vmul.f32 v13, v63  }
0x2e0: {  	v8 =	vld [tilespmem:$0xE900];
	v15 =	vmul.f32 v15, v63;
	v27 =	vpop (erf);
	(erf) = vpow2.f32 v26;
	v4 =	vsel vm8, v4, v9  }
0x2e1: {  	v13 =	vld [tilespmem:$0xCF00];
	v33 =	vadd.f32 v10, v5;
	v5 =	vmul.f32 v5, v17;
	v31 =	vadd.f32 $-9.719548820e-01, v25  }
0x2e2: {  	v32 =	vmul.f32 $5.139618520e-01, v27;
	v34 =	vadd.f32 $4.699898960e-01, v15;
	v0 =	vadd.f32 v4, v0  }
0x2e3: {  	v40 =	vmul.f32 $4.358440940e-01, v27;
	v52 =	vmul.f32 v27, v27;
	v5 =	vsel vm9, v33, v5  }
0x2e4: {  	v15 =	vld [tilespmem:$0xCF80];
	v35 =	vmul.f32 v31, v63;
	v36 =	vsub.f32 $1.093403700e+00, v32;
	v37 =	vmul.f32 v34, v63  }
0x2e5: {  	vm10 =	vlt.s32 v8, $0xF;
	v17 =	vadd.f32 $-8.017283670e-01, v40;
	v31 =	vlaneseq.u32  }
0x2e6: {  	v1 =	vadd.f32 v5, v1;
	v41 =	vsub.f32 $0.0e+00, v13;
	v42 =	vnsel vm10, $0xF, v8  }
0x2e7: {  	vm14 =	vge.f32 v13, $0.0e+00;
	v38 =	vadd.f32 $5.000000000e-01, v35;
	v39 =	vmul.f32 v36, v27  }
0x2e8: {  	v4 =	vadd.f32 $0.0e+00, v37;
	v17 =	vmul.f32 v17, v27;
	v20 =	vshll.u32 v42, $0x7  }
0x2e9: {  	v19 =	vmin.f32 v13, v41;
	v46 =	vsub.f32 $0.0e+00, v15;
	v10 =	vadd.f32 $-9.719548820e-01, v39  }
0x2ea: {  	v20 =	vor.u32 v31, v20;
	v9 =	vmul.f32 v38, v30;
	v43 =	vmul.f32 $1.442695020e+00, v19  }
0x2eb: {  	v37 =	vld [tilespmem:$0xC890];
	v48 =	vadd.f32 $4.699898960e-01, v17;
	v21 =	vmin.f32 v15, v46;
	v10 =	vmul.f32 v10, v27  }
0x2ec: {  	vm15 =	vge.f32 v15, $0.0e+00;
	v45 =	vpop (erf);
	(erf) = vpow2.f32 v43;
	v21 =	vmul.f32 $1.442695020e+00, v21  }
0x2ed: {  	v9 =	vadd.f32 v9, v4;
	v14 =	vmul.f32 v48, v27;
	v47 =	vmul.f32 $5.139618520e-01, v45  }
0x2ee: {  	v4 =	vmul.f32 v4, v12;
	v49 =	vmul.f32 $4.358440940e-01, v45;
	v10 =	vadd.f32 $5.000000000e-01, v10  }
0x2ef: {  	(erf) = vpow2.f32 v21;
	v50 =	vadd.f32 $0.0e+00, v14;
	v14 =	vld [tilespmem:$0xC810];
	v22 =	vsub.f32 $1.093403700e+00, v47  }
0x2f0: {  	v28 =	vmul.f32 v45, v45;
	v23 =	vsub.f32 $0.0e+00, v37;
	v21 =	vld [tilespmem:$0xCB90];
	v17 =	vadd.f32 $-8.017283670e-01, v49  }
0x2f1: {  	v4 =	vsel vm11, v9, v4;
	v10 =	vmul.f32 v10, v11;
	v22 =	vmul.f32 v22, v45  }
0x2f2: {  	vm5 =	vge.f32 v37, $0.0e+00;
	v3 =	vadd.f32 v4, v3;
	v51 =	vmul.f32 v17, v45  }
0x2f3: {  	v12 =	vmul.f32 v50, v52;
	v55 =	vadd.f32 v10, v50;
	v10 =	vld.idx.msk [tilespmem:v20+s21+$0x0], $0xffff;
	v53 =	vadd.f32 $-9.719548820e-01, v22  }
0x2f4: {  	v54 =	vadd.f32 $4.699898960e-01, v51;
	v35 =	vsub.f32 $0.0e+00, v14;
	vm4 =	vge.f32 v14, $0.0e+00  }
0x2f5: {  	vm11 =	vge.f32 v21, $0.0e+00;
	v9 =	vsel vm12, v55, v12;
	v56 =	vmul.f32 v53, v45  }
0x2f6: {  	v57 =	vmul.f32 v54, v45;
	v58 =	vpop (erf);
	v2 =	vadd.f32 v9, v2;
	v36 =	vmin.f32 v14, v35  }
0x2f7: {  	v25 =	vmul.f32 $5.139618520e-01, v58;
	v29 =	vmul.f32 $4.358440940e-01, v58;
	v24 =	vadd.f32 $5.000000000e-01, v56  }
0x2f8: {  	v5 =	vmul.f32 v58, v58;
	v4 =	vadd.f32 $0.0e+00, v57;
	v30 =	vpop (erf);
	v32 =	vsub.f32 $0.0e+00, v10  }
0x2f9: {  	v27 =	vsub.f32 $1.093403700e+00, v25;
	v33 =	vmul.f32 $5.139618520e-01, v30;
	v34 =	vmul.f32 $4.358440940e-01, v30  }
0x2fa: {  	v16 =	vadd.f32 $-8.017283670e-01, v29;
	v17 =	vmul.f32 v30, v30;
	v26 =	vmul.f32 v24, v60  }
0x2fb: {  	v18 =	vmin.f32 v10, v32;
	v11 =	vmul.f32 v27, v58;
	v19 =	vsub.f32 $1.093403700e+00, v33  }
0x2fc: {  	v18 =	vmul.f32 $1.442695020e+00, v18;
	v16 =	vmul.f32 v16, v58;
	v20 =	vadd.f32 $-8.017283670e-01, v34  }
0x2fd: {  	v24 =	vld [tilespmem:$0xC910];
	v9 =	vadd.f32 v26, v4;
	v4 =	vmul.f32 v4, v28;
	v11 =	vadd.f32 $-9.719548820e-01, v11  }
0x2fe: {  	v19 =	vmul.f32 v19, v30;
	(erf) = vpow2.f32 v18;
	v16 =	vadd.f32 $4.699898960e-01, v16  }
0x2ff: {  	v20 =	vmul.f32 v20, v30;
	v18 =	vmul.f32 $1.442695020e+00, v36;
	v4 =	vsel vm13, v9, v4  }
0x300: {  	v11 =	vmul.f32 v11, v58;
	v59 =	vadd.f32 $-9.719548820e-01, v19;
	v16 =	vmul.f32 v16, v58  }
0x301: {  	v60 =	vadd.f32 $4.699898960e-01, v20;
	(erf) = vpow2.f32 v18;
	v18 =	vmin.f32 v37, v23  }
0x302: {  	v0 =	vadd.f32 v4, v0;
	v46 =	vsub.f32 $0.0e+00, v24;
	v62 =	vmul.f32 v59, v30  }
0x303: {  	v23 =	vld [tilespmem:$0xCB10];
	vm6 =	vge.f32 v24, $0.0e+00;
	v18 =	vmul.f32 $1.442695020e+00, v18;
	v61 =	vadd.f32 $5.000000000e-01, v11  }
0x304: {  	v63 =	vadd.f32 $0.0e+00, v16;
	v22 =	vmul.f32 v60, v30;
	v11 =	vadd.f32 $5.000000000e-01, v62  }
0x305: {  	v12 =	vmin.f32 v24, v46;
	v0 =	vadd.f32 v0, v2;
	v9 =	vmul.f32 v61, v13  }
0x306: {  	(erf) = vpow2.f32 v18;
	v12 =	vmul.f32 $1.442695020e+00, v12;
	v16 =	vadd.f32 $0.0e+00, v22;
	v22 =	vld [tilespmem:$0xCA90]  }
0x307: {  	v5 =	vmul.f32 v63, v5;
	v38 =	vmul.f32 v11, v15;
	v9 =	vadd.f32 v9, v63  }
0x308: {  	v46 =	vsub.f32 $0.0e+00, v23;
	vm10 =	vge.f32 v23, $0.0e+00;
	v39 =	vmul.f32 v16, v17;
	v17 =	vld [tilespmem:$0xC990];
	v11 =	vpop (erf)  }
0x309: {  	v63 =	vld [tilespmem:$0xCA10];
	v13 =	vadd.f32 v38, v16;
	v41 =	vsel vm14, v9, v5;
	v40 =	vmul.f32 $5.139618520e-01, v11  }
0x30a: {  	v45 =	vpop (erf);
	v1 =	vadd.f32 v41, v1;
	v49 =	vmul.f32 $4.358440940e-01, v11;
	(erf) = vpow2.f32 v12  }
0x30b: {  	v38 =	vsub.f32 $0.0e+00, v22;
	vm9 =	vge.f32 v22, $0.0e+00;
	v42 =	vsel vm15, v13, v39  }
0x30c: {  	v47 =	vmul.f32 $5.139618520e-01, v45;
	v50 =	vmul.f32 $4.358440940e-01, v45;
	v43 =	vsub.f32 $1.093403700e+00, v40  }
0x30d: {  	v15 =	vmul.f32 v45, v45;
	v3 =	vadd.f32 v42, v3;
	v9 =	vadd.f32 $-8.017283670e-01, v49  }
0x30e: {  	v59 =	vsub.f32 $0.0e+00, v17;
	v29 =	vsub.f32 $0.0e+00, v63;
	v20 =	vmin.f32 v22, v38  }
0x30f: {  	vm7 =	vge.f32 v17, $0.0e+00;
	vm8 =	vge.f32 v63, $0.0e+00;
	v4 =	vsub.f32 $1.093403700e+00, v47  }
0x310: {  	v13 =	vadd.f32 $-8.017283670e-01, v50;
	v54 =	vpop (erf);
	v41 =	vmul.f32 $1.442695020e+00, v20;
	v48 =	vmul.f32 v43, v11  }
0x311: {  	v1 =	vadd.f32 v3, v1;
	v52 =	vmul.f32 v9, v11;
	v55 =	vmul.f32 $5.139618520e-01, v54  }
0x312: {  	v62 =	vmul.f32 $4.358440940e-01, v54;
	v30 =	vmin.f32 v63, v29;
	v16 =	vmul.f32 v54, v54  }
0x313: {  	v4 =	vmul.f32 v4, v45;
	v5 =	vadd.f32 $-9.719548820e-01, v48;
	v9 =	vadd.f32 v1, v0  }
0x314: {  	v53 =	vmul.f32 v13, v45;
	v56 =	vadd.f32 $4.699898960e-01, v52;
	v0 =	vsub.f32 $1.093403700e+00, v55  }
0x315: {  	v3 =	vadd.f32 $-8.017283670e-01, v62;
	v4 =	vadd.f32 $-9.719548820e-01, v4;
	v51 =	vmul.f32 v5, v11  }
0x316: {  	v58 =	vadd.f32 $4.699898960e-01, v53;
	v13 =	vmul.f32 v56, v11;
	v0 =	vmul.f32 v0, v54  }
0x317: {  	v52 =	vsub.f32 $0.0e+00, v21;
	v3 =	vmul.f32 v3, v54;
	v11 =	vmul.f32 v11, v11  }
0x318: {  	v57 =	vmul.f32 v4, v45;
	v61 =	vmul.f32 v58, v45;
	v4 =	vmin.f32 v17, v59  }
0x319: {  	v25 =	vpop (erf);
	v12 =	vadd.f32 $5.000000000e-01, v51;
	v4 =	vmul.f32 $1.442695020e+00, v4;
	v0 =	vadd.f32 $-9.719548820e-01, v0  }
0x31a: {  	v26 =	vmul.f32 $5.139618520e-01, v25;
	v28 =	vmul.f32 $4.358440940e-01, v25;
	v3 =	vadd.f32 $4.699898960e-01, v3  }
0x31b: {  	v18 =	vmul.f32 v25, v25;
	v60 =	vadd.f32 $5.000000000e-01, v57;
	(erf) = vpow2.f32 v4  }
0x31c: {  	v13 =	vadd.f32 $0.0e+00, v13;
	v0 =	vmul.f32 v0, v54;
	v27 =	vsub.f32 $1.093403700e+00, v26  }
0x31d: {  	v2 =	vadd.f32 $0.0e+00, v61;
	v3 =	vmul.f32 v3, v54;
	v1 =	vmul.f32 v60, v14  }
0x31e: {  	v14 =	vadd.f32 $-8.017283670e-01, v28;
	v0 =	vadd.f32 $5.000000000e-01, v0;
	v4 =	vmul.f32 v27, v25  }
0x31f: {  	v1 =	vadd.f32 v1, v2;
	v2 =	vmul.f32 v2, v15;
	v15 =	vmul.f32 $1.442695020e+00, v30  }
0x320: {  	v12 =	vmul.f32 v12, v10;
	v32 =	vmul.f32 v14, v25;
	v4 =	vadd.f32 $-9.719548820e-01, v4  }
0x321: {  	v3 =	vadd.f32 $0.0e+00, v3;
	v0 =	vmul.f32 v0, v37;
	(erf) = vpow2.f32 v15  }
0x322: {  	v26 =	vld [tilespmem:$0xCD10];
	v2 =	vadd.f32 $0.0e+00, v2;
	v34 =	vadd.f32 $4.699898960e-01, v32;
	v33 =	vmul.f32 v4, v25  }
0x323: {  	v11 =	vmul.f32 v13, v11;
	v0 =	vadd.f32 v0, v3;
	v3 =	vmul.f32 v3, v16  }
0x324: {  	v14 =	vsel vm4, v1, v2;
	v2 =	vmul.f32 v34, v25;
	v1 =	vadd.f32 $5.000000000e-01, v33;
	v35 =	vpop (erf)  }
0x325: {  	v3 =	vadd.f32 $0.0e+00, v3;
	v36 =	vmul.f32 $5.139618520e-01, v35;
	v37 =	vmul.f32 $4.358440940e-01, v35  }
0x326: {  	v2 =	vadd.f32 $0.0e+00, v2;
	(erf) = vpow2.f32 v41;
	v1 =	vmul.f32 v1, v24  }
0x327: {  	vm15 =	vge.f32 v26, $0.0e+00;
	v24 =	vld [tilespmem:$0xCC90];
	v39 =	vsub.f32 $1.093403700e+00, v36;
	v16 =	vadd.f32 $-8.017283670e-01, v37  }
0x328: {  	v1 =	vadd.f32 v1, v2;
	v2 =	vmul.f32 v2, v18;
	v18 =	vmin.f32 v23, v46  }
0x329: {  	v15 =	vsel vm5, v0, v3;
	v4 =	vmul.f32 v35, v35;
	v18 =	vmul.f32 $1.442695020e+00, v18  }
0x32a: {  	vm5 =	vge.f32 v10, $0.0e+00;
	v40 =	vmul.f32 v39, v35;
	v16 =	vmul.f32 v16, v35;
	v42 =	vpop (erf)  }
0x32b: {  	v46 =	vld [tilespmem:$0xE980];
	v2 =	vadd.f32 $0.0e+00, v2;
	v45 =	vmul.f32 $5.139618520e-01, v42;
	v47 =	vmul.f32 $4.358440940e-01, v42  }
0x32c: {  	(erf) = vpow2.f32 v18;
	v36 =	vsub.f32 $0.0e+00, v24;
	v0 =	vadd.f32 $-9.719548820e-01, v40  }
0x32d: {  	v62 =	vmul.f32 v42, v42;
	v43 =	vadd.f32 $4.699898960e-01, v16;
	v16 =	vsub.f32 $1.093403700e+00, v45  }
0x32e: {  	vm14 =	vge.f32 v24, $0.0e+00;
	v20 =	vadd.f32 $-8.017283670e-01, v47;
	v0 =	vmul.f32 v0, v35  }
0x32f: {  	v39 =	vmin.f32 v24, v36;
	v3 =	vmul.f32 v43, v35;
	v54 =	vpop (erf);
	v48 =	vmul.f32 v16, v42  }
0x330: {  	vm13 =	vge.f32 v46, $4.000000060e-01;
	v49 =	vmul.f32 v20, v42;
	v55 =	vmul.f32 $5.139618520e-01, v54  }
0x331: {  	v56 =	vmul.f32 $4.358440940e-01, v54;
	v0 =	vadd.f32 $5.000000000e-01, v0;
	v3 =	vadd.f32 $0.0e+00, v3  }
0x332: {  	v16 =	vsel vm6, v1, v2;
	v20 =	vld [tilespmem:$0xCC10];
	v51 =	vadd.f32 $-9.719548820e-01, v48;
	v1 =	vadd.f32 $4.699898960e-01, v49  }
0x333: {  	v58 =	vsub.f32 $1.093403700e+00, v55;
	v60 =	vadd.f32 $-8.017283670e-01, v56;
	v0 =	vmul.f32 v0, v17  }
0x334: {  	v50 =	vmul.f32 v3, v4;
	v17 =	vmin.f32 v21, v52;
	v4 =	vmul.f32 v54, v54  }
0x335: {  	v53 =	vmul.f32 v51, v42;
	v1 =	vmul.f32 v1, v42;
	v42 =	vsub.f32 $0.0e+00, v26  }
0x336: {  	v17 =	vmul.f32 $1.442695020e+00, v17;
	v0 =	vadd.f32 v0, v3;
	v2 =	vadd.f32 $0.0e+00, v50  }
0x337: {  	v61 =	vsub.f32 $0.0e+00, v20;
	vm12 =	vge.f32 v20, $0.0e+00;
	v3 =	vadd.f32 $5.000000000e-01, v53  }
0x338: {  	v57 =	vadd.f32 $0.0e+00, v1;
	(erf) = vpow2.f32 v17;
	v1 =	vmul.f32 v58, v54  }
0x339: {  	v53 =	vsub.f32 $2.000000000e+00, v46;
	v5 =	vmin.f32 v20, v61;
	v59 =	vmul.f32 v3, v63  }
0x33a: {  	v3 =	vmul.f32 v60, v54;
	v63 =	vpop (erf);
	v1 =	vadd.f32 $-9.719548820e-01, v1;
	v5 =	vmul.f32 $1.442695020e+00, v5  }
0x33b: {  	v18 =	vsel vm7, v0, v2;
	v0 =	vmul.f32 v57, v62;
	v28 =	vmul.f32 $5.139618520e-01, v63  }
0x33c: {  	v29 =	vmul.f32 $4.358440940e-01, v63;
	v3 =	vadd.f32 $4.699898960e-01, v3;
	v1 =	vmul.f32 v1, v54  }
0x33d: {  	v19 =	vmul.f32 v63, v63;
	v2 =	vadd.f32 v59, v57;
	v30 =	vsub.f32 $1.093403700e+00, v28  }
0x33e: {  	v25 =	vadd.f32 $-8.017283670e-01, v29;
	v3 =	vmul.f32 v3, v54;
	v1 =	vadd.f32 $5.000000000e-01, v1  }
0x33f: {  	(erf) = vpow2.f32 v5;
	v0 =	vsel vm8, v2, v0;
	v32 =	vmul.f32 v30, v63  }
0x340: {  	v33 =	vmul.f32 v25, v63;
	v3 =	vadd.f32 $0.0e+00, v3;
	v1 =	vmul.f32 v1, v22  }
0x341: {  	v14 =	vadd.f32 v0, v14;
	v22 =	vmul.f32 $1.442695020e+00, v39;
	v2 =	vadd.f32 $-9.719548820e-01, v32;
	v34 =	vpop (erf)  }
0x342: {  	v29 =	vld [tilespmem:$0xCE10];
	v35 =	vmul.f32 $5.139618520e-01, v34;
	v1 =	vadd.f32 v1, v3;
	v3 =	vmul.f32 v3, v4  }
0x343: {  	v5 =	vadd.f32 $4.699898960e-01, v33;
	v40 =	vmul.f32 $4.358440940e-01, v34;
	(erf) = vpow2.f32 v22  }
0x344: {  	v22 =	vmin.f32 v26, v42;
	v17 =	vmul.f32 v34, v34;
	v2 =	vmul.f32 v2, v63  }
0x345: {  	v39 =	vld [tilespmem:$0xCE90];
	v37 =	vmul.f32 v5, v63;
	v22 =	vmul.f32 $1.442695020e+00, v22;
	v38 =	vsub.f32 $1.093403700e+00, v35  }
0x346: {  	v1 =	vsel vm9, v1, v3;
	v3 =	vadd.f32 $-8.017283670e-01, v40;
	v40 =	vadd.f32 v12, v13  }
0x347: {  	vm7 =	vge.f32 v29, $0.0e+00;
	v12 =	vsub.f32 v13, v12;
	v2 =	vadd.f32 $5.000000000e-01, v2  }
0x348: {  	v4 =	vadd.f32 $0.0e+00, v37;
	v41 =	vpop (erf);
	(erf) = vpow2.f32 v22;
	v5 =	vmul.f32 v38, v34  }
0x349: {  	v1 =	vadd.f32 v1, v15;
	v43 =	vmul.f32 $5.139618520e-01, v41;
	v3 =	vmul.f32 v3, v34  }
0x34a: {  	vm8 =	vge.f32 v39, $0.0e+00;
	v45 =	vmul.f32 $4.358440940e-01, v41;
	v57 =	vmul.f32 v41, v41  }
0x34b: {  	v12 =	vsel vm5, v11, v12;
	v2 =	vmul.f32 v2, v23;
	v5 =	vadd.f32 $-9.719548820e-01, v5  }
0x34c: {  	v11 =	vsel vm5, v40, v11;
	v23 =	vsub.f32 $1.093403700e+00, v43;
	v3 =	vadd.f32 $4.699898960e-01, v3  }
0x34d: {  	v27 =	vadd.f32 $-8.017283670e-01, v45;
	v2 =	vadd.f32 v2, v4;
	v4 =	vmul.f32 v4, v19  }
0x34e: {  	v45 =	vsub.f32 $0.0e+00, v39;
	v5 =	vmul.f32 v5, v34;
	v23 =	vmul.f32 v23, v41  }
0x34f: {  	v3 =	vmul.f32 v3, v34;
	v48 =	vmul.f32 v27, v41;
	v34 =	vsub.f32 $0.0e+00, v29  }
0x350: {  	v2 =	vsel vm10, v2, v4;
	v51 =	vpop (erf);
	v5 =	vadd.f32 $5.000000000e-01, v5;
	v47 =	vadd.f32 $-9.719548820e-01, v23  }
0x351: {  	v27 =	vld [tilespmem:$0xCD90];
	v3 =	vadd.f32 $0.0e+00, v3;
	v50 =	vadd.f32 $4.699898960e-01, v48;
	v52 =	vmul.f32 $5.139618520e-01, v51  }
0x352: {  	v56 =	vmul.f32 $4.358440940e-01, v51;
	v23 =	vmul.f32 v51, v51;
	v36 =	vmin.f32 v29, v34  }
0x353: {  	v2 =	vadd.f32 v2, v16;
	v38 =	vmul.f32 $1.442695020e+00, v36;
	v5 =	vmul.f32 v5, v21  }
0x354: {  	v49 =	vmul.f32 v47, v41;
	v19 =	vmul.f32 v50, v41;
	v54 =	vsub.f32 $1.093403700e+00, v52;
	v58 =	vpop (erf)  }
0x355: {  	v21 =	vsel vm13, v53, v46;
	v59 =	vmul.f32 $5.139618520e-01, v58;
	v60 =	vmul.f32 $4.358440940e-01, v58  }
0x356: {  	v61 =	vsub.f32 $0.0e+00, v27;
	v25 =	vmul.f32 v58, v58;
	v21 =	vmul.f32 v21, v46  }
0x357: {  	vm6 =	vge.f32 v27, $0.0e+00;
	v5 =	vadd.f32 v5, v3;
	v4 =	vadd.f32 $5.000000000e-01, v49  }
0x358: {  	v53 =	vld [tilespmem:$0xCF10];
	v3 =	vmul.f32 v3, v17;
	v55 =	vadd.f32 $0.0e+00, v19;
	v19 =	vadd.f32 $-8.017283670e-01, v56  }
0x359: {  	v49 =	vor.u32 $0x10, v31;
	v28 =	vsub.f32 $1.093403700e+00, v59;
	v62 =	vadd.f32 $-8.017283670e-01, v60  }
0x35a: {  	v32 =	vmin.f32 v27, v61;
	v0 =	vmul.f32 v12, v21;
	v4 =	vmul.f32 v4, v20  }
0x35b: {  	v3 =	vsel vm11, v5, v3;
	v5 =	vmul.f32 v54, v51;
	v17 =	vmul.f32 v55, v57  }
0x35c: {  	v19 =	vmul.f32 v19, v51;
	v63 =	vmul.f32 v28, v58;
	v4 =	vadd.f32 v4, v55  }
0x35d: {  	v28 =	vmul.f32 $1.442695020e+00, v32;
	v3 =	vadd.f32 v3, v18;
	v60 =	vsub.f32 $0.0e+00, v53  }
0x35e: {  	v5 =	vadd.f32 $-9.719548820e-01, v5;
	v4 =	vsel vm12, v4, v17;
	v17 =	vmul.f32 v62, v58  }
0x35f: {  	v57 =	vld [tilespmem:$0xCF90];
	vm9 =	vge.f32 v53, $0.0e+00;
	v19 =	vadd.f32 $4.699898960e-01, v19;
	v20 =	vadd.f32 $-9.719548820e-01, v63  }
0x360: {  	(erf) = vpow2.f32 v28;
	v5 =	vmul.f32 v5, v51;
	v17 =	vadd.f32 $4.699898960e-01, v17  }
0x361: {  	v0 =	vsub.f32 v0, v11;
	v19 =	vmul.f32 v19, v51;
	(erf) = vpow2.f32 v38  }
0x362: {  	v20 =	vmul.f32 v20, v58;
	v4 =	vadd.f32 v4, v14;
	v33 =	vmul.f32 v17, v58;
	v17 =	vld [tilespmem:$0xE910]  }
0x363: {  	v13 =	vmin.f32 v53, v60;
	v5 =	vadd.f32 $5.000000000e-01, v5;
	v19 =	vadd.f32 $0.0e+00, v19  }
0x364: {  	v13 =	vmul.f32 $1.442695020e+00, v13;
	v62 =	vsub.f32 $0.0e+00, v57;
	v20 =	vadd.f32 $5.000000000e-01, v20  }
0x365: {  	v5 =	vmul.f32 v5, v24;
	v23 =	vmul.f32 v19, v23;
	v24 =	vmin.f32 v39, v45  }
0x366: {  	vm10 =	vge.f32 v57, $0.0e+00;
	v37 =	vmul.f32 v20, v26;
	v24 =	vmul.f32 $1.442695020e+00, v24  }
0x367: {  	v20 =	vmin.f32 v57, v62;
	v35 =	vadd.f32 $0.0e+00, v33;
	vm4 =	vlt.s32 v17, $0xF  }
0x368: {  	v5 =	vadd.f32 v5, v19;
	v20 =	vmul.f32 $1.442695020e+00, v20;
	v46 =	vnsel vm4, $0xF, v17  }
0x369: {  	v25 =	vmul.f32 v35, v25;
	v19 =	vadd.f32 v37, v35;
	v22 =	vshll.u32 v46, $0x7  }
0x36a: {  	v5 =	vsel vm14, v5, v23;
	v42 =	vpop (erf);
	(erf) = vpow2.f32 v24;
	v50 =	vor.u32 v49, v22  }
0x36b: {  	vm14 =	vlt.s32 v8, $0x10;
	v43 =	vmul.f32 $5.139618520e-01, v42;
	v48 =	vmul.f32 $4.358440940e-01, v42;
	v54 =	vpop (erf)  }
0x36c: {  	v1 =	vadd.f32 v5, v1;
	v56 =	vmul.f32 $5.139618520e-01, v54;
	v61 =	vmul.f32 $4.358440940e-01, v54  }
0x36d: {  	(erf) = vpow2.f32 v13;
	v47 =	vsub.f32 $1.093403700e+00, v43;
	v52 =	vadd.f32 $-8.017283670e-01, v48  }
0x36e: {  	(erf) = vpow2.f32 v20;
	v59 =	vsub.f32 $1.093403700e+00, v56;
	v18 =	vadd.f32 $-8.017283670e-01, v61;
	v49 =	vld [tilespmem:$0xE990]  }
0x36f: {  	v41 =	vsel vm15, v19, v25;
	v51 =	vmul.f32 v47, v42;
	v10 =	vmul.f32 v52, v42;
	v15 =	vld.idx.msk [tilespmem:v50+s21+$0x0], $0xffff  }
0x370: {  	v2 =	vadd.f32 v41, v2;
	v14 =	vmul.f32 v59, v54;
	v18 =	vmul.f32 v18, v54  }
0x371: {  	v19 =	vmul.f32 v42, v42;
	v55 =	vadd.f32 $-9.719548820e-01, v51;
	v10 =	vadd.f32 $4.699898960e-01, v10  }
0x372: {  	v16 =	vmul.f32 v54, v54;
	v14 =	vadd.f32 $-9.719548820e-01, v14;
	v18 =	vadd.f32 $4.699898960e-01, v18  }
0x373: {  	v58 =	vmul.f32 v55, v42;
	v10 =	vmul.f32 v10, v42;
	v63 =	vpop (erf);
	v55 =	vsub.f32 $2.000000000e+00, v49  }
0x374: {  	v25 =	vmul.f32 $5.139618520e-01, v63;
	v14 =	vmul.f32 v14, v54;
	v24 =	vsub.f32 $0.0e+00, v15  }
0x375: {  	vm11 =	vge.f32 v49, $4.000000060e-01;
	v26 =	vmul.f32 $4.358440940e-01, v63;
	v18 =	vmul.f32 v18, v54  }
0x376: {  	v31 =	vpop (erf);
	v37 =	vmul.f32 v63, v63;
	v12 =	vadd.f32 $5.000000000e-01, v58;
	v23 =	vmin.f32 v15, v24  }
0x377: {  	v10 =	vadd.f32 $0.0e+00, v10;
	v35 =	vmul.f32 $5.139618520e-01, v31;
	v23 =	vmul.f32 $1.442695020e+00, v23  }
0x378: {  	v38 =	vmul.f32 $4.358440940e-01, v31;
	v56 =	vsel vm11, v55, v49;
	v13 =	vsub.f32 $1.093403700e+00, v25  }
0x379: {  	v36 =	vpop (erf);
	v14 =	vadd.f32 $5.000000000e-01, v14;
	v20 =	vadd.f32 $-8.017283670e-01, v26;
	(erf) = vpow2.f32 v23  }
0x37a: {  	v18 =	vadd.f32 $0.0e+00, v18;
	v42 =	vmul.f32 $4.358440940e-01, v36;
	v13 =	vmul.f32 v13, v63  }
0x37b: {  	v12 =	vmul.f32 v12, v27;
	v40 =	vadd.f32 $-8.017283670e-01, v38;
	v14 =	vmul.f32 v14, v29  }
0x37c: {  	v20 =	vmul.f32 v20, v63;
	v16 =	vmul.f32 v18, v16;
	v13 =	vadd.f32 $-9.719548820e-01, v13  }
0x37d: {  	vm12 =	vge.f32 v15, $0.0e+00;
	v12 =	vadd.f32 v12, v10;
	v10 =	vmul.f32 v10, v19  }
0x37e: {  	v45 =	vmul.f32 v40, v31;
	v27 =	vadd.f32 $4.699898960e-01, v20;
	v13 =	vmul.f32 v13, v63  }
0x37f: {  	v14 =	vadd.f32 v14, v18;
	v20 =	vadd.f32 $-8.017283670e-01, v42;
	v10 =	vsel vm6, v12, v10  }
0x380: {  	v12 =	vsub.f32 $1.093403700e+00, v35;
	v33 =	vmul.f32 v27, v63;
	v30 =	vadd.f32 $5.000000000e-01, v13  }
0x381: {  	v32 =	vsel vm7, v14, v16;
	v20 =	vmul.f32 v20, v36;
	v16 =	vmul.f32 v36, v36  }
0x382: {  	v3 =	vadd.f32 v10, v3;
	v34 =	vmul.f32 v30, v39;
	v39 =	vmul.f32 $5.139618520e-01, v36;
	v43 =	vpop (erf)  }
0x383: {  	v4 =	vadd.f32 v32, v4;
	v12 =	vmul.f32 v12, v31;
	v46 =	vmul.f32 $5.139618520e-01, v43  }
0x384: {  	v20 =	vadd.f32 $4.699898960e-01, v20;
	v13 =	vmul.f32 v31, v31;
	v41 =	vsub.f32 $1.093403700e+00, v39  }
0x385: {  	v12 =	vadd.f32 $-9.719548820e-01, v12;
	v47 =	vmul.f32 $4.358440940e-01, v43;
	v18 =	vsub.f32 $1.093403700e+00, v46  }
0x386: {  	v14 =	vadd.f32 $0.0e+00, v33;
	v20 =	vmul.f32 v20, v36;
	v19 =	vmul.f32 v41, v36  }
0x387: {  	v12 =	vmul.f32 v12, v31;
	v23 =	vadd.f32 $-8.017283670e-01, v47;
	v18 =	vmul.f32 v18, v43  }
0x388: {  	v10 =	vadd.f32 v34, v14;
	v14 =	vmul.f32 v14, v37;
	v19 =	vadd.f32 $-9.719548820e-01, v19  }
0x389: {  	v20 =	vadd.f32 $0.0e+00, v20;
	v23 =	vmul.f32 v23, v43;
	v18 =	vadd.f32 $-9.719548820e-01, v18  }
0x38a: {  	v10 =	vsel vm8, v10, v14;
	v14 =	vadd.f32 $4.699898960e-01, v45;
	v19 =	vmul.f32 v19, v36  }
0x38b: {  	v12 =	vadd.f32 $5.000000000e-01, v12;
	v48 =	vadd.f32 $4.699898960e-01, v23;
	v18 =	vmul.f32 v18, v43  }
0x38c: {  	v16 =	vmul.f32 v20, v16;
	v14 =	vmul.f32 v14, v31;
	v19 =	vadd.f32 $5.000000000e-01, v19  }
0x38d: {  	v12 =	vmul.f32 v12, v53;
	v22 =	vmul.f32 v48, v43;
	v18 =	vadd.f32 $5.000000000e-01, v18  }
0x38e: {  	v1 =	vadd.f32 v10, v1;
	v14 =	vadd.f32 $0.0e+00, v14;
	v19 =	vmul.f32 v19, v57  }
0x38f: {  	v52 =	vmul.f32 v43, v43;
	v51 =	vadd.f32 $0.0e+00, v22;
	v18 =	vmul.f32 v18, v15  }
0x390: {  	v12 =	vadd.f32 v12, v14;
	v13 =	vmul.f32 v14, v13;
	v57 =	vld [tilespmem:$0x1FD10];
	v50 =	vadd.f32 v19, v20  }
0x391: {  	v5 =	vmul.f32 v51, v52;
	v54 =	vadd.f32 v18, v51;
	v18 =	vsub.f32 v51, v18  }
0x392: {  	v10 =	vmul.f32 v56, v49;
	v12 =	vsel vm9, v12, v13;
	v53 =	vsel vm10, v50, v16  }
0x393: {  	v2 =	vadd.f32 v12, v2;
	v3 =	vadd.f32 v53, v3;
	v15 =	vsel vm12, v5, v18  }
0x394: {  	v0 =	vnsel vm14, $0x0, v0;
	v1 =	vadd.f32 v1, v4;
	v10 =	vmul.f32 v15, v10  }
0x395: {  	vm13 =	vlt.s32 v57, $0x10;
	v2 =	vadd.f32 v3, v2;
	v5 =	vsel vm12, v54, v5  }
0x396: {  	v0 =	vadd.f32 v0, v9;
	v61 =	vld [tilespmem:$0x1FFE0];
	v6 =	vnsel vm13, $0x0, v6;
	v59 =	vsub.f32 v10, v5  }
0x397: {  	v62 =	vld [tilespmem:$0x1FCA0];
	vm15 =	vlt.s32 v17, $0x10;
	v58 =	vadd.f32 v6, v7;
	v1 =	vadd.f32 v2, v1  }
0x398: {  	v0 =	vadd.f32 $0.0e+00, v0;
	v63 =	vld [tilespmem:$0x1FFF0];
	v60 =	vnsel vm15, $0x0, v59  }
0x399: {  	v3 =	vadd.f32 v58, v44;
	v1 =	vadd.f32 v60, v1;
	_ =	sdelay $0x1  }
0x39a: {  	v0 =	vadd.f32 v1, v0;
	v1 =	vmul.f32 v3, v61;
	_ =	sdelay $0x1  }
0x39b: {  	v1 =	vadd.f32 v1, v62;
	v0 =	vmul.f32 v0, v63;
	_ =	sdelay $0x1  }
0x39c: {  	s25 =	sadd.s32 $0x1, s25;
	v0 =	vadd.f32 v0, v1  }
0x39d: {  	p0 =	sne.s32 s25, s13  }
.Ltmp2:
0x39e: {  	[tilespmem:$0xEA00] =	vst v0;
	(pc) =	sbr.rel @p0 .LBB2_1-.Ltmp2, $4  }
0x39f: {  	[hbm4b:s12+s2] =	stream.linear.scatter [tilespmem:s24], [sflag:$0x1], $0x10, $0x38;
	[tilespmem:$0xEA80] =	vst v63  }
0x3a0: {  	_ =	swait.ge [sflag:s16], $0x10  }
0x3a1: {  	[sflag:s16] =	ssyncset.done $0x0  }
0x3a2: {  	[sflag:s16] =	ssyncadd.s32 $0xFFFFFFF0  }
0x3a3: {  	_ =	sfence.sel $0x180000  }
0x3a4: {  	[bflag:$0x0] =	sbarrier.arrive $0xFFFF  }
0x3a5: {  	_ =	strace $0x90000047  }
0x3a6: {  	s0 =	stileid.u32;
	[bflag:$0x2] =	sbarrier.arrive $0xFFFF  }
0x3a7: {  	p0 =	sne.s32 s0, $0x0;
	s0 =	rddreg [dreg:$0x4]  }
0x3a8: {  	s0 =	sadd.s32 @!p0 $0x100000, s0  }
0x3a9: {  	[sflag:s0] =	ssyncadd.tile.s32 @!p0 $0x1;
	_ =	shalt  }
.Lfunc_end2:
_tile_overlayer_lowered:
.L_overlay_start_2:
0x3aa: {  	(tag) =	ssettag $0x2  }
0x3ab: {  	s0 =	rddreg [dreg:$0x0];
	s2 =	stileid.u32  }
0x3ac: {  	s1 =	rddreg [dreg:$0x1];
	p0 =	sne.s32 s2, $0x0  }
0x3ad: {  	s3 =	rddreg [dreg:$0x2];
	[bflag:$0x3] =	sbarrier.arrive $0xFFFF;
	s2 =	simm.s32 @!p0 $0x1C01  }
0x3ae: {  	[timem:s3], [sflag:s2] =	dma.local @!p0 [hbm:s0], s1  }
0x3af: {  	s0 =	simm.s32 @!p0 $0x1  }
0x3b0: {  	_ =	swait.ge @!p0 [sflag:s0], s1  }
0x3b1: {  	s1 =	ssub.s32 @!p0 $0x0, s1;
	[sflag:s0] =	ssyncset.done @!p0 $0x0  }
0x3b2: {  	[sflag:s0] =	ssyncadd.s32 @!p0 s1  }
0x3b3: {  	[bflag:$0x3] =	sbarrier.arrive $0xFFFF  }
0x3b4: {  	_ =	shalt  }

</sc_bundles>
